<compile_context>
chip_gen: v7x
topology: tpu7x:2x2x1
jax: 0.10.2.dev20260603
libtpu: 0.0.44.dev20260713+nightly
codegen_flags: <defaults>
</compile_context>

<pallas_src>
import functools

import jax
import jax.numpy as jnp
from jax import lax
from jax.experimental import pallas as pl
from jax.experimental.pallas import tpu as pltpu
from jax.experimental.pallas import tpu_sc as plsc

N = 10000
NPAD = 10240
D = 128
CW = 125
NTILES = 16
RPT = NPAD // NTILES
RB = 2048


def _g1(nb):
    return max(2, (nb // 5) * 2)


def _build_indices(slice_matrices, nb, e):
    per = e // NTILES
    nch = (per + CW - 1) // CW
    nch = ((nch + 1) // 2) * 2
    npad = nch * CW - per
    src = slice_matrices[:, 0, :].reshape(nb, NTILES, per)
    dst = slice_matrices[:, 1, :].reshape(nb, NTILES, per)
    if npad:
        lanes = (jnp.arange(npad, dtype=jnp.int32) * 7) % (NPAD - N)
        tspread = (jnp.arange(NTILES, dtype=jnp.int32) * 13)[:, None] % (NPAD - N)
        pad_src = N + (lanes[None, :] + tspread) % (NPAD - N)
        pad_dst = N + (lanes[None, :] + tspread + 97) % (NPAD - N)
        src = jnp.concatenate(
            [src, jnp.broadcast_to(pad_src[None], (nb, NTILES, npad))], axis=2)
        dst = jnp.concatenate(
            [dst, jnp.broadcast_to(pad_dst[None], (nb, NTILES, npad))], axis=2)
    g1 = _g1(nb)
    local = jnp.concatenate([jnp.arange(g1, dtype=jnp.int32),
                             jnp.arange(nb - g1, dtype=jnp.int32)])
    src = src + (local * NPAD)[:, None, None]
    src_idx = src.reshape(nb, NTILES, nch, CW).astype(jnp.int32)
    dst_idx = dst.reshape(nb, NTILES, nch, CW).astype(jnp.int32)
    return src_idx, dst_idx, nch


def _deg_kernel(dst_idx, nb, nch):
    spc = nb // 2
    mesh = plsc.VectorSubcoreMesh(core_axis_name="c", subcore_axis_name="s")

    @functools.partial(
        pl.kernel, mesh=mesh,
        out_type=jax.ShapeDtypeStruct((nb, NPAD), jnp.float32),
        scratch_types=[
            pltpu.VMEM((nch, CW), jnp.int32),
            pltpu.VMEM((RPT,), jnp.float32),
            pltpu.VMEM_SHARED((NPAD,), jnp.float32),
        ],
    )
    def k(dst_hbm, deg_hbm, idx_v, ones_v, deg_sh):
        c = lax.axis_index("c")
        sid = lax.axis_index("s")
        for i in range(RPT // 16):
            ones_v[pl.ds(i * 16, 16)] = jnp.ones((16,), jnp.float32)
        r0 = sid * RPT
        for j in range(spc):
            s = c * spc + j
            pltpu.sync_copy(ones_v, deg_sh.at[pl.ds(r0, RPT)])
            pltpu.sync_copy(dst_hbm.at[s, sid], idx_v)
            plsc.subcore_barrier()

            def body(t, carry):
                pltpu.sync_copy(ones_v.at[pl.ds(0, CW)],
                                deg_sh.at[idx_v.at[t]], add=True)
                return carry

            lax.fori_loop(0, nch, body, 0)
            plsc.subcore_barrier()
            pltpu.sync_copy(deg_sh.at[pl.ds(r0, RPT)],
                            deg_hbm.at[s, pl.ds(r0, RPT)])

    return k(dst_idx)


def _aggregate_kernel(y, src_idx, dst_idx, nb, nch):
    spc = nb // 2
    mesh = plsc.VectorSubcoreMesh(core_axis_name="c", subcore_axis_name="s")

    nbuf = 2
    lead = 1
    assert nch % nbuf == 0

    @functools.partial(
        pl.kernel, mesh=mesh,
        out_type=jax.ShapeDtypeStruct((nb * NPAD, D), jnp.float32),
        scratch_types=[
            pltpu.VMEM((nch, CW), jnp.int32),
            pltpu.VMEM((nch, CW), jnp.int32),
            pltpu.VMEM_SHARED((NPAD, D), jnp.float32),
        ] + [pltpu.VMEM((CW, D), jnp.float32) for _ in range(nbuf)]
          + [pltpu.SemaphoreType.DMA for _ in range(2 * nbuf)],
    )
    def k(y_hbm, src_hbm, dst_hbm, out_hbm, src_v, dst_v, acc_sh, *rest):
        bufs = rest[:nbuf]
        gsem = rest[nbuf:2 * nbuf]
        ssem = rest[2 * nbuf:3 * nbuf]
        c = lax.axis_index("c")
        sid = lax.axis_index("s")
        r0 = sid * RPT

        def run_slice(j, carry):
            s = c * spc + j
            base = s * NPAD
            pltpu.sync_copy(y_hbm.at[pl.ds(base + r0, RPT)],
                            acc_sh.at[pl.ds(r0, RPT)])
            pltpu.sync_copy(src_hbm.at[s, sid], src_v)
            pltpu.sync_copy(dst_hbm.at[s, sid], dst_v)
            plsc.subcore_barrier()

            def steps(g, carry):
                for b in range(nbuf):
                    tg = g * nbuf + b
                    ts = tg - lead

                    @pl.when(jnp.logical_and(tg < nch, tg >= nbuf))
                    def _():
                        pltpu.make_async_copy(
                            bufs[b], acc_sh.at[dst_v.at[tg - nbuf]],
                            ssem[b]).wait()

                    @pl.when(tg < nch)
                    def _():
                        pltpu.async_copy(y_hbm.at[src_v.at[tg]], bufs[b],
                                         gsem[b])

                    bs = (b - lead) % nbuf
                    @pl.when(jnp.logical_and(ts >= 0, ts < nch))
                    def _():
                        pltpu.make_async_copy(
                            y_hbm.at[src_v.at[ts]], bufs[bs], gsem[bs]).wait()
                        pltpu.async_copy(bufs[bs], acc_sh.at[dst_v.at[ts]],
                                         ssem[bs], add=True)
                return carry

            nsteps = (nch + lead + nbuf - 1) // nbuf
            lax.fori_loop(0, nsteps, steps, 0)
            for b in range(nbuf):
                tl = nch - nbuf + b
                pltpu.make_async_copy(
                    bufs[b], acc_sh.at[dst_v.at[tl]], ssem[b]).wait()
            plsc.subcore_barrier()
            pltpu.sync_copy(acc_sh.at[pl.ds(r0, RPT)],
                            out_hbm.at[pl.ds(base + r0, RPT)])
            return carry

        lax.fori_loop(0, spc, run_slice, 0)

    return k(y, src_idx, dst_idx)


def _tc_first(qe_pad, deg4, w1, nb):

    def body(qe_ref, deg_ref, w_ref, y_ref):
        dinv = lax.rsqrt(deg_ref[0, 0, 0, :])
        xw = jnp.dot(qe_ref[...], w_ref[...], preferred_element_type=jnp.float32)
        y_ref[0] = xw * dinv[:, None]

    return pl.pallas_call(
        body,
        grid=(nb, NPAD // RB),
        in_specs=[
            pl.BlockSpec((RB, D), lambda b, r: (r, 0)),
            pl.BlockSpec((1, 1, 1, RB), lambda b, r: (b, r, 0, 0)),
            pl.BlockSpec((D, D), lambda b, r: (0, 0)),
        ],
        out_specs=pl.BlockSpec((1, RB, D), lambda b, r: (b, r, 0)),
        out_shape=jax.ShapeDtypeStruct((nb, NPAD, D), jnp.float32),
    )(qe_pad, deg4, w1)


def _tc_mid(acc1, deg4, w2, b1, nb):

    def body(acc_ref, deg_ref, w_ref, b_ref, y_ref):
        dinv = lax.rsqrt(deg_ref[0, 0, 0, :])
        h = jnp.maximum(acc_ref[0] * dinv[:, None] + b_ref[0, :][None, :], 0.0)
        y = jnp.dot(h, w_ref[...], preferred_element_type=jnp.float32)
        y_ref[0] = y * dinv[:, None]

    return pl.pallas_call(
        body,
        grid=(nb, NPAD // RB),
        in_specs=[
            pl.BlockSpec((1, RB, D), lambda b, r: (b, r, 0)),
            pl.BlockSpec((1, 1, 1, RB), lambda b, r: (b, r, 0, 0)),
            pl.BlockSpec((D, D), lambda b, r: (0, 0)),
            pl.BlockSpec((1, D), lambda b, r: (0, 0)),
        ],
        out_specs=pl.BlockSpec((1, RB, D), lambda b, r: (b, r, 0)),
        out_shape=jax.ShapeDtypeStruct((nb, NPAD, D), jnp.float32),
    )(acc1, deg4, w2, b1)


def _tc_last(acc2, deg4c, b2, g_nb, nb, base, prev=None):
    rbc = 2000

    def body(*refs):
        acc_ref, deg_ref, b_ref = refs[0], refs[1], refs[2]
        o_ref = refs[-1]
        dinv = lax.rsqrt(deg_ref[0, 0, 0, :])
        o_ref[0] = jnp.maximum(acc_ref[0] * dinv[:, None] + b_ref[0, :][None, :], 0.0)

    ins = [acc2, deg4c, b2]
    in_specs = [
        pl.BlockSpec((1, rbc, D), lambda b, r: (b, r, 0)),
        pl.BlockSpec((1, 1, 1, rbc), lambda b, r: (b, r, 0, 0)),
        pl.BlockSpec((1, D), lambda b, r: (0, 0)),
    ]
    aliases = {}
    if prev is not None:
        ins.append(prev)
        in_specs.append(pl.BlockSpec(memory_space=pl.ANY))
        aliases = {3: 0}
    return pl.pallas_call(
        body,
        grid=(g_nb, N // rbc),
        in_specs=in_specs,
        out_specs=pl.BlockSpec((1, rbc, D), lambda b, r: (b + base, r, 0)),
        out_shape=jax.ShapeDtypeStruct((nb, N, D), jnp.float32),
        input_output_aliases=aliases,
    )(*ins)


def kernel(slice_matrices, qubit_embeddings, W1, b1, W2, b2):
    nb = slice_matrices.shape[0]
    e = slice_matrices.shape[2]
    n = qubit_embeddings.shape[0]

    src_idx, dst_idx, nch = _build_indices(slice_matrices, nb, e)
    qe_pad = jnp.pad(qubit_embeddings, ((0, NPAD - n), (0, 0)))
    b1r = b1.reshape(1, D)
    b2r = b2.reshape(1, D)

    g1 = _g1(nb)
    deg_a = _deg_kernel(dst_idx[:g1], g1, nch)
    deg_b = _deg_kernel(dst_idx[g1:], nb - g1, nch)

    def views(deg, g_nb):
        return (deg.reshape(g_nb, NPAD // RB, 1, RB),
                deg[:, :n].reshape(g_nb, 5, 1, 2000))

    dv = {0: views(deg_a, g1), g1: views(deg_b, nb - g1)}

    def half(sl, g_nb, base, prev):
        deg4, deg4c = dv[base]
        y1 = _tc_first(qe_pad, deg4, W1, g_nb)
        acc1 = _aggregate_kernel(y1.reshape(g_nb * NPAD, D),
                                 src_idx[sl], dst_idx[sl], g_nb, nch)
        y2 = _tc_mid(acc1.reshape(g_nb, NPAD, D), deg4, W2, b1r, g_nb)
        acc2 = _aggregate_kernel(y2.reshape(g_nb * NPAD, D),
                                 src_idx[sl], dst_idx[sl], g_nb, nch)
        return _tc_last(acc2.reshape(g_nb, NPAD, D), deg4c, b2r,
                        g_nb, nb, base, prev)

    out = half(slice(0, g1), g1, 0, None)
    out = half(slice(g1, nb), nb - g1, g1, out)
    return out.reshape(nb * n, D)

# --- scband reference (transcript-rebuilt; emitter-appended) ---
"""Pipeline reference for scband-circuit-encoder-71665824301416 (READ-ONLY COPY).

The authoritative reference and input builder live on the scoring server;
editing this copy changes nothing except your own understanding.
"""

import jax, jax.numpy as jnp
import numpy as np

N_NODES = 10000  # hardware.n_physical_qubits + 1
B = 10           # number of circuit slices
E = 60000        # edges per slice
D = 128          # nn_dims[0] == nn_dims[1] == nn_dims[2]


def setup_inputs(seed: int = 0) -> dict:
    key = jax.random.key(seed)
    k1, k2, k3, k4 = jax.random.split(key, 4)
    slice_matrices = jax.random.randint(k1, (B, 2, E), 0, N_NODES, dtype=jnp.int32)
    qubit_embeddings = jax.random.normal(k2, (N_NODES, D), dtype=jnp.float32)
    W1 = jax.random.normal(k3, (D, D), dtype=jnp.float32) * (1.0 / np.sqrt(D))
    b1 = jnp.zeros((D,), dtype=jnp.float32)
    W2 = jax.random.normal(k4, (D, D), dtype=jnp.float32) * (1.0 / np.sqrt(D))
    b2 = jnp.zeros((D,), dtype=jnp.float32)
    return {"slice_matrices": slice_matrices, "qubit_embeddings": qubit_embeddings,
            "W1": W1, "b1": b1, "W2": W2, "b2": b2}


def _gcn_conv(x, edge_index, W, b):
    # Faithful GCNConv: add self-loops, symmetric deg normalization, linear, scatter-add, bias.
    N = x.shape[0]
    src = edge_index[0]
    dst = edge_index[1]
    loop = jnp.arange(N, dtype=src.dtype)
    src = jnp.concatenate([src, loop])
    dst = jnp.concatenate([dst, loop])
    deg = jnp.zeros((N,), dtype=x.dtype).at[dst].add(1.0)
    dinv = jnp.where(deg > 0, jax.lax.rsqrt(deg), 0.0)
    norm = dinv[src] * dinv[dst]
    xw = x @ W
    msg = xw[src] * norm[:, None]
    out = jnp.zeros((N, W.shape[1]), dtype=x.dtype).at[dst].add(msg)
    return out + b


def reference(slice_matrices, qubit_embeddings, W1, b1, W2, b2):
    # Batch.from_data_list: replicate node features per slice, offset edge indices.
    nb = slice_matrices.shape[0]
    n = qubit_embeddings.shape[0]
    offsets = (jnp.arange(nb, dtype=slice_matrices.dtype) * n)[:, None, None]
    ei = jnp.transpose(slice_matrices + offsets, (1, 0, 2)).reshape(2, -1)
    x = jnp.tile(qubit_embeddings, (nb, 1))
    x = jax.nn.relu(_gcn_conv(x, ei, W1, b1))
    x = jax.nn.relu(_gcn_conv(x, ei, W2, b2))
    return x

if __name__ == "__main__":
    import jax
    _d = setup_inputs()
    print(jax.jit(kernel)(*tuple(_d.values())))

</pallas_src>

<mosaic_0001>
#map = affine_map<(d0, d1) -> (0, 0, 0, 0)>
#map1 = affine_map<(d0, d1) -> (0, 0)>
module attributes {stable_mosaic.version = 14 : i64} {
  func.func @k(%arg0: i32, %arg1: i32, %arg2: memref<4x16x30x125xi32, #tpu.memory_space<hbm>>, %arg3: memref<4x10240xf32, #tpu.memory_space<hbm>>, %arg4: memref<30x125xi32, #tpu.memory_space<vmem>>, %arg5: memref<640xf32, #tpu.memory_space<vmem>>, %arg6: memref<10240xf32, #tpu.memory_space<vmem_shared>>) attributes {dimension_semantics = [#tpu.dimension_semantics<core_parallel>, #tpu.dimension_semantics<subcore_parallel>], iteration_bounds = array<i64: 2, 16>, scalar_prefetch = 0 : i64, scratch_operands = 3 : i64, tpu.core_type = #tpu.core_type<sc_vector_subcore>, window_params = [{transform_indices = #map}, {transform_indices = #map1}]} {
    %broadcast_in_dim3A = arith.constant 1.000000e+00 : f32
    %broadcast_in_dim3A_0 = vector.broadcast %broadcast_in_dim3A : f32 to vector<16xf32>
    %swap3A = arith.constant 0 : index
    %swap3A_1 = tpu.vector_load %arg5[%swap3A] {strides = array<i32>} : memref<640xf32, #tpu.memory_space<vmem>>, vector<16xf32>,
    %swap3A_2 = vector.shape_cast %swap3A_1 : vector<16xf32> to vector<16xf32>
    %swap3A_3 = vector.shape_cast %broadcast_in_dim3A_0 : vector<16xf32> to vector<16xf32>
    tpu.vector_store %arg5[%swap3A], %swap3A_3 {strides = array<i32>} : memref<640xf32, #tpu.memory_space<vmem>>, vector<16xf32>,
    %broadcast_in_dim3A_4 = arith.constant 1.000000e+00 : f32
    %broadcast_in_dim3A_5 = vector.broadcast %broadcast_in_dim3A_4 : f32 to vector<16xf32>
    %swap3A_6 = arith.constant 16 : index
    %swap3A_7 = tpu.vector_load %arg5[%swap3A_6] {strides = array<i32>} : memref<640xf32, #tpu.memory_space<vmem>>, vector<16xf32>,
    %swap3A_8 = vector.shape_cast %swap3A_7 : vector<16xf32> to vector<16xf32>
    %swap3A_9 = vector.shape_cast %broadcast_in_dim3A_5 : vector<16xf32> to vector<16xf32>
    tpu.vector_store %arg5[%swap3A_6], %swap3A_9 {strides = array<i32>} : memref<640xf32, #tpu.memory_space<vmem>>, vector<16xf32>,
    %broadcast_in_dim3A_10 = arith.constant 1.000000e+00 : f32
    %broadcast_in_dim3A_11 = vector.broadcast %broadcast_in_dim3A_10 : f32 to vector<16xf32>
    %swap3A_12 = arith.constant 32 : index
    %swap3A_13 = tpu.vector_load %arg5[%swap3A_12] {strides = array<i32>} : memref<640xf32, #tpu.memory_space<vmem>>, vector<16xf32>,
    %swap3A_14 = vector.shape_cast %swap3A_13 : vector<16xf32> to vector<16xf32>
    %swap3A_15 = vector.shape_cast %broadcast_in_dim3A_11 : vector<16xf32> to vector<16xf32>
    tpu.vector_store %arg5[%swap3A_12], %swap3A_15 {strides = array<i32>} : memref<640xf32, #tpu.memory_space<vmem>>, vector<16xf32>,
    %broadcast_in_dim3A_16 = arith.constant 1.000000e+00 : f32
    %broadcast_in_dim3A_17 = vector.broadcast %broadcast_in_dim3A_16 : f32 to vector<16xf32>
    %swap3A_18 = arith.constant 48 : index
    %swap3A_19 = tpu.vector_load %arg5[%swap3A_18] {strides = array<i32>} : memref<640xf32, #tpu.memory_space<vmem>>, vector<16xf32>,
    %swap3A_20 = vector.shape_cast %swap3A_19 : vector<16xf32> to vector<16xf32>
    %swap3A_21 = vector.shape_cast %broadcast_in_dim3A_17 : vector<16xf32> to vector<16xf32>
    tpu.vector_store %arg5[%swap3A_18], %swap3A_21 {strides = array<i32>} : memref<640xf32, #tpu.memory_space<vmem>>, vector<16xf32>,
    %broadcast_in_dim3A_22 = arith.constant 1.000000e+00 : f32
    %broadcast_in_dim3A_23 = vector.broadcast %broadcast_in_dim3A_22 : f32 to vector<16xf32>
    %swap3A_24 = arith.constant 64 : index
    %swap3A_25 = tpu.vector_load %arg5[%swap3A_24] {strides = array<i32>} : memref<640xf32, #tpu.memory_space<vmem>>, vector<16xf32>,
    %swap3A_26 = vector.shape_cast %swap3A_25 : vector<16xf32> to vector<16xf32>
    %swap3A_27 = vector.shape_cast %broadcast_in_dim3A_23 : vector<16xf32> to vector<16xf32>
    tpu.vector_store %arg5[%swap3A_24], %swap3A_27 {strides = array<i32>} : memref<640xf32, #tpu.memory_space<vmem>>, vector<16xf32>,
    %broadcast_in_dim3A_28 = arith.constant 1.000000e+00 : f32
    %broadcast_in_dim3A_29 = vector.broadcast %broadcast_in_dim3A_28 : f32 to vector<16xf32>
    %swap3A_30 = arith.constant 80 : index
    %swap3A_31 = tpu.vector_load %arg5[%swap3A_30] {strides = array<i32>} : memref<640xf32, #tpu.memory_space<vmem>>, vector<16xf32>,
    %swap3A_32 = vector.shape_cast %swap3A_31 : vector<16xf32> to vector<16xf32>
    %swap3A_33 = vector.shape_cast %broadcast_in_dim3A_29 : vector<16xf32> to vector<16xf32>
    tpu.vector_store %arg5[%swap3A_30], %swap3A_33 {strides = array<i32>} : memref<640xf32, #tpu.memory_space<vmem>>, vector<16xf32>,
    %broadcast_in_dim3A_34 = arith.constant 1.000000e+00 : f32
    %broadcast_in_dim3A_35 = vector.broadcast %broadcast_in_dim3A_34 : f32 to vector<16xf32>
    %swap3A_36 = arith.constant 96 : index
    %swap3A_37 = tpu.vector_load %arg5[%swap3A_36] {strides = array<i32>} : memref<640xf32, #tpu.memory_space<vmem>>, vector<16xf32>,
    %swap3A_38 = vector.shape_cast %swap3A_37 : vector<16xf32> to vector<16xf32>
    %swap3A_39 = vector.shape_cast %broadcast_in_dim3A_35 : vector<16xf32> to vector<16xf32>
    tpu.vector_store %arg5[%swap3A_36], %swap3A_39 {strides = array<i32>} : memref<640xf32, #tpu.memory_space<vmem>>, vector<16xf32>,
    %broadcast_in_dim3A_40 = arith.constant 1.000000e+00 : f32
    %broadcast_in_dim3A_41 = vector.broadcast %broadcast_in_dim3A_40 : f32 to vector<16xf32>
    %swap3A_42 = arith.constant 112 : index
    %swap3A_43 = tpu.vector_load %arg5[%swap3A_42] {strides = array<i32>} : memref<640xf32, #tpu.memory_space<vmem>>, vector<16xf32>,
    %swap3A_44 = vector.shape_cast %swap3A_43 : vector<16xf32> to vector<16xf32>
    %swap3A_45 = vector.shape_cast %broadcast_in_dim3A_41 : vector<16xf32> to vector<16xf32>
    tpu.vector_store %arg5[%swap3A_42], %swap3A_45 {strides = array<i32>} : memref<640xf32, #tpu.memory_space<vmem>>, vector<16xf32>,
    %broadcast_in_dim3A_46 = arith.constant 1.000000e+00 : f32
    %broadcast_in_dim3A_47 = vector.broadcast %broadcast_in_dim3A_46 : f32 to vector<16xf32>
    %swap3A_48 = arith.constant 128 : index
    %swap3A_49 = tpu.vector_load %arg5[%swap3A_48] {strides = array<i32>} : memref<640xf32, #tpu.memory_space<vmem>>, vector<16xf32>,
    %swap3A_50 = vector.shape_cast %swap3A_49 : vector<16xf32> to vector<16xf32>
    %swap3A_51 = vector.shape_cast %broadcast_in_dim3A_47 : vector<16xf32> to vector<16xf32>
    tpu.vector_store %arg5[%swap3A_48], %swap3A_51 {strides = array<i32>} : memref<640xf32, #tpu.memory_space<vmem>>, vector<16xf32>,
    %broadcast_in_dim3A_52 = arith.constant 1.000000e+00 : f32
    %broadcast_in_dim3A_53 = vector.broadcast %broadcast_in_dim3A_52 : f32 to vector<16xf32>
    %swap3A_54 = arith.constant 144 : index
    %swap3A_55 = tpu.vector_load %arg5[%swap3A_54] {strides = array<i32>} : memref<640xf32, #tpu.memory_space<vmem>>, vector<16xf32>,
    %swap3A_56 = vector.shape_cast %swap3A_55 : vector<16xf32> to vector<16xf32>
    %swap3A_57 = vector.shape_cast %broadcast_in_dim3A_53 : vector<16xf32> to vector<16xf32>
    tpu.vector_store %arg5[%swap3A_54], %swap3A_57 {strides = array<i32>} : memref<640xf32, #tpu.memory_space<vmem>>, vector<16xf32>,
    %broadcast_in_dim3A_58 = arith.constant 1.000000e+00 : f32
    %broadcast_in_dim3A_59 = vector.broadcast %broadcast_in_dim3A_58 : f32 to vector<16xf32>
    %swap3A_60 = arith.constant 160 : index
    %swap3A_61 = tpu.vector_load %arg5[%swap3A_60] {strides = array<i32>} : memref<640xf32, #tpu.memory_space<vmem>>, vector<16xf32>,
    %swap3A_62 = vector.shape_cast %swap3A_61 : vector<16xf32> to vector<16xf32>
    %swap3A_63 = vector.shape_cast %broadcast_in_dim3A_59 : vector<16xf32> to vector<16xf32>
    tpu.vector_store %arg5[%swap3A_60], %swap3A_63 {strides = array<i32>} : memref<640xf32, #tpu.memory_space<vmem>>, vector<16xf32>,
    %broadcast_in_dim3A_64 = arith.constant 1.000000e+00 : f32
    %broadcast_in_dim3A_65 = vector.broadcast %broadcast_in_dim3A_64 : f32 to vector<16xf32>
    %swap3A_66 = arith.constant 176 : index
    %swap3A_67 = tpu.vector_load %arg5[%swap3A_66] {strides = array<i32>} : memref<640xf32, #tpu.memory_space<vmem>>, vector<16xf32>,
    %swap3A_68 = vector.shape_cast %swap3A_67 : vector<16xf32> to vector<16xf32>
    %swap3A_69 = vector.shape_cast %broadcast_in_dim3A_65 : vector<16xf32> to vector<16xf32>
    tpu.vector_store %arg5[%swap3A_66], %swap3A_69 {strides = array<i32>} : memref<640xf32, #tpu.memory_space<vmem>>, vector<16xf32>,
    %broadcast_in_dim3A_70 = arith.constant 1.000000e+00 : f32
    %broadcast_in_dim3A_71 = vector.broadcast %broadcast_in_dim3A_70 : f32 to vector<16xf32>
    %swap3A_72 = arith.constant 192 : index
    %swap3A_73 = tpu.vector_load %arg5[%swap3A_72] {strides = array<i32>} : memref<640xf32, #tpu.memory_space<vmem>>, vector<16xf32>,
    %swap3A_74 = vector.shape_cast %swap3A_73 : vector<16xf32> to vector<16xf32>
    %swap3A_75 = vector.shape_cast %broadcast_in_dim3A_71 : vector<16xf32> to vector<16xf32>
    tpu.vector_store %arg5[%swap3A_72], %swap3A_75 {strides = array<i32>} : memref<640xf32, #tpu.memory_space<vmem>>, vector<16xf32>,
    %broadcast_in_dim3A_76 = arith.constant 1.000000e+00 : f32
    %broadcast_in_dim3A_77 = vector.broadcast %broadcast_in_dim3A_76 : f32 to vector<16xf32>
    %swap3A_78 = arith.constant 208 : index
    %swap3A_79 = tpu.vector_load %arg5[%swap3A_78] {strides = array<i32>} : memref<640xf32, #tpu.memory_space<vmem>>, vector<16xf32>,
    %swap3A_80 = vector.shape_cast %swap3A_79 : vector<16xf32> to vector<16xf32>
    %swap3A_81 = vector.shape_cast %broadcast_in_dim3A_77 : vector<16xf32> to vector<16xf32>
    tpu.vector_store %arg5[%swap3A_78], %swap3A_81 {strides = array<i32>} : memref<640xf32, #tpu.memory_space<vmem>>, vector<16xf32>,
    %broadcast_in_dim3A_82 = arith.constant 1.000000e+00 : f32
    %broadcast_in_dim3A_83 = vector.broadcast %broadcast_in_dim3A_82 : f32 to vector<16xf32>
    %swap3A_84 = arith.constant 224 : index
    %swap3A_85 = tpu.vector_load %arg5[%swap3A_84] {strides = array<i32>} : memref<640xf32, #tpu.memory_space<vmem>>, vector<16xf32>,
    %swap3A_86 = vector.shape_cast %swap3A_85 : vector<16xf32> to vector<16xf32>
    %swap3A_87 = vector.shape_cast %broadcast_in_dim3A_83 : vector<16xf32> to vector<16xf32>
    tpu.vector_store %arg5[%swap3A_84], %swap3A_87 {strides = array<i32>} : memref<640xf32, #tpu.memory_space<vmem>>, vector<16xf32>,
    %broadcast_in_dim3A_88 = arith.constant 1.000000e+00 : f32
    %broadcast_in_dim3A_89 = vector.broadcast %broadcast_in_dim3A_88 : f32 to vector<16xf32>
    %swap3A_90 = arith.constant 240 : index
    %swap3A_91 = tpu.vector_load %arg5[%swap3A_90] {strides = array<i32>} : memref<640xf32, #tpu.memory_space<vmem>>, vector<16xf32>,
    %swap3A_92 = vector.shape_cast %swap3A_91 : vector<16xf32> to vector<16xf32>
    %swap3A_93 = vector.shape_cast %broadcast_in_dim3A_89 : vector<16xf32> to vector<16xf32>
    tpu.vector_store %arg5[%swap3A_90], %swap3A_93 {strides = array<i32>} : memref<640xf32, #tpu.memory_space<vmem>>, vector<16xf32>,
    %broadcast_in_dim3A_94 = arith.constant 1.000000e+00 : f32
    %broadcast_in_dim3A_95 = vector.broadcast %broadcast_in_dim3A_94 : f32 to vector<16xf32>
    %swap3A_96 = arith.constant 256 : index
    %swap3A_97 = tpu.vector_load %arg5[%swap3A_96] {strides = array<i32>} : memref<640xf32, #tpu.memory_space<vmem>>, vector<16xf32>,
    %swap3A_98 = vector.shape_cast %swap3A_97 : vector<16xf32> to vector<16xf32>
    %swap3A_99 = vector.shape_cast %broadcast_in_dim3A_95 : vector<16xf32> to vector<16xf32>
    tpu.vector_store %arg5[%swap3A_96], %swap3A_99 {strides = array<i32>} : memref<640xf32, #tpu.memory_space<vmem>>, vector<16xf32>,
    %broadcast_in_dim3A_100 = arith.constant 1.000000e+00 : f32
    %broadcast_in_dim3A_101 = vector.broadcast %broadcast_in_dim3A_100 : f32 to vector<16xf32>
    %swap3A_102 = arith.constant 272 : index
    %swap3A_103 = tpu.vector_load %arg5[%swap3A_102] {strides = array<i32>} : memref<640xf32, #tpu.memory_space<vmem>>, vector<16xf32>,
    %swap3A_104 = vector.shape_cast %swap3A_103 : vector<16xf32> to vector<16xf32>
    %swap3A_105 = vector.shape_cast %broadcast_in_dim3A_101 : vector<16xf32> to vector<16xf32>
    tpu.vector_store %arg5[%swap3A_102], %swap3A_105 {strides = array<i32>} : memref<640xf32, #tpu.memory_space<vmem>>, vector<16xf32>,
    %broadcast_in_dim3A_106 = arith.constant 1.000000e+00 : f32
    %broadcast_in_dim3A_107 = vector.broadcast %broadcast_in_dim3A_106 : f32 to vector<16xf32>
    %swap3A_108 = arith.constant 288 : index
    %swap3A_109 = tpu.vector_load %arg5[%swap3A_108] {strides = array<i32>} : memref<640xf32, #tpu.memory_space<vmem>>, vector<16xf32>,
    %swap3A_110 = vector.shape_cast %swap3A_109 : vector<16xf32> to vector<16xf32>
    %swap3A_111 = vector.shape_cast %broadcast_in_dim3A_107 : vector<16xf32> to vector<16xf32>
    tpu.vector_store %arg5[%swap3A_108], %swap3A_111 {strides = array<i32>} : memref<640xf32, #tpu.memory_space<vmem>>, vector<16xf32>,
    %broadcast_in_dim3A_112 = arith.constant 1.000000e+00 : f32
    %broadcast_in_dim3A_113 = vector.broadcast %broadcast_in_dim3A_112 : f32 to vector<16xf32>
    %swap3A_114 = arith.constant 304 : index
    %swap3A_115 = tpu.vector_load %arg5[%swap3A_114] {strides = array<i32>} : memref<640xf32, #tpu.memory_space<vmem>>, vector<16xf32>,
    %swap3A_116 = vector.shape_cast %swap3A_115 : vector<16xf32> to vector<16xf32>
    %swap3A_117 = vector.shape_cast %broadcast_in_dim3A_113 : vector<16xf32> to vector<16xf32>
    tpu.vector_store %arg5[%swap3A_114], %swap3A_117 {strides = array<i32>} : memref<640xf32, #tpu.memory_space<vmem>>, vector<16xf32>,
    %broadcast_in_dim3A_118 = arith.constant 1.000000e+00 : f32
    %broadcast_in_dim3A_119 = vector.broadcast %broadcast_in_dim3A_118 : f32 to vector<16xf32>
    %swap3A_120 = arith.constant 320 : index
    %swap3A_121 = tpu.vector_load %arg5[%swap3A_120] {strides = array<i32>} : memref<640xf32, #tpu.memory_space<vmem>>, vector<16xf32>,
    %swap3A_122 = vector.shape_cast %swap3A_121 : vector<16xf32> to vector<16xf32>
    %swap3A_123 = vector.shape_cast %broadcast_in_dim3A_119 : vector<16xf32> to vector<16xf32>
    tpu.vector_store %arg5[%swap3A_120], %swap3A_123 {strides = array<i32>} : memref<640xf32, #tpu.memory_space<vmem>>, vector<16xf32>,
    %broadcast_in_dim3A_124 = arith.constant 1.000000e+00 : f32
    %broadcast_in_dim3A_125 = vector.broadcast %broadcast_in_dim3A_124 : f32 to vector<16xf32>
    %swap3A_126 = arith.constant 336 : index
    %swap3A_127 = tpu.vector_load %arg5[%swap3A_126] {strides = array<i32>} : memref<640xf32, #tpu.memory_space<vmem>>, vector<16xf32>,
    %swap3A_128 = vector.shape_cast %swap3A_127 : vector<16xf32> to vector<16xf32>
    %swap3A_129 = vector.shape_cast %broadcast_in_dim3A_125 : vector<16xf32> to vector<16xf32>
    tpu.vector_store %arg5[%swap3A_126], %swap3A_129 {strides = array<i32>} : memref<640xf32, #tpu.memory_space<vmem>>, vector<16xf32>,
    %broadcast_in_dim3A_130 = arith.constant 1.000000e+00 : f32
    %broadcast_in_dim3A_131 = vector.broadcast %broadcast_in_dim3A_130 : f32 to vector<16xf32>
    %swap3A_132 = arith.constant 352 : index
    %swap3A_133 = tpu.vector_load %arg5[%swap3A_132] {strides = array<i32>} : memref<640xf32, #tpu.memory_space<vmem>>, vector<16xf32>,
    %swap3A_134 = vector.shape_cast %swap3A_133 : vector<16xf32> to vector<16xf32>
    %swap3A_135 = vector.shape_cast %broadcast_in_dim3A_131 : vector<16xf32> to vector<16xf32>
    tpu.vector_store %arg5[%swap3A_132], %swap3A_135 {strides = array<i32>} : memref<640xf32, #tpu.memory_space<vmem>>, vector<16xf32>,
    %broadcast_in_dim3A_136 = arith.constant 1.000000e+00 : f32
    %broadcast_in_dim3A_137 = vector.broadcast %broadcast_in_dim3A_136 : f32 to vector<16xf32>
    %swap3A_138 = arith.constant 368 : index
    %swap3A_139 = tpu.vector_load %arg5[%swap3A_138] {strides = array<i32>} : memref<640xf32, #tpu.memory_space<vmem>>, vector<16xf32>,
    %swap3A_140 = vector.shape_cast %swap3A_139 : vector<16xf32> to vector<16xf32>
    %swap3A_141 = vector.shape_cast %broadcast_in_dim3A_137 : vector<16xf32> to vector<16xf32>
    tpu.vector_store %arg5[%swap3A_138], %swap3A_141 {strides = array<i32>} : memref<640xf32, #tpu.memory_space<vmem>>, vector<16xf32>,
    %broadcast_in_dim3A_142 = arith.constant 1.000000e+00 : f32
    %broadcast_in_dim3A_143 = vector.broadcast %broadcast_in_dim3A_142 : f32 to vector<16xf32>
    %swap3A_144 = arith.constant 384 : index
    %swap3A_145 = tpu.vector_load %arg5[%swap3A_144] {strides = array<i32>} : memref<640xf32, #tpu.memory_space<vmem>>, vector<16xf32>,
    %swap3A_146 = vector.shape_cast %swap3A_145 : vector<16xf32> to vector<16xf32>
    %swap3A_147 = vector.shape_cast %broadcast_in_dim3A_143 : vector<16xf32> to vector<16xf32>
    tpu.vector_store %arg5[%swap3A_144], %swap3A_147 {strides = array<i32>} : memref<640xf32, #tpu.memory_space<vmem>>, vector<16xf32>,
    %broadcast_in_dim3A_148 = arith.constant 1.000000e+00 : f32
    %broadcast_in_dim3A_149 = vector.broadcast %broadcast_in_dim3A_148 : f32 to vector<16xf32>
    %swap3A_150 = arith.constant 400 : index
    %swap3A_151 = tpu.vector_load %arg5[%swap3A_150] {strides = array<i32>} : memref<640xf32, #tpu.memory_space<vmem>>, vector<16xf32>,
    %swap3A_152 = vector.shape_cast %swap3A_151 : vector<16xf32> to vector<16xf32>
    %swap3A_153 = vector.shape_cast %broadcast_in_dim3A_149 : vector<16xf32> to vector<16xf32>
    tpu.vector_store %arg5[%swap3A_150], %swap3A_153 {strides = array<i32>} : memref<640xf32, #tpu.memory_space<vmem>>, vector<16xf32>,
    %broadcast_in_dim3A_154 = arith.constant 1.000000e+00 : f32
    %broadcast_in_dim3A_155 = vector.broadcast %broadcast_in_dim3A_154 : f32 to vector<16xf32>
    %swap3A_156 = arith.constant 416 : index
    %swap3A_157 = tpu.vector_load %arg5[%swap3A_156] {strides = array<i32>} : memref<640xf32, #tpu.memory_space<vmem>>, vector<16xf32>,
    %swap3A_158 = vector.shape_cast %swap3A_157 : vector<16xf32> to vector<16xf32>
    %swap3A_159 = vector.shape_cast %broadcast_in_dim3A_155 : vector<16xf32> to vector<16xf32>
    tpu.vector_store %arg5[%swap3A_156], %swap3A_159 {strides = array<i32>} : memref<640xf32, #tpu.memory_space<vmem>>, vector<16xf32>,
    %broadcast_in_dim3A_160 = arith.constant 1.000000e+00 : f32
    %broadcast_in_dim3A_161 = vector.broadcast %broadcast_in_dim3A_160 : f32 to vector<16xf32>
    %swap3A_162 = arith.constant 432 : index
    %swap3A_163 = tpu.vector_load %arg5[%swap3A_162] {strides = array<i32>} : memref<640xf32, #tpu.memory_space<vmem>>, vector<16xf32>,
    %swap3A_164 = vector.shape_cast %swap3A_163 : vector<16xf32> to vector<16xf32>
    %swap3A_165 = vector.shape_cast %broadcast_in_dim3A_161 : vector<16xf32> to vector<16xf32>
    tpu.vector_store %arg5[%swap3A_162], %swap3A_165 {strides = array<i32>} : memref<640xf32, #tpu.memory_space<vmem>>, vector<16xf32>,
    %broadcast_in_dim3A_166 = arith.constant 1.000000e+00 : f32
    %broadcast_in_dim3A_167 = vector.broadcast %broadcast_in_dim3A_166 : f32 to vector<16xf32>
    %swap3A_168 = arith.constant 448 : index
    %swap3A_169 = tpu.vector_load %arg5[%swap3A_168] {strides = array<i32>} : memref<640xf32, #tpu.memory_space<vmem>>, vector<16xf32>,
    %swap3A_170 = vector.shape_cast %swap3A_169 : vector<16xf32> to vector<16xf32>
    %swap3A_171 = vector.shape_cast %broadcast_in_dim3A_167 : vector<16xf32> to vector<16xf32>
    tpu.vector_store %arg5[%swap3A_168], %swap3A_171 {strides = array<i32>} : memref<640xf32, #tpu.memory_space<vmem>>, vector<16xf32>,
    %broadcast_in_dim3A_172 = arith.constant 1.000000e+00 : f32
    %broadcast_in_dim3A_173 = vector.broadcast %broadcast_in_dim3A_172 : f32 to vector<16xf32>
    %swap3A_174 = arith.constant 464 : index
    %swap3A_175 = tpu.vector_load %arg5[%swap3A_174] {strides = array<i32>} : memref<640xf32, #tpu.memory_space<vmem>>, vector<16xf32>,
    %swap3A_176 = vector.shape_cast %swap3A_175 : vector<16xf32> to vector<16xf32>
    %swap3A_177 = vector.shape_cast %broadcast_in_dim3A_173 : vector<16xf32> to vector<16xf32>
    tpu.vector_store %arg5[%swap3A_174], %swap3A_177 {strides = array<i32>} : memref<640xf32, #tpu.memory_space<vmem>>, vector<16xf32>,
    %broadcast_in_dim3A_178 = arith.constant 1.000000e+00 : f32
    %broadcast_in_dim3A_179 = vector.broadcast %broadcast_in_dim3A_178 : f32 to vector<16xf32>
    %swap3A_180 = arith.constant 480 : index
    %swap3A_181 = tpu.vector_load %arg5[%swap3A_180] {strides = array<i32>} : memref<640xf32, #tpu.memory_space<vmem>>, vector<16xf32>,
    %swap3A_182 = vector.shape_cast %swap3A_181 : vector<16xf32> to vector<16xf32>
    %swap3A_183 = vector.shape_cast %broadcast_in_dim3A_179 : vector<16xf32> to vector<16xf32>
    tpu.vector_store %arg5[%swap3A_180], %swap3A_183 {strides = array<i32>} : memref<640xf32, #tpu.memory_space<vmem>>, vector<16xf32>,
    %broadcast_in_dim3A_184 = arith.constant 1.000000e+00 : f32
    %broadcast_in_dim3A_185 = vector.broadcast %broadcast_in_dim3A_184 : f32 to vector<16xf32>
    %swap3A_186 = arith.constant 496 : index
    %swap3A_187 = tpu.vector_load %arg5[%swap3A_186] {strides = array<i32>} : memref<640xf32, #tpu.memory_space<vmem>>, vector<16xf32>,
    %swap3A_188 = vector.shape_cast %swap3A_187 : vector<16xf32> to vector<16xf32>
    %swap3A_189 = vector.shape_cast %broadcast_in_dim3A_185 : vector<16xf32> to vector<16xf32>
    tpu.vector_store %arg5[%swap3A_186], %swap3A_189 {strides = array<i32>} : memref<640xf32, #tpu.memory_space<vmem>>, vector<16xf32>,
    %broadcast_in_dim3A_190 = arith.constant 1.000000e+00 : f32
    %broadcast_in_dim3A_191 = vector.broadcast %broadcast_in_dim3A_190 : f32 to vector<16xf32>
    %swap3A_192 = arith.constant 512 : index
    %swap3A_193 = tpu.vector_load %arg5[%swap3A_192] {strides = array<i32>} : memref<640xf32, #tpu.memory_space<vmem>>, vector<16xf32>,
    %swap3A_194 = vector.shape_cast %swap3A_193 : vector<16xf32> to vector<16xf32>
    %swap3A_195 = vector.shape_cast %broadcast_in_dim3A_191 : vector<16xf32> to vector<16xf32>
    tpu.vector_store %arg5[%swap3A_192], %swap3A_195 {strides = array<i32>} : memref<640xf32, #tpu.memory_space<vmem>>, vector<16xf32>,
    %broadcast_in_dim3A_196 = arith.constant 1.000000e+00 : f32
    %broadcast_in_dim3A_197 = vector.broadcast %broadcast_in_dim3A_196 : f32 to vector<16xf32>
    %swap3A_198 = arith.constant 528 : index
    %swap3A_199 = tpu.vector_load %arg5[%swap3A_198] {strides = array<i32>} : memref<640xf32, #tpu.memory_space<vmem>>, vector<16xf32>,
    %swap3A_200 = vector.shape_cast %swap3A_199 : vector<16xf32> to vector<16xf32>
    %swap3A_201 = vector.shape_cast %broadcast_in_dim3A_197 : vector<16xf32> to vector<16xf32>
    tpu.vector_store %arg5[%swap3A_198], %swap3A_201 {strides = array<i32>} : memref<640xf32, #tpu.memory_space<vmem>>, vector<16xf32>,
    %broadcast_in_dim3A_202 = arith.constant 1.000000e+00 : f32
    %broadcast_in_dim3A_203 = vector.broadcast %broadcast_in_dim3A_202 : f32 to vector<16xf32>
    %swap3A_204 = arith.constant 544 : index
    %swap3A_205 = tpu.vector_load %arg5[%swap3A_204] {strides = array<i32>} : memref<640xf32, #tpu.memory_space<vmem>>, vector<16xf32>,
    %swap3A_206 = vector.shape_cast %swap3A_205 : vector<16xf32> to vector<16xf32>
    %swap3A_207 = vector.shape_cast %broadcast_in_dim3A_203 : vector<16xf32> to vector<16xf32>
    tpu.vector_store %arg5[%swap3A_204], %swap3A_207 {strides = array<i32>} : memref<640xf32, #tpu.memory_space<vmem>>, vector<16xf32>,
    %broadcast_in_dim3A_208 = arith.constant 1.000000e+00 : f32
    %broadcast_in_dim3A_209 = vector.broadcast %broadcast_in_dim3A_208 : f32 to vector<16xf32>
    %swap3A_210 = arith.constant 560 : index
    %swap3A_211 = tpu.vector_load %arg5[%swap3A_210] {strides = array<i32>} : memref<640xf32, #tpu.memory_space<vmem>>, vector<16xf32>,
    %swap3A_212 = vector.shape_cast %swap3A_211 : vector<16xf32> to vector<16xf32>
    %swap3A_213 = vector.shape_cast %broadcast_in_dim3A_209 : vector<16xf32> to vector<16xf32>
    tpu.vector_store %arg5[%swap3A_210], %swap3A_213 {strides = array<i32>} : memref<640xf32, #tpu.memory_space<vmem>>, vector<16xf32>,
    %broadcast_in_dim3A_214 = arith.constant 1.000000e+00 : f32
    %broadcast_in_dim3A_215 = vector.broadcast %broadcast_in_dim3A_214 : f32 to vector<16xf32>
    %swap3A_216 = arith.constant 576 : index
    %swap3A_217 = tpu.vector_load %arg5[%swap3A_216] {strides = array<i32>} : memref<640xf32, #tpu.memory_space<vmem>>, vector<16xf32>,
    %swap3A_218 = vector.shape_cast %swap3A_217 : vector<16xf32> to vector<16xf32>
    %swap3A_219 = vector.shape_cast %broadcast_in_dim3A_215 : vector<16xf32> to vector<16xf32>
    tpu.vector_store %arg5[%swap3A_216], %swap3A_219 {strides = array<i32>} : memref<640xf32, #tpu.memory_space<vmem>>, vector<16xf32>,
    %broadcast_in_dim3A_220 = arith.constant 1.000000e+00 : f32
    %broadcast_in_dim3A_221 = vector.broadcast %broadcast_in_dim3A_220 : f32 to vector<16xf32>
    %swap3A_222 = arith.constant 592 : index
    %swap3A_223 = tpu.vector_load %arg5[%swap3A_222] {strides = array<i32>} : memref<640xf32, #tpu.memory_space<vmem>>, vector<16xf32>,
    %swap3A_224 = vector.shape_cast %swap3A_223 : vector<16xf32> to vector<16xf32>
    %swap3A_225 = vector.shape_cast %broadcast_in_dim3A_221 : vector<16xf32> to vector<16xf32>
    tpu.vector_store %arg5[%swap3A_222], %swap3A_225 {strides = array<i32>} : memref<640xf32, #tpu.memory_space<vmem>>, vector<16xf32>,
    %broadcast_in_dim3A_226 = arith.constant 1.000000e+00 : f32
    %broadcast_in_dim3A_227 = vector.broadcast %broadcast_in_dim3A_226 : f32 to vector<16xf32>
    %swap3A_228 = arith.constant 608 : index
    %swap3A_229 = tpu.vector_load %arg5[%swap3A_228] {strides = array<i32>} : memref<640xf32, #tpu.memory_space<vmem>>, vector<16xf32>,
    %swap3A_230 = vector.shape_cast %swap3A_229 : vector<16xf32> to vector<16xf32>
    %swap3A_231 = vector.shape_cast %broadcast_in_dim3A_227 : vector<16xf32> to vector<16xf32>
    tpu.vector_store %arg5[%swap3A_228], %swap3A_231 {strides = array<i32>} : memref<640xf32, #tpu.memory_space<vmem>>, vector<16xf32>,
    %broadcast_in_dim3A_232 = arith.constant 1.000000e+00 : f32
    %broadcast_in_dim3A_233 = vector.broadcast %broadcast_in_dim3A_232 : f32 to vector<16xf32>
    %swap3A_234 = arith.constant 624 : index
    %swap3A_235 = tpu.vector_load %arg5[%swap3A_234] {strides = array<i32>} : memref<640xf32, #tpu.memory_space<vmem>>, vector<16xf32>,
    %swap3A_236 = vector.shape_cast %swap3A_235 : vector<16xf32> to vector<16xf32>
    %swap3A_237 = vector.shape_cast %broadcast_in_dim3A_233 : vector<16xf32> to vector<16xf32>
    tpu.vector_store %arg5[%swap3A_234], %swap3A_237 {strides = array<i32>} : memref<640xf32, #tpu.memory_space<vmem>>, vector<16xf32>,
    %mul3A = arith.constant 640 : i32
    %mul3A_238 = arith.muli %arg1, %mul3A : i32
    %mul3A_239 = arith.constant 2 : i32
    %mul3A_240 = arith.muli %arg0, %mul3A_239 : i32
    %add3A = arith.constant 0 : i32
    %add3A_241 = arith.addi %mul3A_240, %add3A : i32
    "tpu.region"() ({
      %run_scoped3A = tpu.sem_alloc : memref<!tpu.dma_semaphore, #tpu.memory_space<semaphore_mem>>
      %dma_start3A = tpu.memref_slice %arg6[%mul3A_238] : memref<10240xf32, #tpu.memory_space<vmem_shared>> -> memref<640xf32, #tpu.memory_space<vmem_shared>>
      %dma_start3A_260 = tpu.memref_slice %arg6[%mul3A_238] : memref<10240xf32, #tpu.memory_space<vmem_shared>> -> memref<640xf32, #tpu.memory_space<vmem_shared>>
      tpu.enqueue_dma source(%arg5 : memref<640xf32, #tpu.memory_space<vmem>>) target(%dma_start3A_260 : memref<640xf32, #tpu.memory_space<vmem_shared>>) target_semaphore(%run_scoped3A : memref<!tpu.dma_semaphore, #tpu.memory_space<semaphore_mem>>)
      %dma_wait3A = tpu.memref_slice %arg6[%mul3A_238] : memref<10240xf32, #tpu.memory_space<vmem_shared>> -> memref<640xf32, #tpu.memory_space<vmem_shared>>
      %dma_wait3A_261 = tpu.memref_slice %arg6[%mul3A_238] : memref<10240xf32, #tpu.memory_space<vmem_shared>> -> memref<640xf32, #tpu.memory_space<vmem_shared>>
      tpu.wait_dma2 semaphore(%run_scoped3A : memref<!tpu.dma_semaphore, #tpu.memory_space<semaphore_mem>>) src(%arg5 : memref<640xf32, #tpu.memory_space<vmem>>) dst(%dma_wait3A_261 : memref<640xf32, #tpu.memory_space<vmem_shared>>)
      tpu.yield
    }) : () -> ()
    "tpu.region"() ({
      %run_scoped3A = tpu.sem_alloc : memref<!tpu.dma_semaphore, #tpu.memory_space<semaphore_mem>>
      %dma_start3A = arith.constant 0 : i32
      %dma_start3A_260 = arith.constant 0 : i32
      %dma_start3A_261 = tpu.memref_slice %arg2[%add3A_241, %arg1, %dma_start3A, %dma_start3A_260] : memref<4x16x30x125xi32, #tpu.memory_space<hbm>> -> memref<1x1x30x125xi32, #tpu.memory_space<hbm>>
      %dma_start3A_262 = tpu.memref_squeeze %dma_start3A_261 : memref<1x1x30x125xi32, #tpu.memory_space<hbm>> -> memref<30x125xi32, #tpu.memory_space<hbm>>
      %dma_start3A_263 = arith.constant 0 : i32
      %dma_start3A_264 = arith.constant 0 : i32
      %dma_start3A_265 = tpu.memref_slice %arg2[%add3A_241, %arg1, %dma_start3A_263, %dma_start3A_264] : memref<4x16x30x125xi32, #tpu.memory_space<hbm>> -> memref<1x1x30x125xi32, #tpu.memory_space<hbm>>
      %dma_start3A_266 = tpu.memref_squeeze %dma_start3A_265 : memref<1x1x30x125xi32, #tpu.memory_space<hbm>> -> memref<30x125xi32, #tpu.memory_space<hbm>>
      tpu.enqueue_dma source(%dma_start3A_266 : memref<30x125xi32, #tpu.memory_space<hbm>>) target(%arg4 : memref<30x125xi32, #tpu.memory_space<vmem>>) target_semaphore(%run_scoped3A : memref<!tpu.dma_semaphore, #tpu.memory_space<semaphore_mem>>)
      %dma_wait3A = arith.constant 0 : i32
      %dma_wait3A_267 = arith.constant 0 : i32
      %dma_wait3A_268 = tpu.memref_slice %arg2[%add3A_241, %arg1, %dma_wait3A, %dma_wait3A_267] : memref<4x16x30x125xi32, #tpu.memory_space<hbm>> -> memref<1x1x30x125xi32, #tpu.memory_space<hbm>>
      %dma_wait3A_269 = tpu.memref_squeeze %dma_wait3A_268 : memref<1x1x30x125xi32, #tpu.memory_space<hbm>> -> memref<30x125xi32, #tpu.memory_space<hbm>>
      %dma_wait3A_270 = arith.constant 0 : i32
      %dma_wait3A_271 = arith.constant 0 : i32
      %dma_wait3A_272 = tpu.memref_slice %arg2[%add3A_241, %arg1, %dma_wait3A_270, %dma_wait3A_271] : memref<4x16x30x125xi32, #tpu.memory_space<hbm>> -> memref<1x1x30x125xi32, #tpu.memory_space<hbm>>
      %dma_wait3A_273 = tpu.memref_squeeze %dma_wait3A_272 : memref<1x1x30x125xi32, #tpu.memory_space<hbm>> -> memref<30x125xi32, #tpu.memory_space<hbm>>
      tpu.wait_dma2 semaphore(%run_scoped3A : memref<!tpu.dma_semaphore, #tpu.memory_space<semaphore_mem>>) src(%dma_wait3A_273 : memref<30x125xi32, #tpu.memory_space<hbm>>) dst(%arg4 : memref<30x125xi32, #tpu.memory_space<vmem>>)
      tpu.yield
    }) : () -> ()
    %barrier3A = arith.constant 0 : index
    tpu.barrier barrier_id(%barrier3A)
    %scan3A = arith.constant 0 : i32
    %scan3A_242 = arith.constant 0 : i32
    %scan3A_243 = arith.constant 30 : i32
    %scan3A_244 = arith.addi %scan3A_242, %scan3A_243 : i32
    %scan3A_245 = arith.constant 1 : i32
    scf.for %scan3A_260 = %scan3A_242 to %scan3A_244 step %scan3A_245  : i32 {
      "tpu.region"() ({
        %run_scoped3A = tpu.sem_alloc : memref<!tpu.dma_semaphore, #tpu.memory_space<semaphore_mem>>
        %dma_start3A = arith.constant 0 : i32
        %dma_start3A_261 = tpu.memref_slice %arg5[%dma_start3A] : memref<640xf32, #tpu.memory_space<vmem>> -> memref<125xf32, #tpu.memory_space<vmem>>
        %dma_start3A_262 = arith.constant 0 : i32
        %dma_start3A_263 = tpu.memref_slice %arg4[%scan3A_260, %dma_start3A_262] : memref<30x125xi32, #tpu.memory_space<vmem>> -> memref<1x125xi32, #tpu.memory_space<vmem>>
        %dma_start3A_264 = tpu.memref_squeeze %dma_start3A_263 : memref<1x125xi32, #tpu.memory_space<vmem>> -> memref<125xi32, #tpu.memory_space<vmem>>
        %dma_start3A_265 = arith.constant 0 : i32
        %dma_start3A_266 = tpu.memref_slice %arg6[%dma_start3A_265] : memref<10240xf32, #tpu.memory_space<vmem_shared>> -> memref<10240xf32, #tpu.memory_space<vmem_shared>>
        tpu.enqueue_indirect_dma source(%dma_start3A_261 : memref<125xf32, #tpu.memory_space<vmem>>) target(%dma_start3A_266 : memref<10240xf32, #tpu.memory_space<vmem_shared>>) offsets(%dma_start3A_264 : memref<125xi32, #tpu.memory_space<vmem>>) semaphore(%run_scoped3A : memref<!tpu.dma_semaphore, #tpu.memory_space<semaphore_mem>>) {add = true}
        %dma_wait3A = arith.constant 0 : i32
        %dma_wait3A_267 = tpu.memref_slice %arg5[%dma_wait3A] : memref<640xf32, #tpu.memory_space<vmem>> -> memref<125xf32, #tpu.memory_space<vmem>>
        %dma_wait3A_268 = arith.constant 0 : i32
        %dma_wait3A_269 = tpu.memref_slice %arg4[%scan3A_260, %dma_wait3A_268] : memref<30x125xi32, #tpu.memory_space<vmem>> -> memref<1x125xi32, #tpu.memory_space<vmem>>
        %dma_wait3A_270 = tpu.memref_squeeze %dma_wait3A_269 : memref<1x125xi32, #tpu.memory_space<vmem>> -> memref<125xi32, #tpu.memory_space<vmem>>
        %dma_wait3A_271 = arith.constant 0 : i32
        %dma_wait3A_272 = tpu.memref_slice %arg6[%dma_wait3A_271] : memref<10240xf32, #tpu.memory_space<vmem_shared>> -> memref<10240xf32, #tpu.memory_space<vmem_shared>>
        tpu.wait_indirect_dma semaphore(%run_scoped3A : memref<!tpu.dma_semaphore, #tpu.memory_space<semaphore_mem>>) src(%dma_wait3A_267 : memref<125xf32, #tpu.memory_space<vmem>>) dst(%dma_wait3A_272 : memref<10240xf32, #tpu.memory_space<vmem_shared>>)
        tpu.yield
      }) : () -> ()
    }
    %scan3A_246 = arith.constant 30 : i32
    %barrier3A_247 = arith.constant 0 : index
    tpu.barrier barrier_id(%barrier3A_247)
    "tpu.region"() ({
      %run_scoped3A = tpu.sem_alloc : memref<!tpu.dma_semaphore, #tpu.memory_space<semaphore_mem>>
      %dma_start3A = tpu.memref_slice %arg3[%add3A_241, %mul3A_238] : memref<4x10240xf32, #tpu.memory_space<hbm>> -> memref<1x640xf32, #tpu.memory_space<hbm>>
      %dma_start3A_260 = tpu.memref_squeeze %dma_start3A : memref<1x640xf32, #tpu.memory_space<hbm>> -> memref<640xf32, #tpu.memory_space<hbm>>
      %dma_start3A_261 = tpu.memref_slice %arg6[%mul3A_238] : memref<10240xf32, #tpu.memory_space<vmem_shared>> -> memref<640xf32, #tpu.memory_space<vmem_shared>>
      tpu.enqueue_dma source(%dma_start3A_261 : memref<640xf32, #tpu.memory_space<vmem_shared>>) target(%dma_start3A_260 : memref<640xf32, #tpu.memory_space<hbm>>) target_semaphore(%run_scoped3A : memref<!tpu.dma_semaphore, #tpu.memory_space<semaphore_mem>>)
      %dma_wait3A = tpu.memref_slice %arg3[%add3A_241, %mul3A_238] : memref<4x10240xf32, #tpu.memory_space<hbm>> -> memref<1x640xf32, #tpu.memory_space<hbm>>
      %dma_wait3A_262 = tpu.memref_squeeze %dma_wait3A : memref<1x640xf32, #tpu.memory_space<hbm>> -> memref<640xf32, #tpu.memory_space<hbm>>
      %dma_wait3A_263 = tpu.memref_slice %arg6[%mul3A_238] : memref<10240xf32, #tpu.memory_space<vmem_shared>> -> memref<640xf32, #tpu.memory_space<vmem_shared>>
      tpu.wait_dma2 semaphore(%run_scoped3A : memref<!tpu.dma_semaphore, #tpu.memory_space<semaphore_mem>>) src(%dma_wait3A_263 : memref<640xf32, #tpu.memory_space<vmem_shared>>) dst(%dma_wait3A_262 : memref<640xf32, #tpu.memory_space<hbm>>)
      tpu.yield
    }) : () -> ()
    %mul3A_248 = arith.constant 2 : i32
    %mul3A_249 = arith.muli %arg0, %mul3A_248 : i32
    %add3A_250 = arith.constant 1 : i32
    %add3A_251 = arith.addi %mul3A_249, %add3A_250 : i32
    "tpu.region"() ({
      %run_scoped3A = tpu.sem_alloc : memref<!tpu.dma_semaphore, #tpu.memory_space<semaphore_mem>>
      %dma_start3A = tpu.memref_slice %arg6[%mul3A_238] : memref<10240xf32, #tpu.memory_space<vmem_shared>> -> memref<640xf32, #tpu.memory_space<vmem_shared>>
      %dma_start3A_260 = tpu.memref_slice %arg6[%mul3A_238] : memref<10240xf32, #tpu.memory_space<vmem_shared>> -> memref<640xf32, #tpu.memory_space<vmem_shared>>
      tpu.enqueue_dma source(%arg5 : memref<640xf32, #tpu.memory_space<vmem>>) target(%dma_start3A_260 : memref<640xf32, #tpu.memory_space<vmem_shared>>) target_semaphore(%run_scoped3A : memref<!tpu.dma_semaphore, #tpu.memory_space<semaphore_mem>>)
      %dma_wait3A = tpu.memref_slice %arg6[%mul3A_238] : memref<10240xf32, #tpu.memory_space<vmem_shared>> -> memref<640xf32, #tpu.memory_space<vmem_shared>>
      %dma_wait3A_261 = tpu.memref_slice %arg6[%mul3A_238] : memref<10240xf32, #tpu.memory_space<vmem_shared>> -> memref<640xf32, #tpu.memory_space<vmem_shared>>
      tpu.wait_dma2 semaphore(%run_scoped3A : memref<!tpu.dma_semaphore, #tpu.memory_space<semaphore_mem>>) src(%arg5 : memref<640xf32, #tpu.memory_space<vmem>>) dst(%dma_wait3A_261 : memref<640xf32, #tpu.memory_space<vmem_shared>>)
      tpu.yield
    }) : () -> ()
    "tpu.region"() ({
      %run_scoped3A = tpu.sem_alloc : memref<!tpu.dma_semaphore, #tpu.memory_space<semaphore_mem>>
      %dma_start3A = arith.constant 0 : i32
      %dma_start3A_260 = arith.constant 0 : i32
      %dma_start3A_261 = tpu.memref_slice %arg2[%add3A_251, %arg1, %dma_start3A, %dma_start3A_260] : memref<4x16x30x125xi32, #tpu.memory_space<hbm>> -> memref<1x1x30x125xi32, #tpu.memory_space<hbm>>
      %dma_start3A_262 = tpu.memref_squeeze %dma_start3A_261 : memref<1x1x30x125xi32, #tpu.memory_space<hbm>> -> memref<30x125xi32, #tpu.memory_space<hbm>>
      %dma_start3A_263 = arith.constant 0 : i32
      %dma_start3A_264 = arith.constant 0 : i32
      %dma_start3A_265 = tpu.memref_slice %arg2[%add3A_251, %arg1, %dma_start3A_263, %dma_start3A_264] : memref<4x16x30x125xi32, #tpu.memory_space<hbm>> -> memref<1x1x30x125xi32, #tpu.memory_space<hbm>>
      %dma_start3A_266 = tpu.memref_squeeze %dma_start3A_265 : memref<1x1x30x125xi32, #tpu.memory_space<hbm>> -> memref<30x125xi32, #tpu.memory_space<hbm>>
      tpu.enqueue_dma source(%dma_start3A_266 : memref<30x125xi32, #tpu.memory_space<hbm>>) target(%arg4 : memref<30x125xi32, #tpu.memory_space<vmem>>) target_semaphore(%run_scoped3A : memref<!tpu.dma_semaphore, #tpu.memory_space<semaphore_mem>>)
      %dma_wait3A = arith.constant 0 : i32
      %dma_wait3A_267 = arith.constant 0 : i32
      %dma_wait3A_268 = tpu.memref_slice %arg2[%add3A_251, %arg1, %dma_wait3A, %dma_wait3A_267] : memref<4x16x30x125xi32, #tpu.memory_space<hbm>> -> memref<1x1x30x125xi32, #tpu.memory_space<hbm>>
      %dma_wait3A_269 = tpu.memref_squeeze %dma_wait3A_268 : memref<1x1x30x125xi32, #tpu.memory_space<hbm>> -> memref<30x125xi32, #tpu.memory_space<hbm>>
      %dma_wait3A_270 = arith.constant 0 : i32
      %dma_wait3A_271 = arith.constant 0 : i32
      %dma_wait3A_272 = tpu.memref_slice %arg2[%add3A_251, %arg1, %dma_wait3A_270, %dma_wait3A_271] : memref<4x16x30x125xi32, #tpu.memory_space<hbm>> -> memref<1x1x30x125xi32, #tpu.memory_space<hbm>>
      %dma_wait3A_273 = tpu.memref_squeeze %dma_wait3A_272 : memref<1x1x30x125xi32, #tpu.memory_space<hbm>> -> memref<30x125xi32, #tpu.memory_space<hbm>>
      tpu.wait_dma2 semaphore(%run_scoped3A : memref<!tpu.dma_semaphore, #tpu.memory_space<semaphore_mem>>) src(%dma_wait3A_273 : memref<30x125xi32, #tpu.memory_space<hbm>>) dst(%arg4 : memref<30x125xi32, #tpu.memory_space<vmem>>)
      tpu.yield
    }) : () -> ()
    %barrier3A_252 = arith.constant 0 : index
    tpu.barrier barrier_id(%barrier3A_252)
    %scan3A_253 = arith.constant 0 : i32
    %scan3A_254 = arith.constant 0 : i32
    %scan3A_255 = arith.constant 30 : i32
    %scan3A_256 = arith.addi %scan3A_254, %scan3A_255 : i32
    %scan3A_257 = arith.constant 1 : i32
    scf.for %scan3A_260 = %scan3A_254 to %scan3A_256 step %scan3A_257  : i32 {
      "tpu.region"() ({
        %run_scoped3A = tpu.sem_alloc : memref<!tpu.dma_semaphore, #tpu.memory_space<semaphore_mem>>
        %dma_start3A = arith.constant 0 : i32
        %dma_start3A_261 = tpu.memref_slice %arg5[%dma_start3A] : memref<640xf32, #tpu.memory_space<vmem>> -> memref<125xf32, #tpu.memory_space<vmem>>
        %dma_start3A_262 = arith.constant 0 : i32
        %dma_start3A_263 = tpu.memref_slice %arg4[%scan3A_260, %dma_start3A_262] : memref<30x125xi32, #tpu.memory_space<vmem>> -> memref<1x125xi32, #tpu.memory_space<vmem>>
        %dma_start3A_264 = tpu.memref_squeeze %dma_start3A_263 : memref<1x125xi32, #tpu.memory_space<vmem>> -> memref<125xi32, #tpu.memory_space<vmem>>
        %dma_start3A_265 = arith.constant 0 : i32
        %dma_start3A_266 = tpu.memref_slice %arg6[%dma_start3A_265] : memref<10240xf32, #tpu.memory_space<vmem_shared>> -> memref<10240xf32, #tpu.memory_space<vmem_shared>>
        tpu.enqueue_indirect_dma source(%dma_start3A_261 : memref<125xf32, #tpu.memory_space<vmem>>) target(%dma_start3A_266 : memref<10240xf32, #tpu.memory_space<vmem_shared>>) offsets(%dma_start3A_264 : memref<125xi32, #tpu.memory_space<vmem>>) semaphore(%run_scoped3A : memref<!tpu.dma_semaphore, #tpu.memory_space<semaphore_mem>>) {add = true}
        %dma_wait3A = arith.constant 0 : i32
        %dma_wait3A_267 = tpu.memref_slice %arg5[%dma_wait3A] : memref<640xf32, #tpu.memory_space<vmem>> -> memref<125xf32, #tpu.memory_space<vmem>>
        %dma_wait3A_268 = arith.constant 0 : i32
        %dma_wait3A_269 = tpu.memref_slice %arg4[%scan3A_260, %dma_wait3A_268] : memref<30x125xi32, #tpu.memory_space<vmem>> -> memref<1x125xi32, #tpu.memory_space<vmem>>
        %dma_wait3A_270 = tpu.memref_squeeze %dma_wait3A_269 : memref<1x125xi32, #tpu.memory_space<vmem>> -> memref<125xi32, #tpu.memory_space<vmem>>
        %dma_wait3A_271 = arith.constant 0 : i32
        %dma_wait3A_272 = tpu.memref_slice %arg6[%dma_wait3A_271] : memref<10240xf32, #tpu.memory_space<vmem_shared>> -> memref<10240xf32, #tpu.memory_space<vmem_shared>>
        tpu.wait_indirect_dma semaphore(%run_scoped3A : memref<!tpu.dma_semaphore, #tpu.memory_space<semaphore_mem>>) src(%dma_wait3A_267 : memref<125xf32, #tpu.memory_space<vmem>>) dst(%dma_wait3A_272 : memref<10240xf32, #tpu.memory_space<vmem_shared>>)
        tpu.yield
      }) : () -> ()
    }
    %scan3A_258 = arith.constant 30 : i32
    %barrier3A_259 = arith.constant 0 : index
    tpu.barrier barrier_id(%barrier3A_259)
    "tpu.region"() ({
      %run_scoped3A = tpu.sem_alloc : memref<!tpu.dma_semaphore, #tpu.memory_space<semaphore_mem>>
      %dma_start3A = tpu.memref_slice %arg3[%add3A_251, %mul3A_238] : memref<4x10240xf32, #tpu.memory_space<hbm>> -> memref<1x640xf32, #tpu.memory_space<hbm>>
      %dma_start3A_260 = tpu.memref_squeeze %dma_start3A : memref<1x640xf32, #tpu.memory_space<hbm>> -> memref<640xf32, #tpu.memory_space<hbm>>
      %dma_start3A_261 = tpu.memref_slice %arg6[%mul3A_238] : memref<10240xf32, #tpu.memory_space<vmem_shared>> -> memref<640xf32, #tpu.memory_space<vmem_shared>>
      tpu.enqueue_dma source(%dma_start3A_261 : memref<640xf32, #tpu.memory_space<vmem_shared>>) target(%dma_start3A_260 : memref<640xf32, #tpu.memory_space<hbm>>) target_semaphore(%run_scoped3A : memref<!tpu.dma_semaphore, #tpu.memory_space<semaphore_mem>>)
      %dma_wait3A = tpu.memref_slice %arg3[%add3A_251, %mul3A_238] : memref<4x10240xf32, #tpu.memory_space<hbm>> -> memref<1x640xf32, #tpu.memory_space<hbm>>
      %dma_wait3A_262 = tpu.memref_squeeze %dma_wait3A : memref<1x640xf32, #tpu.memory_space<hbm>> -> memref<640xf32, #tpu.memory_space<hbm>>
      %dma_wait3A_263 = tpu.memref_slice %arg6[%mul3A_238] : memref<10240xf32, #tpu.memory_space<vmem_shared>> -> memref<640xf32, #tpu.memory_space<vmem_shared>>
      tpu.wait_dma2 semaphore(%run_scoped3A : memref<!tpu.dma_semaphore, #tpu.memory_space<semaphore_mem>>) src(%dma_wait3A_263 : memref<640xf32, #tpu.memory_space<vmem_shared>>) dst(%dma_wait3A_262 : memref<640xf32, #tpu.memory_space<hbm>>)
      tpu.yield
    }) : () -> ()
    return
  }
}

#map = affine_map<(d0, d1) -> (0, 0, 0, 0)>
#map1 = affine_map<(d0, d1) -> (0, 0)>
module attributes {stable_mosaic.version = 14 : i64} {
  func.func @k(%arg0: i32, %arg1: i32, %arg2: memref<6x16x30x125xi32, #tpu.memory_space<hbm>>, %arg3: memref<6x10240xf32, #tpu.memory_space<hbm>>, %arg4: memref<30x125xi32, #tpu.memory_space<vmem>>, %arg5: memref<640xf32, #tpu.memory_space<vmem>>, %arg6: memref<10240xf32, #tpu.memory_space<vmem_shared>>) attributes {dimension_semantics = [#tpu.dimension_semantics<core_parallel>, #tpu.dimension_semantics<subcore_parallel>], iteration_bounds = array<i64: 2, 16>, scalar_prefetch = 0 : i64, scratch_operands = 3 : i64, tpu.core_type = #tpu.core_type<sc_vector_subcore>, window_params = [{transform_indices = #map}, {transform_indices = #map1}]} {
    %broadcast_in_dim3A = arith.constant 1.000000e+00 : f32
    %broadcast_in_dim3A_0 = vector.broadcast %broadcast_in_dim3A : f32 to vector<16xf32>
    %swap3A = arith.constant 0 : index
    %swap3A_1 = tpu.vector_load %arg5[%swap3A] {strides = array<i32>} : memref<640xf32, #tpu.memory_space<vmem>>, vector<16xf32>,
    %swap3A_2 = vector.shape_cast %swap3A_1 : vector<16xf32> to vector<16xf32>
    %swap3A_3 = vector.shape_cast %broadcast_in_dim3A_0 : vector<16xf32> to vector<16xf32>
    tpu.vector_store %arg5[%swap3A], %swap3A_3 {strides = array<i32>} : memref<640xf32, #tpu.memory_space<vmem>>, vector<16xf32>,
    %broadcast_in_dim3A_4 = arith.constant 1.000000e+00 : f32
    %broadcast_in_dim3A_5 = vector.broadcast %broadcast_in_dim3A_4 : f32 to vector<16xf32>
    %swap3A_6 = arith.constant 16 : index
    %swap3A_7 = tpu.vector_load %arg5[%swap3A_6] {strides = array<i32>} : memref<640xf32, #tpu.memory_space<vmem>>, vector<16xf32>,
    %swap3A_8 = vector.shape_cast %swap3A_7 : vector<16xf32> to vector<16xf32>
    %swap3A_9 = vector.shape_cast %broadcast_in_dim3A_5 : vector<16xf32> to vector<16xf32>
    tpu.vector_store %arg5[%swap3A_6], %swap3A_9 {strides = array<i32>} : memref<640xf32, #tpu.memory_space<vmem>>, vector<16xf32>,
    %broadcast_in_dim3A_10 = arith.constant 1.000000e+00 : f32
    %broadcast_in_dim3A_11 = vector.broadcast %broadcast_in_dim3A_10 : f32 to vector<16xf32>
    %swap3A_12 = arith.constant 32 : index
    %swap3A_13 = tpu.vector_load %arg5[%swap3A_12] {strides = array<i32>} : memref<640xf32, #tpu.memory_space<vmem>>, vector<16xf32>,
    %swap3A_14 = vector.shape_cast %swap3A_13 : vector<16xf32> to vector<16xf32>
    %swap3A_15 = vector.shape_cast %broadcast_in_dim3A_11 : vector<16xf32> to vector<16xf32>
    tpu.vector_store %arg5[%swap3A_12], %swap3A_15 {strides = array<i32>} : memref<640xf32, #tpu.memory_space<vmem>>, vector<16xf32>,
    %broadcast_in_dim3A_16 = arith.constant 1.000000e+00 : f32
    %broadcast_in_dim3A_17 = vector.broadcast %broadcast_in_dim3A_16 : f32 to vector<16xf32>
    %swap3A_18 = arith.constant 48 : index
    %swap3A_19 = tpu.vector_load %arg5[%swap3A_18] {strides = array<i32>} : memref<640xf32, #tpu.memory_space<vmem>>, vector<16xf32>,
    %swap3A_20 = vector.shape_cast %swap3A_19 : vector<16xf32> to vector<16xf32>
    %swap3A_21 = vector.shape_cast %broadcast_in_dim3A_17 : vector<16xf32> to vector<16xf32>
    tpu.vector_store %arg5[%swap3A_18], %swap3A_21 {strides = array<i32>} : memref<640xf32, #tpu.memory_space<vmem>>, vector<16xf32>,
    %broadcast_in_dim3A_22 = arith.constant 1.000000e+00 : f32
    %broadcast_in_dim3A_23 = vector.broadcast %broadcast_in_dim3A_22 : f32 to vector<16xf32>
    %swap3A_24 = arith.constant 64 : index
    %swap3A_25 = tpu.vector_load %arg5[%swap3A_24] {strides = array<i32>} : memref<640xf32, #tpu.memory_space<vmem>>, vector<16xf32>,
    %swap3A_26 = vector.shape_cast %swap3A_25 : vector<16xf32> to vector<16xf32>
    %swap3A_27 = vector.shape_cast %broadcast_in_dim3A_23 : vector<16xf32> to vector<16xf32>
    tpu.vector_store %arg5[%swap3A_24], %swap3A_27 {strides = array<i32>} : memref<640xf32, #tpu.memory_space<vmem>>, vector<16xf32>,
    %broadcast_in_dim3A_28 = arith.constant 1.000000e+00 : f32
    %broadcast_in_dim3A_29 = vector.broadcast %broadcast_in_dim3A_28 : f32 to vector<16xf32>
    %swap3A_30 = arith.constant 80 : index
    %swap3A_31 = tpu.vector_load %arg5[%swap3A_30] {strides = array<i32>} : memref<640xf32, #tpu.memory_space<vmem>>, vector<16xf32>,
    %swap3A_32 = vector.shape_cast %swap3A_31 : vector<16xf32> to vector<16xf32>
    %swap3A_33 = vector.shape_cast %broadcast_in_dim3A_29 : vector<16xf32> to vector<16xf32>
    tpu.vector_store %arg5[%swap3A_30], %swap3A_33 {strides = array<i32>} : memref<640xf32, #tpu.memory_space<vmem>>, vector<16xf32>,
    %broadcast_in_dim3A_34 = arith.constant 1.000000e+00 : f32
    %broadcast_in_dim3A_35 = vector.broadcast %broadcast_in_dim3A_34 : f32 to vector<16xf32>
    %swap3A_36 = arith.constant 96 : index
    %swap3A_37 = tpu.vector_load %arg5[%swap3A_36] {strides = array<i32>} : memref<640xf32, #tpu.memory_space<vmem>>, vector<16xf32>,
    %swap3A_38 = vector.shape_cast %swap3A_37 : vector<16xf32> to vector<16xf32>
    %swap3A_39 = vector.shape_cast %broadcast_in_dim3A_35 : vector<16xf32> to vector<16xf32>
    tpu.vector_store %arg5[%swap3A_36], %swap3A_39 {strides = array<i32>} : memref<640xf32, #tpu.memory_space<vmem>>, vector<16xf32>,
    %broadcast_in_dim3A_40 = arith.constant 1.000000e+00 : f32
    %broadcast_in_dim3A_41 = vector.broadcast %broadcast_in_dim3A_40 : f32 to vector<16xf32>
    %swap3A_42 = arith.constant 112 : index
    %swap3A_43 = tpu.vector_load %arg5[%swap3A_42] {strides = array<i32>} : memref<640xf32, #tpu.memory_space<vmem>>, vector<16xf32>,
    %swap3A_44 = vector.shape_cast %swap3A_43 : vector<16xf32> to vector<16xf32>
    %swap3A_45 = vector.shape_cast %broadcast_in_dim3A_41 : vector<16xf32> to vector<16xf32>
    tpu.vector_store %arg5[%swap3A_42], %swap3A_45 {strides = array<i32>} : memref<640xf32, #tpu.memory_space<vmem>>, vector<16xf32>,
    %broadcast_in_dim3A_46 = arith.constant 1.000000e+00 : f32
    %broadcast_in_dim3A_47 = vector.broadcast %broadcast_in_dim3A_46 : f32 to vector<16xf32>
    %swap3A_48 = arith.constant 128 : index
    %swap3A_49 = tpu.vector_load %arg5[%swap3A_48] {strides = array<i32>} : memref<640xf32, #tpu.memory_space<vmem>>, vector<16xf32>,
    %swap3A_50 = vector.shape_cast %swap3A_49 : vector<16xf32> to vector<16xf32>
    %swap3A_51 = vector.shape_cast %broadcast_in_dim3A_47 : vector<16xf32> to vector<16xf32>
    tpu.vector_store %arg5[%swap3A_48], %swap3A_51 {strides = array<i32>} : memref<640xf32, #tpu.memory_space<vmem>>, vector<16xf32>,
    %broadcast_in_dim3A_52 = arith.constant 1.000000e+00 : f32
    %broadcast_in_dim3A_53 = vector.broadcast %broadcast_in_dim3A_52 : f32 to vector<16xf32>
    %swap3A_54 = arith.constant 144 : index
    %swap3A_55 = tpu.vector_load %arg5[%swap3A_54] {strides = array<i32>} : memref<640xf32, #tpu.memory_space<vmem>>, vector<16xf32>,
    %swap3A_56 = vector.shape_cast %swap3A_55 : vector<16xf32> to vector<16xf32>
    %swap3A_57 = vector.shape_cast %broadcast_in_dim3A_53 : vector<16xf32> to vector<16xf32>
    tpu.vector_store %arg5[%swap3A_54], %swap3A_57 {strides = array<i32>} : memref<640xf32, #tpu.memory_space<vmem>>, vector<16xf32>,
    %broadcast_in_dim3A_58 = arith.constant 1.000000e+00 : f32
    %broadcast_in_dim3A_59 = vector.broadcast %broadcast_in_dim3A_58 : f32 to vector<16xf32>
    %swap3A_60 = arith.constant 160 : index
    %swap3A_61 = tpu.vector_load %arg5[%swap3A_60] {strides = array<i32>} : memref<640xf32, #tpu.memory_space<vmem>>, vector<16xf32>,
    %swap3A_62 = vector.shape_cast %swap3A_61 : vector<16xf32> to vector<16xf32>
    %swap3A_63 = vector.shape_cast %broadcast_in_dim3A_59 : vector<16xf32> to vector<16xf32>
    tpu.vector_store %arg5[%swap3A_60], %swap3A_63 {strides = array<i32>} : memref<640xf32, #tpu.memory_space<vmem>>, vector<16xf32>,
    %broadcast_in_dim3A_64 = arith.constant 1.000000e+00 : f32
    %broadcast_in_dim3A_65 = vector.broadcast %broadcast_in_dim3A_64 : f32 to vector<16xf32>
    %swap3A_66 = arith.constant 176 : index
    %swap3A_67 = tpu.vector_load %arg5[%swap3A_66] {strides = array<i32>} : memref<640xf32, #tpu.memory_space<vmem>>, vector<16xf32>,
    %swap3A_68 = vector.shape_cast %swap3A_67 : vector<16xf32> to vector<16xf32>
    %swap3A_69 = vector.shape_cast %broadcast_in_dim3A_65 : vector<16xf32> to vector<16xf32>
    tpu.vector_store %arg5[%swap3A_66], %swap3A_69 {strides = array<i32>} : memref<640xf32, #tpu.memory_space<vmem>>, vector<16xf32>,
    %broadcast_in_dim3A_70 = arith.constant 1.000000e+00 : f32
    %broadcast_in_dim3A_71 = vector.broadcast %broadcast_in_dim3A_70 : f32 to vector<16xf32>
    %swap3A_72 = arith.constant 192 : index
    %swap3A_73 = tpu.vector_load %arg5[%swap3A_72] {strides = array<i32>} : memref<640xf32, #tpu.memory_space<vmem>>, vector<16xf32>,
    %swap3A_74 = vector.shape_cast %swap3A_73 : vector<16xf32> to vector<16xf32>
    %swap3A_75 = vector.shape_cast %broadcast_in_dim3A_71 : vector<16xf32> to vector<16xf32>
    tpu.vector_store %arg5[%swap3A_72], %swap3A_75 {strides = array<i32>} : memref<640xf32, #tpu.memory_space<vmem>>, vector<16xf32>,
    %broadcast_in_dim3A_76 = arith.constant 1.000000e+00 : f32
    %broadcast_in_dim3A_77 = vector.broadcast %broadcast_in_dim3A_76 : f32 to vector<16xf32>
    %swap3A_78 = arith.constant 208 : index
    %swap3A_79 = tpu.vector_load %arg5[%swap3A_78] {strides = array<i32>} : memref<640xf32, #tpu.memory_space<vmem>>, vector<16xf32>,
    %swap3A_80 = vector.shape_cast %swap3A_79 : vector<16xf32> to vector<16xf32>
    %swap3A_81 = vector.shape_cast %broadcast_in_dim3A_77 : vector<16xf32> to vector<16xf32>
    tpu.vector_store %arg5[%swap3A_78], %swap3A_81 {strides = array<i32>} : memref<640xf32, #tpu.memory_space<vmem>>, vector<16xf32>,
    %broadcast_in_dim3A_82 = arith.constant 1.000000e+00 : f32
    %broadcast_in_dim3A_83 = vector.broadcast %broadcast_in_dim3A_82 : f32 to vector<16xf32>
    %swap3A_84 = arith.constant 224 : index
    %swap3A_85 = tpu.vector_load %arg5[%swap3A_84] {strides = array<i32>} : memref<640xf32, #tpu.memory_space<vmem>>, vector<16xf32>,
    %swap3A_86 = vector.shape_cast %swap3A_85 : vector<16xf32> to vector<16xf32>
    %swap3A_87 = vector.shape_cast %broadcast_in_dim3A_83 : vector<16xf32> to vector<16xf32>
    tpu.vector_store %arg5[%swap3A_84], %swap3A_87 {strides = array<i32>} : memref<640xf32, #tpu.memory_space<vmem>>, vector<16xf32>,
    %broadcast_in_dim3A_88 = arith.constant 1.000000e+00 : f32
    %broadcast_in_dim3A_89 = vector.broadcast %broadcast_in_dim3A_88 : f32 to vector<16xf32>
    %swap3A_90 = arith.constant 240 : index
    %swap3A_91 = tpu.vector_load %arg5[%swap3A_90] {strides = array<i32>} : memref<640xf32, #tpu.memory_space<vmem>>, vector<16xf32>,
    %swap3A_92 = vector.shape_cast %swap3A_91 : vector<16xf32> to vector<16xf32>
    %swap3A_93 = vector.shape_cast %broadcast_in_dim3A_89 : vector<16xf32> to vector<16xf32>
    tpu.vector_store %arg5[%swap3A_90], %swap3A_93 {strides = array<i32>} : memref<640xf32, #tpu.memory_space<vmem>>, vector<16xf32>,
    %broadcast_in_dim3A_94 = arith.constant 1.000000e+00 : f32
    %broadcast_in_dim3A_95 = vector.broadcast %broadcast_in_dim3A_94 : f32 to vector<16xf32>
    %swap3A_96 = arith.constant 256 : index
    %swap3A_97 = tpu.vector_load %arg5[%swap3A_96] {strides = array<i32>} : memref<640xf32, #tpu.memory_space<vmem>>, vector<16xf32>,
    %swap3A_98 = vector.shape_cast %swap3A_97 : vector<16xf32> to vector<16xf32>
    %swap3A_99 = vector.shape_cast %broadcast_in_dim3A_95 : vector<16xf32> to vector<16xf32>
    tpu.vector_store %arg5[%swap3A_96], %swap3A_99 {strides = array<i32>} : memref<640xf32, #tpu.memory_space<vmem>>, vector<16xf32>,
    %broadcast_in_dim3A_100 = arith.constant 1.000000e+00 : f32
    %broadcast_in_dim3A_101 = vector.broadcast %broadcast_in_dim3A_100 : f32 to vector<16xf32>
    %swap3A_102 = arith.constant 272 : index
    %swap3A_103 = tpu.vector_load %arg5[%swap3A_102] {strides = array<i32>} : memref<640xf32, #tpu.memory_space<vmem>>, vector<16xf32>,
    %swap3A_104 = vector.shape_cast %swap3A_103 : vector<16xf32> to vector<16xf32>
    %swap3A_105 = vector.shape_cast %broadcast_in_dim3A_101 : vector<16xf32> to vector<16xf32>
    tpu.vector_store %arg5[%swap3A_102], %swap3A_105 {strides = array<i32>} : memref<640xf32, #tpu.memory_space<vmem>>, vector<16xf32>,
    %broadcast_in_dim3A_106 = arith.constant 1.000000e+00 : f32
    %broadcast_in_dim3A_107 = vector.broadcast %broadcast_in_dim3A_106 : f32 to vector<16xf32>
    %swap3A_108 = arith.constant 288 : index
    %swap3A_109 = tpu.vector_load %arg5[%swap3A_108] {strides = array<i32>} : memref<640xf32, #tpu.memory_space<vmem>>, vector<16xf32>,
    %swap3A_110 = vector.shape_cast %swap3A_109 : vector<16xf32> to vector<16xf32>
    %swap3A_111 = vector.shape_cast %broadcast_in_dim3A_107 : vector<16xf32> to vector<16xf32>
    tpu.vector_store %arg5[%swap3A_108], %swap3A_111 {strides = array<i32>} : memref<640xf32, #tpu.memory_space<vmem>>, vector<16xf32>,
    %broadcast_in_dim3A_112 = arith.constant 1.000000e+00 : f32
    %broadcast_in_dim3A_113 = vector.broadcast %broadcast_in_dim3A_112 : f32 to vector<16xf32>
    %swap3A_114 = arith.constant 304 : index
    %swap3A_115 = tpu.vector_load %arg5[%swap3A_114] {strides = array<i32>} : memref<640xf32, #tpu.memory_space<vmem>>, vector<16xf32>,
    %swap3A_116 = vector.shape_cast %swap3A_115 : vector<16xf32> to vector<16xf32>
    %swap3A_117 = vector.shape_cast %broadcast_in_dim3A_113 : vector<16xf32> to vector<16xf32>
    tpu.vector_store %arg5[%swap3A_114], %swap3A_117 {strides = array<i32>} : memref<640xf32, #tpu.memory_space<vmem>>, vector<16xf32>,
    %broadcast_in_dim3A_118 = arith.constant 1.000000e+00 : f32
    %broadcast_in_dim3A_119 = vector.broadcast %broadcast_in_dim3A_118 : f32 to vector<16xf32>
    %swap3A_120 = arith.constant 320 : index
    %swap3A_121 = tpu.vector_load %arg5[%swap3A_120] {strides = array<i32>} : memref<640xf32, #tpu.memory_space<vmem>>, vector<16xf32>,
    %swap3A_122 = vector.shape_cast %swap3A_121 : vector<16xf32> to vector<16xf32>
    %swap3A_123 = vector.shape_cast %broadcast_in_dim3A_119 : vector<16xf32> to vector<16xf32>
    tpu.vector_store %arg5[%swap3A_120], %swap3A_123 {strides = array<i32>} : memref<640xf32, #tpu.memory_space<vmem>>, vector<16xf32>,
    %broadcast_in_dim3A_124 = arith.constant 1.000000e+00 : f32
    %broadcast_in_dim3A_125 = vector.broadcast %broadcast_in_dim3A_124 : f32 to vector<16xf32>
    %swap3A_126 = arith.constant 336 : index
    %swap3A_127 = tpu.vector_load %arg5[%swap3A_126] {strides = array<i32>} : memref<640xf32, #tpu.memory_space<vmem>>, vector<16xf32>,
    %swap3A_128 = vector.shape_cast %swap3A_127 : vector<16xf32> to vector<16xf32>
    %swap3A_129 = vector.shape_cast %broadcast_in_dim3A_125 : vector<16xf32> to vector<16xf32>
    tpu.vector_store %arg5[%swap3A_126], %swap3A_129 {strides = array<i32>} : memref<640xf32, #tpu.memory_space<vmem>>, vector<16xf32>,
    %broadcast_in_dim3A_130 = arith.constant 1.000000e+00 : f32
    %broadcast_in_dim3A_131 = vector.broadcast %broadcast_in_dim3A_130 : f32 to vector<16xf32>
    %swap3A_132 = arith.constant 352 : index
    %swap3A_133 = tpu.vector_load %arg5[%swap3A_132] {strides = array<i32>} : memref<640xf32, #tpu.memory_space<vmem>>, vector<16xf32>,
    %swap3A_134 = vector.shape_cast %swap3A_133 : vector<16xf32> to vector<16xf32>
    %swap3A_135 = vector.shape_cast %broadcast_in_dim3A_131 : vector<16xf32> to vector<16xf32>
    tpu.vector_store %arg5[%swap3A_132], %swap3A_135 {strides = array<i32>} : memref<640xf32, #tpu.memory_space<vmem>>, vector<16xf32>,
    %broadcast_in_dim3A_136 = arith.constant 1.000000e+00 : f32
    %broadcast_in_dim3A_137 = vector.broadcast %broadcast_in_dim3A_136 : f32 to vector<16xf32>
    %swap3A_138 = arith.constant 368 : index
    %swap3A_139 = tpu.vector_load %arg5[%swap3A_138] {strides = array<i32>} : memref<640xf32, #tpu.memory_space<vmem>>, vector<16xf32>,
    %swap3A_140 = vector.shape_cast %swap3A_139 : vector<16xf32> to vector<16xf32>
    %swap3A_141 = vector.shape_cast %broadcast_in_dim3A_137 : vector<16xf32> to vector<16xf32>
    tpu.vector_store %arg5[%swap3A_138], %swap3A_141 {strides = array<i32>} : memref<640xf32, #tpu.memory_space<vmem>>, vector<16xf32>,
    %broadcast_in_dim3A_142 = arith.constant 1.000000e+00 : f32
    %broadcast_in_dim3A_143 = vector.broadcast %broadcast_in_dim3A_142 : f32 to vector<16xf32>
    %swap3A_144 = arith.constant 384 : index
    %swap3A_145 = tpu.vector_load %arg5[%swap3A_144] {strides = array<i32>} : memref<640xf32, #tpu.memory_space<vmem>>, vector<16xf32>,
    %swap3A_146 = vector.shape_cast %swap3A_145 : vector<16xf32> to vector<16xf32>
    %swap3A_147 = vector.shape_cast %broadcast_in_dim3A_143 : vector<16xf32> to vector<16xf32>
    tpu.vector_store %arg5[%swap3A_144], %swap3A_147 {strides = array<i32>} : memref<640xf32, #tpu.memory_space<vmem>>, vector<16xf32>,
    %broadcast_in_dim3A_148 = arith.constant 1.000000e+00 : f32
    %broadcast_in_dim3A_149 = vector.broadcast %broadcast_in_dim3A_148 : f32 to vector<16xf32>
    %swap3A_150 = arith.constant 400 : index
    %swap3A_151 = tpu.vector_load %arg5[%swap3A_150] {strides = array<i32>} : memref<640xf32, #tpu.memory_space<vmem>>, vector<16xf32>,
    %swap3A_152 = vector.shape_cast %swap3A_151 : vector<16xf32> to vector<16xf32>
    %swap3A_153 = vector.shape_cast %broadcast_in_dim3A_149 : vector<16xf32> to vector<16xf32>
    tpu.vector_store %arg5[%swap3A_150], %swap3A_153 {strides = array<i32>} : memref<640xf32, #tpu.memory_space<vmem>>, vector<16xf32>,
    %broadcast_in_dim3A_154 = arith.constant 1.000000e+00 : f32
    %broadcast_in_dim3A_155 = vector.broadcast %broadcast_in_dim3A_154 : f32 to vector<16xf32>
    %swap3A_156 = arith.constant 416 : index
    %swap3A_157 = tpu.vector_load %arg5[%swap3A_156] {strides = array<i32>} : memref<640xf32, #tpu.memory_space<vmem>>, vector<16xf32>,
    %swap3A_158 = vector.shape_cast %swap3A_157 : vector<16xf32> to vector<16xf32>
    %swap3A_159 = vector.shape_cast %broadcast_in_dim3A_155 : vector<16xf32> to vector<16xf32>
    tpu.vector_store %arg5[%swap3A_156], %swap3A_159 {strides = array<i32>} : memref<640xf32, #tpu.memory_space<vmem>>, vector<16xf32>,
    %broadcast_in_dim3A_160 = arith.constant 1.000000e+00 : f32
    %broadcast_in_dim3A_161 = vector.broadcast %broadcast_in_dim3A_160 : f32 to vector<16xf32>
    %swap3A_162 = arith.constant 432 : index
    %swap3A_163 = tpu.vector_load %arg5[%swap3A_162] {strides = array<i32>} : memref<640xf32, #tpu.memory_space<vmem>>, vector<16xf32>,
    %swap3A_164 = vector.shape_cast %swap3A_163 : vector<16xf32> to vector<16xf32>
    %swap3A_165 = vector.shape_cast %broadcast_in_dim3A_161 : vector<16xf32> to vector<16xf32>
    tpu.vector_store %arg5[%swap3A_162], %swap3A_165 {strides = array<i32>} : memref<640xf32, #tpu.memory_space<vmem>>, vector<16xf32>,
    %broadcast_in_dim3A_166 = arith.constant 1.000000e+00 : f32
    %broadcast_in_dim3A_167 = vector.broadcast %broadcast_in_dim3A_166 : f32 to vector<16xf32>
    %swap3A_168 = arith.constant 448 : index
    %swap3A_169 = tpu.vector_load %arg5[%swap3A_168] {strides = array<i32>} : memref<640xf32, #tpu.memory_space<vmem>>, vector<16xf32>,
    %swap3A_170 = vector.shape_cast %swap3A_169 : vector<16xf32> to vector<16xf32>
    %swap3A_171 = vector.shape_cast %broadcast_in_dim3A_167 : vector<16xf32> to vector<16xf32>
    tpu.vector_store %arg5[%swap3A_168], %swap3A_171 {strides = array<i32>} : memref<640xf32, #tpu.memory_space<vmem>>, vector<16xf32>,
    %broadcast_in_dim3A_172 = arith.constant 1.000000e+00 : f32
    %broadcast_in_dim3A_173 = vector.broadcast %broadcast_in_dim3A_172 : f32 to vector<16xf32>
    %swap3A_174 = arith.constant 464 : index
    %swap3A_175 = tpu.vector_load %arg5[%swap3A_174] {strides = array<i32>} : memref<640xf32, #tpu.memory_space<vmem>>, vector<16xf32>,
    %swap3A_176 = vector.shape_cast %swap3A_175 : vector<16xf32> to vector<16xf32>
    %swap3A_177 = vector.shape_cast %broadcast_in_dim3A_173 : vector<16xf32> to vector<16xf32>
    tpu.vector_store %arg5[%swap3A_174], %swap3A_177 {strides = array<i32>} : memref<640xf32, #tpu.memory_space<vmem>>, vector<16xf32>,
    %broadcast_in_dim3A_178 = arith.constant 1.000000e+00 : f32
    %broadcast_in_dim3A_179 = vector.broadcast %broadcast_in_dim3A_178 : f32 to vector<16xf32>
    %swap3A_180 = arith.constant 480 : index
    %swap3A_181 = tpu.vector_load %arg5[%swap3A_180] {strides = array<i32>} : memref<640xf32, #tpu.memory_space<vmem>>, vector<16xf32>,
    %swap3A_182 = vector.shape_cast %swap3A_181 : vector<16xf32> to vector<16xf32>
    %swap3A_183 = vector.shape_cast %broadcast_in_dim3A_179 : vector<16xf32> to vector<16xf32>
    tpu.vector_store %arg5[%swap3A_180], %swap3A_183 {strides = array<i32>} : memref<640xf32, #tpu.memory_space<vmem>>, vector<16xf32>,
    %broadcast_in_dim3A_184 = arith.constant 1.000000e+00 : f32
    %broadcast_in_dim3A_185 = vector.broadcast %broadcast_in_dim3A_184 : f32 to vector<16xf32>
    %swap3A_186 = arith.constant 496 : index
    %swap3A_187 = tpu.vector_load %arg5[%swap3A_186] {strides = array<i32>} : memref<640xf32, #tpu.memory_space<vmem>>, vector<16xf32>,
    %swap3A_188 = vector.shape_cast %swap3A_187 : vector<16xf32> to vector<16xf32>
    %swap3A_189 = vector.shape_cast %broadcast_in_dim3A_185 : vector<16xf32> to vector<16xf32>
    tpu.vector_store %arg5[%swap3A_186], %swap3A_189 {strides = array<i32>} : memref<640xf32, #tpu.memory_space<vmem>>, vector<16xf32>,
    %broadcast_in_dim3A_190 = arith.constant 1.000000e+00 : f32
    %broadcast_in_dim3A_191 = vector.broadcast %broadcast_in_dim3A_190 : f32 to vector<16xf32>
    %swap3A_192 = arith.constant 512 : index
    %swap3A_193 = tpu.vector_load %arg5[%swap3A_192] {strides = array<i32>} : memref<640xf32, #tpu.memory_space<vmem>>, vector<16xf32>,
    %swap3A_194 = vector.shape_cast %swap3A_193 : vector<16xf32> to vector<16xf32>
    %swap3A_195 = vector.shape_cast %broadcast_in_dim3A_191 : vector<16xf32> to vector<16xf32>
    tpu.vector_store %arg5[%swap3A_192], %swap3A_195 {strides = array<i32>} : memref<640xf32, #tpu.memory_space<vmem>>, vector<16xf32>,
    %broadcast_in_dim3A_196 = arith.constant 1.000000e+00 : f32
    %broadcast_in_dim3A_197 = vector.broadcast %broadcast_in_dim3A_196 : f32 to vector<16xf32>
    %swap3A_198 = arith.constant 528 : index
    %swap3A_199 = tpu.vector_load %arg5[%swap3A_198] {strides = array<i32>} : memref<640xf32, #tpu.memory_space<vmem>>, vector<16xf32>,
    %swap3A_200 = vector.shape_cast %swap3A_199 : vector<16xf32> to vector<16xf32>
    %swap3A_201 = vector.shape_cast %broadcast_in_dim3A_197 : vector<16xf32> to vector<16xf32>
    tpu.vector_store %arg5[%swap3A_198], %swap3A_201 {strides = array<i32>} : memref<640xf32, #tpu.memory_space<vmem>>, vector<16xf32>,
    %broadcast_in_dim3A_202 = arith.constant 1.000000e+00 : f32
    %broadcast_in_dim3A_203 = vector.broadcast %broadcast_in_dim3A_202 : f32 to vector<16xf32>
    %swap3A_204 = arith.constant 544 : index
    %swap3A_205 = tpu.vector_load %arg5[%swap3A_204] {strides = array<i32>} : memref<640xf32, #tpu.memory_space<vmem>>, vector<16xf32>,
    %swap3A_206 = vector.shape_cast %swap3A_205 : vector<16xf32> to vector<16xf32>
    %swap3A_207 = vector.shape_cast %broadcast_in_dim3A_203 : vector<16xf32> to vector<16xf32>
    tpu.vector_store %arg5[%swap3A_204], %swap3A_207 {strides = array<i32>} : memref<640xf32, #tpu.memory_space<vmem>>, vector<16xf32>,
    %broadcast_in_dim3A_208 = arith.constant 1.000000e+00 : f32
    %broadcast_in_dim3A_209 = vector.broadcast %broadcast_in_dim3A_208 : f32 to vector<16xf32>
    %swap3A_210 = arith.constant 560 : index
    %swap3A_211 = tpu.vector_load %arg5[%swap3A_210] {strides = array<i32>} : memref<640xf32, #tpu.memory_space<vmem>>, vector<16xf32>,
    %swap3A_212 = vector.shape_cast %swap3A_211 : vector<16xf32> to vector<16xf32>
    %swap3A_213 = vector.shape_cast %broadcast_in_dim3A_209 : vector<16xf32> to vector<16xf32>
    tpu.vector_store %arg5[%swap3A_210], %swap3A_213 {strides = array<i32>} : memref<640xf32, #tpu.memory_space<vmem>>, vector<16xf32>,
    %broadcast_in_dim3A_214 = arith.constant 1.000000e+00 : f32
    %broadcast_in_dim3A_215 = vector.broadcast %broadcast_in_dim3A_214 : f32 to vector<16xf32>
    %swap3A_216 = arith.constant 576 : index
    %swap3A_217 = tpu.vector_load %arg5[%swap3A_216] {strides = array<i32>} : memref<640xf32, #tpu.memory_space<vmem>>, vector<16xf32>,
    %swap3A_218 = vector.shape_cast %swap3A_217 : vector<16xf32> to vector<16xf32>
    %swap3A_219 = vector.shape_cast %broadcast_in_dim3A_215 : vector<16xf32> to vector<16xf32>
    tpu.vector_store %arg5[%swap3A_216], %swap3A_219 {strides = array<i32>} : memref<640xf32, #tpu.memory_space<vmem>>, vector<16xf32>,
    %broadcast_in_dim3A_220 = arith.constant 1.000000e+00 : f32
    %broadcast_in_dim3A_221 = vector.broadcast %broadcast_in_dim3A_220 : f32 to vector<16xf32>
    %swap3A_222 = arith.constant 592 : index
    %swap3A_223 = tpu.vector_load %arg5[%swap3A_222] {strides = array<i32>} : memref<640xf32, #tpu.memory_space<vmem>>, vector<16xf32>,
    %swap3A_224 = vector.shape_cast %swap3A_223 : vector<16xf32> to vector<16xf32>
    %swap3A_225 = vector.shape_cast %broadcast_in_dim3A_221 : vector<16xf32> to vector<16xf32>
    tpu.vector_store %arg5[%swap3A_222], %swap3A_225 {strides = array<i32>} : memref<640xf32, #tpu.memory_space<vmem>>, vector<16xf32>,
    %broadcast_in_dim3A_226 = arith.constant 1.000000e+00 : f32
    %broadcast_in_dim3A_227 = vector.broadcast %broadcast_in_dim3A_226 : f32 to vector<16xf32>
    %swap3A_228 = arith.constant 608 : index
    %swap3A_229 = tpu.vector_load %arg5[%swap3A_228] {strides = array<i32>} : memref<640xf32, #tpu.memory_space<vmem>>, vector<16xf32>,
    %swap3A_230 = vector.shape_cast %swap3A_229 : vector<16xf32> to vector<16xf32>
    %swap3A_231 = vector.shape_cast %broadcast_in_dim3A_227 : vector<16xf32> to vector<16xf32>
    tpu.vector_store %arg5[%swap3A_228], %swap3A_231 {strides = array<i32>} : memref<640xf32, #tpu.memory_space<vmem>>, vector<16xf32>,
    %broadcast_in_dim3A_232 = arith.constant 1.000000e+00 : f32
    %broadcast_in_dim3A_233 = vector.broadcast %broadcast_in_dim3A_232 : f32 to vector<16xf32>
    %swap3A_234 = arith.constant 624 : index
    %swap3A_235 = tpu.vector_load %arg5[%swap3A_234] {strides = array<i32>} : memref<640xf32, #tpu.memory_space<vmem>>, vector<16xf32>,
    %swap3A_236 = vector.shape_cast %swap3A_235 : vector<16xf32> to vector<16xf32>
    %swap3A_237 = vector.shape_cast %broadcast_in_dim3A_233 : vector<16xf32> to vector<16xf32>
    tpu.vector_store %arg5[%swap3A_234], %swap3A_237 {strides = array<i32>} : memref<640xf32, #tpu.memory_space<vmem>>, vector<16xf32>,
    %mul3A = arith.constant 640 : i32
    %mul3A_238 = arith.muli %arg1, %mul3A : i32
    %mul3A_239 = arith.constant 3 : i32
    %mul3A_240 = arith.muli %arg0, %mul3A_239 : i32
    %add3A = arith.constant 0 : i32
    %add3A_241 = arith.addi %mul3A_240, %add3A : i32
    "tpu.region"() ({
      %run_scoped3A = tpu.sem_alloc : memref<!tpu.dma_semaphore, #tpu.memory_space<semaphore_mem>>
      %dma_start3A = tpu.memref_slice %arg6[%mul3A_238] : memref<10240xf32, #tpu.memory_space<vmem_shared>> -> memref<640xf32, #tpu.memory_space<vmem_shared>>
      %dma_start3A_272 = tpu.memref_slice %arg6[%mul3A_238] : memref<10240xf32, #tpu.memory_space<vmem_shared>> -> memref<640xf32, #tpu.memory_space<vmem_shared>>
      tpu.enqueue_dma source(%arg5 : memref<640xf32, #tpu.memory_space<vmem>>) target(%dma_start3A_272 : memref<640xf32, #tpu.memory_space<vmem_shared>>) target_semaphore(%run_scoped3A : memref<!tpu.dma_semaphore, #tpu.memory_space<semaphore_mem>>)
      %dma_wait3A = tpu.memref_slice %arg6[%mul3A_238] : memref<10240xf32, #tpu.memory_space<vmem_shared>> -> memref<640xf32, #tpu.memory_space<vmem_shared>>
      %dma_wait3A_273 = tpu.memref_slice %arg6[%mul3A_238] : memref<10240xf32, #tpu.memory_space<vmem_shared>> -> memref<640xf32, #tpu.memory_space<vmem_shared>>
      tpu.wait_dma2 semaphore(%run_scoped3A : memref<!tpu.dma_semaphore, #tpu.memory_space<semaphore_mem>>) src(%arg5 : memref<640xf32, #tpu.memory_space<vmem>>) dst(%dma_wait3A_273 : memref<640xf32, #tpu.memory_space<vmem_shared>>)
      tpu.yield
    }) : () -> ()
    "tpu.region"() ({
      %run_scoped3A = tpu.sem_alloc : memref<!tpu.dma_semaphore, #tpu.memory_space<semaphore_mem>>
      %dma_start3A = arith.constant 0 : i32
      %dma_start3A_272 = arith.constant 0 : i32
      %dma_start3A_273 = tpu.memref_slice %arg2[%add3A_241, %arg1, %dma_start3A, %dma_start3A_272] : memref<6x16x30x125xi32, #tpu.memory_space<hbm>> -> memref<1x1x30x125xi32, #tpu.memory_space<hbm>>
      %dma_start3A_274 = tpu.memref_squeeze %dma_start3A_273 : memref<1x1x30x125xi32, #tpu.memory_space<hbm>> -> memref<30x125xi32, #tpu.memory_space<hbm>>
      %dma_start3A_275 = arith.constant 0 : i32
      %dma_start3A_276 = arith.constant 0 : i32
      %dma_start3A_277 = tpu.memref_slice %arg2[%add3A_241, %arg1, %dma_start3A_275, %dma_start3A_276] : memref<6x16x30x125xi32, #tpu.memory_space<hbm>> -> memref<1x1x30x125xi32, #tpu.memory_space<hbm>>
      %dma_start3A_278 = tpu.memref_squeeze %dma_start3A_277 : memref<1x1x30x125xi32, #tpu.memory_space<hbm>> -> memref<30x125xi32, #tpu.memory_space<hbm>>
      tpu.enqueue_dma source(%dma_start3A_278 : memref<30x125xi32, #tpu.memory_space<hbm>>) target(%arg4 : memref<30x125xi32, #tpu.memory_space<vmem>>) target_semaphore(%run_scoped3A : memref<!tpu.dma_semaphore, #tpu.memory_space<semaphore_mem>>)
      %dma_wait3A = arith.constant 0 : i32
      %dma_wait3A_279 = arith.constant 0 : i32
      %dma_wait3A_280 = tpu.memref_slice %arg2[%add3A_241, %arg1, %dma_wait3A, %dma_wait3A_279] : memref<6x16x30x125xi32, #tpu.memory_space<hbm>> -> memref<1x1x30x125xi32, #tpu.memory_space<hbm>>
      %dma_wait3A_281 = tpu.memref_squeeze %dma_wait3A_280 : memref<1x1x30x125xi32, #tpu.memory_space<hbm>> -> memref<30x125xi32, #tpu.memory_space<hbm>>
      %dma_wait3A_282 = arith.constant 0 : i32
      %dma_wait3A_283 = arith.constant 0 : i32
      %dma_wait3A_284 = tpu.memref_slice %arg2[%add3A_241, %arg1, %dma_wait3A_282, %dma_wait3A_283] : memref<6x16x30x125xi32, #tpu.memory_space<hbm>> -> memref<1x1x30x125xi32, #tpu.memory_space<hbm>>
      %dma_wait3A_285 = tpu.memref_squeeze %dma_wait3A_284 : memref<1x1x30x125xi32, #tpu.memory_space<hbm>> -> memref<30x125xi32, #tpu.memory_space<hbm>>
      tpu.wait_dma2 semaphore(%run_scoped3A : memref<!tpu.dma_semaphore, #tpu.memory_space<semaphore_mem>>) src(%dma_wait3A_285 : memref<30x125xi32, #tpu.memory_space<hbm>>) dst(%arg4 : memref<30x125xi32, #tpu.memory_space<vmem>>)
      tpu.yield
    }) : () -> ()
    %barrier3A = arith.constant 0 : index
    tpu.barrier barrier_id(%barrier3A)
    %scan3A = arith.constant 0 : i32
    %scan3A_242 = arith.constant 0 : i32
    %scan3A_243 = arith.constant 30 : i32
    %scan3A_244 = arith.addi %scan3A_242, %scan3A_243 : i32
    %scan3A_245 = arith.constant 1 : i32
    scf.for %scan3A_272 = %scan3A_242 to %scan3A_244 step %scan3A_245  : i32 {
      "tpu.region"() ({
        %run_scoped3A = tpu.sem_alloc : memref<!tpu.dma_semaphore, #tpu.memory_space<semaphore_mem>>
        %dma_start3A = arith.constant 0 : i32
        %dma_start3A_273 = tpu.memref_slice %arg5[%dma_start3A] : memref<640xf32, #tpu.memory_space<vmem>> -> memref<125xf32, #tpu.memory_space<vmem>>
        %dma_start3A_274 = arith.constant 0 : i32
        %dma_start3A_275 = tpu.memref_slice %arg4[%scan3A_272, %dma_start3A_274] : memref<30x125xi32, #tpu.memory_space<vmem>> -> memref<1x125xi32, #tpu.memory_space<vmem>>
        %dma_start3A_276 = tpu.memref_squeeze %dma_start3A_275 : memref<1x125xi32, #tpu.memory_space<vmem>> -> memref<125xi32, #tpu.memory_space<vmem>>
        %dma_start3A_277 = arith.constant 0 : i32
        %dma_start3A_278 = tpu.memref_slice %arg6[%dma_start3A_277] : memref<10240xf32, #tpu.memory_space<vmem_shared>> -> memref<10240xf32, #tpu.memory_space<vmem_shared>>
        tpu.enqueue_indirect_dma source(%dma_start3A_273 : memref<125xf32, #tpu.memory_space<vmem>>) target(%dma_start3A_278 : memref<10240xf32, #tpu.memory_space<vmem_shared>>) offsets(%dma_start3A_276 : memref<125xi32, #tpu.memory_space<vmem>>) semaphore(%run_scoped3A : memref<!tpu.dma_semaphore, #tpu.memory_space<semaphore_mem>>) {add = true}
        %dma_wait3A = arith.constant 0 : i32
        %dma_wait3A_279 = tpu.memref_slice %arg5[%dma_wait3A] : memref<640xf32, #tpu.memory_space<vmem>> -> memref<125xf32, #tpu.memory_space<vmem>>
        %dma_wait3A_280 = arith.constant 0 : i32
        %dma_wait3A_281 = tpu.memref_slice %arg4[%scan3A_272, %dma_wait3A_280] : memref<30x125xi32, #tpu.memory_space<vmem>> -> memref<1x125xi32, #tpu.memory_space<vmem>>
        %dma_wait3A_282 = tpu.memref_squeeze %dma_wait3A_281 : memref<1x125xi32, #tpu.memory_space<vmem>> -> memref<125xi32, #tpu.memory_space<vmem>>
        %dma_wait3A_283 = arith.constant 0 : i32
        %dma_wait3A_284 = tpu.memref_slice %arg6[%dma_wait3A_283] : memref<10240xf32, #tpu.memory_space<vmem_shared>> -> memref<10240xf32, #tpu.memory_space<vmem_shared>>
        tpu.wait_indirect_dma semaphore(%run_scoped3A : memref<!tpu.dma_semaphore, #tpu.memory_space<semaphore_mem>>) src(%dma_wait3A_279 : memref<125xf32, #tpu.memory_space<vmem>>) dst(%dma_wait3A_284 : memref<10240xf32, #tpu.memory_space<vmem_shared>>)
        tpu.yield
      }) : () -> ()
    }
    %scan3A_246 = arith.constant 30 : i32
    %barrier3A_247 = arith.constant 0 : index
    tpu.barrier barrier_id(%barrier3A_247)
    "tpu.region"() ({
      %run_scoped3A = tpu.sem_alloc : memref<!tpu.dma_semaphore, #tpu.memory_space<semaphore_mem>>
      %dma_start3A = tpu.memref_slice %arg3[%add3A_241, %mul3A_238] : memref<6x10240xf32, #tpu.memory_space<hbm>> -> memref<1x640xf32, #tpu.memory_space<hbm>>
      %dma_start3A_272 = tpu.memref_squeeze %dma_start3A : memref<1x640xf32, #tpu.memory_space<hbm>> -> memref<640xf32, #tpu.memory_space<hbm>>
      %dma_start3A_273 = tpu.memref_slice %arg6[%mul3A_238] : memref<10240xf32, #tpu.memory_space<vmem_shared>> -> memref<640xf32, #tpu.memory_space<vmem_shared>>
      tpu.enqueue_dma source(%dma_start3A_273 : memref<640xf32, #tpu.memory_space<vmem_shared>>) target(%dma_start3A_272 : memref<640xf32, #tpu.memory_space<hbm>>) target_semaphore(%run_scoped3A : memref<!tpu.dma_semaphore, #tpu.memory_space<semaphore_mem>>)
      %dma_wait3A = tpu.memref_slice %arg3[%add3A_241, %mul3A_238] : memref<6x10240xf32, #tpu.memory_space<hbm>> -> memref<1x640xf32, #tpu.memory_space<hbm>>
      %dma_wait3A_274 = tpu.memref_squeeze %dma_wait3A : memref<1x640xf32, #tpu.memory_space<hbm>> -> memref<640xf32, #tpu.memory_space<hbm>>
      %dma_wait3A_275 = tpu.memref_slice %arg6[%mul3A_238] : memref<10240xf32, #tpu.memory_space<vmem_shared>> -> memref<640xf32, #tpu.memory_space<vmem_shared>>
      tpu.wait_dma2 semaphore(%run_scoped3A : memref<!tpu.dma_semaphore, #tpu.memory_space<semaphore_mem>>) src(%dma_wait3A_275 : memref<640xf32, #tpu.memory_space<vmem_shared>>) dst(%dma_wait3A_274 : memref<640xf32, #tpu.memory_space<hbm>>)
      tpu.yield
    }) : () -> ()
    %mul3A_248 = arith.constant 3 : i32
    %mul3A_249 = arith.muli %arg0, %mul3A_248 : i32
    %add3A_250 = arith.constant 1 : i32
    %add3A_251 = arith.addi %mul3A_249, %add3A_250 : i32
    "tpu.region"() ({
      %run_scoped3A = tpu.sem_alloc : memref<!tpu.dma_semaphore, #tpu.memory_space<semaphore_mem>>
      %dma_start3A = tpu.memref_slice %arg6[%mul3A_238] : memref<10240xf32, #tpu.memory_space<vmem_shared>> -> memref<640xf32, #tpu.memory_space<vmem_shared>>
      %dma_start3A_272 = tpu.memref_slice %arg6[%mul3A_238] : memref<10240xf32, #tpu.memory_space<vmem_shared>> -> memref<640xf32, #tpu.memory_space<vmem_shared>>
      tpu.enqueue_dma source(%arg5 : memref<640xf32, #tpu.memory_space<vmem>>) target(%dma_start3A_272 : memref<640xf32, #tpu.memory_space<vmem_shared>>) target_semaphore(%run_scoped3A : memref<!tpu.dma_semaphore, #tpu.memory_space<semaphore_mem>>)
      %dma_wait3A = tpu.memref_slice %arg6[%mul3A_238] : memref<10240xf32, #tpu.memory_space<vmem_shared>> -> memref<640xf32, #tpu.memory_space<vmem_shared>>
      %dma_wait3A_273 = tpu.memref_slice %arg6[%mul3A_238] : memref<10240xf32, #tpu.memory_space<vmem_shared>> -> memref<640xf32, #tpu.memory_space<vmem_shared>>
      tpu.wait_dma2 semaphore(%run_scoped3A : memref<!tpu.dma_semaphore, #tpu.memory_space<semaphore_mem>>) src(%arg5 : memref<640xf32, #tpu.memory_space<vmem>>) dst(%dma_wait3A_273 : memref<640xf32, #tpu.memory_space<vmem_shared>>)
      tpu.yield
    }) : () -> ()
    "tpu.region"() ({
      %run_scoped3A = tpu.sem_alloc : memref<!tpu.dma_semaphore, #tpu.memory_space<semaphore_mem>>
      %dma_start3A = arith.constant 0 : i32
      %dma_start3A_272 = arith.constant 0 : i32
      %dma_start3A_273 = tpu.memref_slice %arg2[%add3A_251, %arg1, %dma_start3A, %dma_start3A_272] : memref<6x16x30x125xi32, #tpu.memory_space<hbm>> -> memref<1x1x30x125xi32, #tpu.memory_space<hbm>>
      %dma_start3A_274 = tpu.memref_squeeze %dma_start3A_273 : memref<1x1x30x125xi32, #tpu.memory_space<hbm>> -> memref<30x125xi32, #tpu.memory_space<hbm>>
      %dma_start3A_275 = arith.constant 0 : i32
      %dma_start3A_276 = arith.constant 0 : i32
      %dma_start3A_277 = tpu.memref_slice %arg2[%add3A_251, %arg1, %dma_start3A_275, %dma_start3A_276] : memref<6x16x30x125xi32, #tpu.memory_space<hbm>> -> memref<1x1x30x125xi32, #tpu.memory_space<hbm>>
      %dma_start3A_278 = tpu.memref_squeeze %dma_start3A_277 : memref<1x1x30x125xi32, #tpu.memory_space<hbm>> -> memref<30x125xi32, #tpu.memory_space<hbm>>
      tpu.enqueue_dma source(%dma_start3A_278 : memref<30x125xi32, #tpu.memory_space<hbm>>) target(%arg4 : memref<30x125xi32, #tpu.memory_space<vmem>>) target_semaphore(%run_scoped3A : memref<!tpu.dma_semaphore, #tpu.memory_space<semaphore_mem>>)
      %dma_wait3A = arith.constant 0 : i32
      %dma_wait3A_279 = arith.constant 0 : i32
      %dma_wait3A_280 = tpu.memref_slice %arg2[%add3A_251, %arg1, %dma_wait3A, %dma_wait3A_279] : memref<6x16x30x125xi32, #tpu.memory_space<hbm>> -> memref<1x1x30x125xi32, #tpu.memory_space<hbm>>
      %dma_wait3A_281 = tpu.memref_squeeze %dma_wait3A_280 : memref<1x1x30x125xi32, #tpu.memory_space<hbm>> -> memref<30x125xi32, #tpu.memory_space<hbm>>
      %dma_wait3A_282 = arith.constant 0 : i32
      %dma_wait3A_283 = arith.constant 0 : i32
      %dma_wait3A_284 = tpu.memref_slice %arg2[%add3A_251, %arg1, %dma_wait3A_282, %dma_wait3A_283] : memref<6x16x30x125xi32, #tpu.memory_space<hbm>> -> memref<1x1x30x125xi32, #tpu.memory_space<hbm>>
      %dma_wait3A_285 = tpu.memref_squeeze %dma_wait3A_284 : memref<1x1x30x125xi32, #tpu.memory_space<hbm>> -> memref<30x125xi32, #tpu.memory_space<hbm>>
      tpu.wait_dma2 semaphore(%run_scoped3A : memref<!tpu.dma_semaphore, #tpu.memory_space<semaphore_mem>>) src(%dma_wait3A_285 : memref<30x125xi32, #tpu.memory_space<hbm>>) dst(%arg4 : memref<30x125xi32, #tpu.memory_space<vmem>>)
      tpu.yield
    }) : () -> ()
    %barrier3A_252 = arith.constant 0 : index
    tpu.barrier barrier_id(%barrier3A_252)
    %scan3A_253 = arith.constant 0 : i32
    %scan3A_254 = arith.constant 0 : i32
    %scan3A_255 = arith.constant 30 : i32
    %scan3A_256 = arith.addi %scan3A_254, %scan3A_255 : i32
    %scan3A_257 = arith.constant 1 : i32
    scf.for %scan3A_272 = %scan3A_254 to %scan3A_256 step %scan3A_257  : i32 {
      "tpu.region"() ({
        %run_scoped3A = tpu.sem_alloc : memref<!tpu.dma_semaphore, #tpu.memory_space<semaphore_mem>>
        %dma_start3A = arith.constant 0 : i32
        %dma_start3A_273 = tpu.memref_slice %arg5[%dma_start3A] : memref<640xf32, #tpu.memory_space<vmem>> -> memref<125xf32, #tpu.memory_space<vmem>>
        %dma_start3A_274 = arith.constant 0 : i32
        %dma_start3A_275 = tpu.memref_slice %arg4[%scan3A_272, %dma_start3A_274] : memref<30x125xi32, #tpu.memory_space<vmem>> -> memref<1x125xi32, #tpu.memory_space<vmem>>
        %dma_start3A_276 = tpu.memref_squeeze %dma_start3A_275 : memref<1x125xi32, #tpu.memory_space<vmem>> -> memref<125xi32, #tpu.memory_space<vmem>>
        %dma_start3A_277 = arith.constant 0 : i32
        %dma_start3A_278 = tpu.memref_slice %arg6[%dma_start3A_277] : memref<10240xf32, #tpu.memory_space<vmem_shared>> -> memref<10240xf32, #tpu.memory_space<vmem_shared>>
        tpu.enqueue_indirect_dma source(%dma_start3A_273 : memref<125xf32, #tpu.memory_space<vmem>>) target(%dma_start3A_278 : memref<10240xf32, #tpu.memory_space<vmem_shared>>) offsets(%dma_start3A_276 : memref<125xi32, #tpu.memory_space<vmem>>) semaphore(%run_scoped3A : memref<!tpu.dma_semaphore, #tpu.memory_space<semaphore_mem>>) {add = true}
        %dma_wait3A = arith.constant 0 : i32
        %dma_wait3A_279 = tpu.memref_slice %arg5[%dma_wait3A] : memref<640xf32, #tpu.memory_space<vmem>> -> memref<125xf32, #tpu.memory_space<vmem>>
        %dma_wait3A_280 = arith.constant 0 : i32
        %dma_wait3A_281 = tpu.memref_slice %arg4[%scan3A_272, %dma_wait3A_280] : memref<30x125xi32, #tpu.memory_space<vmem>> -> memref<1x125xi32, #tpu.memory_space<vmem>>
        %dma_wait3A_282 = tpu.memref_squeeze %dma_wait3A_281 : memref<1x125xi32, #tpu.memory_space<vmem>> -> memref<125xi32, #tpu.memory_space<vmem>>
        %dma_wait3A_283 = arith.constant 0 : i32
        %dma_wait3A_284 = tpu.memref_slice %arg6[%dma_wait3A_283] : memref<10240xf32, #tpu.memory_space<vmem_shared>> -> memref<10240xf32, #tpu.memory_space<vmem_shared>>
        tpu.wait_indirect_dma semaphore(%run_scoped3A : memref<!tpu.dma_semaphore, #tpu.memory_space<semaphore_mem>>) src(%dma_wait3A_279 : memref<125xf32, #tpu.memory_space<vmem>>) dst(%dma_wait3A_284 : memref<10240xf32, #tpu.memory_space<vmem_shared>>)
        tpu.yield
      }) : () -> ()
    }
    %scan3A_258 = arith.constant 30 : i32
    %barrier3A_259 = arith.constant 0 : index
    tpu.barrier barrier_id(%barrier3A_259)
    "tpu.region"() ({
      %run_scoped3A = tpu.sem_alloc : memref<!tpu.dma_semaphore, #tpu.memory_space<semaphore_mem>>
      %dma_start3A = tpu.memref_slice %arg3[%add3A_251, %mul3A_238] : memref<6x10240xf32, #tpu.memory_space<hbm>> -> memref<1x640xf32, #tpu.memory_space<hbm>>
      %dma_start3A_272 = tpu.memref_squeeze %dma_start3A : memref<1x640xf32, #tpu.memory_space<hbm>> -> memref<640xf32, #tpu.memory_space<hbm>>
      %dma_start3A_273 = tpu.memref_slice %arg6[%mul3A_238] : memref<10240xf32, #tpu.memory_space<vmem_shared>> -> memref<640xf32, #tpu.memory_space<vmem_shared>>
      tpu.enqueue_dma source(%dma_start3A_273 : memref<640xf32, #tpu.memory_space<vmem_shared>>) target(%dma_start3A_272 : memref<640xf32, #tpu.memory_space<hbm>>) target_semaphore(%run_scoped3A : memref<!tpu.dma_semaphore, #tpu.memory_space<semaphore_mem>>)
      %dma_wait3A = tpu.memref_slice %arg3[%add3A_251, %mul3A_238] : memref<6x10240xf32, #tpu.memory_space<hbm>> -> memref<1x640xf32, #tpu.memory_space<hbm>>
      %dma_wait3A_274 = tpu.memref_squeeze %dma_wait3A : memref<1x640xf32, #tpu.memory_space<hbm>> -> memref<640xf32, #tpu.memory_space<hbm>>
      %dma_wait3A_275 = tpu.memref_slice %arg6[%mul3A_238] : memref<10240xf32, #tpu.memory_space<vmem_shared>> -> memref<640xf32, #tpu.memory_space<vmem_shared>>
      tpu.wait_dma2 semaphore(%run_scoped3A : memref<!tpu.dma_semaphore, #tpu.memory_space<semaphore_mem>>) src(%dma_wait3A_275 : memref<640xf32, #tpu.memory_space<vmem_shared>>) dst(%dma_wait3A_274 : memref<640xf32, #tpu.memory_space<hbm>>)
      tpu.yield
    }) : () -> ()
    %mul3A_260 = arith.constant 3 : i32
    %mul3A_261 = arith.muli %arg0, %mul3A_260 : i32
    %add3A_262 = arith.constant 2 : i32
    %add3A_263 = arith.addi %mul3A_261, %add3A_262 : i32
    "tpu.region"() ({
      %run_scoped3A = tpu.sem_alloc : memref<!tpu.dma_semaphore, #tpu.memory_space<semaphore_mem>>
      %dma_start3A = tpu.memref_slice %arg6[%mul3A_238] : memref<10240xf32, #tpu.memory_space<vmem_shared>> -> memref<640xf32, #tpu.memory_space<vmem_shared>>
      %dma_start3A_272 = tpu.memref_slice %arg6[%mul3A_238] : memref<10240xf32, #tpu.memory_space<vmem_shared>> -> memref<640xf32, #tpu.memory_space<vmem_shared>>
      tpu.enqueue_dma source(%arg5 : memref<640xf32, #tpu.memory_space<vmem>>) target(%dma_start3A_272 : memref<640xf32, #tpu.memory_space<vmem_shared>>) target_semaphore(%run_scoped3A : memref<!tpu.dma_semaphore, #tpu.memory_space<semaphore_mem>>)
      %dma_wait3A = tpu.memref_slice %arg6[%mul3A_238] : memref<10240xf32, #tpu.memory_space<vmem_shared>> -> memref<640xf32, #tpu.memory_space<vmem_shared>>
      %dma_wait3A_273 = tpu.memref_slice %arg6[%mul3A_238] : memref<10240xf32, #tpu.memory_space<vmem_shared>> -> memref<640xf32, #tpu.memory_space<vmem_shared>>
      tpu.wait_dma2 semaphore(%run_scoped3A : memref<!tpu.dma_semaphore, #tpu.memory_space<semaphore_mem>>) src(%arg5 : memref<640xf32, #tpu.memory_space<vmem>>) dst(%dma_wait3A_273 : memref<640xf32, #tpu.memory_space<vmem_shared>>)
      tpu.yield
    }) : () -> ()
    "tpu.region"() ({
      %run_scoped3A = tpu.sem_alloc : memref<!tpu.dma_semaphore, #tpu.memory_space<semaphore_mem>>
      %dma_start3A = arith.constant 0 : i32
      %dma_start3A_272 = arith.constant 0 : i32
      %dma_start3A_273 = tpu.memref_slice %arg2[%add3A_263, %arg1, %dma_start3A, %dma_start3A_272] : memref<6x16x30x125xi32, #tpu.memory_space<hbm>> -> memref<1x1x30x125xi32, #tpu.memory_space<hbm>>
      %dma_start3A_274 = tpu.memref_squeeze %dma_start3A_273 : memref<1x1x30x125xi32, #tpu.memory_space<hbm>> -> memref<30x125xi32, #tpu.memory_space<hbm>>
      %dma_start3A_275 = arith.constant 0 : i32
      %dma_start3A_276 = arith.constant 0 : i32
      %dma_start3A_277 = tpu.memref_slice %arg2[%add3A_263, %arg1, %dma_start3A_275, %dma_start3A_276] : memref<6x16x30x125xi32, #tpu.memory_space<hbm>> -> memref<1x1x30x125xi32, #tpu.memory_space<hbm>>
      %dma_start3A_278 = tpu.memref_squeeze %dma_start3A_277 : memref<1x1x30x125xi32, #tpu.memory_space<hbm>> -> memref<30x125xi32, #tpu.memory_space<hbm>>
      tpu.enqueue_dma source(%dma_start3A_278 : memref<30x125xi32, #tpu.memory_space<hbm>>) target(%arg4 : memref<30x125xi32, #tpu.memory_space<vmem>>) target_semaphore(%run_scoped3A : memref<!tpu.dma_semaphore, #tpu.memory_space<semaphore_mem>>)
      %dma_wait3A = arith.constant 0 : i32
      %dma_wait3A_279 = arith.constant 0 : i32
      %dma_wait3A_280 = tpu.memref_slice %arg2[%add3A_263, %arg1, %dma_wait3A, %dma_wait3A_279] : memref<6x16x30x125xi32, #tpu.memory_space<hbm>> -> memref<1x1x30x125xi32, #tpu.memory_space<hbm>>
      %dma_wait3A_281 = tpu.memref_squeeze %dma_wait3A_280 : memref<1x1x30x125xi32, #tpu.memory_space<hbm>> -> memref<30x125xi32, #tpu.memory_space<hbm>>
      %dma_wait3A_282 = arith.constant 0 : i32
      %dma_wait3A_283 = arith.constant 0 : i32
      %dma_wait3A_284 = tpu.memref_slice %arg2[%add3A_263, %arg1, %dma_wait3A_282, %dma_wait3A_283] : memref<6x16x30x125xi32, #tpu.memory_space<hbm>> -> memref<1x1x30x125xi32, #tpu.memory_space<hbm>>
      %dma_wait3A_285 = tpu.memref_squeeze %dma_wait3A_284 : memref<1x1x30x125xi32, #tpu.memory_space<hbm>> -> memref<30x125xi32, #tpu.memory_space<hbm>>
      tpu.wait_dma2 semaphore(%run_scoped3A : memref<!tpu.dma_semaphore, #tpu.memory_space<semaphore_mem>>) src(%dma_wait3A_285 : memref<30x125xi32, #tpu.memory_space<hbm>>) dst(%arg4 : memref<30x125xi32, #tpu.memory_space<vmem>>)
      tpu.yield
    }) : () -> ()
    %barrier3A_264 = arith.constant 0 : index
    tpu.barrier barrier_id(%barrier3A_264)
    %scan3A_265 = arith.constant 0 : i32
    %scan3A_266 = arith.constant 0 : i32
    %scan3A_267 = arith.constant 30 : i32
    %scan3A_268 = arith.addi %scan3A_266, %scan3A_267 : i32
    %scan3A_269 = arith.constant 1 : i32
    scf.for %scan3A_272 = %scan3A_266 to %scan3A_268 step %scan3A_269  : i32 {
      "tpu.region"() ({
        %run_scoped3A = tpu.sem_alloc : memref<!tpu.dma_semaphore, #tpu.memory_space<semaphore_mem>>
        %dma_start3A = arith.constant 0 : i32
        %dma_start3A_273 = tpu.memref_slice %arg5[%dma_start3A] : memref<640xf32, #tpu.memory_space<vmem>> -> memref<125xf32, #tpu.memory_space<vmem>>
        %dma_start3A_274 = arith.constant 0 : i32
        %dma_start3A_275 = tpu.memref_slice %arg4[%scan3A_272, %dma_start3A_274] : memref<30x125xi32, #tpu.memory_space<vmem>> -> memref<1x125xi32, #tpu.memory_space<vmem>>
        %dma_start3A_276 = tpu.memref_squeeze %dma_start3A_275 : memref<1x125xi32, #tpu.memory_space<vmem>> -> memref<125xi32, #tpu.memory_space<vmem>>
        %dma_start3A_277 = arith.constant 0 : i32
        %dma_start3A_278 = tpu.memref_slice %arg6[%dma_start3A_277] : memref<10240xf32, #tpu.memory_space<vmem_shared>> -> memref<10240xf32, #tpu.memory_space<vmem_shared>>
        tpu.enqueue_indirect_dma source(%dma_start3A_273 : memref<125xf32, #tpu.memory_space<vmem>>) target(%dma_start3A_278 : memref<10240xf32, #tpu.memory_space<vmem_shared>>) offsets(%dma_start3A_276 : memref<125xi32, #tpu.memory_space<vmem>>) semaphore(%run_scoped3A : memref<!tpu.dma_semaphore, #tpu.memory_space<semaphore_mem>>) {add = true}
        %dma_wait3A = arith.constant 0 : i32
        %dma_wait3A_279 = tpu.memref_slice %arg5[%dma_wait3A] : memref<640xf32, #tpu.memory_space<vmem>> -> memref<125xf32, #tpu.memory_space<vmem>>
        %dma_wait3A_280 = arith.constant 0 : i32
        %dma_wait3A_281 = tpu.memref_slice %arg4[%scan3A_272, %dma_wait3A_280] : memref<30x125xi32, #tpu.memory_space<vmem>> -> memref<1x125xi32, #tpu.memory_space<vmem>>
        %dma_wait3A_282 = tpu.memref_squeeze %dma_wait3A_281 : memref<1x125xi32, #tpu.memory_space<vmem>> -> memref<125xi32, #tpu.memory_space<vmem>>
        %dma_wait3A_283 = arith.constant 0 : i32
        %dma_wait3A_284 = tpu.memref_slice %arg6[%dma_wait3A_283] : memref<10240xf32, #tpu.memory_space<vmem_shared>> -> memref<10240xf32, #tpu.memory_space<vmem_shared>>
        tpu.wait_indirect_dma semaphore(%run_scoped3A : memref<!tpu.dma_semaphore, #tpu.memory_space<semaphore_mem>>) src(%dma_wait3A_279 : memref<125xf32, #tpu.memory_space<vmem>>) dst(%dma_wait3A_284 : memref<10240xf32, #tpu.memory_space<vmem_shared>>)
        tpu.yield
      }) : () -> ()
    }
    %scan3A_270 = arith.constant 30 : i32
    %barrier3A_271 = arith.constant 0 : index
    tpu.barrier barrier_id(%barrier3A_271)
    "tpu.region"() ({
      %run_scoped3A = tpu.sem_alloc : memref<!tpu.dma_semaphore, #tpu.memory_space<semaphore_mem>>
      %dma_start3A = tpu.memref_slice %arg3[%add3A_263, %mul3A_238] : memref<6x10240xf32, #tpu.memory_space<hbm>> -> memref<1x640xf32, #tpu.memory_space<hbm>>
      %dma_start3A_272 = tpu.memref_squeeze %dma_start3A : memref<1x640xf32, #tpu.memory_space<hbm>> -> memref<640xf32, #tpu.memory_space<hbm>>
      %dma_start3A_273 = tpu.memref_slice %arg6[%mul3A_238] : memref<10240xf32, #tpu.memory_space<vmem_shared>> -> memref<640xf32, #tpu.memory_space<vmem_shared>>
      tpu.enqueue_dma source(%dma_start3A_273 : memref<640xf32, #tpu.memory_space<vmem_shared>>) target(%dma_start3A_272 : memref<640xf32, #tpu.memory_space<hbm>>) target_semaphore(%run_scoped3A : memref<!tpu.dma_semaphore, #tpu.memory_space<semaphore_mem>>)
      %dma_wait3A = tpu.memref_slice %arg3[%add3A_263, %mul3A_238] : memref<6x10240xf32, #tpu.memory_space<hbm>> -> memref<1x640xf32, #tpu.memory_space<hbm>>
      %dma_wait3A_274 = tpu.memref_squeeze %dma_wait3A : memref<1x640xf32, #tpu.memory_space<hbm>> -> memref<640xf32, #tpu.memory_space<hbm>>
      %dma_wait3A_275 = tpu.memref_slice %arg6[%mul3A_238] : memref<10240xf32, #tpu.memory_space<vmem_shared>> -> memref<640xf32, #tpu.memory_space<vmem_shared>>
      tpu.wait_dma2 semaphore(%run_scoped3A : memref<!tpu.dma_semaphore, #tpu.memory_space<semaphore_mem>>) src(%dma_wait3A_275 : memref<640xf32, #tpu.memory_space<vmem_shared>>) dst(%dma_wait3A_274 : memref<640xf32, #tpu.memory_space<hbm>>)
      tpu.yield
    }) : () -> ()
    return
  }
}

#map = affine_map<(d0, d1) -> (0, 0)>
#map1 = affine_map<(d0, d1) -> (0, 0, 0, 0)>
module attributes {stable_mosaic.version = 14 : i64} {
  func.func @k(%arg0: i32, %arg1: i32, %arg2: memref<40960x128xf32, #tpu.memory_space<hbm>>, %arg3: memref<4x16x30x125xi32, #tpu.memory_space<hbm>>, %arg4: memref<4x16x30x125xi32, #tpu.memory_space<hbm>>, %arg5: memref<40960x128xf32, #tpu.memory_space<hbm>>, %arg6: memref<30x125xi32, #tpu.memory_space<vmem>>, %arg7: memref<30x125xi32, #tpu.memory_space<vmem>>, %arg8: memref<10240x128xf32, #tpu.memory_space<vmem_shared>>, %arg9: memref<125x128xf32, #tpu.memory_space<vmem>>, %arg10: memref<125x128xf32, #tpu.memory_space<vmem>>, %arg11: memref<!tpu.dma_semaphore, #tpu.memory_space<semaphore_mem>>, %arg12: memref<!tpu.dma_semaphore, #tpu.memory_space<semaphore_mem>>, %arg13: memref<!tpu.dma_semaphore, #tpu.memory_space<semaphore_mem>>, %arg14: memref<!tpu.dma_semaphore, #tpu.memory_space<semaphore_mem>>) attributes {dimension_semantics = [#tpu.dimension_semantics<core_parallel>, #tpu.dimension_semantics<subcore_parallel>], iteration_bounds = array<i64: 2, 16>, scalar_prefetch = 0 : i64, scratch_operands = 9 : i64, tpu.core_type = #tpu.core_type<sc_vector_subcore>, window_params = [{transform_indices = #map}, {transform_indices = #map1}, {transform_indices = #map1}, {transform_indices = #map}]} {
    %mul3A = arith.constant 640 : i32
    %mul3A_0 = arith.muli %arg1, %mul3A : i32
    %scan3A = arith.constant 0 : i32
    %scan3A_1 = arith.constant 0 : i32
    %scan3A_2 = arith.constant 2 : i32
    %scan3A_3 = arith.addi %scan3A_1, %scan3A_2 : i32
    %scan3A_4 = arith.constant 1 : i32
    scf.for %scan3A_6 = %scan3A_1 to %scan3A_3 step %scan3A_4  : i32 {
      %mul3A_7 = arith.constant 2 : i32
      %mul3A_8 = arith.muli %arg0, %mul3A_7 : i32
      %add3A = arith.addi %mul3A_8, %scan3A_6 : i32
      %mul3A_9 = arith.constant 10240 : i32
      %mul3A_10 = arith.muli %add3A, %mul3A_9 : i32
      %add3A_11 = arith.addi %mul3A_10, %mul3A_0 : i32
      "tpu.region"() ({
        %run_scoped3A = tpu.sem_alloc : memref<!tpu.dma_semaphore, #tpu.memory_space<semaphore_mem>>
        %dma_start3A = arith.constant 0 : i32
        %dma_start3A_33 = tpu.memref_slice %arg8[%mul3A_0, %dma_start3A] : memref<10240x128xf32, #tpu.memory_space<vmem_shared>> -> memref<640x128xf32, #tpu.memory_space<vmem_shared>>
        %dma_start3A_34 = arith.constant 0 : i32
        %dma_start3A_35 = tpu.memref_slice %arg2[%add3A_11, %dma_start3A_34] : memref<40960x128xf32, #tpu.memory_space<hbm>> -> memref<640x128xf32, #tpu.memory_space<hbm>>
        tpu.enqueue_dma source(%dma_start3A_35 : memref<640x128xf32, #tpu.memory_space<hbm>>) target(%dma_start3A_33 : memref<640x128xf32, #tpu.memory_space<vmem_shared>>) target_semaphore(%run_scoped3A : memref<!tpu.dma_semaphore, #tpu.memory_space<semaphore_mem>>)
        %dma_wait3A_36 = arith.constant 0 : i32
        %dma_wait3A_37 = tpu.memref_slice %arg8[%mul3A_0, %dma_wait3A_36] : memref<10240x128xf32, #tpu.memory_space<vmem_shared>> -> memref<640x128xf32, #tpu.memory_space<vmem_shared>>
        %dma_wait3A_38 = arith.constant 0 : i32
        %dma_wait3A_39 = tpu.memref_slice %arg2[%add3A_11, %dma_wait3A_38] : memref<40960x128xf32, #tpu.memory_space<hbm>> -> memref<640x128xf32, #tpu.memory_space<hbm>>
        tpu.wait_dma2 semaphore(%run_scoped3A : memref<!tpu.dma_semaphore, #tpu.memory_space<semaphore_mem>>) src(%dma_wait3A_39 : memref<640x128xf32, #tpu.memory_space<hbm>>) dst(%dma_wait3A_37 : memref<640x128xf32, #tpu.memory_space<vmem_shared>>)
        tpu.yield
      }) : () -> ()
      "tpu.region"() ({
        %run_scoped3A = tpu.sem_alloc : memref<!tpu.dma_semaphore, #tpu.memory_space<semaphore_mem>>
        %dma_start3A = arith.constant 0 : i32
        %dma_start3A_33 = arith.constant 0 : i32
        %dma_start3A_34 = tpu.memref_slice %arg3[%add3A, %arg1, %dma_start3A, %dma_start3A_33] : memref<4x16x30x125xi32, #tpu.memory_space<hbm>> -> memref<1x1x30x125xi32, #tpu.memory_space<hbm>>
        %dma_start3A_35 = tpu.memref_squeeze %dma_start3A_34 : memref<1x1x30x125xi32, #tpu.memory_space<hbm>> -> memref<30x125xi32, #tpu.memory_space<hbm>>
        %dma_start3A_36 = arith.constant 0 : i32
        %dma_start3A_37 = arith.constant 0 : i32
        %dma_start3A_38 = tpu.memref_slice %arg3[%add3A, %arg1, %dma_start3A_36, %dma_start3A_37] : memref<4x16x30x125xi32, #tpu.memory_space<hbm>> -> memref<1x1x30x125xi32, #tpu.memory_space<hbm>>
        %dma_start3A_39 = tpu.memref_squeeze %dma_start3A_38 : memref<1x1x30x125xi32, #tpu.memory_space<hbm>> -> memref<30x125xi32, #tpu.memory_space<hbm>>
        tpu.enqueue_dma source(%dma_start3A_39 : memref<30x125xi32, #tpu.memory_space<hbm>>) target(%arg6 : memref<30x125xi32, #tpu.memory_space<vmem>>) target_semaphore(%run_scoped3A : memref<!tpu.dma_semaphore, #tpu.memory_space<semaphore_mem>>)
        %dma_wait3A_40 = arith.constant 0 : i32
        %dma_wait3A_41 = arith.constant 0 : i32
        %dma_wait3A_42 = tpu.memref_slice %arg3[%add3A, %arg1, %dma_wait3A_40, %dma_wait3A_41] : memref<4x16x30x125xi32, #tpu.memory_space<hbm>> -> memref<1x1x30x125xi32, #tpu.memory_space<hbm>>
        %dma_wait3A_43 = tpu.memref_squeeze %dma_wait3A_42 : memref<1x1x30x125xi32, #tpu.memory_space<hbm>> -> memref<30x125xi32, #tpu.memory_space<hbm>>
        %dma_wait3A_44 = arith.constant 0 : i32
        %dma_wait3A_45 = arith.constant 0 : i32
        %dma_wait3A_46 = tpu.memref_slice %arg3[%add3A, %arg1, %dma_wait3A_44, %dma_wait3A_45] : memref<4x16x30x125xi32, #tpu.memory_space<hbm>> -> memref<1x1x30x125xi32, #tpu.memory_space<hbm>>
        %dma_wait3A_47 = tpu.memref_squeeze %dma_wait3A_46 : memref<1x1x30x125xi32, #tpu.memory_space<hbm>> -> memref<30x125xi32, #tpu.memory_space<hbm>>
        tpu.wait_dma2 semaphore(%run_scoped3A : memref<!tpu.dma_semaphore, #tpu.memory_space<semaphore_mem>>) src(%dma_wait3A_47 : memref<30x125xi32, #tpu.memory_space<hbm>>) dst(%arg6 : memref<30x125xi32, #tpu.memory_space<vmem>>)
        tpu.yield
      }) : () -> ()
      "tpu.region"() ({
        %run_scoped3A = tpu.sem_alloc : memref<!tpu.dma_semaphore, #tpu.memory_space<semaphore_mem>>
        %dma_start3A = arith.constant 0 : i32
        %dma_start3A_33 = arith.constant 0 : i32
        %dma_start3A_34 = tpu.memref_slice %arg4[%add3A, %arg1, %dma_start3A, %dma_start3A_33] : memref<4x16x30x125xi32, #tpu.memory_space<hbm>> -> memref<1x1x30x125xi32, #tpu.memory_space<hbm>>
        %dma_start3A_35 = tpu.memref_squeeze %dma_start3A_34 : memref<1x1x30x125xi32, #tpu.memory_space<hbm>> -> memref<30x125xi32, #tpu.memory_space<hbm>>
        %dma_start3A_36 = arith.constant 0 : i32
        %dma_start3A_37 = arith.constant 0 : i32
        %dma_start3A_38 = tpu.memref_slice %arg4[%add3A, %arg1, %dma_start3A_36, %dma_start3A_37] : memref<4x16x30x125xi32, #tpu.memory_space<hbm>> -> memref<1x1x30x125xi32, #tpu.memory_space<hbm>>
        %dma_start3A_39 = tpu.memref_squeeze %dma_start3A_38 : memref<1x1x30x125xi32, #tpu.memory_space<hbm>> -> memref<30x125xi32, #tpu.memory_space<hbm>>
        tpu.enqueue_dma source(%dma_start3A_39 : memref<30x125xi32, #tpu.memory_space<hbm>>) target(%arg7 : memref<30x125xi32, #tpu.memory_space<vmem>>) target_semaphore(%run_scoped3A : memref<!tpu.dma_semaphore, #tpu.memory_space<semaphore_mem>>)
        %dma_wait3A_40 = arith.constant 0 : i32
        %dma_wait3A_41 = arith.constant 0 : i32
        %dma_wait3A_42 = tpu.memref_slice %arg4[%add3A, %arg1, %dma_wait3A_40, %dma_wait3A_41] : memref<4x16x30x125xi32, #tpu.memory_space<hbm>> -> memref<1x1x30x125xi32, #tpu.memory_space<hbm>>
        %dma_wait3A_43 = tpu.memref_squeeze %dma_wait3A_42 : memref<1x1x30x125xi32, #tpu.memory_space<hbm>> -> memref<30x125xi32, #tpu.memory_space<hbm>>
        %dma_wait3A_44 = arith.constant 0 : i32
        %dma_wait3A_45 = arith.constant 0 : i32
        %dma_wait3A_46 = tpu.memref_slice %arg4[%add3A, %arg1, %dma_wait3A_44, %dma_wait3A_45] : memref<4x16x30x125xi32, #tpu.memory_space<hbm>> -> memref<1x1x30x125xi32, #tpu.memory_space<hbm>>
        %dma_wait3A_47 = tpu.memref_squeeze %dma_wait3A_46 : memref<1x1x30x125xi32, #tpu.memory_space<hbm>> -> memref<30x125xi32, #tpu.memory_space<hbm>>
        tpu.wait_dma2 semaphore(%run_scoped3A : memref<!tpu.dma_semaphore, #tpu.memory_space<semaphore_mem>>) src(%dma_wait3A_47 : memref<30x125xi32, #tpu.memory_space<hbm>>) dst(%arg7 : memref<30x125xi32, #tpu.memory_space<vmem>>)
        tpu.yield
      }) : () -> ()
      %barrier3A = arith.constant 0 : index
      tpu.barrier barrier_id(%barrier3A)
      %scan3A_12 = arith.constant 0 : i32
      %scan3A_13 = arith.constant 0 : i32
      %scan3A_14 = arith.constant 16 : i32
      %scan3A_15 = arith.addi %scan3A_13, %scan3A_14 : i32
      %scan3A_16 = arith.constant 1 : i32
      scf.for %scan3A_33 = %scan3A_13 to %scan3A_15 step %scan3A_16  : i32 {
        %mul3A_34 = arith.constant 2 : i32
        %mul3A_35 = arith.muli %scan3A_33, %mul3A_34 : i32
        %add3A_36 = arith.constant 0 : i32
        %add3A_37 = arith.addi %mul3A_35, %add3A_36 : i32
        %sub3A = arith.constant 1 : i32
        %sub3A_38 = arith.subi %add3A_37, %sub3A : i32
        %lt3A = arith.constant 30 : i32
        %lt3A_39 = arith.cmpi slt, %add3A_37, %lt3A : i32
        %ge3A = arith.constant 2 : i32
        %ge3A_40 = arith.cmpi sge, %add3A_37, %ge3A : i32
        %and3A = arith.andi %lt3A_39, %ge3A_40 : i1
        %convert_element_type3A = arith.extui %and3A : i1 to i32
        %cond3A = arith.constant 0 : i32
        %cond3A_41 = arith.cmpi ne, %convert_element_type3A, %cond3A : i32
        scf.if %cond3A_41 {
          %sub3A_82 = arith.constant 2 : i32
          %sub3A_83 = arith.subi %add3A_37, %sub3A_82 : i32
          %dma_wait3A_84 = arith.constant 0 : i32
          %dma_wait3A_85 = tpu.memref_slice %arg7[%sub3A_83, %dma_wait3A_84] : memref<30x125xi32, #tpu.memory_space<vmem>> -> memref<1x125xi32, #tpu.memory_space<vmem>>
          %dma_wait3A_86 = tpu.memref_squeeze %dma_wait3A_85 : memref<1x125xi32, #tpu.memory_space<vmem>> -> memref<125xi32, #tpu.memory_space<vmem>>
          %dma_wait3A_87 = arith.constant 0 : i32
          %dma_wait3A_88 = arith.constant 0 : i32
          %dma_wait3A_89 = tpu.memref_slice %arg8[%dma_wait3A_87, %dma_wait3A_88] : memref<10240x128xf32, #tpu.memory_space<vmem_shared>> -> memref<10240x128xf32, #tpu.memory_space<vmem_shared>>
          tpu.wait_indirect_dma semaphore(%arg13 : memref<!tpu.dma_semaphore, #tpu.memory_space<semaphore_mem>>) src(%arg9 : memref<125x128xf32, #tpu.memory_space<vmem>>) dst(%dma_wait3A_89 : memref<10240x128xf32, #tpu.memory_space<vmem_shared>>)
        } else {
        }
        %lt3A_42 = arith.constant 30 : i32
        %lt3A_43 = arith.cmpi slt, %add3A_37, %lt3A_42 : i32
        %convert_element_type3A_44 = arith.extui %lt3A_43 : i1 to i32
        %cond3A_45 = arith.constant 0 : i32
        %cond3A_46 = arith.cmpi ne, %convert_element_type3A_44, %cond3A_45 : i32
        scf.if %cond3A_46 {
          %dma_start3A = arith.constant 0 : i32
          %dma_start3A_82 = tpu.memref_slice %arg6[%add3A_37, %dma_start3A] : memref<30x125xi32, #tpu.memory_space<vmem>> -> memref<1x125xi32, #tpu.memory_space<vmem>>
          %dma_start3A_83 = tpu.memref_squeeze %dma_start3A_82 : memref<1x125xi32, #tpu.memory_space<vmem>> -> memref<125xi32, #tpu.memory_space<vmem>>
          %dma_start3A_84 = arith.constant 0 : i32
          %dma_start3A_85 = arith.constant 0 : i32
          %dma_start3A_86 = tpu.memref_slice %arg2[%dma_start3A_84, %dma_start3A_85] : memref<40960x128xf32, #tpu.memory_space<hbm>> -> memref<40960x128xf32, #tpu.memory_space<hbm>>
          tpu.enqueue_indirect_dma source(%dma_start3A_86 : memref<40960x128xf32, #tpu.memory_space<hbm>>) target(%arg9 : memref<125x128xf32, #tpu.memory_space<vmem>>) offsets(%dma_start3A_83 : memref<125xi32, #tpu.memory_space<vmem>>) semaphore(%arg11 : memref<!tpu.dma_semaphore, #tpu.memory_space<semaphore_mem>>)
        } else {
        }
        %ge3A_47 = arith.constant 0 : i32
        %ge3A_48 = arith.cmpi sge, %sub3A_38, %ge3A_47 : i32
        %lt3A_49 = arith.constant 30 : i32
        %lt3A_50 = arith.cmpi slt, %sub3A_38, %lt3A_49 : i32
        %and3A_51 = arith.andi %ge3A_48, %lt3A_50 : i1
        %convert_element_type3A_52 = arith.extui %and3A_51 : i1 to i32
        %cond3A_53 = arith.constant 0 : i32
        %cond3A_54 = arith.cmpi ne, %convert_element_type3A_52, %cond3A_53 : i32
        scf.if %cond3A_54 {
          %dma_wait3A_82 = arith.constant 0 : i32
          %dma_wait3A_83 = tpu.memref_slice %arg6[%sub3A_38, %dma_wait3A_82] : memref<30x125xi32, #tpu.memory_space<vmem>> -> memref<1x125xi32, #tpu.memory_space<vmem>>
          %dma_wait3A_84 = tpu.memref_squeeze %dma_wait3A_83 : memref<1x125xi32, #tpu.memory_space<vmem>> -> memref<125xi32, #tpu.memory_space<vmem>>
          %dma_wait3A_85 = arith.constant 0 : i32
          %dma_wait3A_86 = arith.constant 0 : i32
          %dma_wait3A_87 = tpu.memref_slice %arg2[%dma_wait3A_85, %dma_wait3A_86] : memref<40960x128xf32, #tpu.memory_space<hbm>> -> memref<40960x128xf32, #tpu.memory_space<hbm>>
          tpu.wait_indirect_dma semaphore(%arg12 : memref<!tpu.dma_semaphore, #tpu.memory_space<semaphore_mem>>) src(%dma_wait3A_87 : memref<40960x128xf32, #tpu.memory_space<hbm>>) dst(%arg10 : memref<125x128xf32, #tpu.memory_space<vmem>>)
          %dma_start3A = arith.constant 0 : i32
          %dma_start3A_88 = tpu.memref_slice %arg7[%sub3A_38, %dma_start3A] : memref<30x125xi32, #tpu.memory_space<vmem>> -> memref<1x125xi32, #tpu.memory_space<vmem>>
          %dma_start3A_89 = tpu.memref_squeeze %dma_start3A_88 : memref<1x125xi32, #tpu.memory_space<vmem>> -> memref<125xi32, #tpu.memory_space<vmem>>
          %dma_start3A_90 = arith.constant 0 : i32
          %dma_start3A_91 = arith.constant 0 : i32
          %dma_start3A_92 = tpu.memref_slice %arg8[%dma_start3A_90, %dma_start3A_91] : memref<10240x128xf32, #tpu.memory_space<vmem_shared>> -> memref<10240x128xf32, #tpu.memory_space<vmem_shared>>
          tpu.enqueue_indirect_dma source(%arg10 : memref<125x128xf32, #tpu.memory_space<vmem>>) target(%dma_start3A_92 : memref<10240x128xf32, #tpu.memory_space<vmem_shared>>) offsets(%dma_start3A_89 : memref<125xi32, #tpu.memory_space<vmem>>) semaphore(%arg14 : memref<!tpu.dma_semaphore, #tpu.memory_space<semaphore_mem>>) {add = true}
        } else {
        }
        %mul3A_55 = arith.constant 2 : i32
        %mul3A_56 = arith.muli %scan3A_33, %mul3A_55 : i32
        %add3A_57 = arith.constant 1 : i32
        %add3A_58 = arith.addi %mul3A_56, %add3A_57 : i32
        %sub3A_59 = arith.constant 1 : i32
        %sub3A_60 = arith.subi %add3A_58, %sub3A_59 : i32
        %lt3A_61 = arith.constant 30 : i32
        %lt3A_62 = arith.cmpi slt, %add3A_58, %lt3A_61 : i32
        %ge3A_63 = arith.constant 2 : i32
        %ge3A_64 = arith.cmpi sge, %add3A_58, %ge3A_63 : i32
        %and3A_65 = arith.andi %lt3A_62, %ge3A_64 : i1
        %convert_element_type3A_66 = arith.extui %and3A_65 : i1 to i32
        %cond3A_67 = arith.constant 0 : i32
        %cond3A_68 = arith.cmpi ne, %convert_element_type3A_66, %cond3A_67 : i32
        scf.if %cond3A_68 {
          %sub3A_82 = arith.constant 2 : i32
          %sub3A_83 = arith.subi %add3A_58, %sub3A_82 : i32
          %dma_wait3A_84 = arith.constant 0 : i32
          %dma_wait3A_85 = tpu.memref_slice %arg7[%sub3A_83, %dma_wait3A_84] : memref<30x125xi32, #tpu.memory_space<vmem>> -> memref<1x125xi32, #tpu.memory_space<vmem>>
          %dma_wait3A_86 = tpu.memref_squeeze %dma_wait3A_85 : memref<1x125xi32, #tpu.memory_space<vmem>> -> memref<125xi32, #tpu.memory_space<vmem>>
          %dma_wait3A_87 = arith.constant 0 : i32
          %dma_wait3A_88 = arith.constant 0 : i32
          %dma_wait3A_89 = tpu.memref_slice %arg8[%dma_wait3A_87, %dma_wait3A_88] : memref<10240x128xf32, #tpu.memory_space<vmem_shared>> -> memref<10240x128xf32, #tpu.memory_space<vmem_shared>>
          tpu.wait_indirect_dma semaphore(%arg14 : memref<!tpu.dma_semaphore, #tpu.memory_space<semaphore_mem>>) src(%arg10 : memref<125x128xf32, #tpu.memory_space<vmem>>) dst(%dma_wait3A_89 : memref<10240x128xf32, #tpu.memory_space<vmem_shared>>)
        } else {
        }
        %lt3A_69 = arith.constant 30 : i32
        %lt3A_70 = arith.cmpi slt, %add3A_58, %lt3A_69 : i32
        %convert_element_type3A_71 = arith.extui %lt3A_70 : i1 to i32
        %cond3A_72 = arith.constant 0 : i32
        %cond3A_73 = arith.cmpi ne, %convert_element_type3A_71, %cond3A_72 : i32
        scf.if %cond3A_73 {
          %dma_start3A = arith.constant 0 : i32
          %dma_start3A_82 = tpu.memref_slice %arg6[%add3A_58, %dma_start3A] : memref<30x125xi32, #tpu.memory_space<vmem>> -> memref<1x125xi32, #tpu.memory_space<vmem>>
          %dma_start3A_83 = tpu.memref_squeeze %dma_start3A_82 : memref<1x125xi32, #tpu.memory_space<vmem>> -> memref<125xi32, #tpu.memory_space<vmem>>
          %dma_start3A_84 = arith.constant 0 : i32
          %dma_start3A_85 = arith.constant 0 : i32
          %dma_start3A_86 = tpu.memref_slice %arg2[%dma_start3A_84, %dma_start3A_85] : memref<40960x128xf32, #tpu.memory_space<hbm>> -> memref<40960x128xf32, #tpu.memory_space<hbm>>
          tpu.enqueue_indirect_dma source(%dma_start3A_86 : memref<40960x128xf32, #tpu.memory_space<hbm>>) target(%arg10 : memref<125x128xf32, #tpu.memory_space<vmem>>) offsets(%dma_start3A_83 : memref<125xi32, #tpu.memory_space<vmem>>) semaphore(%arg12 : memref<!tpu.dma_semaphore, #tpu.memory_space<semaphore_mem>>)
        } else {
        }
        %ge3A_74 = arith.constant 0 : i32
        %ge3A_75 = arith.cmpi sge, %sub3A_60, %ge3A_74 : i32
        %lt3A_76 = arith.constant 30 : i32
        %lt3A_77 = arith.cmpi slt, %sub3A_60, %lt3A_76 : i32
        %and3A_78 = arith.andi %ge3A_75, %lt3A_77 : i1
        %convert_element_type3A_79 = arith.extui %and3A_78 : i1 to i32
        %cond3A_80 = arith.constant 0 : i32
        %cond3A_81 = arith.cmpi ne, %convert_element_type3A_79, %cond3A_80 : i32
        scf.if %cond3A_81 {
          %dma_wait3A_82 = arith.constant 0 : i32
          %dma_wait3A_83 = tpu.memref_slice %arg6[%sub3A_60, %dma_wait3A_82] : memref<30x125xi32, #tpu.memory_space<vmem>> -> memref<1x125xi32, #tpu.memory_space<vmem>>
          %dma_wait3A_84 = tpu.memref_squeeze %dma_wait3A_83 : memref<1x125xi32, #tpu.memory_space<vmem>> -> memref<125xi32, #tpu.memory_space<vmem>>
          %dma_wait3A_85 = arith.constant 0 : i32
          %dma_wait3A_86 = arith.constant 0 : i32
          %dma_wait3A_87 = tpu.memref_slice %arg2[%dma_wait3A_85, %dma_wait3A_86] : memref<40960x128xf32, #tpu.memory_space<hbm>> -> memref<40960x128xf32, #tpu.memory_space<hbm>>
          tpu.wait_indirect_dma semaphore(%arg11 : memref<!tpu.dma_semaphore, #tpu.memory_space<semaphore_mem>>) src(%dma_wait3A_87 : memref<40960x128xf32, #tpu.memory_space<hbm>>) dst(%arg9 : memref<125x128xf32, #tpu.memory_space<vmem>>)
          %dma_start3A = arith.constant 0 : i32
          %dma_start3A_88 = tpu.memref_slice %arg7[%sub3A_60, %dma_start3A] : memref<30x125xi32, #tpu.memory_space<vmem>> -> memref<1x125xi32, #tpu.memory_space<vmem>>
          %dma_start3A_89 = tpu.memref_squeeze %dma_start3A_88 : memref<1x125xi32, #tpu.memory_space<vmem>> -> memref<125xi32, #tpu.memory_space<vmem>>
          %dma_start3A_90 = arith.constant 0 : i32
          %dma_start3A_91 = arith.constant 0 : i32
          %dma_start3A_92 = tpu.memref_slice %arg8[%dma_start3A_90, %dma_start3A_91] : memref<10240x128xf32, #tpu.memory_space<vmem_shared>> -> memref<10240x128xf32, #tpu.memory_space<vmem_shared>>
          tpu.enqueue_indirect_dma source(%arg9 : memref<125x128xf32, #tpu.memory_space<vmem>>) target(%dma_start3A_92 : memref<10240x128xf32, #tpu.memory_space<vmem_shared>>) offsets(%dma_start3A_89 : memref<125xi32, #tpu.memory_space<vmem>>) semaphore(%arg13 : memref<!tpu.dma_semaphore, #tpu.memory_space<semaphore_mem>>) {add = true}
        } else {
        }
      }
      %scan3A_17 = arith.constant 16 : i32
      %dma_wait3A = arith.constant 28 : i32
      %dma_wait3A_18 = arith.constant 0 : i32
      %dma_wait3A_19 = tpu.memref_slice %arg7[%dma_wait3A, %dma_wait3A_18] : memref<30x125xi32, #tpu.memory_space<vmem>> -> memref<1x125xi32, #tpu.memory_space<vmem>>
      %dma_wait3A_20 = tpu.memref_squeeze %dma_wait3A_19 : memref<1x125xi32, #tpu.memory_space<vmem>> -> memref<125xi32, #tpu.memory_space<vmem>>
      %dma_wait3A_21 = arith.constant 0 : i32
      %dma_wait3A_22 = arith.constant 0 : i32
      %dma_wait3A_23 = tpu.memref_slice %arg8[%dma_wait3A_21, %dma_wait3A_22] : memref<10240x128xf32, #tpu.memory_space<vmem_shared>> -> memref<10240x128xf32, #tpu.memory_space<vmem_shared>>
      tpu.wait_indirect_dma semaphore(%arg13 : memref<!tpu.dma_semaphore, #tpu.memory_space<semaphore_mem>>) src(%arg9 : memref<125x128xf32, #tpu.memory_space<vmem>>) dst(%dma_wait3A_23 : memref<10240x128xf32, #tpu.memory_space<vmem_shared>>)
      %dma_wait3A_24 = arith.constant 29 : i32
      %dma_wait3A_25 = arith.constant 0 : i32
      %dma_wait3A_26 = tpu.memref_slice %arg7[%dma_wait3A_24, %dma_wait3A_25] : memref<30x125xi32, #tpu.memory_space<vmem>> -> memref<1x125xi32, #tpu.memory_space<vmem>>
      %dma_wait3A_27 = tpu.memref_squeeze %dma_wait3A_26 : memref<1x125xi32, #tpu.memory_space<vmem>> -> memref<125xi32, #tpu.memory_space<vmem>>
      %dma_wait3A_28 = arith.constant 0 : i32
      %dma_wait3A_29 = arith.constant 0 : i32
      %dma_wait3A_30 = tpu.memref_slice %arg8[%dma_wait3A_28, %dma_wait3A_29] : memref<10240x128xf32, #tpu.memory_space<vmem_shared>> -> memref<10240x128xf32, #tpu.memory_space<vmem_shared>>
      tpu.wait_indirect_dma semaphore(%arg14 : memref<!tpu.dma_semaphore, #tpu.memory_space<semaphore_mem>>) src(%arg10 : memref<125x128xf32, #tpu.memory_space<vmem>>) dst(%dma_wait3A_30 : memref<10240x128xf32, #tpu.memory_space<vmem_shared>>)
      %barrier3A_31 = arith.constant 0 : index
      tpu.barrier barrier_id(%barrier3A_31)
      %add3A_32 = arith.addi %mul3A_10, %mul3A_0 : i32
      "tpu.region"() ({
        %run_scoped3A = tpu.sem_alloc : memref<!tpu.dma_semaphore, #tpu.memory_space<semaphore_mem>>
        %dma_start3A = arith.constant 0 : i32
        %dma_start3A_33 = tpu.memref_slice %arg5[%add3A_32, %dma_start3A] : memref<40960x128xf32, #tpu.memory_space<hbm>> -> memref<640x128xf32, #tpu.memory_space<hbm>>
        %dma_start3A_34 = arith.constant 0 : i32
        %dma_start3A_35 = tpu.memref_slice %arg8[%mul3A_0, %dma_start3A_34] : memref<10240x128xf32, #tpu.memory_space<vmem_shared>> -> memref<640x128xf32, #tpu.memory_space<vmem_shared>>
        tpu.enqueue_dma source(%dma_start3A_35 : memref<640x128xf32, #tpu.memory_space<vmem_shared>>) target(%dma_start3A_33 : memref<640x128xf32, #tpu.memory_space<hbm>>) target_semaphore(%run_scoped3A : memref<!tpu.dma_semaphore, #tpu.memory_space<semaphore_mem>>)
        %dma_wait3A_36 = arith.constant 0 : i32
        %dma_wait3A_37 = tpu.memref_slice %arg5[%add3A_32, %dma_wait3A_36] : memref<40960x128xf32, #tpu.memory_space<hbm>> -> memref<640x128xf32, #tpu.memory_space<hbm>>
        %dma_wait3A_38 = arith.constant 0 : i32
        %dma_wait3A_39 = tpu.memref_slice %arg8[%mul3A_0, %dma_wait3A_38] : memref<10240x128xf32, #tpu.memory_space<vmem_shared>> -> memref<640x128xf32, #tpu.memory_space<vmem_shared>>
        tpu.wait_dma2 semaphore(%run_scoped3A : memref<!tpu.dma_semaphore, #tpu.memory_space<semaphore_mem>>) src(%dma_wait3A_39 : memref<640x128xf32, #tpu.memory_space<vmem_shared>>) dst(%dma_wait3A_37 : memref<640x128xf32, #tpu.memory_space<hbm>>)
        tpu.yield
      }) : () -> ()
    }
    %scan3A_5 = arith.constant 2 : i32
    return
  }
}

#map = affine_map<(d0, d1) -> (0, 0)>
#map1 = affine_map<(d0, d1) -> (0, 0, 0, 0)>
module attributes {stable_mosaic.version = 14 : i64} {
  func.func @k(%arg0: i32, %arg1: i32, %arg2: memref<61440x128xf32, #tpu.memory_space<hbm>>, %arg3: memref<6x16x30x125xi32, #tpu.memory_space<hbm>>, %arg4: memref<6x16x30x125xi32, #tpu.memory_space<hbm>>, %arg5: memref<61440x128xf32, #tpu.memory_space<hbm>>, %arg6: memref<30x125xi32, #tpu.memory_space<vmem>>, %arg7: memref<30x125xi32, #tpu.memory_space<vmem>>, %arg8: memref<10240x128xf32, #tpu.memory_space<vmem_shared>>, %arg9: memref<125x128xf32, #tpu.memory_space<vmem>>, %arg10: memref<125x128xf32, #tpu.memory_space<vmem>>, %arg11: memref<!tpu.dma_semaphore, #tpu.memory_space<semaphore_mem>>, %arg12: memref<!tpu.dma_semaphore, #tpu.memory_space<semaphore_mem>>, %arg13: memref<!tpu.dma_semaphore, #tpu.memory_space<semaphore_mem>>, %arg14: memref<!tpu.dma_semaphore, #tpu.memory_space<semaphore_mem>>) attributes {dimension_semantics = [#tpu.dimension_semantics<core_parallel>, #tpu.dimension_semantics<subcore_parallel>], iteration_bounds = array<i64: 2, 16>, scalar_prefetch = 0 : i64, scratch_operands = 9 : i64, tpu.core_type = #tpu.core_type<sc_vector_subcore>, window_params = [{transform_indices = #map}, {transform_indices = #map1}, {transform_indices = #map1}, {transform_indices = #map}]} {
    %mul3A = arith.constant 640 : i32
    %mul3A_0 = arith.muli %arg1, %mul3A : i32
    %scan3A = arith.constant 0 : i32
    %scan3A_1 = arith.constant 0 : i32
    %scan3A_2 = arith.constant 3 : i32
    %scan3A_3 = arith.addi %scan3A_1, %scan3A_2 : i32
    %scan3A_4 = arith.constant 1 : i32
    scf.for %scan3A_6 = %scan3A_1 to %scan3A_3 step %scan3A_4  : i32 {
      %mul3A_7 = arith.constant 3 : i32
      %mul3A_8 = arith.muli %arg0, %mul3A_7 : i32
      %add3A = arith.addi %mul3A_8, %scan3A_6 : i32
      %mul3A_9 = arith.constant 10240 : i32
      %mul3A_10 = arith.muli %add3A, %mul3A_9 : i32
      %add3A_11 = arith.addi %mul3A_10, %mul3A_0 : i32
      "tpu.region"() ({
        %run_scoped3A = tpu.sem_alloc : memref<!tpu.dma_semaphore, #tpu.memory_space<semaphore_mem>>
        %dma_start3A = arith.constant 0 : i32
        %dma_start3A_33 = tpu.memref_slice %arg8[%mul3A_0, %dma_start3A] : memref<10240x128xf32, #tpu.memory_space<vmem_shared>> -> memref<640x128xf32, #tpu.memory_space<vmem_shared>>
        %dma_start3A_34 = arith.constant 0 : i32
        %dma_start3A_35 = tpu.memref_slice %arg2[%add3A_11, %dma_start3A_34] : memref<61440x128xf32, #tpu.memory_space<hbm>> -> memref<640x128xf32, #tpu.memory_space<hbm>>
        tpu.enqueue_dma source(%dma_start3A_35 : memref<640x128xf32, #tpu.memory_space<hbm>>) target(%dma_start3A_33 : memref<640x128xf32, #tpu.memory_space<vmem_shared>>) target_semaphore(%run_scoped3A : memref<!tpu.dma_semaphore, #tpu.memory_space<semaphore_mem>>)
        %dma_wait3A_36 = arith.constant 0 : i32
        %dma_wait3A_37 = tpu.memref_slice %arg8[%mul3A_0, %dma_wait3A_36] : memref<10240x128xf32, #tpu.memory_space<vmem_shared>> -> memref<640x128xf32, #tpu.memory_space<vmem_shared>>
        %dma_wait3A_38 = arith.constant 0 : i32
        %dma_wait3A_39 = tpu.memref_slice %arg2[%add3A_11, %dma_wait3A_38] : memref<61440x128xf32, #tpu.memory_space<hbm>> -> memref<640x128xf32, #tpu.memory_space<hbm>>
        tpu.wait_dma2 semaphore(%run_scoped3A : memref<!tpu.dma_semaphore, #tpu.memory_space<semaphore_mem>>) src(%dma_wait3A_39 : memref<640x128xf32, #tpu.memory_space<hbm>>) dst(%dma_wait3A_37 : memref<640x128xf32, #tpu.memory_space<vmem_shared>>)
        tpu.yield
      }) : () -> ()
      "tpu.region"() ({
        %run_scoped3A = tpu.sem_alloc : memref<!tpu.dma_semaphore, #tpu.memory_space<semaphore_mem>>
        %dma_start3A = arith.constant 0 : i32
        %dma_start3A_33 = arith.constant 0 : i32
        %dma_start3A_34 = tpu.memref_slice %arg3[%add3A, %arg1, %dma_start3A, %dma_start3A_33] : memref<6x16x30x125xi32, #tpu.memory_space<hbm>> -> memref<1x1x30x125xi32, #tpu.memory_space<hbm>>
        %dma_start3A_35 = tpu.memref_squeeze %dma_start3A_34 : memref<1x1x30x125xi32, #tpu.memory_space<hbm>> -> memref<30x125xi32, #tpu.memory_space<hbm>>
        %dma_start3A_36 = arith.constant 0 : i32
        %dma_start3A_37 = arith.constant 0 : i32
        %dma_start3A_38 = tpu.memref_slice %arg3[%add3A, %arg1, %dma_start3A_36, %dma_start3A_37] : memref<6x16x30x125xi32, #tpu.memory_space<hbm>> -> memref<1x1x30x125xi32, #tpu.memory_space<hbm>>
        %dma_start3A_39 = tpu.memref_squeeze %dma_start3A_38 : memref<1x1x30x125xi32, #tpu.memory_space<hbm>> -> memref<30x125xi32, #tpu.memory_space<hbm>>
        tpu.enqueue_dma source(%dma_start3A_39 : memref<30x125xi32, #tpu.memory_space<hbm>>) target(%arg6 : memref<30x125xi32, #tpu.memory_space<vmem>>) target_semaphore(%run_scoped3A : memref<!tpu.dma_semaphore, #tpu.memory_space<semaphore_mem>>)
        %dma_wait3A_40 = arith.constant 0 : i32
        %dma_wait3A_41 = arith.constant 0 : i32
        %dma_wait3A_42 = tpu.memref_slice %arg3[%add3A, %arg1, %dma_wait3A_40, %dma_wait3A_41] : memref<6x16x30x125xi32, #tpu.memory_space<hbm>> -> memref<1x1x30x125xi32, #tpu.memory_space<hbm>>
        %dma_wait3A_43 = tpu.memref_squeeze %dma_wait3A_42 : memref<1x1x30x125xi32, #tpu.memory_space<hbm>> -> memref<30x125xi32, #tpu.memory_space<hbm>>
        %dma_wait3A_44 = arith.constant 0 : i32
        %dma_wait3A_45 = arith.constant 0 : i32
        %dma_wait3A_46 = tpu.memref_slice %arg3[%add3A, %arg1, %dma_wait3A_44, %dma_wait3A_45] : memref<6x16x30x125xi32, #tpu.memory_space<hbm>> -> memref<1x1x30x125xi32, #tpu.memory_space<hbm>>
        %dma_wait3A_47 = tpu.memref_squeeze %dma_wait3A_46 : memref<1x1x30x125xi32, #tpu.memory_space<hbm>> -> memref<30x125xi32, #tpu.memory_space<hbm>>
        tpu.wait_dma2 semaphore(%run_scoped3A : memref<!tpu.dma_semaphore, #tpu.memory_space<semaphore_mem>>) src(%dma_wait3A_47 : memref<30x125xi32, #tpu.memory_space<hbm>>) dst(%arg6 : memref<30x125xi32, #tpu.memory_space<vmem>>)
        tpu.yield
      }) : () -> ()
      "tpu.region"() ({
        %run_scoped3A = tpu.sem_alloc : memref<!tpu.dma_semaphore, #tpu.memory_space<semaphore_mem>>
        %dma_start3A = arith.constant 0 : i32
        %dma_start3A_33 = arith.constant 0 : i32
        %dma_start3A_34 = tpu.memref_slice %arg4[%add3A, %arg1, %dma_start3A, %dma_start3A_33] : memref<6x16x30x125xi32, #tpu.memory_space<hbm>> -> memref<1x1x30x125xi32, #tpu.memory_space<hbm>>
        %dma_start3A_35 = tpu.memref_squeeze %dma_start3A_34 : memref<1x1x30x125xi32, #tpu.memory_space<hbm>> -> memref<30x125xi32, #tpu.memory_space<hbm>>
        %dma_start3A_36 = arith.constant 0 : i32
        %dma_start3A_37 = arith.constant 0 : i32
        %dma_start3A_38 = tpu.memref_slice %arg4[%add3A, %arg1, %dma_start3A_36, %dma_start3A_37] : memref<6x16x30x125xi32, #tpu.memory_space<hbm>> -> memref<1x1x30x125xi32, #tpu.memory_space<hbm>>
        %dma_start3A_39 = tpu.memref_squeeze %dma_start3A_38 : memref<1x1x30x125xi32, #tpu.memory_space<hbm>> -> memref<30x125xi32, #tpu.memory_space<hbm>>
        tpu.enqueue_dma source(%dma_start3A_39 : memref<30x125xi32, #tpu.memory_space<hbm>>) target(%arg7 : memref<30x125xi32, #tpu.memory_space<vmem>>) target_semaphore(%run_scoped3A : memref<!tpu.dma_semaphore, #tpu.memory_space<semaphore_mem>>)
        %dma_wait3A_40 = arith.constant 0 : i32
        %dma_wait3A_41 = arith.constant 0 : i32
        %dma_wait3A_42 = tpu.memref_slice %arg4[%add3A, %arg1, %dma_wait3A_40, %dma_wait3A_41] : memref<6x16x30x125xi32, #tpu.memory_space<hbm>> -> memref<1x1x30x125xi32, #tpu.memory_space<hbm>>
        %dma_wait3A_43 = tpu.memref_squeeze %dma_wait3A_42 : memref<1x1x30x125xi32, #tpu.memory_space<hbm>> -> memref<30x125xi32, #tpu.memory_space<hbm>>
        %dma_wait3A_44 = arith.constant 0 : i32
        %dma_wait3A_45 = arith.constant 0 : i32
        %dma_wait3A_46 = tpu.memref_slice %arg4[%add3A, %arg1, %dma_wait3A_44, %dma_wait3A_45] : memref<6x16x30x125xi32, #tpu.memory_space<hbm>> -> memref<1x1x30x125xi32, #tpu.memory_space<hbm>>
        %dma_wait3A_47 = tpu.memref_squeeze %dma_wait3A_46 : memref<1x1x30x125xi32, #tpu.memory_space<hbm>> -> memref<30x125xi32, #tpu.memory_space<hbm>>
        tpu.wait_dma2 semaphore(%run_scoped3A : memref<!tpu.dma_semaphore, #tpu.memory_space<semaphore_mem>>) src(%dma_wait3A_47 : memref<30x125xi32, #tpu.memory_space<hbm>>) dst(%arg7 : memref<30x125xi32, #tpu.memory_space<vmem>>)
        tpu.yield
      }) : () -> ()
      %barrier3A = arith.constant 0 : index
      tpu.barrier barrier_id(%barrier3A)
      %scan3A_12 = arith.constant 0 : i32
      %scan3A_13 = arith.constant 0 : i32
      %scan3A_14 = arith.constant 16 : i32
      %scan3A_15 = arith.addi %scan3A_13, %scan3A_14 : i32
      %scan3A_16 = arith.constant 1 : i32
      scf.for %scan3A_33 = %scan3A_13 to %scan3A_15 step %scan3A_16  : i32 {
        %mul3A_34 = arith.constant 2 : i32
        %mul3A_35 = arith.muli %scan3A_33, %mul3A_34 : i32
        %add3A_36 = arith.constant 0 : i32
        %add3A_37 = arith.addi %mul3A_35, %add3A_36 : i32
        %sub3A = arith.constant 1 : i32
        %sub3A_38 = arith.subi %add3A_37, %sub3A : i32
        %lt3A = arith.constant 30 : i32
        %lt3A_39 = arith.cmpi slt, %add3A_37, %lt3A : i32
        %ge3A = arith.constant 2 : i32
        %ge3A_40 = arith.cmpi sge, %add3A_37, %ge3A : i32
        %and3A = arith.andi %lt3A_39, %ge3A_40 : i1
        %convert_element_type3A = arith.extui %and3A : i1 to i32
        %cond3A = arith.constant 0 : i32
        %cond3A_41 = arith.cmpi ne, %convert_element_type3A, %cond3A : i32
        scf.if %cond3A_41 {
          %sub3A_82 = arith.constant 2 : i32
          %sub3A_83 = arith.subi %add3A_37, %sub3A_82 : i32
          %dma_wait3A_84 = arith.constant 0 : i32
          %dma_wait3A_85 = tpu.memref_slice %arg7[%sub3A_83, %dma_wait3A_84] : memref<30x125xi32, #tpu.memory_space<vmem>> -> memref<1x125xi32, #tpu.memory_space<vmem>>
          %dma_wait3A_86 = tpu.memref_squeeze %dma_wait3A_85 : memref<1x125xi32, #tpu.memory_space<vmem>> -> memref<125xi32, #tpu.memory_space<vmem>>
          %dma_wait3A_87 = arith.constant 0 : i32
          %dma_wait3A_88 = arith.constant 0 : i32
          %dma_wait3A_89 = tpu.memref_slice %arg8[%dma_wait3A_87, %dma_wait3A_88] : memref<10240x128xf32, #tpu.memory_space<vmem_shared>> -> memref<10240x128xf32, #tpu.memory_space<vmem_shared>>
          tpu.wait_indirect_dma semaphore(%arg13 : memref<!tpu.dma_semaphore, #tpu.memory_space<semaphore_mem>>) src(%arg9 : memref<125x128xf32, #tpu.memory_space<vmem>>) dst(%dma_wait3A_89 : memref<10240x128xf32, #tpu.memory_space<vmem_shared>>)
        } else {
        }
        %lt3A_42 = arith.constant 30 : i32
        %lt3A_43 = arith.cmpi slt, %add3A_37, %lt3A_42 : i32
        %convert_element_type3A_44 = arith.extui %lt3A_43 : i1 to i32
        %cond3A_45 = arith.constant 0 : i32
        %cond3A_46 = arith.cmpi ne, %convert_element_type3A_44, %cond3A_45 : i32
        scf.if %cond3A_46 {
          %dma_start3A = arith.constant 0 : i32
          %dma_start3A_82 = tpu.memref_slice %arg6[%add3A_37, %dma_start3A] : memref<30x125xi32, #tpu.memory_space<vmem>> -> memref<1x125xi32, #tpu.memory_space<vmem>>
          %dma_start3A_83 = tpu.memref_squeeze %dma_start3A_82 : memref<1x125xi32, #tpu.memory_space<vmem>> -> memref<125xi32, #tpu.memory_space<vmem>>
          %dma_start3A_84 = arith.constant 0 : i32
          %dma_start3A_85 = arith.constant 0 : i32
          %dma_start3A_86 = tpu.memref_slice %arg2[%dma_start3A_84, %dma_start3A_85] : memref<61440x128xf32, #tpu.memory_space<hbm>> -> memref<61440x128xf32, #tpu.memory_space<hbm>>
          tpu.enqueue_indirect_dma source(%dma_start3A_86 : memref<61440x128xf32, #tpu.memory_space<hbm>>) target(%arg9 : memref<125x128xf32, #tpu.memory_space<vmem>>) offsets(%dma_start3A_83 : memref<125xi32, #tpu.memory_space<vmem>>) semaphore(%arg11 : memref<!tpu.dma_semaphore, #tpu.memory_space<semaphore_mem>>)
        } else {
        }
        %ge3A_47 = arith.constant 0 : i32
        %ge3A_48 = arith.cmpi sge, %sub3A_38, %ge3A_47 : i32
        %lt3A_49 = arith.constant 30 : i32
        %lt3A_50 = arith.cmpi slt, %sub3A_38, %lt3A_49 : i32
        %and3A_51 = arith.andi %ge3A_48, %lt3A_50 : i1
        %convert_element_type3A_52 = arith.extui %and3A_51 : i1 to i32
        %cond3A_53 = arith.constant 0 : i32
        %cond3A_54 = arith.cmpi ne, %convert_element_type3A_52, %cond3A_53 : i32
        scf.if %cond3A_54 {
          %dma_wait3A_82 = arith.constant 0 : i32
          %dma_wait3A_83 = tpu.memref_slice %arg6[%sub3A_38, %dma_wait3A_82] : memref<30x125xi32, #tpu.memory_space<vmem>> -> memref<1x125xi32, #tpu.memory_space<vmem>>
          %dma_wait3A_84 = tpu.memref_squeeze %dma_wait3A_83 : memref<1x125xi32, #tpu.memory_space<vmem>> -> memref<125xi32, #tpu.memory_space<vmem>>
          %dma_wait3A_85 = arith.constant 0 : i32
          %dma_wait3A_86 = arith.constant 0 : i32
          %dma_wait3A_87 = tpu.memref_slice %arg2[%dma_wait3A_85, %dma_wait3A_86] : memref<61440x128xf32, #tpu.memory_space<hbm>> -> memref<61440x128xf32, #tpu.memory_space<hbm>>
          tpu.wait_indirect_dma semaphore(%arg12 : memref<!tpu.dma_semaphore, #tpu.memory_space<semaphore_mem>>) src(%dma_wait3A_87 : memref<61440x128xf32, #tpu.memory_space<hbm>>) dst(%arg10 : memref<125x128xf32, #tpu.memory_space<vmem>>)
          %dma_start3A = arith.constant 0 : i32
          %dma_start3A_88 = tpu.memref_slice %arg7[%sub3A_38, %dma_start3A] : memref<30x125xi32, #tpu.memory_space<vmem>> -> memref<1x125xi32, #tpu.memory_space<vmem>>
          %dma_start3A_89 = tpu.memref_squeeze %dma_start3A_88 : memref<1x125xi32, #tpu.memory_space<vmem>> -> memref<125xi32, #tpu.memory_space<vmem>>
          %dma_start3A_90 = arith.constant 0 : i32
          %dma_start3A_91 = arith.constant 0 : i32
          %dma_start3A_92 = tpu.memref_slice %arg8[%dma_start3A_90, %dma_start3A_91] : memref<10240x128xf32, #tpu.memory_space<vmem_shared>> -> memref<10240x128xf32, #tpu.memory_space<vmem_shared>>
          tpu.enqueue_indirect_dma source(%arg10 : memref<125x128xf32, #tpu.memory_space<vmem>>) target(%dma_start3A_92 : memref<10240x128xf32, #tpu.memory_space<vmem_shared>>) offsets(%dma_start3A_89 : memref<125xi32, #tpu.memory_space<vmem>>) semaphore(%arg14 : memref<!tpu.dma_semaphore, #tpu.memory_space<semaphore_mem>>) {add = true}
        } else {
        }
        %mul3A_55 = arith.constant 2 : i32
        %mul3A_56 = arith.muli %scan3A_33, %mul3A_55 : i32
        %add3A_57 = arith.constant 1 : i32
        %add3A_58 = arith.addi %mul3A_56, %add3A_57 : i32
        %sub3A_59 = arith.constant 1 : i32
        %sub3A_60 = arith.subi %add3A_58, %sub3A_59 : i32
        %lt3A_61 = arith.constant 30 : i32
        %lt3A_62 = arith.cmpi slt, %add3A_58, %lt3A_61 : i32
        %ge3A_63 = arith.constant 2 : i32
        %ge3A_64 = arith.cmpi sge, %add3A_58, %ge3A_63 : i32
        %and3A_65 = arith.andi %lt3A_62, %ge3A_64 : i1
        %convert_element_type3A_66 = arith.extui %and3A_65 : i1 to i32
        %cond3A_67 = arith.constant 0 : i32
        %cond3A_68 = arith.cmpi ne, %convert_element_type3A_66, %cond3A_67 : i32
        scf.if %cond3A_68 {
          %sub3A_82 = arith.constant 2 : i32
          %sub3A_83 = arith.subi %add3A_58, %sub3A_82 : i32
          %dma_wait3A_84 = arith.constant 0 : i32
          %dma_wait3A_85 = tpu.memref_slice %arg7[%sub3A_83, %dma_wait3A_84] : memref<30x125xi32, #tpu.memory_space<vmem>> -> memref<1x125xi32, #tpu.memory_space<vmem>>
          %dma_wait3A_86 = tpu.memref_squeeze %dma_wait3A_85 : memref<1x125xi32, #tpu.memory_space<vmem>> -> memref<125xi32, #tpu.memory_space<vmem>>
          %dma_wait3A_87 = arith.constant 0 : i32
          %dma_wait3A_88 = arith.constant 0 : i32
          %dma_wait3A_89 = tpu.memref_slice %arg8[%dma_wait3A_87, %dma_wait3A_88] : memref<10240x128xf32, #tpu.memory_space<vmem_shared>> -> memref<10240x128xf32, #tpu.memory_space<vmem_shared>>
          tpu.wait_indirect_dma semaphore(%arg14 : memref<!tpu.dma_semaphore, #tpu.memory_space<semaphore_mem>>) src(%arg10 : memref<125x128xf32, #tpu.memory_space<vmem>>) dst(%dma_wait3A_89 : memref<10240x128xf32, #tpu.memory_space<vmem_shared>>)
        } else {
        }
        %lt3A_69 = arith.constant 30 : i32
        %lt3A_70 = arith.cmpi slt, %add3A_58, %lt3A_69 : i32
        %convert_element_type3A_71 = arith.extui %lt3A_70 : i1 to i32
        %cond3A_72 = arith.constant 0 : i32
        %cond3A_73 = arith.cmpi ne, %convert_element_type3A_71, %cond3A_72 : i32
        scf.if %cond3A_73 {
          %dma_start3A = arith.constant 0 : i32
          %dma_start3A_82 = tpu.memref_slice %arg6[%add3A_58, %dma_start3A] : memref<30x125xi32, #tpu.memory_space<vmem>> -> memref<1x125xi32, #tpu.memory_space<vmem>>
          %dma_start3A_83 = tpu.memref_squeeze %dma_start3A_82 : memref<1x125xi32, #tpu.memory_space<vmem>> -> memref<125xi32, #tpu.memory_space<vmem>>
          %dma_start3A_84 = arith.constant 0 : i32
          %dma_start3A_85 = arith.constant 0 : i32
          %dma_start3A_86 = tpu.memref_slice %arg2[%dma_start3A_84, %dma_start3A_85] : memref<61440x128xf32, #tpu.memory_space<hbm>> -> memref<61440x128xf32, #tpu.memory_space<hbm>>
          tpu.enqueue_indirect_dma source(%dma_start3A_86 : memref<61440x128xf32, #tpu.memory_space<hbm>>) target(%arg10 : memref<125x128xf32, #tpu.memory_space<vmem>>) offsets(%dma_start3A_83 : memref<125xi32, #tpu.memory_space<vmem>>) semaphore(%arg12 : memref<!tpu.dma_semaphore, #tpu.memory_space<semaphore_mem>>)
        } else {
        }
        %ge3A_74 = arith.constant 0 : i32
        %ge3A_75 = arith.cmpi sge, %sub3A_60, %ge3A_74 : i32
        %lt3A_76 = arith.constant 30 : i32
        %lt3A_77 = arith.cmpi slt, %sub3A_60, %lt3A_76 : i32
        %and3A_78 = arith.andi %ge3A_75, %lt3A_77 : i1
        %convert_element_type3A_79 = arith.extui %and3A_78 : i1 to i32
        %cond3A_80 = arith.constant 0 : i32
        %cond3A_81 = arith.cmpi ne, %convert_element_type3A_79, %cond3A_80 : i32
        scf.if %cond3A_81 {
          %dma_wait3A_82 = arith.constant 0 : i32
          %dma_wait3A_83 = tpu.memref_slice %arg6[%sub3A_60, %dma_wait3A_82] : memref<30x125xi32, #tpu.memory_space<vmem>> -> memref<1x125xi32, #tpu.memory_space<vmem>>
          %dma_wait3A_84 = tpu.memref_squeeze %dma_wait3A_83 : memref<1x125xi32, #tpu.memory_space<vmem>> -> memref<125xi32, #tpu.memory_space<vmem>>
          %dma_wait3A_85 = arith.constant 0 : i32
          %dma_wait3A_86 = arith.constant 0 : i32
          %dma_wait3A_87 = tpu.memref_slice %arg2[%dma_wait3A_85, %dma_wait3A_86] : memref<61440x128xf32, #tpu.memory_space<hbm>> -> memref<61440x128xf32, #tpu.memory_space<hbm>>
          tpu.wait_indirect_dma semaphore(%arg11 : memref<!tpu.dma_semaphore, #tpu.memory_space<semaphore_mem>>) src(%dma_wait3A_87 : memref<61440x128xf32, #tpu.memory_space<hbm>>) dst(%arg9 : memref<125x128xf32, #tpu.memory_space<vmem>>)
          %dma_start3A = arith.constant 0 : i32
          %dma_start3A_88 = tpu.memref_slice %arg7[%sub3A_60, %dma_start3A] : memref<30x125xi32, #tpu.memory_space<vmem>> -> memref<1x125xi32, #tpu.memory_space<vmem>>
          %dma_start3A_89 = tpu.memref_squeeze %dma_start3A_88 : memref<1x125xi32, #tpu.memory_space<vmem>> -> memref<125xi32, #tpu.memory_space<vmem>>
          %dma_start3A_90 = arith.constant 0 : i32
          %dma_start3A_91 = arith.constant 0 : i32
          %dma_start3A_92 = tpu.memref_slice %arg8[%dma_start3A_90, %dma_start3A_91] : memref<10240x128xf32, #tpu.memory_space<vmem_shared>> -> memref<10240x128xf32, #tpu.memory_space<vmem_shared>>
          tpu.enqueue_indirect_dma source(%arg9 : memref<125x128xf32, #tpu.memory_space<vmem>>) target(%dma_start3A_92 : memref<10240x128xf32, #tpu.memory_space<vmem_shared>>) offsets(%dma_start3A_89 : memref<125xi32, #tpu.memory_space<vmem>>) semaphore(%arg13 : memref<!tpu.dma_semaphore, #tpu.memory_space<semaphore_mem>>) {add = true}
        } else {
        }
      }
      %scan3A_17 = arith.constant 16 : i32
      %dma_wait3A = arith.constant 28 : i32
      %dma_wait3A_18 = arith.constant 0 : i32
      %dma_wait3A_19 = tpu.memref_slice %arg7[%dma_wait3A, %dma_wait3A_18] : memref<30x125xi32, #tpu.memory_space<vmem>> -> memref<1x125xi32, #tpu.memory_space<vmem>>
      %dma_wait3A_20 = tpu.memref_squeeze %dma_wait3A_19 : memref<1x125xi32, #tpu.memory_space<vmem>> -> memref<125xi32, #tpu.memory_space<vmem>>
      %dma_wait3A_21 = arith.constant 0 : i32
      %dma_wait3A_22 = arith.constant 0 : i32
      %dma_wait3A_23 = tpu.memref_slice %arg8[%dma_wait3A_21, %dma_wait3A_22] : memref<10240x128xf32, #tpu.memory_space<vmem_shared>> -> memref<10240x128xf32, #tpu.memory_space<vmem_shared>>
      tpu.wait_indirect_dma semaphore(%arg13 : memref<!tpu.dma_semaphore, #tpu.memory_space<semaphore_mem>>) src(%arg9 : memref<125x128xf32, #tpu.memory_space<vmem>>) dst(%dma_wait3A_23 : memref<10240x128xf32, #tpu.memory_space<vmem_shared>>)
      %dma_wait3A_24 = arith.constant 29 : i32
      %dma_wait3A_25 = arith.constant 0 : i32
      %dma_wait3A_26 = tpu.memref_slice %arg7[%dma_wait3A_24, %dma_wait3A_25] : memref<30x125xi32, #tpu.memory_space<vmem>> -> memref<1x125xi32, #tpu.memory_space<vmem>>
      %dma_wait3A_27 = tpu.memref_squeeze %dma_wait3A_26 : memref<1x125xi32, #tpu.memory_space<vmem>> -> memref<125xi32, #tpu.memory_space<vmem>>
      %dma_wait3A_28 = arith.constant 0 : i32
      %dma_wait3A_29 = arith.constant 0 : i32
      %dma_wait3A_30 = tpu.memref_slice %arg8[%dma_wait3A_28, %dma_wait3A_29] : memref<10240x128xf32, #tpu.memory_space<vmem_shared>> -> memref<10240x128xf32, #tpu.memory_space<vmem_shared>>
      tpu.wait_indirect_dma semaphore(%arg14 : memref<!tpu.dma_semaphore, #tpu.memory_space<semaphore_mem>>) src(%arg10 : memref<125x128xf32, #tpu.memory_space<vmem>>) dst(%dma_wait3A_30 : memref<10240x128xf32, #tpu.memory_space<vmem_shared>>)
      %barrier3A_31 = arith.constant 0 : index
      tpu.barrier barrier_id(%barrier3A_31)
      %add3A_32 = arith.addi %mul3A_10, %mul3A_0 : i32
      "tpu.region"() ({
        %run_scoped3A = tpu.sem_alloc : memref<!tpu.dma_semaphore, #tpu.memory_space<semaphore_mem>>
        %dma_start3A = arith.constant 0 : i32
        %dma_start3A_33 = tpu.memref_slice %arg5[%add3A_32, %dma_start3A] : memref<61440x128xf32, #tpu.memory_space<hbm>> -> memref<640x128xf32, #tpu.memory_space<hbm>>
        %dma_start3A_34 = arith.constant 0 : i32
        %dma_start3A_35 = tpu.memref_slice %arg8[%mul3A_0, %dma_start3A_34] : memref<10240x128xf32, #tpu.memory_space<vmem_shared>> -> memref<640x128xf32, #tpu.memory_space<vmem_shared>>
        tpu.enqueue_dma source(%dma_start3A_35 : memref<640x128xf32, #tpu.memory_space<vmem_shared>>) target(%dma_start3A_33 : memref<640x128xf32, #tpu.memory_space<hbm>>) target_semaphore(%run_scoped3A : memref<!tpu.dma_semaphore, #tpu.memory_space<semaphore_mem>>)
        %dma_wait3A_36 = arith.constant 0 : i32
        %dma_wait3A_37 = tpu.memref_slice %arg5[%add3A_32, %dma_wait3A_36] : memref<61440x128xf32, #tpu.memory_space<hbm>> -> memref<640x128xf32, #tpu.memory_space<hbm>>
        %dma_wait3A_38 = arith.constant 0 : i32
        %dma_wait3A_39 = tpu.memref_slice %arg8[%mul3A_0, %dma_wait3A_38] : memref<10240x128xf32, #tpu.memory_space<vmem_shared>> -> memref<640x128xf32, #tpu.memory_space<vmem_shared>>
        tpu.wait_dma2 semaphore(%run_scoped3A : memref<!tpu.dma_semaphore, #tpu.memory_space<semaphore_mem>>) src(%dma_wait3A_39 : memref<640x128xf32, #tpu.memory_space<vmem_shared>>) dst(%dma_wait3A_37 : memref<640x128xf32, #tpu.memory_space<hbm>>)
        tpu.yield
      }) : () -> ()
    }
    %scan3A_5 = arith.constant 3 : i32
    return
  }
}

#map = affine_map<(d0, d1) -> (0, 0)>
#map1 = affine_map<(d0, d1) -> (0, 0, 0, 0)>
module attributes {stable_mosaic.version = 14 : i64} {
  func.func @k(%arg0: i32, %arg1: i32, %arg2: memref<40960x128xf32, #tpu.memory_space<hbm>>, %arg3: memref<4x16x30x125xi32, #tpu.memory_space<hbm>>, %arg4: memref<4x16x30x125xi32, #tpu.memory_space<hbm>>, %arg5: memref<40960x128xf32, #tpu.memory_space<hbm>>, %arg6: memref<30x125xi32, #tpu.memory_space<vmem>>, %arg7: memref<30x125xi32, #tpu.memory_space<vmem>>, %arg8: memref<10240x128xf32, #tpu.memory_space<vmem_shared>>, %arg9: memref<125x128xf32, #tpu.memory_space<vmem>>, %arg10: memref<125x128xf32, #tpu.memory_space<vmem>>, %arg11: memref<!tpu.dma_semaphore, #tpu.memory_space<semaphore_mem>>, %arg12: memref<!tpu.dma_semaphore, #tpu.memory_space<semaphore_mem>>, %arg13: memref<!tpu.dma_semaphore, #tpu.memory_space<semaphore_mem>>, %arg14: memref<!tpu.dma_semaphore, #tpu.memory_space<semaphore_mem>>) attributes {dimension_semantics = [#tpu.dimension_semantics<core_parallel>, #tpu.dimension_semantics<subcore_parallel>], iteration_bounds = array<i64: 2, 16>, scalar_prefetch = 0 : i64, scratch_operands = 9 : i64, tpu.core_type = #tpu.core_type<sc_vector_subcore>, window_params = [{transform_indices = #map}, {transform_indices = #map1}, {transform_indices = #map1}, {transform_indices = #map}]} {
    %mul3A = arith.constant 640 : i32
    %mul3A_0 = arith.muli %arg1, %mul3A : i32
    %scan3A = arith.constant 0 : i32
    %scan3A_1 = arith.constant 0 : i32
    %scan3A_2 = arith.constant 2 : i32
    %scan3A_3 = arith.addi %scan3A_1, %scan3A_2 : i32
    %scan3A_4 = arith.constant 1 : i32
    scf.for %scan3A_6 = %scan3A_1 to %scan3A_3 step %scan3A_4  : i32 {
      %mul3A_7 = arith.constant 2 : i32
      %mul3A_8 = arith.muli %arg0, %mul3A_7 : i32
      %add3A = arith.addi %mul3A_8, %scan3A_6 : i32
      %mul3A_9 = arith.constant 10240 : i32
      %mul3A_10 = arith.muli %add3A, %mul3A_9 : i32
      %add3A_11 = arith.addi %mul3A_10, %mul3A_0 : i32
      "tpu.region"() ({
        %run_scoped3A = tpu.sem_alloc : memref<!tpu.dma_semaphore, #tpu.memory_space<semaphore_mem>>
        %dma_start3A = arith.constant 0 : i32
        %dma_start3A_33 = tpu.memref_slice %arg8[%mul3A_0, %dma_start3A] : memref<10240x128xf32, #tpu.memory_space<vmem_shared>> -> memref<640x128xf32, #tpu.memory_space<vmem_shared>>
        %dma_start3A_34 = arith.constant 0 : i32
        %dma_start3A_35 = tpu.memref_slice %arg2[%add3A_11, %dma_start3A_34] : memref<40960x128xf32, #tpu.memory_space<hbm>> -> memref<640x128xf32, #tpu.memory_space<hbm>>
        tpu.enqueue_dma source(%dma_start3A_35 : memref<640x128xf32, #tpu.memory_space<hbm>>) target(%dma_start3A_33 : memref<640x128xf32, #tpu.memory_space<vmem_shared>>) target_semaphore(%run_scoped3A : memref<!tpu.dma_semaphore, #tpu.memory_space<semaphore_mem>>)
        %dma_wait3A_36 = arith.constant 0 : i32
        %dma_wait3A_37 = tpu.memref_slice %arg8[%mul3A_0, %dma_wait3A_36] : memref<10240x128xf32, #tpu.memory_space<vmem_shared>> -> memref<640x128xf32, #tpu.memory_space<vmem_shared>>
        %dma_wait3A_38 = arith.constant 0 : i32
        %dma_wait3A_39 = tpu.memref_slice %arg2[%add3A_11, %dma_wait3A_38] : memref<40960x128xf32, #tpu.memory_space<hbm>> -> memref<640x128xf32, #tpu.memory_space<hbm>>
        tpu.wait_dma2 semaphore(%run_scoped3A : memref<!tpu.dma_semaphore, #tpu.memory_space<semaphore_mem>>) src(%dma_wait3A_39 : memref<640x128xf32, #tpu.memory_space<hbm>>) dst(%dma_wait3A_37 : memref<640x128xf32, #tpu.memory_space<vmem_shared>>)
        tpu.yield
      }) : () -> ()
      "tpu.region"() ({
        %run_scoped3A = tpu.sem_alloc : memref<!tpu.dma_semaphore, #tpu.memory_space<semaphore_mem>>
        %dma_start3A = arith.constant 0 : i32
        %dma_start3A_33 = arith.constant 0 : i32
        %dma_start3A_34 = tpu.memref_slice %arg3[%add3A, %arg1, %dma_start3A, %dma_start3A_33] : memref<4x16x30x125xi32, #tpu.memory_space<hbm>> -> memref<1x1x30x125xi32, #tpu.memory_space<hbm>>
        %dma_start3A_35 = tpu.memref_squeeze %dma_start3A_34 : memref<1x1x30x125xi32, #tpu.memory_space<hbm>> -> memref<30x125xi32, #tpu.memory_space<hbm>>
        %dma_start3A_36 = arith.constant 0 : i32
        %dma_start3A_37 = arith.constant 0 : i32
        %dma_start3A_38 = tpu.memref_slice %arg3[%add3A, %arg1, %dma_start3A_36, %dma_start3A_37] : memref<4x16x30x125xi32, #tpu.memory_space<hbm>> -> memref<1x1x30x125xi32, #tpu.memory_space<hbm>>
        %dma_start3A_39 = tpu.memref_squeeze %dma_start3A_38 : memref<1x1x30x125xi32, #tpu.memory_space<hbm>> -> memref<30x125xi32, #tpu.memory_space<hbm>>
        tpu.enqueue_dma source(%dma_start3A_39 : memref<30x125xi32, #tpu.memory_space<hbm>>) target(%arg6 : memref<30x125xi32, #tpu.memory_space<vmem>>) target_semaphore(%run_scoped3A : memref<!tpu.dma_semaphore, #tpu.memory_space<semaphore_mem>>)
        %dma_wait3A_40 = arith.constant 0 : i32
        %dma_wait3A_41 = arith.constant 0 : i32
        %dma_wait3A_42 = tpu.memref_slice %arg3[%add3A, %arg1, %dma_wait3A_40, %dma_wait3A_41] : memref<4x16x30x125xi32, #tpu.memory_space<hbm>> -> memref<1x1x30x125xi32, #tpu.memory_space<hbm>>
        %dma_wait3A_43 = tpu.memref_squeeze %dma_wait3A_42 : memref<1x1x30x125xi32, #tpu.memory_space<hbm>> -> memref<30x125xi32, #tpu.memory_space<hbm>>
        %dma_wait3A_44 = arith.constant 0 : i32
        %dma_wait3A_45 = arith.constant 0 : i32
        %dma_wait3A_46 = tpu.memref_slice %arg3[%add3A, %arg1, %dma_wait3A_44, %dma_wait3A_45] : memref<4x16x30x125xi32, #tpu.memory_space<hbm>> -> memref<1x1x30x125xi32, #tpu.memory_space<hbm>>
        %dma_wait3A_47 = tpu.memref_squeeze %dma_wait3A_46 : memref<1x1x30x125xi32, #tpu.memory_space<hbm>> -> memref<30x125xi32, #tpu.memory_space<hbm>>
        tpu.wait_dma2 semaphore(%run_scoped3A : memref<!tpu.dma_semaphore, #tpu.memory_space<semaphore_mem>>) src(%dma_wait3A_47 : memref<30x125xi32, #tpu.memory_space<hbm>>) dst(%arg6 : memref<30x125xi32, #tpu.memory_space<vmem>>)
        tpu.yield
      }) : () -> ()
      "tpu.region"() ({
        %run_scoped3A = tpu.sem_alloc : memref<!tpu.dma_semaphore, #tpu.memory_space<semaphore_mem>>
        %dma_start3A = arith.constant 0 : i32
        %dma_start3A_33 = arith.constant 0 : i32
        %dma_start3A_34 = tpu.memref_slice %arg4[%add3A, %arg1, %dma_start3A, %dma_start3A_33] : memref<4x16x30x125xi32, #tpu.memory_space<hbm>> -> memref<1x1x30x125xi32, #tpu.memory_space<hbm>>
        %dma_start3A_35 = tpu.memref_squeeze %dma_start3A_34 : memref<1x1x30x125xi32, #tpu.memory_space<hbm>> -> memref<30x125xi32, #tpu.memory_space<hbm>>
        %dma_start3A_36 = arith.constant 0 : i32
        %dma_start3A_37 = arith.constant 0 : i32
        %dma_start3A_38 = tpu.memref_slice %arg4[%add3A, %arg1, %dma_start3A_36, %dma_start3A_37] : memref<4x16x30x125xi32, #tpu.memory_space<hbm>> -> memref<1x1x30x125xi32, #tpu.memory_space<hbm>>
        %dma_start3A_39 = tpu.memref_squeeze %dma_start3A_38 : memref<1x1x30x125xi32, #tpu.memory_space<hbm>> -> memref<30x125xi32, #tpu.memory_space<hbm>>
        tpu.enqueue_dma source(%dma_start3A_39 : memref<30x125xi32, #tpu.memory_space<hbm>>) target(%arg7 : memref<30x125xi32, #tpu.memory_space<vmem>>) target_semaphore(%run_scoped3A : memref<!tpu.dma_semaphore, #tpu.memory_space<semaphore_mem>>)
        %dma_wait3A_40 = arith.constant 0 : i32
        %dma_wait3A_41 = arith.constant 0 : i32
        %dma_wait3A_42 = tpu.memref_slice %arg4[%add3A, %arg1, %dma_wait3A_40, %dma_wait3A_41] : memref<4x16x30x125xi32, #tpu.memory_space<hbm>> -> memref<1x1x30x125xi32, #tpu.memory_space<hbm>>
        %dma_wait3A_43 = tpu.memref_squeeze %dma_wait3A_42 : memref<1x1x30x125xi32, #tpu.memory_space<hbm>> -> memref<30x125xi32, #tpu.memory_space<hbm>>
        %dma_wait3A_44 = arith.constant 0 : i32
        %dma_wait3A_45 = arith.constant 0 : i32
        %dma_wait3A_46 = tpu.memref_slice %arg4[%add3A, %arg1, %dma_wait3A_44, %dma_wait3A_45] : memref<4x16x30x125xi32, #tpu.memory_space<hbm>> -> memref<1x1x30x125xi32, #tpu.memory_space<hbm>>
        %dma_wait3A_47 = tpu.memref_squeeze %dma_wait3A_46 : memref<1x1x30x125xi32, #tpu.memory_space<hbm>> -> memref<30x125xi32, #tpu.memory_space<hbm>>
        tpu.wait_dma2 semaphore(%run_scoped3A : memref<!tpu.dma_semaphore, #tpu.memory_space<semaphore_mem>>) src(%dma_wait3A_47 : memref<30x125xi32, #tpu.memory_space<hbm>>) dst(%arg7 : memref<30x125xi32, #tpu.memory_space<vmem>>)
        tpu.yield
      }) : () -> ()
      %barrier3A = arith.constant 0 : index
      tpu.barrier barrier_id(%barrier3A)
      %scan3A_12 = arith.constant 0 : i32
      %scan3A_13 = arith.constant 0 : i32
      %scan3A_14 = arith.constant 16 : i32
      %scan3A_15 = arith.addi %scan3A_13, %scan3A_14 : i32
      %scan3A_16 = arith.constant 1 : i32
      scf.for %scan3A_33 = %scan3A_13 to %scan3A_15 step %scan3A_16  : i32 {
        %mul3A_34 = arith.constant 2 : i32
        %mul3A_35 = arith.muli %scan3A_33, %mul3A_34 : i32
        %add3A_36 = arith.constant 0 : i32
        %add3A_37 = arith.addi %mul3A_35, %add3A_36 : i32
        %sub3A = arith.constant 1 : i32
        %sub3A_38 = arith.subi %add3A_37, %sub3A : i32
        %lt3A = arith.constant 30 : i32
        %lt3A_39 = arith.cmpi slt, %add3A_37, %lt3A : i32
        %ge3A = arith.constant 2 : i32
        %ge3A_40 = arith.cmpi sge, %add3A_37, %ge3A : i32
        %and3A = arith.andi %lt3A_39, %ge3A_40 : i1
        %convert_element_type3A = arith.extui %and3A : i1 to i32
        %cond3A = arith.constant 0 : i32
        %cond3A_41 = arith.cmpi ne, %convert_element_type3A, %cond3A : i32
        scf.if %cond3A_41 {
          %sub3A_82 = arith.constant 2 : i32
          %sub3A_83 = arith.subi %add3A_37, %sub3A_82 : i32
          %dma_wait3A_84 = arith.constant 0 : i32
          %dma_wait3A_85 = tpu.memref_slice %arg7[%sub3A_83, %dma_wait3A_84] : memref<30x125xi32, #tpu.memory_space<vmem>> -> memref<1x125xi32, #tpu.memory_space<vmem>>
          %dma_wait3A_86 = tpu.memref_squeeze %dma_wait3A_85 : memref<1x125xi32, #tpu.memory_space<vmem>> -> memref<125xi32, #tpu.memory_space<vmem>>
          %dma_wait3A_87 = arith.constant 0 : i32
          %dma_wait3A_88 = arith.constant 0 : i32
          %dma_wait3A_89 = tpu.memref_slice %arg8[%dma_wait3A_87, %dma_wait3A_88] : memref<10240x128xf32, #tpu.memory_space<vmem_shared>> -> memref<10240x128xf32, #tpu.memory_space<vmem_shared>>
          tpu.wait_indirect_dma semaphore(%arg13 : memref<!tpu.dma_semaphore, #tpu.memory_space<semaphore_mem>>) src(%arg9 : memref<125x128xf32, #tpu.memory_space<vmem>>) dst(%dma_wait3A_89 : memref<10240x128xf32, #tpu.memory_space<vmem_shared>>)
        } else {
        }
        %lt3A_42 = arith.constant 30 : i32
        %lt3A_43 = arith.cmpi slt, %add3A_37, %lt3A_42 : i32
        %convert_element_type3A_44 = arith.extui %lt3A_43 : i1 to i32
        %cond3A_45 = arith.constant 0 : i32
        %cond3A_46 = arith.cmpi ne, %convert_element_type3A_44, %cond3A_45 : i32
        scf.if %cond3A_46 {
          %dma_start3A = arith.constant 0 : i32
          %dma_start3A_82 = tpu.memref_slice %arg6[%add3A_37, %dma_start3A] : memref<30x125xi32, #tpu.memory_space<vmem>> -> memref<1x125xi32, #tpu.memory_space<vmem>>
          %dma_start3A_83 = tpu.memref_squeeze %dma_start3A_82 : memref<1x125xi32, #tpu.memory_space<vmem>> -> memref<125xi32, #tpu.memory_space<vmem>>
          %dma_start3A_84 = arith.constant 0 : i32
          %dma_start3A_85 = arith.constant 0 : i32
          %dma_start3A_86 = tpu.memref_slice %arg2[%dma_start3A_84, %dma_start3A_85] : memref<40960x128xf32, #tpu.memory_space<hbm>> -> memref<40960x128xf32, #tpu.memory_space<hbm>>
          tpu.enqueue_indirect_dma source(%dma_start3A_86 : memref<40960x128xf32, #tpu.memory_space<hbm>>) target(%arg9 : memref<125x128xf32, #tpu.memory_space<vmem>>) offsets(%dma_start3A_83 : memref<125xi32, #tpu.memory_space<vmem>>) semaphore(%arg11 : memref<!tpu.dma_semaphore, #tpu.memory_space<semaphore_mem>>)
        } else {
        }
        %ge3A_47 = arith.constant 0 : i32
        %ge3A_48 = arith.cmpi sge, %sub3A_38, %ge3A_47 : i32
        %lt3A_49 = arith.constant 30 : i32
        %lt3A_50 = arith.cmpi slt, %sub3A_38, %lt3A_49 : i32
        %and3A_51 = arith.andi %ge3A_48, %lt3A_50 : i1
        %convert_element_type3A_52 = arith.extui %and3A_51 : i1 to i32
        %cond3A_53 = arith.constant 0 : i32
        %cond3A_54 = arith.cmpi ne, %convert_element_type3A_52, %cond3A_53 : i32
        scf.if %cond3A_54 {
          %dma_wait3A_82 = arith.constant 0 : i32
          %dma_wait3A_83 = tpu.memref_slice %arg6[%sub3A_38, %dma_wait3A_82] : memref<30x125xi32, #tpu.memory_space<vmem>> -> memref<1x125xi32, #tpu.memory_space<vmem>>
          %dma_wait3A_84 = tpu.memref_squeeze %dma_wait3A_83 : memref<1x125xi32, #tpu.memory_space<vmem>> -> memref<125xi32, #tpu.memory_space<vmem>>
          %dma_wait3A_85 = arith.constant 0 : i32
          %dma_wait3A_86 = arith.constant 0 : i32
          %dma_wait3A_87 = tpu.memref_slice %arg2[%dma_wait3A_85, %dma_wait3A_86] : memref<40960x128xf32, #tpu.memory_space<hbm>> -> memref<40960x128xf32, #tpu.memory_space<hbm>>
          tpu.wait_indirect_dma semaphore(%arg12 : memref<!tpu.dma_semaphore, #tpu.memory_space<semaphore_mem>>) src(%dma_wait3A_87 : memref<40960x128xf32, #tpu.memory_space<hbm>>) dst(%arg10 : memref<125x128xf32, #tpu.memory_space<vmem>>)
          %dma_start3A = arith.constant 0 : i32
          %dma_start3A_88 = tpu.memref_slice %arg7[%sub3A_38, %dma_start3A] : memref<30x125xi32, #tpu.memory_space<vmem>> -> memref<1x125xi32, #tpu.memory_space<vmem>>
          %dma_start3A_89 = tpu.memref_squeeze %dma_start3A_88 : memref<1x125xi32, #tpu.memory_space<vmem>> -> memref<125xi32, #tpu.memory_space<vmem>>
          %dma_start3A_90 = arith.constant 0 : i32
          %dma_start3A_91 = arith.constant 0 : i32
          %dma_start3A_92 = tpu.memref_slice %arg8[%dma_start3A_90, %dma_start3A_91] : memref<10240x128xf32, #tpu.memory_space<vmem_shared>> -> memref<10240x128xf32, #tpu.memory_space<vmem_shared>>
          tpu.enqueue_indirect_dma source(%arg10 : memref<125x128xf32, #tpu.memory_space<vmem>>) target(%dma_start3A_92 : memref<10240x128xf32, #tpu.memory_space<vmem_shared>>) offsets(%dma_start3A_89 : memref<125xi32, #tpu.memory_space<vmem>>) semaphore(%arg14 : memref<!tpu.dma_semaphore, #tpu.memory_space<semaphore_mem>>) {add = true}
        } else {
        }
        %mul3A_55 = arith.constant 2 : i32
        %mul3A_56 = arith.muli %scan3A_33, %mul3A_55 : i32
        %add3A_57 = arith.constant 1 : i32
        %add3A_58 = arith.addi %mul3A_56, %add3A_57 : i32
        %sub3A_59 = arith.constant 1 : i32
        %sub3A_60 = arith.subi %add3A_58, %sub3A_59 : i32
        %lt3A_61 = arith.constant 30 : i32
        %lt3A_62 = arith.cmpi slt, %add3A_58, %lt3A_61 : i32
        %ge3A_63 = arith.constant 2 : i32
        %ge3A_64 = arith.cmpi sge, %add3A_58, %ge3A_63 : i32
        %and3A_65 = arith.andi %lt3A_62, %ge3A_64 : i1
        %convert_element_type3A_66 = arith.extui %and3A_65 : i1 to i32
        %cond3A_67 = arith.constant 0 : i32
        %cond3A_68 = arith.cmpi ne, %convert_element_type3A_66, %cond3A_67 : i32
        scf.if %cond3A_68 {
          %sub3A_82 = arith.constant 2 : i32
          %sub3A_83 = arith.subi %add3A_58, %sub3A_82 : i32
          %dma_wait3A_84 = arith.constant 0 : i32
          %dma_wait3A_85 = tpu.memref_slice %arg7[%sub3A_83, %dma_wait3A_84] : memref<30x125xi32, #tpu.memory_space<vmem>> -> memref<1x125xi32, #tpu.memory_space<vmem>>
          %dma_wait3A_86 = tpu.memref_squeeze %dma_wait3A_85 : memref<1x125xi32, #tpu.memory_space<vmem>> -> memref<125xi32, #tpu.memory_space<vmem>>
          %dma_wait3A_87 = arith.constant 0 : i32
          %dma_wait3A_88 = arith.constant 0 : i32
          %dma_wait3A_89 = tpu.memref_slice %arg8[%dma_wait3A_87, %dma_wait3A_88] : memref<10240x128xf32, #tpu.memory_space<vmem_shared>> -> memref<10240x128xf32, #tpu.memory_space<vmem_shared>>
          tpu.wait_indirect_dma semaphore(%arg14 : memref<!tpu.dma_semaphore, #tpu.memory_space<semaphore_mem>>) src(%arg10 : memref<125x128xf32, #tpu.memory_space<vmem>>) dst(%dma_wait3A_89 : memref<10240x128xf32, #tpu.memory_space<vmem_shared>>)
        } else {
        }
        %lt3A_69 = arith.constant 30 : i32
        %lt3A_70 = arith.cmpi slt, %add3A_58, %lt3A_69 : i32
        %convert_element_type3A_71 = arith.extui %lt3A_70 : i1 to i32
        %cond3A_72 = arith.constant 0 : i32
        %cond3A_73 = arith.cmpi ne, %convert_element_type3A_71, %cond3A_72 : i32
        scf.if %cond3A_73 {
          %dma_start3A = arith.constant 0 : i32
          %dma_start3A_82 = tpu.memref_slice %arg6[%add3A_58, %dma_start3A] : memref<30x125xi32, #tpu.memory_space<vmem>> -> memref<1x125xi32, #tpu.memory_space<vmem>>
          %dma_start3A_83 = tpu.memref_squeeze %dma_start3A_82 : memref<1x125xi32, #tpu.memory_space<vmem>> -> memref<125xi32, #tpu.memory_space<vmem>>
          %dma_start3A_84 = arith.constant 0 : i32
          %dma_start3A_85 = arith.constant 0 : i32
          %dma_start3A_86 = tpu.memref_slice %arg2[%dma_start3A_84, %dma_start3A_85] : memref<40960x128xf32, #tpu.memory_space<hbm>> -> memref<40960x128xf32, #tpu.memory_space<hbm>>
          tpu.enqueue_indirect_dma source(%dma_start3A_86 : memref<40960x128xf32, #tpu.memory_space<hbm>>) target(%arg10 : memref<125x128xf32, #tpu.memory_space<vmem>>) offsets(%dma_start3A_83 : memref<125xi32, #tpu.memory_space<vmem>>) semaphore(%arg12 : memref<!tpu.dma_semaphore, #tpu.memory_space<semaphore_mem>>)
        } else {
        }
        %ge3A_74 = arith.constant 0 : i32
        %ge3A_75 = arith.cmpi sge, %sub3A_60, %ge3A_74 : i32
        %lt3A_76 = arith.constant 30 : i32
        %lt3A_77 = arith.cmpi slt, %sub3A_60, %lt3A_76 : i32
        %and3A_78 = arith.andi %ge3A_75, %lt3A_77 : i1
        %convert_element_type3A_79 = arith.extui %and3A_78 : i1 to i32
        %cond3A_80 = arith.constant 0 : i32
        %cond3A_81 = arith.cmpi ne, %convert_element_type3A_79, %cond3A_80 : i32
        scf.if %cond3A_81 {
          %dma_wait3A_82 = arith.constant 0 : i32
          %dma_wait3A_83 = tpu.memref_slice %arg6[%sub3A_60, %dma_wait3A_82] : memref<30x125xi32, #tpu.memory_space<vmem>> -> memref<1x125xi32, #tpu.memory_space<vmem>>
          %dma_wait3A_84 = tpu.memref_squeeze %dma_wait3A_83 : memref<1x125xi32, #tpu.memory_space<vmem>> -> memref<125xi32, #tpu.memory_space<vmem>>
          %dma_wait3A_85 = arith.constant 0 : i32
          %dma_wait3A_86 = arith.constant 0 : i32
          %dma_wait3A_87 = tpu.memref_slice %arg2[%dma_wait3A_85, %dma_wait3A_86] : memref<40960x128xf32, #tpu.memory_space<hbm>> -> memref<40960x128xf32, #tpu.memory_space<hbm>>
          tpu.wait_indirect_dma semaphore(%arg11 : memref<!tpu.dma_semaphore, #tpu.memory_space<semaphore_mem>>) src(%dma_wait3A_87 : memref<40960x128xf32, #tpu.memory_space<hbm>>) dst(%arg9 : memref<125x128xf32, #tpu.memory_space<vmem>>)
          %dma_start3A = arith.constant 0 : i32
          %dma_start3A_88 = tpu.memref_slice %arg7[%sub3A_60, %dma_start3A] : memref<30x125xi32, #tpu.memory_space<vmem>> -> memref<1x125xi32, #tpu.memory_space<vmem>>
          %dma_start3A_89 = tpu.memref_squeeze %dma_start3A_88 : memref<1x125xi32, #tpu.memory_space<vmem>> -> memref<125xi32, #tpu.memory_space<vmem>>
          %dma_start3A_90 = arith.constant 0 : i32
          %dma_start3A_91 = arith.constant 0 : i32
          %dma_start3A_92 = tpu.memref_slice %arg8[%dma_start3A_90, %dma_start3A_91] : memref<10240x128xf32, #tpu.memory_space<vmem_shared>> -> memref<10240x128xf32, #tpu.memory_space<vmem_shared>>
          tpu.enqueue_indirect_dma source(%arg9 : memref<125x128xf32, #tpu.memory_space<vmem>>) target(%dma_start3A_92 : memref<10240x128xf32, #tpu.memory_space<vmem_shared>>) offsets(%dma_start3A_89 : memref<125xi32, #tpu.memory_space<vmem>>) semaphore(%arg13 : memref<!tpu.dma_semaphore, #tpu.memory_space<semaphore_mem>>) {add = true}
        } else {
        }
      }
      %scan3A_17 = arith.constant 16 : i32
      %dma_wait3A = arith.constant 28 : i32
      %dma_wait3A_18 = arith.constant 0 : i32
      %dma_wait3A_19 = tpu.memref_slice %arg7[%dma_wait3A, %dma_wait3A_18] : memref<30x125xi32, #tpu.memory_space<vmem>> -> memref<1x125xi32, #tpu.memory_space<vmem>>
      %dma_wait3A_20 = tpu.memref_squeeze %dma_wait3A_19 : memref<1x125xi32, #tpu.memory_space<vmem>> -> memref<125xi32, #tpu.memory_space<vmem>>
      %dma_wait3A_21 = arith.constant 0 : i32
      %dma_wait3A_22 = arith.constant 0 : i32
      %dma_wait3A_23 = tpu.memref_slice %arg8[%dma_wait3A_21, %dma_wait3A_22] : memref<10240x128xf32, #tpu.memory_space<vmem_shared>> -> memref<10240x128xf32, #tpu.memory_space<vmem_shared>>
      tpu.wait_indirect_dma semaphore(%arg13 : memref<!tpu.dma_semaphore, #tpu.memory_space<semaphore_mem>>) src(%arg9 : memref<125x128xf32, #tpu.memory_space<vmem>>) dst(%dma_wait3A_23 : memref<10240x128xf32, #tpu.memory_space<vmem_shared>>)
      %dma_wait3A_24 = arith.constant 29 : i32
      %dma_wait3A_25 = arith.constant 0 : i32
      %dma_wait3A_26 = tpu.memref_slice %arg7[%dma_wait3A_24, %dma_wait3A_25] : memref<30x125xi32, #tpu.memory_space<vmem>> -> memref<1x125xi32, #tpu.memory_space<vmem>>
      %dma_wait3A_27 = tpu.memref_squeeze %dma_wait3A_26 : memref<1x125xi32, #tpu.memory_space<vmem>> -> memref<125xi32, #tpu.memory_space<vmem>>
      %dma_wait3A_28 = arith.constant 0 : i32
      %dma_wait3A_29 = arith.constant 0 : i32
      %dma_wait3A_30 = tpu.memref_slice %arg8[%dma_wait3A_28, %dma_wait3A_29] : memref<10240x128xf32, #tpu.memory_space<vmem_shared>> -> memref<10240x128xf32, #tpu.memory_space<vmem_shared>>
      tpu.wait_indirect_dma semaphore(%arg14 : memref<!tpu.dma_semaphore, #tpu.memory_space<semaphore_mem>>) src(%arg10 : memref<125x128xf32, #tpu.memory_space<vmem>>) dst(%dma_wait3A_30 : memref<10240x128xf32, #tpu.memory_space<vmem_shared>>)
      %barrier3A_31 = arith.constant 0 : index
      tpu.barrier barrier_id(%barrier3A_31)
      %add3A_32 = arith.addi %mul3A_10, %mul3A_0 : i32
      "tpu.region"() ({
        %run_scoped3A = tpu.sem_alloc : memref<!tpu.dma_semaphore, #tpu.memory_space<semaphore_mem>>
        %dma_start3A = arith.constant 0 : i32
        %dma_start3A_33 = tpu.memref_slice %arg5[%add3A_32, %dma_start3A] : memref<40960x128xf32, #tpu.memory_space<hbm>> -> memref<640x128xf32, #tpu.memory_space<hbm>>
        %dma_start3A_34 = arith.constant 0 : i32
        %dma_start3A_35 = tpu.memref_slice %arg8[%mul3A_0, %dma_start3A_34] : memref<10240x128xf32, #tpu.memory_space<vmem_shared>> -> memref<640x128xf32, #tpu.memory_space<vmem_shared>>
        tpu.enqueue_dma source(%dma_start3A_35 : memref<640x128xf32, #tpu.memory_space<vmem_shared>>) target(%dma_start3A_33 : memref<640x128xf32, #tpu.memory_space<hbm>>) target_semaphore(%run_scoped3A : memref<!tpu.dma_semaphore, #tpu.memory_space<semaphore_mem>>)
        %dma_wait3A_36 = arith.constant 0 : i32
        %dma_wait3A_37 = tpu.memref_slice %arg5[%add3A_32, %dma_wait3A_36] : memref<40960x128xf32, #tpu.memory_space<hbm>> -> memref<640x128xf32, #tpu.memory_space<hbm>>
        %dma_wait3A_38 = arith.constant 0 : i32
        %dma_wait3A_39 = tpu.memref_slice %arg8[%mul3A_0, %dma_wait3A_38] : memref<10240x128xf32, #tpu.memory_space<vmem_shared>> -> memref<640x128xf32, #tpu.memory_space<vmem_shared>>
        tpu.wait_dma2 semaphore(%run_scoped3A : memref<!tpu.dma_semaphore, #tpu.memory_space<semaphore_mem>>) src(%dma_wait3A_39 : memref<640x128xf32, #tpu.memory_space<vmem_shared>>) dst(%dma_wait3A_37 : memref<640x128xf32, #tpu.memory_space<hbm>>)
        tpu.yield
      }) : () -> ()
    }
    %scan3A_5 = arith.constant 2 : i32
    return
  }
}

#map = affine_map<(d0, d1) -> (0, 0)>
#map1 = affine_map<(d0, d1) -> (0, 0, 0, 0)>
module attributes {stable_mosaic.version = 14 : i64} {
  func.func @k(%arg0: i32, %arg1: i32, %arg2: memref<61440x128xf32, #tpu.memory_space<hbm>>, %arg3: memref<6x16x30x125xi32, #tpu.memory_space<hbm>>, %arg4: memref<6x16x30x125xi32, #tpu.memory_space<hbm>>, %arg5: memref<61440x128xf32, #tpu.memory_space<hbm>>, %arg6: memref<30x125xi32, #tpu.memory_space<vmem>>, %arg7: memref<30x125xi32, #tpu.memory_space<vmem>>, %arg8: memref<10240x128xf32, #tpu.memory_space<vmem_shared>>, %arg9: memref<125x128xf32, #tpu.memory_space<vmem>>, %arg10: memref<125x128xf32, #tpu.memory_space<vmem>>, %arg11: memref<!tpu.dma_semaphore, #tpu.memory_space<semaphore_mem>>, %arg12: memref<!tpu.dma_semaphore, #tpu.memory_space<semaphore_mem>>, %arg13: memref<!tpu.dma_semaphore, #tpu.memory_space<semaphore_mem>>, %arg14: memref<!tpu.dma_semaphore, #tpu.memory_space<semaphore_mem>>) attributes {dimension_semantics = [#tpu.dimension_semantics<core_parallel>, #tpu.dimension_semantics<subcore_parallel>], iteration_bounds = array<i64: 2, 16>, scalar_prefetch = 0 : i64, scratch_operands = 9 : i64, tpu.core_type = #tpu.core_type<sc_vector_subcore>, window_params = [{transform_indices = #map}, {transform_indices = #map1}, {transform_indices = #map1}, {transform_indices = #map}]} {
    %mul3A = arith.constant 640 : i32
    %mul3A_0 = arith.muli %arg1, %mul3A : i32
    %scan3A = arith.constant 0 : i32
    %scan3A_1 = arith.constant 0 : i32
    %scan3A_2 = arith.constant 3 : i32
    %scan3A_3 = arith.addi %scan3A_1, %scan3A_2 : i32
    %scan3A_4 = arith.constant 1 : i32
    scf.for %scan3A_6 = %scan3A_1 to %scan3A_3 step %scan3A_4  : i32 {
      %mul3A_7 = arith.constant 3 : i32
      %mul3A_8 = arith.muli %arg0, %mul3A_7 : i32
      %add3A = arith.addi %mul3A_8, %scan3A_6 : i32
      %mul3A_9 = arith.constant 10240 : i32
      %mul3A_10 = arith.muli %add3A, %mul3A_9 : i32
      %add3A_11 = arith.addi %mul3A_10, %mul3A_0 : i32
      "tpu.region"() ({
        %run_scoped3A = tpu.sem_alloc : memref<!tpu.dma_semaphore, #tpu.memory_space<semaphore_mem>>
        %dma_start3A = arith.constant 0 : i32
        %dma_start3A_33 = tpu.memref_slice %arg8[%mul3A_0, %dma_start3A] : memref<10240x128xf32, #tpu.memory_space<vmem_shared>> -> memref<640x128xf32, #tpu.memory_space<vmem_shared>>
        %dma_start3A_34 = arith.constant 0 : i32
        %dma_start3A_35 = tpu.memref_slice %arg2[%add3A_11, %dma_start3A_34] : memref<61440x128xf32, #tpu.memory_space<hbm>> -> memref<640x128xf32, #tpu.memory_space<hbm>>
        tpu.enqueue_dma source(%dma_start3A_35 : memref<640x128xf32, #tpu.memory_space<hbm>>) target(%dma_start3A_33 : memref<640x128xf32, #tpu.memory_space<vmem_shared>>) target_semaphore(%run_scoped3A : memref<!tpu.dma_semaphore, #tpu.memory_space<semaphore_mem>>)
        %dma_wait3A_36 = arith.constant 0 : i32
        %dma_wait3A_37 = tpu.memref_slice %arg8[%mul3A_0, %dma_wait3A_36] : memref<10240x128xf32, #tpu.memory_space<vmem_shared>> -> memref<640x128xf32, #tpu.memory_space<vmem_shared>>
        %dma_wait3A_38 = arith.constant 0 : i32
        %dma_wait3A_39 = tpu.memref_slice %arg2[%add3A_11, %dma_wait3A_38] : memref<61440x128xf32, #tpu.memory_space<hbm>> -> memref<640x128xf32, #tpu.memory_space<hbm>>
        tpu.wait_dma2 semaphore(%run_scoped3A : memref<!tpu.dma_semaphore, #tpu.memory_space<semaphore_mem>>) src(%dma_wait3A_39 : memref<640x128xf32, #tpu.memory_space<hbm>>) dst(%dma_wait3A_37 : memref<640x128xf32, #tpu.memory_space<vmem_shared>>)
        tpu.yield
      }) : () -> ()
      "tpu.region"() ({
        %run_scoped3A = tpu.sem_alloc : memref<!tpu.dma_semaphore, #tpu.memory_space<semaphore_mem>>
        %dma_start3A = arith.constant 0 : i32
        %dma_start3A_33 = arith.constant 0 : i32
        %dma_start3A_34 = tpu.memref_slice %arg3[%add3A, %arg1, %dma_start3A, %dma_start3A_33] : memref<6x16x30x125xi32, #tpu.memory_space<hbm>> -> memref<1x1x30x125xi32, #tpu.memory_space<hbm>>
        %dma_start3A_35 = tpu.memref_squeeze %dma_start3A_34 : memref<1x1x30x125xi32, #tpu.memory_space<hbm>> -> memref<30x125xi32, #tpu.memory_space<hbm>>
        %dma_start3A_36 = arith.constant 0 : i32
        %dma_start3A_37 = arith.constant 0 : i32
        %dma_start3A_38 = tpu.memref_slice %arg3[%add3A, %arg1, %dma_start3A_36, %dma_start3A_37] : memref<6x16x30x125xi32, #tpu.memory_space<hbm>> -> memref<1x1x30x125xi32, #tpu.memory_space<hbm>>
        %dma_start3A_39 = tpu.memref_squeeze %dma_start3A_38 : memref<1x1x30x125xi32, #tpu.memory_space<hbm>> -> memref<30x125xi32, #tpu.memory_space<hbm>>
        tpu.enqueue_dma source(%dma_start3A_39 : memref<30x125xi32, #tpu.memory_space<hbm>>) target(%arg6 : memref<30x125xi32, #tpu.memory_space<vmem>>) target_semaphore(%run_scoped3A : memref<!tpu.dma_semaphore, #tpu.memory_space<semaphore_mem>>)
        %dma_wait3A_40 = arith.constant 0 : i32
        %dma_wait3A_41 = arith.constant 0 : i32
        %dma_wait3A_42 = tpu.memref_slice %arg3[%add3A, %arg1, %dma_wait3A_40, %dma_wait3A_41] : memref<6x16x30x125xi32, #tpu.memory_space<hbm>> -> memref<1x1x30x125xi32, #tpu.memory_space<hbm>>
        %dma_wait3A_43 = tpu.memref_squeeze %dma_wait3A_42 : memref<1x1x30x125xi32, #tpu.memory_space<hbm>> -> memref<30x125xi32, #tpu.memory_space<hbm>>
        %dma_wait3A_44 = arith.constant 0 : i32
        %dma_wait3A_45 = arith.constant 0 : i32
        %dma_wait3A_46 = tpu.memref_slice %arg3[%add3A, %arg1, %dma_wait3A_44, %dma_wait3A_45] : memref<6x16x30x125xi32, #tpu.memory_space<hbm>> -> memref<1x1x30x125xi32, #tpu.memory_space<hbm>>
        %dma_wait3A_47 = tpu.memref_squeeze %dma_wait3A_46 : memref<1x1x30x125xi32, #tpu.memory_space<hbm>> -> memref<30x125xi32, #tpu.memory_space<hbm>>
        tpu.wait_dma2 semaphore(%run_scoped3A : memref<!tpu.dma_semaphore, #tpu.memory_space<semaphore_mem>>) src(%dma_wait3A_47 : memref<30x125xi32, #tpu.memory_space<hbm>>) dst(%arg6 : memref<30x125xi32, #tpu.memory_space<vmem>>)
        tpu.yield
      }) : () -> ()
      "tpu.region"() ({
        %run_scoped3A = tpu.sem_alloc : memref<!tpu.dma_semaphore, #tpu.memory_space<semaphore_mem>>
        %dma_start3A = arith.constant 0 : i32
        %dma_start3A_33 = arith.constant 0 : i32
        %dma_start3A_34 = tpu.memref_slice %arg4[%add3A, %arg1, %dma_start3A, %dma_start3A_33] : memref<6x16x30x125xi32, #tpu.memory_space<hbm>> -> memref<1x1x30x125xi32, #tpu.memory_space<hbm>>
        %dma_start3A_35 = tpu.memref_squeeze %dma_start3A_34 : memref<1x1x30x125xi32, #tpu.memory_space<hbm>> -> memref<30x125xi32, #tpu.memory_space<hbm>>
        %dma_start3A_36 = arith.constant 0 : i32
        %dma_start3A_37 = arith.constant 0 : i32
        %dma_start3A_38 = tpu.memref_slice %arg4[%add3A, %arg1, %dma_start3A_36, %dma_start3A_37] : memref<6x16x30x125xi32, #tpu.memory_space<hbm>> -> memref<1x1x30x125xi32, #tpu.memory_space<hbm>>
        %dma_start3A_39 = tpu.memref_squeeze %dma_start3A_38 : memref<1x1x30x125xi32, #tpu.memory_space<hbm>> -> memref<30x125xi32, #tpu.memory_space<hbm>>
        tpu.enqueue_dma source(%dma_start3A_39 : memref<30x125xi32, #tpu.memory_space<hbm>>) target(%arg7 : memref<30x125xi32, #tpu.memory_space<vmem>>) target_semaphore(%run_scoped3A : memref<!tpu.dma_semaphore, #tpu.memory_space<semaphore_mem>>)
        %dma_wait3A_40 = arith.constant 0 : i32
        %dma_wait3A_41 = arith.constant 0 : i32
        %dma_wait3A_42 = tpu.memref_slice %arg4[%add3A, %arg1, %dma_wait3A_40, %dma_wait3A_41] : memref<6x16x30x125xi32, #tpu.memory_space<hbm>> -> memref<1x1x30x125xi32, #tpu.memory_space<hbm>>
        %dma_wait3A_43 = tpu.memref_squeeze %dma_wait3A_42 : memref<1x1x30x125xi32, #tpu.memory_space<hbm>> -> memref<30x125xi32, #tpu.memory_space<hbm>>
        %dma_wait3A_44 = arith.constant 0 : i32
        %dma_wait3A_45 = arith.constant 0 : i32
        %dma_wait3A_46 = tpu.memref_slice %arg4[%add3A, %arg1, %dma_wait3A_44, %dma_wait3A_45] : memref<6x16x30x125xi32, #tpu.memory_space<hbm>> -> memref<1x1x30x125xi32, #tpu.memory_space<hbm>>
        %dma_wait3A_47 = tpu.memref_squeeze %dma_wait3A_46 : memref<1x1x30x125xi32, #tpu.memory_space<hbm>> -> memref<30x125xi32, #tpu.memory_space<hbm>>
        tpu.wait_dma2 semaphore(%run_scoped3A : memref<!tpu.dma_semaphore, #tpu.memory_space<semaphore_mem>>) src(%dma_wait3A_47 : memref<30x125xi32, #tpu.memory_space<hbm>>) dst(%arg7 : memref<30x125xi32, #tpu.memory_space<vmem>>)
        tpu.yield
      }) : () -> ()
      %barrier3A = arith.constant 0 : index
      tpu.barrier barrier_id(%barrier3A)
      %scan3A_12 = arith.constant 0 : i32
      %scan3A_13 = arith.constant 0 : i32
      %scan3A_14 = arith.constant 16 : i32
      %scan3A_15 = arith.addi %scan3A_13, %scan3A_14 : i32
      %scan3A_16 = arith.constant 1 : i32
      scf.for %scan3A_33 = %scan3A_13 to %scan3A_15 step %scan3A_16  : i32 {
        %mul3A_34 = arith.constant 2 : i32
        %mul3A_35 = arith.muli %scan3A_33, %mul3A_34 : i32
        %add3A_36 = arith.constant 0 : i32
        %add3A_37 = arith.addi %mul3A_35, %add3A_36 : i32
        %sub3A = arith.constant 1 : i32
        %sub3A_38 = arith.subi %add3A_37, %sub3A : i32
        %lt3A = arith.constant 30 : i32
        %lt3A_39 = arith.cmpi slt, %add3A_37, %lt3A : i32
        %ge3A = arith.constant 2 : i32
        %ge3A_40 = arith.cmpi sge, %add3A_37, %ge3A : i32
        %and3A = arith.andi %lt3A_39, %ge3A_40 : i1
        %convert_element_type3A = arith.extui %and3A : i1 to i32
        %cond3A = arith.constant 0 : i32
        %cond3A_41 = arith.cmpi ne, %convert_element_type3A, %cond3A : i32
        scf.if %cond3A_41 {
          %sub3A_82 = arith.constant 2 : i32
          %sub3A_83 = arith.subi %add3A_37, %sub3A_82 : i32
          %dma_wait3A_84 = arith.constant 0 : i32
          %dma_wait3A_85 = tpu.memref_slice %arg7[%sub3A_83, %dma_wait3A_84] : memref<30x125xi32, #tpu.memory_space<vmem>> -> memref<1x125xi32, #tpu.memory_space<vmem>>
          %dma_wait3A_86 = tpu.memref_squeeze %dma_wait3A_85 : memref<1x125xi32, #tpu.memory_space<vmem>> -> memref<125xi32, #tpu.memory_space<vmem>>
          %dma_wait3A_87 = arith.constant 0 : i32
          %dma_wait3A_88 = arith.constant 0 : i32
          %dma_wait3A_89 = tpu.memref_slice %arg8[%dma_wait3A_87, %dma_wait3A_88] : memref<10240x128xf32, #tpu.memory_space<vmem_shared>> -> memref<10240x128xf32, #tpu.memory_space<vmem_shared>>
          tpu.wait_indirect_dma semaphore(%arg13 : memref<!tpu.dma_semaphore, #tpu.memory_space<semaphore_mem>>) src(%arg9 : memref<125x128xf32, #tpu.memory_space<vmem>>) dst(%dma_wait3A_89 : memref<10240x128xf32, #tpu.memory_space<vmem_shared>>)
        } else {
        }
        %lt3A_42 = arith.constant 30 : i32
        %lt3A_43 = arith.cmpi slt, %add3A_37, %lt3A_42 : i32
        %convert_element_type3A_44 = arith.extui %lt3A_43 : i1 to i32
        %cond3A_45 = arith.constant 0 : i32
        %cond3A_46 = arith.cmpi ne, %convert_element_type3A_44, %cond3A_45 : i32
        scf.if %cond3A_46 {
          %dma_start3A = arith.constant 0 : i32
          %dma_start3A_82 = tpu.memref_slice %arg6[%add3A_37, %dma_start3A] : memref<30x125xi32, #tpu.memory_space<vmem>> -> memref<1x125xi32, #tpu.memory_space<vmem>>
          %dma_start3A_83 = tpu.memref_squeeze %dma_start3A_82 : memref<1x125xi32, #tpu.memory_space<vmem>> -> memref<125xi32, #tpu.memory_space<vmem>>
          %dma_start3A_84 = arith.constant 0 : i32
          %dma_start3A_85 = arith.constant 0 : i32
          %dma_start3A_86 = tpu.memref_slice %arg2[%dma_start3A_84, %dma_start3A_85] : memref<61440x128xf32, #tpu.memory_space<hbm>> -> memref<61440x128xf32, #tpu.memory_space<hbm>>
          tpu.enqueue_indirect_dma source(%dma_start3A_86 : memref<61440x128xf32, #tpu.memory_space<hbm>>) target(%arg9 : memref<125x128xf32, #tpu.memory_space<vmem>>) offsets(%dma_start3A_83 : memref<125xi32, #tpu.memory_space<vmem>>) semaphore(%arg11 : memref<!tpu.dma_semaphore, #tpu.memory_space<semaphore_mem>>)
        } else {
        }
        %ge3A_47 = arith.constant 0 : i32
        %ge3A_48 = arith.cmpi sge, %sub3A_38, %ge3A_47 : i32
        %lt3A_49 = arith.constant 30 : i32
        %lt3A_50 = arith.cmpi slt, %sub3A_38, %lt3A_49 : i32
        %and3A_51 = arith.andi %ge3A_48, %lt3A_50 : i1
        %convert_element_type3A_52 = arith.extui %and3A_51 : i1 to i32
        %cond3A_53 = arith.constant 0 : i32
        %cond3A_54 = arith.cmpi ne, %convert_element_type3A_52, %cond3A_53 : i32
        scf.if %cond3A_54 {
          %dma_wait3A_82 = arith.constant 0 : i32
          %dma_wait3A_83 = tpu.memref_slice %arg6[%sub3A_38, %dma_wait3A_82] : memref<30x125xi32, #tpu.memory_space<vmem>> -> memref<1x125xi32, #tpu.memory_space<vmem>>
          %dma_wait3A_84 = tpu.memref_squeeze %dma_wait3A_83 : memref<1x125xi32, #tpu.memory_space<vmem>> -> memref<125xi32, #tpu.memory_space<vmem>>
          %dma_wait3A_85 = arith.constant 0 : i32
          %dma_wait3A_86 = arith.constant 0 : i32
          %dma_wait3A_87 = tpu.memref_slice %arg2[%dma_wait3A_85, %dma_wait3A_86] : memref<61440x128xf32, #tpu.memory_space<hbm>> -> memref<61440x128xf32, #tpu.memory_space<hbm>>
          tpu.wait_indirect_dma semaphore(%arg12 : memref<!tpu.dma_semaphore, #tpu.memory_space<semaphore_mem>>) src(%dma_wait3A_87 : memref<61440x128xf32, #tpu.memory_space<hbm>>) dst(%arg10 : memref<125x128xf32, #tpu.memory_space<vmem>>)
          %dma_start3A = arith.constant 0 : i32
          %dma_start3A_88 = tpu.memref_slice %arg7[%sub3A_38, %dma_start3A] : memref<30x125xi32, #tpu.memory_space<vmem>> -> memref<1x125xi32, #tpu.memory_space<vmem>>
          %dma_start3A_89 = tpu.memref_squeeze %dma_start3A_88 : memref<1x125xi32, #tpu.memory_space<vmem>> -> memref<125xi32, #tpu.memory_space<vmem>>
          %dma_start3A_90 = arith.constant 0 : i32
          %dma_start3A_91 = arith.constant 0 : i32
          %dma_start3A_92 = tpu.memref_slice %arg8[%dma_start3A_90, %dma_start3A_91] : memref<10240x128xf32, #tpu.memory_space<vmem_shared>> -> memref<10240x128xf32, #tpu.memory_space<vmem_shared>>
          tpu.enqueue_indirect_dma source(%arg10 : memref<125x128xf32, #tpu.memory_space<vmem>>) target(%dma_start3A_92 : memref<10240x128xf32, #tpu.memory_space<vmem_shared>>) offsets(%dma_start3A_89 : memref<125xi32, #tpu.memory_space<vmem>>) semaphore(%arg14 : memref<!tpu.dma_semaphore, #tpu.memory_space<semaphore_mem>>) {add = true}
        } else {
        }
        %mul3A_55 = arith.constant 2 : i32
        %mul3A_56 = arith.muli %scan3A_33, %mul3A_55 : i32
        %add3A_57 = arith.constant 1 : i32
        %add3A_58 = arith.addi %mul3A_56, %add3A_57 : i32
        %sub3A_59 = arith.constant 1 : i32
        %sub3A_60 = arith.subi %add3A_58, %sub3A_59 : i32
        %lt3A_61 = arith.constant 30 : i32
        %lt3A_62 = arith.cmpi slt, %add3A_58, %lt3A_61 : i32
        %ge3A_63 = arith.constant 2 : i32
        %ge3A_64 = arith.cmpi sge, %add3A_58, %ge3A_63 : i32
        %and3A_65 = arith.andi %lt3A_62, %ge3A_64 : i1
        %convert_element_type3A_66 = arith.extui %and3A_65 : i1 to i32
        %cond3A_67 = arith.constant 0 : i32
        %cond3A_68 = arith.cmpi ne, %convert_element_type3A_66, %cond3A_67 : i32
        scf.if %cond3A_68 {
          %sub3A_82 = arith.constant 2 : i32
          %sub3A_83 = arith.subi %add3A_58, %sub3A_82 : i32
          %dma_wait3A_84 = arith.constant 0 : i32
          %dma_wait3A_85 = tpu.memref_slice %arg7[%sub3A_83, %dma_wait3A_84] : memref<30x125xi32, #tpu.memory_space<vmem>> -> memref<1x125xi32, #tpu.memory_space<vmem>>
          %dma_wait3A_86 = tpu.memref_squeeze %dma_wait3A_85 : memref<1x125xi32, #tpu.memory_space<vmem>> -> memref<125xi32, #tpu.memory_space<vmem>>
          %dma_wait3A_87 = arith.constant 0 : i32
          %dma_wait3A_88 = arith.constant 0 : i32
          %dma_wait3A_89 = tpu.memref_slice %arg8[%dma_wait3A_87, %dma_wait3A_88] : memref<10240x128xf32, #tpu.memory_space<vmem_shared>> -> memref<10240x128xf32, #tpu.memory_space<vmem_shared>>
          tpu.wait_indirect_dma semaphore(%arg14 : memref<!tpu.dma_semaphore, #tpu.memory_space<semaphore_mem>>) src(%arg10 : memref<125x128xf32, #tpu.memory_space<vmem>>) dst(%dma_wait3A_89 : memref<10240x128xf32, #tpu.memory_space<vmem_shared>>)
        } else {
        }
        %lt3A_69 = arith.constant 30 : i32
        %lt3A_70 = arith.cmpi slt, %add3A_58, %lt3A_69 : i32
        %convert_element_type3A_71 = arith.extui %lt3A_70 : i1 to i32
        %cond3A_72 = arith.constant 0 : i32
        %cond3A_73 = arith.cmpi ne, %convert_element_type3A_71, %cond3A_72 : i32
        scf.if %cond3A_73 {
          %dma_start3A = arith.constant 0 : i32
          %dma_start3A_82 = tpu.memref_slice %arg6[%add3A_58, %dma_start3A] : memref<30x125xi32, #tpu.memory_space<vmem>> -> memref<1x125xi32, #tpu.memory_space<vmem>>
          %dma_start3A_83 = tpu.memref_squeeze %dma_start3A_82 : memref<1x125xi32, #tpu.memory_space<vmem>> -> memref<125xi32, #tpu.memory_space<vmem>>
          %dma_start3A_84 = arith.constant 0 : i32
          %dma_start3A_85 = arith.constant 0 : i32
          %dma_start3A_86 = tpu.memref_slice %arg2[%dma_start3A_84, %dma_start3A_85] : memref<61440x128xf32, #tpu.memory_space<hbm>> -> memref<61440x128xf32, #tpu.memory_space<hbm>>
          tpu.enqueue_indirect_dma source(%dma_start3A_86 : memref<61440x128xf32, #tpu.memory_space<hbm>>) target(%arg10 : memref<125x128xf32, #tpu.memory_space<vmem>>) offsets(%dma_start3A_83 : memref<125xi32, #tpu.memory_space<vmem>>) semaphore(%arg12 : memref<!tpu.dma_semaphore, #tpu.memory_space<semaphore_mem>>)
        } else {
        }
        %ge3A_74 = arith.constant 0 : i32
        %ge3A_75 = arith.cmpi sge, %sub3A_60, %ge3A_74 : i32
        %lt3A_76 = arith.constant 30 : i32
        %lt3A_77 = arith.cmpi slt, %sub3A_60, %lt3A_76 : i32
        %and3A_78 = arith.andi %ge3A_75, %lt3A_77 : i1
        %convert_element_type3A_79 = arith.extui %and3A_78 : i1 to i32
        %cond3A_80 = arith.constant 0 : i32
        %cond3A_81 = arith.cmpi ne, %convert_element_type3A_79, %cond3A_80 : i32
        scf.if %cond3A_81 {
          %dma_wait3A_82 = arith.constant 0 : i32
          %dma_wait3A_83 = tpu.memref_slice %arg6[%sub3A_60, %dma_wait3A_82] : memref<30x125xi32, #tpu.memory_space<vmem>> -> memref<1x125xi32, #tpu.memory_space<vmem>>
          %dma_wait3A_84 = tpu.memref_squeeze %dma_wait3A_83 : memref<1x125xi32, #tpu.memory_space<vmem>> -> memref<125xi32, #tpu.memory_space<vmem>>
          %dma_wait3A_85 = arith.constant 0 : i32
          %dma_wait3A_86 = arith.constant 0 : i32
          %dma_wait3A_87 = tpu.memref_slice %arg2[%dma_wait3A_85, %dma_wait3A_86] : memref<61440x128xf32, #tpu.memory_space<hbm>> -> memref<61440x128xf32, #tpu.memory_space<hbm>>
          tpu.wait_indirect_dma semaphore(%arg11 : memref<!tpu.dma_semaphore, #tpu.memory_space<semaphore_mem>>) src(%dma_wait3A_87 : memref<61440x128xf32, #tpu.memory_space<hbm>>) dst(%arg9 : memref<125x128xf32, #tpu.memory_space<vmem>>)
          %dma_start3A = arith.constant 0 : i32
          %dma_start3A_88 = tpu.memref_slice %arg7[%sub3A_60, %dma_start3A] : memref<30x125xi32, #tpu.memory_space<vmem>> -> memref<1x125xi32, #tpu.memory_space<vmem>>
          %dma_start3A_89 = tpu.memref_squeeze %dma_start3A_88 : memref<1x125xi32, #tpu.memory_space<vmem>> -> memref<125xi32, #tpu.memory_space<vmem>>
          %dma_start3A_90 = arith.constant 0 : i32
          %dma_start3A_91 = arith.constant 0 : i32
          %dma_start3A_92 = tpu.memref_slice %arg8[%dma_start3A_90, %dma_start3A_91] : memref<10240x128xf32, #tpu.memory_space<vmem_shared>> -> memref<10240x128xf32, #tpu.memory_space<vmem_shared>>
          tpu.enqueue_indirect_dma source(%arg9 : memref<125x128xf32, #tpu.memory_space<vmem>>) target(%dma_start3A_92 : memref<10240x128xf32, #tpu.memory_space<vmem_shared>>) offsets(%dma_start3A_89 : memref<125xi32, #tpu.memory_space<vmem>>) semaphore(%arg13 : memref<!tpu.dma_semaphore, #tpu.memory_space<semaphore_mem>>) {add = true}
        } else {
        }
      }
      %scan3A_17 = arith.constant 16 : i32
      %dma_wait3A = arith.constant 28 : i32
      %dma_wait3A_18 = arith.constant 0 : i32
      %dma_wait3A_19 = tpu.memref_slice %arg7[%dma_wait3A, %dma_wait3A_18] : memref<30x125xi32, #tpu.memory_space<vmem>> -> memref<1x125xi32, #tpu.memory_space<vmem>>
      %dma_wait3A_20 = tpu.memref_squeeze %dma_wait3A_19 : memref<1x125xi32, #tpu.memory_space<vmem>> -> memref<125xi32, #tpu.memory_space<vmem>>
      %dma_wait3A_21 = arith.constant 0 : i32
      %dma_wait3A_22 = arith.constant 0 : i32
      %dma_wait3A_23 = tpu.memref_slice %arg8[%dma_wait3A_21, %dma_wait3A_22] : memref<10240x128xf32, #tpu.memory_space<vmem_shared>> -> memref<10240x128xf32, #tpu.memory_space<vmem_shared>>
      tpu.wait_indirect_dma semaphore(%arg13 : memref<!tpu.dma_semaphore, #tpu.memory_space<semaphore_mem>>) src(%arg9 : memref<125x128xf32, #tpu.memory_space<vmem>>) dst(%dma_wait3A_23 : memref<10240x128xf32, #tpu.memory_space<vmem_shared>>)
      %dma_wait3A_24 = arith.constant 29 : i32
      %dma_wait3A_25 = arith.constant 0 : i32
      %dma_wait3A_26 = tpu.memref_slice %arg7[%dma_wait3A_24, %dma_wait3A_25] : memref<30x125xi32, #tpu.memory_space<vmem>> -> memref<1x125xi32, #tpu.memory_space<vmem>>
      %dma_wait3A_27 = tpu.memref_squeeze %dma_wait3A_26 : memref<1x125xi32, #tpu.memory_space<vmem>> -> memref<125xi32, #tpu.memory_space<vmem>>
      %dma_wait3A_28 = arith.constant 0 : i32
      %dma_wait3A_29 = arith.constant 0 : i32
      %dma_wait3A_30 = tpu.memref_slice %arg8[%dma_wait3A_28, %dma_wait3A_29] : memref<10240x128xf32, #tpu.memory_space<vmem_shared>> -> memref<10240x128xf32, #tpu.memory_space<vmem_shared>>
      tpu.wait_indirect_dma semaphore(%arg14 : memref<!tpu.dma_semaphore, #tpu.memory_space<semaphore_mem>>) src(%arg10 : memref<125x128xf32, #tpu.memory_space<vmem>>) dst(%dma_wait3A_30 : memref<10240x128xf32, #tpu.memory_space<vmem_shared>>)
      %barrier3A_31 = arith.constant 0 : index
      tpu.barrier barrier_id(%barrier3A_31)
      %add3A_32 = arith.addi %mul3A_10, %mul3A_0 : i32
      "tpu.region"() ({
        %run_scoped3A = tpu.sem_alloc : memref<!tpu.dma_semaphore, #tpu.memory_space<semaphore_mem>>
        %dma_start3A = arith.constant 0 : i32
        %dma_start3A_33 = tpu.memref_slice %arg5[%add3A_32, %dma_start3A] : memref<61440x128xf32, #tpu.memory_space<hbm>> -> memref<640x128xf32, #tpu.memory_space<hbm>>
        %dma_start3A_34 = arith.constant 0 : i32
        %dma_start3A_35 = tpu.memref_slice %arg8[%mul3A_0, %dma_start3A_34] : memref<10240x128xf32, #tpu.memory_space<vmem_shared>> -> memref<640x128xf32, #tpu.memory_space<vmem_shared>>
        tpu.enqueue_dma source(%dma_start3A_35 : memref<640x128xf32, #tpu.memory_space<vmem_shared>>) target(%dma_start3A_33 : memref<640x128xf32, #tpu.memory_space<hbm>>) target_semaphore(%run_scoped3A : memref<!tpu.dma_semaphore, #tpu.memory_space<semaphore_mem>>)
        %dma_wait3A_36 = arith.constant 0 : i32
        %dma_wait3A_37 = tpu.memref_slice %arg5[%add3A_32, %dma_wait3A_36] : memref<61440x128xf32, #tpu.memory_space<hbm>> -> memref<640x128xf32, #tpu.memory_space<hbm>>
        %dma_wait3A_38 = arith.constant 0 : i32
        %dma_wait3A_39 = tpu.memref_slice %arg8[%mul3A_0, %dma_wait3A_38] : memref<10240x128xf32, #tpu.memory_space<vmem_shared>> -> memref<640x128xf32, #tpu.memory_space<vmem_shared>>
        tpu.wait_dma2 semaphore(%run_scoped3A : memref<!tpu.dma_semaphore, #tpu.memory_space<semaphore_mem>>) src(%dma_wait3A_39 : memref<640x128xf32, #tpu.memory_space<vmem_shared>>) dst(%dma_wait3A_37 : memref<640x128xf32, #tpu.memory_space<hbm>>)
        tpu.yield
      }) : () -> ()
    }
    %scan3A_5 = arith.constant 3 : i32
    return
  }
}

module attributes {stable_mosaic.version = 14 : i64} {
  func.func @body(%arg0: i32, %arg1: i32, %arg2: memref<2048x128xf32, #tpu.memory_space<vmem>>, %arg3: memref<1x1x1x2048xf32, #tpu.memory_space<vmem>>, %arg4: memref<128x128xf32, #tpu.memory_space<vmem>>, %arg5: memref<1x2048x128xf32, #tpu.memory_space<vmem>>) attributes {dimension_semantics = [#tpu.dimension_semantics<arbitrary>, #tpu.dimension_semantics<arbitrary>], iteration_bounds = array<i64: 4, 5>, scalar_prefetch = 0 : i64, scratch_operands = 0 : i64, tpu.core_type = #tpu.core_type<tc>, window_params = [{transform_indices = @transform_0, window_bounds = array<i64: 2048, 128>}, {transform_indices = @transform_1, window_bounds = array<i64: 1, 1, 1, 2048>}, {pipeline_mode = #tpu.pipeline_mode<synchronous>, transform_indices = @transform_2, window_bounds = array<i64: 128, 128>}, {transform_indices = @transform_3, window_bounds = array<i64: 1, 2048, 128>}]} {
    %get3A = arith.constant 0 : index
    %get3A_0 = arith.constant 0 : index
    %get3A_1 = arith.constant 0 : index
    %get3A_2 = arith.constant 0 : index
    %get3A_3 = vector.load %arg3[%get3A, %get3A_0, %get3A_1, %get3A_2] : memref<1x1x1x2048xf32, #tpu.memory_space<vmem>>, vector<1x1x1x2048xf32>
    %get3A_4 = vector.shape_cast %get3A_3 : vector<1x1x1x2048xf32> to vector<2048xf32>
    %rsqrt3A = math.rsqrt %get3A_4 : vector<2048xf32>
    %get3A_5 = arith.constant 0 : index
    %get3A_6 = arith.constant 0 : index
    %get3A_7 = vector.load %arg2[%get3A_5, %get3A_6] : memref<2048x128xf32, #tpu.memory_space<vmem>>, vector<2048x128xf32>
    %get3A_8 = arith.constant 0 : index
    %get3A_9 = arith.constant 0 : index
    %get3A_10 = vector.load %arg4[%get3A_8, %get3A_9] : memref<128x128xf32, #tpu.memory_space<vmem>>, vector<128x128xf32>
    %dot_general3A = arith.constant dense<0.000000e+00> : vector<2048x128xf32>
    %dot_general3A_11 = tpu.matmul %get3A_7, %get3A_10, %dot_general3A {dimension_numbers = #tpu.dot_dimension_numbers<[1], [0], [0], [1], [0, 0, 1, 1], [], []>, transpose_lhs_hint = false} : vector<2048x128xf32>, vector<128x128xf32>, vector<2048x128xf32> -> vector<2048x128xf32>
    %broadcast_in_dim3A = vector.shape_cast %rsqrt3A : vector<2048xf32> to vector<2048x1xf32>
    %mul3A = vector.broadcast %broadcast_in_dim3A : vector<2048x1xf32> to vector<2048x128xf32>
    %mul3A_12 = arith.mulf %dot_general3A_11, %mul3A : vector<2048x128xf32>
    %swap3A = arith.constant 0 : index
    %swap3A_13 = arith.constant 0 : index
    %swap3A_14 = arith.constant 0 : index
    %swap3A_15 = vector.load %arg5[%swap3A, %swap3A_13, %swap3A_14] : memref<1x2048x128xf32, #tpu.memory_space<vmem>>, vector<1x2048x128xf32>
    %swap3A_16 = vector.shape_cast %swap3A_15 : vector<1x2048x128xf32> to vector<2048x128xf32>
    %swap3A_17 = vector.shape_cast %mul3A_12 : vector<2048x128xf32> to vector<1x2048x128xf32>
    tpu.vector_store %arg5[%swap3A, %swap3A_13, %swap3A_14], %swap3A_17 {strides = array<i32>} : memref<1x2048x128xf32, #tpu.memory_space<vmem>>, vector<1x2048x128xf32>,
    return
  }
  func.func @transform_0(%arg0: i32, %arg1: i32) -> (i32, i32) {
    %c0_i32 = arith.constant 0 : i32
    %c0_i32_0 = arith.constant 0 : i32
    return %arg1, %c0_i32 : i32, i32
  }
  func.func @transform_1(%arg0: i32, %arg1: i32) -> (i32, i32, i32, i32) {
    %c0_i32 = arith.constant 0 : i32
    %c0_i32_0 = arith.constant 0 : i32
    %c0_i32_1 = arith.constant 0 : i32
    return %arg0, %arg1, %c0_i32, %c0_i32_0 : i32, i32, i32, i32
  }
  func.func @transform_2(%arg0: i32, %arg1: i32) -> (i32, i32) {
    %c0_i32 = arith.constant 0 : i32
    %c0_i32_0 = arith.constant 0 : i32
    %c0_i32_1 = arith.constant 0 : i32
    return %c0_i32, %c0_i32_0 : i32, i32
  }
  func.func @transform_3(%arg0: i32, %arg1: i32) -> (i32, i32, i32) {
    %c0_i32 = arith.constant 0 : i32
    %c0_i32_0 = arith.constant 0 : i32
    return %arg0, %arg1, %c0_i32 : i32, i32, i32
  }
}

module attributes {stable_mosaic.version = 14 : i64} {
  func.func @body(%arg0: i32, %arg1: i32, %arg2: memref<1x2048x128xf32, #tpu.memory_space<vmem>>, %arg3: memref<1x1x1x2048xf32, #tpu.memory_space<vmem>>, %arg4: memref<128x128xf32, #tpu.memory_space<vmem>>, %arg5: memref<1x128xf32, #tpu.memory_space<vmem>>, %arg6: memref<1x2048x128xf32, #tpu.memory_space<vmem>>) attributes {dimension_semantics = [#tpu.dimension_semantics<arbitrary>, #tpu.dimension_semantics<arbitrary>], iteration_bounds = array<i64: 4, 5>, scalar_prefetch = 0 : i64, scratch_operands = 0 : i64, tpu.core_type = #tpu.core_type<tc>, window_params = [{transform_indices = @transform_0, window_bounds = array<i64: 1, 2048, 128>}, {transform_indices = @transform_1, window_bounds = array<i64: 1, 1, 1, 2048>}, {pipeline_mode = #tpu.pipeline_mode<synchronous>, transform_indices = @transform_2, window_bounds = array<i64: 128, 128>}, {pipeline_mode = #tpu.pipeline_mode<synchronous>, transform_indices = @transform_3, window_bounds = array<i64: 1, 128>}, {transform_indices = @transform_4, window_bounds = array<i64: 1, 2048, 128>}]} {
    %get3A = arith.constant 0 : index
    %get3A_0 = arith.constant 0 : index
    %get3A_1 = arith.constant 0 : index
    %get3A_2 = arith.constant 0 : index
    %get3A_3 = vector.load %arg3[%get3A, %get3A_0, %get3A_1, %get3A_2] : memref<1x1x1x2048xf32, #tpu.memory_space<vmem>>, vector<1x1x1x2048xf32>
    %get3A_4 = vector.shape_cast %get3A_3 : vector<1x1x1x2048xf32> to vector<2048xf32>
    %rsqrt3A = math.rsqrt %get3A_4 : vector<2048xf32>
    %get3A_5 = arith.constant 0 : index
    %get3A_6 = arith.constant 0 : index
    %get3A_7 = arith.constant 0 : index
    %get3A_8 = vector.load %arg2[%get3A_5, %get3A_6, %get3A_7] : memref<1x2048x128xf32, #tpu.memory_space<vmem>>, vector<1x2048x128xf32>
    %get3A_9 = vector.shape_cast %get3A_8 : vector<1x2048x128xf32> to vector<2048x128xf32>
    %broadcast_in_dim3A = vector.shape_cast %rsqrt3A : vector<2048xf32> to vector<2048x1xf32>
    %mul3A = vector.broadcast %broadcast_in_dim3A : vector<2048x1xf32> to vector<2048x128xf32>
    %mul3A_10 = arith.mulf %get3A_9, %mul3A : vector<2048x128xf32>
    %get3A_11 = arith.constant 0 : index
    %get3A_12 = arith.constant 0 : index
    %get3A_13 = vector.load %arg5[%get3A_11, %get3A_12] : memref<1x128xf32, #tpu.memory_space<vmem>>, vector<1x128xf32>
    %get3A_14 = vector.shape_cast %get3A_13 : vector<1x128xf32> to vector<128xf32>
    %broadcast_in_dim3A_15 = vector.shape_cast %get3A_14 : vector<128xf32> to vector<1x128xf32>
    %add3A = vector.broadcast %broadcast_in_dim3A_15 : vector<1x128xf32> to vector<2048x128xf32>
    %add3A_16 = arith.addf %mul3A_10, %add3A : vector<2048x128xf32>
    %max3A = arith.constant 0.000000e+00 : f32
    %max3A_17 = vector.broadcast %max3A : f32 to vector<2048x128xf32>
    %max3A_18 = arith.maximumf %add3A_16, %max3A_17 : vector<2048x128xf32>
    %get3A_19 = arith.constant 0 : index
    %get3A_20 = arith.constant 0 : index
    %get3A_21 = vector.load %arg4[%get3A_19, %get3A_20] : memref<128x128xf32, #tpu.memory_space<vmem>>, vector<128x128xf32>
    %dot_general3A = arith.constant dense<0.000000e+00> : vector<2048x128xf32>
    %dot_general3A_22 = tpu.matmul %max3A_18, %get3A_21, %dot_general3A {dimension_numbers = #tpu.dot_dimension_numbers<[1], [0], [0], [1], [0, 0, 1, 1], [], []>, transpose_lhs_hint = false} : vector<2048x128xf32>, vector<128x128xf32>, vector<2048x128xf32> -> vector<2048x128xf32>
    %broadcast_in_dim3A_23 = vector.shape_cast %rsqrt3A : vector<2048xf32> to vector<2048x1xf32>
    %mul3A_24 = vector.broadcast %broadcast_in_dim3A_23 : vector<2048x1xf32> to vector<2048x128xf32>
    %mul3A_25 = arith.mulf %dot_general3A_22, %mul3A_24 : vector<2048x128xf32>
    %swap3A = arith.constant 0 : index
    %swap3A_26 = arith.constant 0 : index
    %swap3A_27 = arith.constant 0 : index
    %swap3A_28 = vector.load %arg6[%swap3A, %swap3A_26, %swap3A_27] : memref<1x2048x128xf32, #tpu.memory_space<vmem>>, vector<1x2048x128xf32>
    %swap3A_29 = vector.shape_cast %swap3A_28 : vector<1x2048x128xf32> to vector<2048x128xf32>
    %swap3A_30 = vector.shape_cast %mul3A_25 : vector<2048x128xf32> to vector<1x2048x128xf32>
    tpu.vector_store %arg6[%swap3A, %swap3A_26, %swap3A_27], %swap3A_30 {strides = array<i32>} : memref<1x2048x128xf32, #tpu.memory_space<vmem>>, vector<1x2048x128xf32>,
    return
  }
  func.func @transform_0(%arg0: i32, %arg1: i32) -> (i32, i32, i32) {
    %c0_i32 = arith.constant 0 : i32
    %c0_i32_0 = arith.constant 0 : i32
    return %arg0, %arg1, %c0_i32 : i32, i32, i32
  }
  func.func @transform_1(%arg0: i32, %arg1: i32) -> (i32, i32, i32, i32) {
    %c0_i32 = arith.constant 0 : i32
    %c0_i32_0 = arith.constant 0 : i32
    %c0_i32_1 = arith.constant 0 : i32
    return %arg0, %arg1, %c0_i32, %c0_i32_0 : i32, i32, i32, i32
  }
  func.func @transform_2(%arg0: i32, %arg1: i32) -> (i32, i32) {
    %c0_i32 = arith.constant 0 : i32
    %c0_i32_0 = arith.constant 0 : i32
    %c0_i32_1 = arith.constant 0 : i32
    return %c0_i32, %c0_i32_0 : i32, i32
  }
  func.func @transform_3(%arg0: i32, %arg1: i32) -> (i32, i32) {
    %c0_i32 = arith.constant 0 : i32
    %c0_i32_0 = arith.constant 0 : i32
    %c0_i32_1 = arith.constant 0 : i32
    return %c0_i32, %c0_i32_0 : i32, i32
  }
  func.func @transform_4(%arg0: i32, %arg1: i32) -> (i32, i32, i32) {
    %c0_i32 = arith.constant 0 : i32
    %c0_i32_0 = arith.constant 0 : i32
    return %arg0, %arg1, %c0_i32 : i32, i32, i32
  }
}

module attributes {stable_mosaic.version = 14 : i64} {
  func.func @body(%arg0: i32, %arg1: i32, %arg2: memref<2048x128xf32, #tpu.memory_space<vmem>>, %arg3: memref<1x1x1x2048xf32, #tpu.memory_space<vmem>>, %arg4: memref<128x128xf32, #tpu.memory_space<vmem>>, %arg5: memref<1x2048x128xf32, #tpu.memory_space<vmem>>) attributes {dimension_semantics = [#tpu.dimension_semantics<arbitrary>, #tpu.dimension_semantics<arbitrary>], iteration_bounds = array<i64: 6, 5>, scalar_prefetch = 0 : i64, scratch_operands = 0 : i64, tpu.core_type = #tpu.core_type<tc>, window_params = [{transform_indices = @transform_0, window_bounds = array<i64: 2048, 128>}, {transform_indices = @transform_1, window_bounds = array<i64: 1, 1, 1, 2048>}, {pipeline_mode = #tpu.pipeline_mode<synchronous>, transform_indices = @transform_2, window_bounds = array<i64: 128, 128>}, {transform_indices = @transform_3, window_bounds = array<i64: 1, 2048, 128>}]} {
    %get3A = arith.constant 0 : index
    %get3A_0 = arith.constant 0 : index
    %get3A_1 = arith.constant 0 : index
    %get3A_2 = arith.constant 0 : index
    %get3A_3 = vector.load %arg3[%get3A, %get3A_0, %get3A_1, %get3A_2] : memref<1x1x1x2048xf32, #tpu.memory_space<vmem>>, vector<1x1x1x2048xf32>
    %get3A_4 = vector.shape_cast %get3A_3 : vector<1x1x1x2048xf32> to vector<2048xf32>
    %rsqrt3A = math.rsqrt %get3A_4 : vector<2048xf32>
    %get3A_5 = arith.constant 0 : index
    %get3A_6 = arith.constant 0 : index
    %get3A_7 = vector.load %arg2[%get3A_5, %get3A_6] : memref<2048x128xf32, #tpu.memory_space<vmem>>, vector<2048x128xf32>
    %get3A_8 = arith.constant 0 : index
    %get3A_9 = arith.constant 0 : index
    %get3A_10 = vector.load %arg4[%get3A_8, %get3A_9] : memref<128x128xf32, #tpu.memory_space<vmem>>, vector<128x128xf32>
    %dot_general3A = arith.constant dense<0.000000e+00> : vector<2048x128xf32>
    %dot_general3A_11 = tpu.matmul %get3A_7, %get3A_10, %dot_general3A {dimension_numbers = #tpu.dot_dimension_numbers<[1], [0], [0], [1], [0, 0, 1, 1], [], []>, transpose_lhs_hint = false} : vector<2048x128xf32>, vector<128x128xf32>, vector<2048x128xf32> -> vector<2048x128xf32>
    %broadcast_in_dim3A = vector.shape_cast %rsqrt3A : vector<2048xf32> to vector<2048x1xf32>
    %mul3A = vector.broadcast %broadcast_in_dim3A : vector<2048x1xf32> to vector<2048x128xf32>
    %mul3A_12 = arith.mulf %dot_general3A_11, %mul3A : vector<2048x128xf32>
    %swap3A = arith.constant 0 : index
    %swap3A_13 = arith.constant 0 : index
    %swap3A_14 = arith.constant 0 : index
    %swap3A_15 = vector.load %arg5[%swap3A, %swap3A_13, %swap3A_14] : memref<1x2048x128xf32, #tpu.memory_space<vmem>>, vector<1x2048x128xf32>
    %swap3A_16 = vector.shape_cast %swap3A_15 : vector<1x2048x128xf32> to vector<2048x128xf32>
    %swap3A_17 = vector.shape_cast %mul3A_12 : vector<2048x128xf32> to vector<1x2048x128xf32>
    tpu.vector_store %arg5[%swap3A, %swap3A_13, %swap3A_14], %swap3A_17 {strides = array<i32>} : memref<1x2048x128xf32, #tpu.memory_space<vmem>>, vector<1x2048x128xf32>,
    return
  }
  func.func @transform_0(%arg0: i32, %arg1: i32) -> (i32, i32) {
    %c0_i32 = arith.constant 0 : i32
    %c0_i32_0 = arith.constant 0 : i32
    return %arg1, %c0_i32 : i32, i32
  }
  func.func @transform_1(%arg0: i32, %arg1: i32) -> (i32, i32, i32, i32) {
    %c0_i32 = arith.constant 0 : i32
    %c0_i32_0 = arith.constant 0 : i32
    %c0_i32_1 = arith.constant 0 : i32
    return %arg0, %arg1, %c0_i32, %c0_i32_0 : i32, i32, i32, i32
  }
  func.func @transform_2(%arg0: i32, %arg1: i32) -> (i32, i32) {
    %c0_i32 = arith.constant 0 : i32
    %c0_i32_0 = arith.constant 0 : i32
    %c0_i32_1 = arith.constant 0 : i32
    return %c0_i32, %c0_i32_0 : i32, i32
  }
  func.func @transform_3(%arg0: i32, %arg1: i32) -> (i32, i32, i32) {
    %c0_i32 = arith.constant 0 : i32
    %c0_i32_0 = arith.constant 0 : i32
    return %arg0, %arg1, %c0_i32 : i32, i32, i32
  }
}

module attributes {stable_mosaic.version = 14 : i64} {
  func.func @body(%arg0: i32, %arg1: i32, %arg2: memref<1x2048x128xf32, #tpu.memory_space<vmem>>, %arg3: memref<1x1x1x2048xf32, #tpu.memory_space<vmem>>, %arg4: memref<128x128xf32, #tpu.memory_space<vmem>>, %arg5: memref<1x128xf32, #tpu.memory_space<vmem>>, %arg6: memref<1x2048x128xf32, #tpu.memory_space<vmem>>) attributes {dimension_semantics = [#tpu.dimension_semantics<arbitrary>, #tpu.dimension_semantics<arbitrary>], iteration_bounds = array<i64: 6, 5>, scalar_prefetch = 0 : i64, scratch_operands = 0 : i64, tpu.core_type = #tpu.core_type<tc>, window_params = [{transform_indices = @transform_0, window_bounds = array<i64: 1, 2048, 128>}, {transform_indices = @transform_1, window_bounds = array<i64: 1, 1, 1, 2048>}, {pipeline_mode = #tpu.pipeline_mode<synchronous>, transform_indices = @transform_2, window_bounds = array<i64: 128, 128>}, {pipeline_mode = #tpu.pipeline_mode<synchronous>, transform_indices = @transform_3, window_bounds = array<i64: 1, 128>}, {transform_indices = @transform_4, window_bounds = array<i64: 1, 2048, 128>}]} {
    %get3A = arith.constant 0 : index
    %get3A_0 = arith.constant 0 : index
    %get3A_1 = arith.constant 0 : index
    %get3A_2 = arith.constant 0 : index
    %get3A_3 = vector.load %arg3[%get3A, %get3A_0, %get3A_1, %get3A_2] : memref<1x1x1x2048xf32, #tpu.memory_space<vmem>>, vector<1x1x1x2048xf32>
    %get3A_4 = vector.shape_cast %get3A_3 : vector<1x1x1x2048xf32> to vector<2048xf32>
    %rsqrt3A = math.rsqrt %get3A_4 : vector<2048xf32>
    %get3A_5 = arith.constant 0 : index
    %get3A_6 = arith.constant 0 : index
    %get3A_7 = arith.constant 0 : index
    %get3A_8 = vector.load %arg2[%get3A_5, %get3A_6, %get3A_7] : memref<1x2048x128xf32, #tpu.memory_space<vmem>>, vector<1x2048x128xf32>
    %get3A_9 = vector.shape_cast %get3A_8 : vector<1x2048x128xf32> to vector<2048x128xf32>
    %broadcast_in_dim3A = vector.shape_cast %rsqrt3A : vector<2048xf32> to vector<2048x1xf32>
    %mul3A = vector.broadcast %broadcast_in_dim3A : vector<2048x1xf32> to vector<2048x128xf32>
    %mul3A_10 = arith.mulf %get3A_9, %mul3A : vector<2048x128xf32>
    %get3A_11 = arith.constant 0 : index
    %get3A_12 = arith.constant 0 : index
    %get3A_13 = vector.load %arg5[%get3A_11, %get3A_12] : memref<1x128xf32, #tpu.memory_space<vmem>>, vector<1x128xf32>
    %get3A_14 = vector.shape_cast %get3A_13 : vector<1x128xf32> to vector<128xf32>
    %broadcast_in_dim3A_15 = vector.shape_cast %get3A_14 : vector<128xf32> to vector<1x128xf32>
    %add3A = vector.broadcast %broadcast_in_dim3A_15 : vector<1x128xf32> to vector<2048x128xf32>
    %add3A_16 = arith.addf %mul3A_10, %add3A : vector<2048x128xf32>
    %max3A = arith.constant 0.000000e+00 : f32
    %max3A_17 = vector.broadcast %max3A : f32 to vector<2048x128xf32>
    %max3A_18 = arith.maximumf %add3A_16, %max3A_17 : vector<2048x128xf32>
    %get3A_19 = arith.constant 0 : index
    %get3A_20 = arith.constant 0 : index
    %get3A_21 = vector.load %arg4[%get3A_19, %get3A_20] : memref<128x128xf32, #tpu.memory_space<vmem>>, vector<128x128xf32>
    %dot_general3A = arith.constant dense<0.000000e+00> : vector<2048x128xf32>
    %dot_general3A_22 = tpu.matmul %max3A_18, %get3A_21, %dot_general3A {dimension_numbers = #tpu.dot_dimension_numbers<[1], [0], [0], [1], [0, 0, 1, 1], [], []>, transpose_lhs_hint = false} : vector<2048x128xf32>, vector<128x128xf32>, vector<2048x128xf32> -> vector<2048x128xf32>
    %broadcast_in_dim3A_23 = vector.shape_cast %rsqrt3A : vector<2048xf32> to vector<2048x1xf32>
    %mul3A_24 = vector.broadcast %broadcast_in_dim3A_23 : vector<2048x1xf32> to vector<2048x128xf32>
    %mul3A_25 = arith.mulf %dot_general3A_22, %mul3A_24 : vector<2048x128xf32>
    %swap3A = arith.constant 0 : index
    %swap3A_26 = arith.constant 0 : index
    %swap3A_27 = arith.constant 0 : index
    %swap3A_28 = vector.load %arg6[%swap3A, %swap3A_26, %swap3A_27] : memref<1x2048x128xf32, #tpu.memory_space<vmem>>, vector<1x2048x128xf32>
    %swap3A_29 = vector.shape_cast %swap3A_28 : vector<1x2048x128xf32> to vector<2048x128xf32>
    %swap3A_30 = vector.shape_cast %mul3A_25 : vector<2048x128xf32> to vector<1x2048x128xf32>
    tpu.vector_store %arg6[%swap3A, %swap3A_26, %swap3A_27], %swap3A_30 {strides = array<i32>} : memref<1x2048x128xf32, #tpu.memory_space<vmem>>, vector<1x2048x128xf32>,
    return
  }
  func.func @transform_0(%arg0: i32, %arg1: i32) -> (i32, i32, i32) {
    %c0_i32 = arith.constant 0 : i32
    %c0_i32_0 = arith.constant 0 : i32
    return %arg0, %arg1, %c0_i32 : i32, i32, i32
  }
  func.func @transform_1(%arg0: i32, %arg1: i32) -> (i32, i32, i32, i32) {
    %c0_i32 = arith.constant 0 : i32
    %c0_i32_0 = arith.constant 0 : i32
    %c0_i32_1 = arith.constant 0 : i32
    return %arg0, %arg1, %c0_i32, %c0_i32_0 : i32, i32, i32, i32
  }
  func.func @transform_2(%arg0: i32, %arg1: i32) -> (i32, i32) {
    %c0_i32 = arith.constant 0 : i32
    %c0_i32_0 = arith.constant 0 : i32
    %c0_i32_1 = arith.constant 0 : i32
    return %c0_i32, %c0_i32_0 : i32, i32
  }
  func.func @transform_3(%arg0: i32, %arg1: i32) -> (i32, i32) {
    %c0_i32 = arith.constant 0 : i32
    %c0_i32_0 = arith.constant 0 : i32
    %c0_i32_1 = arith.constant 0 : i32
    return %c0_i32, %c0_i32_0 : i32, i32
  }
  func.func @transform_4(%arg0: i32, %arg1: i32) -> (i32, i32, i32) {
    %c0_i32 = arith.constant 0 : i32
    %c0_i32_0 = arith.constant 0 : i32
    return %arg0, %arg1, %c0_i32 : i32, i32, i32
  }
}

module attributes {stable_mosaic.version = 14 : i64} {
  func.func @body(%arg0: i32, %arg1: i32, %arg2: memref<1x2000x128xf32, #tpu.memory_space<vmem>>, %arg3: memref<1x1x1x2000xf32, #tpu.memory_space<vmem>>, %arg4: memref<1x128xf32, #tpu.memory_space<vmem>>, %arg5: memref<1x2000x128xf32, #tpu.memory_space<vmem>>) attributes {dimension_semantics = [#tpu.dimension_semantics<arbitrary>, #tpu.dimension_semantics<arbitrary>], iteration_bounds = array<i64: 4, 5>, scalar_prefetch = 0 : i64, scratch_operands = 0 : i64, tpu.core_type = #tpu.core_type<tc>, window_params = [{transform_indices = @transform_0, window_bounds = array<i64: 1, 2000, 128>}, {transform_indices = @transform_1, window_bounds = array<i64: 1, 1, 1, 2000>}, {pipeline_mode = #tpu.pipeline_mode<synchronous>, transform_indices = @transform_2, window_bounds = array<i64: 1, 128>}, {transform_indices = @transform_3, window_bounds = array<i64: 1, 2000, 128>}]} {
    %get3A = arith.constant 0 : index
    %get3A_0 = arith.constant 0 : index
    %get3A_1 = arith.constant 0 : index
    %get3A_2 = arith.constant 0 : index
    %get3A_3 = vector.load %arg3[%get3A, %get3A_0, %get3A_1, %get3A_2] : memref<1x1x1x2000xf32, #tpu.memory_space<vmem>>, vector<1x1x1x2000xf32>
    %get3A_4 = vector.shape_cast %get3A_3 : vector<1x1x1x2000xf32> to vector<2000xf32>
    %rsqrt3A = math.rsqrt %get3A_4 : vector<2000xf32>
    %get3A_5 = arith.constant 0 : index
    %get3A_6 = arith.constant 0 : index
    %get3A_7 = arith.constant 0 : index
    %get3A_8 = vector.load %arg2[%get3A_5, %get3A_6, %get3A_7] : memref<1x2000x128xf32, #tpu.memory_space<vmem>>, vector<1x2000x128xf32>
    %get3A_9 = vector.shape_cast %get3A_8 : vector<1x2000x128xf32> to vector<2000x128xf32>
    %broadcast_in_dim3A = vector.shape_cast %rsqrt3A : vector<2000xf32> to vector<2000x1xf32>
    %mul3A = vector.broadcast %broadcast_in_dim3A : vector<2000x1xf32> to vector<2000x128xf32>
    %mul3A_10 = arith.mulf %get3A_9, %mul3A : vector<2000x128xf32>
    %get3A_11 = arith.constant 0 : index
    %get3A_12 = arith.constant 0 : index
    %get3A_13 = vector.load %arg4[%get3A_11, %get3A_12] : memref<1x128xf32, #tpu.memory_space<vmem>>, vector<1x128xf32>
    %get3A_14 = vector.shape_cast %get3A_13 : vector<1x128xf32> to vector<128xf32>
    %broadcast_in_dim3A_15 = vector.shape_cast %get3A_14 : vector<128xf32> to vector<1x128xf32>
    %add3A = vector.broadcast %broadcast_in_dim3A_15 : vector<1x128xf32> to vector<2000x128xf32>
    %add3A_16 = arith.addf %mul3A_10, %add3A : vector<2000x128xf32>
    %max3A = arith.constant 0.000000e+00 : f32
    %max3A_17 = vector.broadcast %max3A : f32 to vector<2000x128xf32>
    %max3A_18 = arith.maximumf %add3A_16, %max3A_17 : vector<2000x128xf32>
    %swap3A = arith.constant 0 : index
    %swap3A_19 = arith.constant 0 : index
    %swap3A_20 = arith.constant 0 : index
    %swap3A_21 = vector.load %arg5[%swap3A, %swap3A_19, %swap3A_20] : memref<1x2000x128xf32, #tpu.memory_space<vmem>>, vector<1x2000x128xf32>
    %swap3A_22 = vector.shape_cast %swap3A_21 : vector<1x2000x128xf32> to vector<2000x128xf32>
    %swap3A_23 = vector.shape_cast %max3A_18 : vector<2000x128xf32> to vector<1x2000x128xf32>
    tpu.vector_store %arg5[%swap3A, %swap3A_19, %swap3A_20], %swap3A_23 {strides = array<i32>} : memref<1x2000x128xf32, #tpu.memory_space<vmem>>, vector<1x2000x128xf32>,
    return
  }
  func.func @transform_0(%arg0: i32, %arg1: i32) -> (i32, i32, i32) {
    %c0_i32 = arith.constant 0 : i32
    %c0_i32_0 = arith.constant 0 : i32
    return %arg0, %arg1, %c0_i32 : i32, i32, i32
  }
  func.func @transform_1(%arg0: i32, %arg1: i32) -> (i32, i32, i32, i32) {
    %c0_i32 = arith.constant 0 : i32
    %c0_i32_0 = arith.constant 0 : i32
    %c0_i32_1 = arith.constant 0 : i32
    return %arg0, %arg1, %c0_i32, %c0_i32_0 : i32, i32, i32, i32
  }
  func.func @transform_2(%arg0: i32, %arg1: i32) -> (i32, i32) {
    %c0_i32 = arith.constant 0 : i32
    %c0_i32_0 = arith.constant 0 : i32
    %c0_i32_1 = arith.constant 0 : i32
    return %c0_i32, %c0_i32_0 : i32, i32
  }
  func.func @transform_3(%arg0: i32, %arg1: i32) -> (i32, i32, i32) {
    %add3A = arith.constant 0 : i32
    %add3A_0 = arith.addi %arg0, %add3A : i32
    %c0_i32 = arith.constant 0 : i32
    %c0_i32_1 = arith.constant 0 : i32
    return %add3A_0, %arg1, %c0_i32 : i32, i32, i32
  }
}

module attributes {stable_mosaic.version = 14 : i64} {
  func.func @body(%arg0: i32, %arg1: i32, %arg2: memref<1x2000x128xf32, #tpu.memory_space<vmem>>, %arg3: memref<1x1x1x2000xf32, #tpu.memory_space<vmem>>, %arg4: memref<1x128xf32, #tpu.memory_space<vmem>>, %arg5: memref<10x10000x128xf32, #tpu.memory_space<any>>, %arg6: memref<1x2000x128xf32, #tpu.memory_space<vmem>>) attributes {dimension_semantics = [#tpu.dimension_semantics<arbitrary>, #tpu.dimension_semantics<arbitrary>], iteration_bounds = array<i64: 6, 5>, scalar_prefetch = 0 : i64, scratch_operands = 0 : i64, tpu.core_type = #tpu.core_type<tc>, window_params = [{transform_indices = @transform_0, window_bounds = array<i64: 1, 2000, 128>}, {transform_indices = @transform_1, window_bounds = array<i64: 1, 1, 1, 2000>}, {pipeline_mode = #tpu.pipeline_mode<synchronous>, transform_indices = @transform_2, window_bounds = array<i64: 1, 128>}, {}, {transform_indices = @transform_4, window_bounds = array<i64: 1, 2000, 128>}]} {
    %get3A = arith.constant 0 : index
    %get3A_0 = arith.constant 0 : index
    %get3A_1 = arith.constant 0 : index
    %get3A_2 = arith.constant 0 : index
    %get3A_3 = vector.load %arg3[%get3A, %get3A_0, %get3A_1, %get3A_2] : memref<1x1x1x2000xf32, #tpu.memory_space<vmem>>, vector<1x1x1x2000xf32>
    %get3A_4 = vector.shape_cast %get3A_3 : vector<1x1x1x2000xf32> to vector<2000xf32>
    %rsqrt3A = math.rsqrt %get3A_4 : vector<2000xf32>
    %get3A_5 = arith.constant 0 : index
    %get3A_6 = arith.constant 0 : index
    %get3A_7 = arith.constant 0 : index
    %get3A_8 = vector.load %arg2[%get3A_5, %get3A_6, %get3A_7] : memref<1x2000x128xf32, #tpu.memory_space<vmem>>, vector<1x2000x128xf32>
    %get3A_9 = vector.shape_cast %get3A_8 : vector<1x2000x128xf32> to vector<2000x128xf32>
    %broadcast_in_dim3A = vector.shape_cast %rsqrt3A : vector<2000xf32> to vector<2000x1xf32>
    %mul3A = vector.broadcast %broadcast_in_dim3A : vector<2000x1xf32> to vector<2000x128xf32>
    %mul3A_10 = arith.mulf %get3A_9, %mul3A : vector<2000x128xf32>
    %get3A_11 = arith.constant 0 : index
    %get3A_12 = arith.constant 0 : index
    %get3A_13 = vector.load %arg4[%get3A_11, %get3A_12] : memref<1x128xf32, #tpu.memory_space<vmem>>, vector<1x128xf32>
    %get3A_14 = vector.shape_cast %get3A_13 : vector<1x128xf32> to vector<128xf32>
    %broadcast_in_dim3A_15 = vector.shape_cast %get3A_14 : vector<128xf32> to vector<1x128xf32>
    %add3A = vector.broadcast %broadcast_in_dim3A_15 : vector<1x128xf32> to vector<2000x128xf32>
    %add3A_16 = arith.addf %mul3A_10, %add3A : vector<2000x128xf32>
    %max3A = arith.constant 0.000000e+00 : f32
    %max3A_17 = vector.broadcast %max3A : f32 to vector<2000x128xf32>
    %max3A_18 = arith.maximumf %add3A_16, %max3A_17 : vector<2000x128xf32>
    %swap3A = arith.constant 0 : index
    %swap3A_19 = arith.constant 0 : index
    %swap3A_20 = arith.constant 0 : index
    %swap3A_21 = vector.load %arg6[%swap3A, %swap3A_19, %swap3A_20] : memref<1x2000x128xf32, #tpu.memory_space<vmem>>, vector<1x2000x128xf32>
    %swap3A_22 = vector.shape_cast %swap3A_21 : vector<1x2000x128xf32> to vector<2000x128xf32>
    %swap3A_23 = vector.shape_cast %max3A_18 : vector<2000x128xf32> to vector<1x2000x128xf32>
    tpu.vector_store %arg6[%swap3A, %swap3A_19, %swap3A_20], %swap3A_23 {strides = array<i32>} : memref<1x2000x128xf32, #tpu.memory_space<vmem>>, vector<1x2000x128xf32>,
    return
  }
  func.func @transform_0(%arg0: i32, %arg1: i32) -> (i32, i32, i32) {
    %c0_i32 = arith.constant 0 : i32
    %c0_i32_0 = arith.constant 0 : i32
    return %arg0, %arg1, %c0_i32 : i32, i32, i32
  }
  func.func @transform_1(%arg0: i32, %arg1: i32) -> (i32, i32, i32, i32) {
    %c0_i32 = arith.constant 0 : i32
    %c0_i32_0 = arith.constant 0 : i32
    %c0_i32_1 = arith.constant 0 : i32
    return %arg0, %arg1, %c0_i32, %c0_i32_0 : i32, i32, i32, i32
  }
  func.func @transform_2(%arg0: i32, %arg1: i32) -> (i32, i32) {
    %c0_i32 = arith.constant 0 : i32
    %c0_i32_0 = arith.constant 0 : i32
    %c0_i32_1 = arith.constant 0 : i32
    return %c0_i32, %c0_i32_0 : i32, i32
  }
  func.func @transform_4(%arg0: i32, %arg1: i32) -> (i32, i32, i32) {
    %add3A = arith.constant 4 : i32
    %add3A_0 = arith.addi %arg0, %add3A : i32
    %c0_i32 = arith.constant 0 : i32
    %c0_i32_1 = arith.constant 0 : i32
    return %add3A_0, %arg1, %c0_i32 : i32, i32, i32
  }
}

</mosaic_0001>

<sc_bundles>
// kernel: kernel.14.cloned.1.call-start
scs
__scs_entry_jumppad:
0x0: {  	(pc) =	sbr.rel $0x88, $3  }
0x1: {  	(tag) =	ssettag $0x0;
	lr =	simm.s32 $0x1  }
0x2: {  	[smem:$0x3F9B] =	sst lr;
	_ =	strace $0xD0000000  }
0x3: {  	_ = 	snop  }
0x4: {  	_ = 	snop  }
0x5: {  	_ = 	snop  }
0x6: {  	_ = 	snop  }
0x7: {  	_ = 	snop  }
__scs_overlays_trampoline_lowered:
0x8: {  	[smem:$0x3FAA] =	sst s0  }
0x9: {  	[smem:$0x3FAB] =	sst s1  }
0xa: {  	[smem:$0x3FAC] =	sst s2  }
0xb: {  	[smem:$0x3FAD] =	sst s3  }
0xc: {  	[smem:$0x3FAE] =	sst s4  }
0xd: {  	[smem:$0x3FAF] =	sst s5  }
0xe: {  	[smem:$0x3FB0] =	sst s6  }
0xf: {  	[smem:$0x3FB1] =	sst s7  }
0x10: {  	[smem:$0x3FB2] =	sst s8  }
0x11: {  	[smem:$0x3FB3] =	sst s9;
	s0 =	simm.s32 @!p0 $0x0  }
0x12: {  	s1 =	sld [smem:$0x3F99];
	s0 =	simm.s32 @p0 $0x1  }
0x13: {  	[smem:$0x3FB4] =	sst s0;
	s0 =	simm.s32 @!p1 $0x0  }
0x14: {  	s2 =	sld [smem:$0x3F98];
	s0 =	simm.s32 @p1 $0x1  }
0x15: {  	[smem:$0x3FB5] =	sst s0;
	s0 =	simm.s32 @!p2 $0x0  }
0x16: {  	s3 =	sld [smem:$0x3FDB];
	s0 =	simm.s32 @p2 $0x1  }
0x17: {  	s4 =	simm.s32 $0x1BF5;
	[smem:$0x3FB7] =	sst s0  }
0x18: {  	s0 =	sld [smem:$0x3F9A];
	_ =	swait.ge [sflag:s4], $0x0  }
0x19: {  	s7 =	sld [smem:$0x3F9B]  }
0x1a: {  	s8 =	sadd.s32 $0xFFFFE003, lr  }
0x1b: {  	s9 =	sadd.s32 $0xFFFFFEF7, lr;
	s5 =	simm.s32 $0xFFFFFFFF;
	p2 =	slt.u32 s8, $0xFFFFF086  }
0x1c: {  	p1 =	slt.u32 s9, $0xF7A;
	s5 =	simm.s32 @!p2 $0x0  }
0x1d: {  	s5 =	simm.s32 @p1 $0x1;
	p0 =	seq.s32 s7, s2  }
0x1e: {  	s7 =	smul.u32 @!p0 $0xF7A, s2;
	p2 =	seq.s32 @!p0 s5, $0x0  }
0x1f: {  	s9 =	smul.u32 $0xF7A, s1;
	s8 =	simm.s32 @!p0 $0x1BF5;
	p2 =	por !p2, p0  }
0x20: {  	[sflag:s8] =	ssyncset.s32 @!p0 $0xFFFFF086;
	s6 =	sadd.s32 @!p0 s3, s7;
	s7 =	simm.s32 @!p0 $0x108  }
0x21: {  	s3 =	sadd.s32 s3, s9;
	s6 =	sadd.s32 @!p0 $0x88, s6;
	s7 =	simm.s32 @p2 $0x1082  }
0x22: {  	[simem:s7], [sflag:s8] =	dma.local @!p0 [hbm:s6], $0xF7A  }
0x23: {  	s9 =	sor.u32 $0xD0000000, s2;
	s6 =	simm.s32 $0x108;
	_ =	swait.ge @!p0 [sflag:s8], $0x0  }
0x24: {  	s3 =	sadd.s32 $0x88, s3;
	s6 =	simm.s32 @!p1 $0x1082;
	[sflag:s4] =	ssyncset.s32 $0xFFFFF086  }
0x25: {  	[simem:s6], [sflag:s4] =	dma.local [hbm:s3], $0xF7A  }
0x26: {  	[smem:$0x3F9B] =	sst s1;
	(tag) =	ssettag s2;
	_ =	strace s9  }
0x27: {  	s1 =	sld [smem:$0x3FAB]  }
0x28: {  	s2 =	sld [smem:$0x3FAC]  }
0x29: {  	s4 =	sld [smem:$0x3FAE]  }
0x2a: {  	p0 =	seq.s32 s5, $0x0;
	s5 =	sld [smem:$0x3FAF]  }
0x2b: {  	s6 =	sld [smem:$0x3FB0]  }
0x2c: {  	s7 =	sld [smem:$0x3FB1]  }
0x2d: {  	s3 =	simm.s32 $0x108;
	s8 =	sld [smem:$0x3FB2]  }
0x2e: {  	s3 =	simm.s32 @!p0 $0x1082;
	s9 =	sld [smem:$0x3FB3]  }
0x2f: {  	lr =	sadd.s32 s0, s3;
	s0 =	sld [smem:$0x3FAA]  }
0x30: {  	s3 =	sld [smem:$0x3FAD]  }
0x31: {  	[smem:$0x3FB6] =	sst s10  }
0x32: {  	s10 =	sld [smem:$0x3FB4];
	_ =	sdelay $0x3  }
0x33: {  	p0 =	seq.s32 s10, $0x1;
	s10 =	sld [smem:$0x3FB6];
	_ =	sdelay $0x3  }
0x34: {  	[smem:$0x3FB6] =	sst s10  }
0x35: {  	s10 =	sld [smem:$0x3FB5];
	_ =	sdelay $0x3  }
0x36: {  	p1 =	seq.s32 s10, $0x1;
	s10 =	sld [smem:$0x3FB6];
	_ =	sdelay $0x3  }
0x37: {  	[smem:$0x3FB6] =	sst s10  }
0x38: {  	s10 =	sld [smem:$0x3FB7]  }
0x39: {  	_ = 	snop;
	(pc) =	sbr.ind lr, $3  }
0x3a: {  	_ = 	snop  }
0x3b: {  	_ = 	snop  }
0x3c: {  	p2 =	seq.s32 s10, $0x1;
	s10 =	sld [smem:$0x3FB6]  }
0x3d: {  	_ =	shalt  }
0x3e: {  	_ =	shalt  }
0x3f: {  	_ =	shalt  }
0x40: {  	_ =	shalt  }
0x41: {  	_ =	shalt  }
0x42: {  	_ =	shalt  }
0x43: {  	_ =	shalt  }
0x44: {  	_ =	shalt  }
0x45: {  	_ =	shalt  }
0x46: {  	_ =	shalt  }
0x47: {  	_ =	shalt  }
0x48: {  	_ =	shalt  }
0x49: {  	_ =	shalt  }
0x4a: {  	_ =	shalt  }
0x4b: {  	_ =	shalt  }
0x4c: {  	_ =	shalt  }
0x4d: {  	_ =	shalt  }
0x4e: {  	_ =	shalt  }
0x4f: {  	_ =	shalt  }
0x50: {  	_ =	shalt  }
0x51: {  	_ =	shalt  }
0x52: {  	_ =	shalt  }
0x53: {  	_ =	shalt  }
0x54: {  	_ =	shalt  }
0x55: {  	_ =	shalt  }
0x56: {  	_ =	shalt  }
0x57: {  	_ =	shalt  }
0x58: {  	_ =	shalt  }
0x59: {  	_ =	shalt  }
0x5a: {  	_ =	shalt  }
0x5b: {  	_ =	shalt  }
0x5c: {  	_ =	shalt  }
0x5d: {  	_ =	shalt  }
0x5e: {  	_ =	shalt  }
0x5f: {  	_ =	shalt  }
0x60: {  	_ =	shalt  }
0x61: {  	_ =	shalt  }
0x62: {  	_ =	shalt  }
0x63: {  	_ =	shalt  }
0x64: {  	_ =	shalt  }
0x65: {  	_ =	shalt  }
0x66: {  	_ =	shalt  }
0x67: {  	_ =	shalt  }
0x68: {  	_ =	shalt  }
0x69: {  	_ =	shalt  }
0x6a: {  	_ =	shalt  }
0x6b: {  	_ =	shalt  }
0x6c: {  	_ =	shalt  }
0x6d: {  	_ =	shalt  }
0x6e: {  	_ =	shalt  }
0x6f: {  	_ =	shalt  }
0x70: {  	_ =	shalt  }
0x71: {  	_ =	shalt  }
0x72: {  	_ =	shalt  }
0x73: {  	_ =	shalt  }
0x74: {  	_ =	shalt  }
0x75: {  	_ =	shalt  }
0x76: {  	_ =	shalt  }
0x77: {  	_ =	shalt  }
0x78: {  	_ =	shalt  }
0x79: {  	_ =	shalt  }
0x7a: {  	_ =	shalt  }
0x7b: {  	_ =	shalt  }
0x7c: {  	_ =	shalt  }
0x7d: {  	_ =	shalt  }
0x7e: {  	_ =	shalt  }
0x7f: {  	_ =	shalt  }
0x80: {  	_ =	shalt  }
0x81: {  	_ =	shalt  }
0x82: {  	_ =	shalt  }
0x83: {  	_ =	shalt  }
0x84: {  	_ =	shalt  }
0x85: {  	_ =	shalt  }
0x86: {  	_ =	shalt  }
0x87: {  	_ =	shalt  }
.Lfunc_end0:
.L_simem_size_0:
called_computation_lowered:
.L_overlay_start_0:
0x88: {  	s2 =	sld [smem:$0x3FD9]  }
0x89: {  	s3 =	sld [smem:$0x3FFE];
	_ =	sdelay $0x1  }
0x8a: {  	s1 =	srdreg.scid  }
0x8b: {  	s0 =	sand.u32 $0x1, s1  }
0x8c: {  	s16 =	sshll.u32 s0, $0xA;
	s2 =	sadd.s32 s3, s2  }
0x8d: {  	s2 =	sadd.s32 s2, s16  }
0x8e: {  	[smem:$0x3FC2] =	sst s2  }
0x8f: {  	_ = 	snop  }
0x90: {  	(tm) =	ssettm $0x1  }
0x91: {  	s17 =	sld [smem:$0x3FFB];
	_ =	sdelay $0x3  }
0x92: {  	_ =	strace s17  }
0x93: {  	s2 =	sld [smem:$0x3FFC];
	_ =	sdelay $0x3  }
0x94: {  	_ =	strace s2  }
0x95: {  	s2 =	sld [smem:$0x3FFD];
	_ =	sdelay $0x3  }
0x96: {  	_ =	strace s2  }
0x97: {  	_ =	strace $0x8FFFFFFF  }
0x98: {  	s18 =	sld [smem:$0x3FDB];
	_ =	sdelay $0x1  }
0x99: {  	s19 =	simm.s32 $_scs_section_size  }
0x9a: {  	s4 =	simm.s32 $_size__tile_overlayer_lowered;
	s5 =	simm.s32 $_tile_overlayer_lowered  }
0x9b: {  	s22 =	simm.s32 $0x1BFF;
	s21 =	sshll.u32 s5, $0x1;
	s2 =	sadd.s32 s19, s18  }
0x9c: {  	s6 =	simm.s32 $0x0;
	s20 =	sshll.u32 s4, $0x1;
	s4 =	sadd.s32 s21, s2  }
0x9d: {  	[timem:s6], [sflag:s22] =	dma.local [hbm:s4], s20  }
0x9e: {  	_ =	swait.ge [sflag:s22], s20  }
0x9f: {  	s3 =	ssub.s32 $0x0, s20;
	[sflag:s22] =	ssyncset.done $0x0  }
0xa0: {  	[sflag:s22] =	ssyncadd.s32 s3;
	_ =	sdelay $0x1  }
0xa1: {  	s23 =	simm.s32 $0x1B8B  }
0xa2: {  	_ =	swait.ge [sflag:s23], $0x1  }
0xa3: {  	[sflag:s23] =	ssyncset.done $0x0  }
0xa4: {  	s25 =	simm.s32 $0x1B8E;
	s24 =	sld [smem:$0x3FFE];
	[sflag:s23] =	ssyncadd.s32 $0xFFFFFFFF  }
0xa5: {  	s26 =	simm.s32 $execute0_lowered;
	[smem:$0x3FD2] =	sst s25  }
0xa6: {  	s4 =	sshll.u32 s26, $0x1;
	_ =	strace $0x80000046;
	[dreg:$0x1] =	wrdreg $0xFFFFFFFF  }
0xa7: {  	s28 =	simm.s32 $_size_execute0_lowered;
	s2 =	sadd.s32 s2, s4;
	[dreg:$0x0] =	wrdreg $0x0  }
0xa8: {  	s4 =	sshll.u32 s28, $0x1;
	[dreg:$0x2] =	wrdreg s2  }
0xa9: {  	[dreg:$0x3] =	wrdreg s4  }
0xaa: {  	[dreg:$0x4] =	wrdreg $0xC0  }
0xab: {  	_ =	task [dreg:s6], $0x5FFFF  }
0xac: {  	[dreg:$0x1] =	wrdreg $0xFFFFFFFF  }
0xad: {  	[dreg:$0x0] =	wrdreg $0x60  }
0xae: {  	[dreg:$0x2] =	wrdreg s24  }
0xaf: {  	[dreg:$0x3] =	wrdreg $0x12800  }
0xb0: {  	[dreg:$0x4] =	wrdreg $0xA  }
0xb1: {  	_ =	task.clear_ibuf [dreg:s6], $0x5FFFF;
	_ =	strace $0x90000046  }
0xb2: {  	s29 =	simm.s32 $0xA;
	_ =	strace $0x80000048  }
0xb3: {  	_ =	swait.ge [sflag:s29], $0x1  }
0xb4: {  	[sflag:s29] =	ssyncadd.s32 $0xFFFFFFFF  }
0xb5: {  	_ =	strace $0x90000048  }
0xb6: {  	_ =	sfence  }
0xb7: {  	s30 =	sld [smem:$0x0];
	_ =	sdelay $0x2  }
0xb8: {  	s31 =	sshll.u32 s1, $0xD;
	s1 =	sshrl.u32 s1, $0x2  }
0xb9: {  	s3 =	sand.u32 $0x4000, s31;
	s1 =	sadd.s32 s1, s30  }
0xba: {  	s0 =	sor.u32 s3, s0;
	s1 =	sshll.u32 s1, $0x11  }
0xbb: {  	s0 =	sor.u32 s1, s0  }
0xbc: {  	s0 =	sadd.s32 $0x8F2B, s0  }
0xbd: {  	[sflag:s0] =	ssyncadd.remote.s32 $0x1  }
0xbe: {  	_ =	sfence.sel $0xFFFF  }
0xbf: {  	[dreg:$0x0] =	wrdreg $0xFFFFFFFF;
	(pc) =	sbr.abs _section_cstart, $3  }
0xc0: {  	[dreg:$0x1] =	wrdreg $0xFFFFFFFF  }
0xc1: {  	_ =	task.clear_ibuf [dreg:s6], $0x2FFFF;
	_ =	strace $0x9FFFFFFF  }
0xc2: {  	(tm) =	ssettm $0x7FFFFFFF  }
0xc3: {  	_ =	shalt  }
tec
execute0_lowered:
.L_overlay_start_1:
0x0: {  	(tag) =	ssettag $0x1  }
0x1: {  	s4 =	rddreg [dreg:$0x0]  }
0x2: {  	s1 =	rddreg [dreg:$0x1]  }
0x3: {  	s0 =	rddreg [dreg:$0x2]  }
0x4: {  	s2 =	simm.s32 $0x0;
	s5 =	srdreg.scid;
	s3 =	stileid.u32  }
0x5: {  	s15 =	simm.s32 $0x40;
	s16 =	simm.s32 $0x10;
	s17 =	simm.s32 $0x0  }
0x6: {  	[smem:$0x7FF] =	sst s2;
	s7 =	sadd.s32 $0x2800, s4;
	s8 =	sadd.s32 $0xA800, s4  }
0x7: {  	s6 =	sand.u32 $0x1, s5;
	s9 =	smul.u32 $0xA00, s3;
	s10 =	sshll.u32 s3, $0xC  }
0x8: {  	s31 =	sshll.u32 s3, $0x6;
	_ =	strace $0x80000047;
	s29 =	ssub.s32 $0x2, s6  }
0x9: {  	s5 =	sshll.u32 s6, $0x11;
	s30 =	sshll.u32 s6, $0x8;
	s6 =	sshllo.u32 s6, $0x1  }
0xa: {  	s11 =	sshrl.u32 s29, $0x1;
	s12 =	sshrl.u32 s9, $0x2;
	s5 =	sor.u32 s10, s5  }
0xb: {  	s13 =	sshll.u32 s6, $0x10;
	s6 =	sshll.u32 s6, $0x7;
	s11 =	ssub.s32 s29, s11  }
0xc: {  	s4 =	sadd.s32 s12, s1;
	s5 =	sshrl.u32 s5, $0x3;
	s12 =	sor.u32 s30, s9  }
0xd: {  	s10 =	sor.u32 s10, s13;
	s9 =	sor.u32 s9, s6;
	s13 =	sor.u32 $0x1C01, s31  }
0xe: {  	s5 =	sadd.s32 s7, s5;
	s12 =	sshrl.u32 s12, $0x3;
	s10 =	sshrl.u32 s10, $0x3  }
0xf: {  	s9 =	sshrl.u32 s9, $0x3;
	s14 =	sshrl.u32 s4, $0x3;
	s6 =	sadd.s32 s8, s12  }
0x10: {  	s7 =	sadd.s32 s7, s10;
	s8 =	sadd.s32 s8, s9;
	s9 =	smax.u32 s11, $0x1  }
0x11: {  	v0 =	vimm.f32 $1.000000000e+00;
	s10 =	simm.s32 $0x1000;
	s11 =	simm.s32 $0x1;
	s12 =	simm.s32 $0x7D  }
.LBB2_1:
0x12: {  	[tilespmem:$0x1000] =	vst v0  }
0x13: {  	[tilespmem:$0x1010] =	vst v0  }
0x14: {  	[tilespmem:$0x1020] =	vst v0  }
0x15: {  	[tilespmem:$0x1030] =	vst v0  }
0x16: {  	[tilespmem:$0x1040] =	vst v0  }
0x17: {  	[tilespmem:$0x1050] =	vst v0  }
0x18: {  	[tilespmem:$0x1060] =	vst v0  }
0x19: {  	[tilespmem:$0x1070] =	vst v0  }
0x1a: {  	[tilespmem:$0x1080] =	vst v0  }
0x1b: {  	[tilespmem:$0x1090] =	vst v0  }
0x1c: {  	[tilespmem:$0x10A0] =	vst v0  }
0x1d: {  	[tilespmem:$0x10B0] =	vst v0  }
0x1e: {  	[tilespmem:$0x10C0] =	vst v0  }
0x1f: {  	[tilespmem:$0x10D0] =	vst v0  }
0x20: {  	[tilespmem:$0x10E0] =	vst v0  }
0x21: {  	[tilespmem:$0x10F0] =	vst v0  }
0x22: {  	[tilespmem:$0x1100] =	vst v0  }
0x23: {  	[tilespmem:$0x1110] =	vst v0  }
0x24: {  	[tilespmem:$0x1120] =	vst v0  }
0x25: {  	[tilespmem:$0x1130] =	vst v0  }
0x26: {  	[tilespmem:$0x1140] =	vst v0  }
0x27: {  	[tilespmem:$0x1150] =	vst v0  }
0x28: {  	[tilespmem:$0x1160] =	vst v0  }
0x29: {  	[tilespmem:$0x1170] =	vst v0  }
0x2a: {  	[tilespmem:$0x1180] =	vst v0  }
0x2b: {  	[tilespmem:$0x1190] =	vst v0  }
0x2c: {  	[tilespmem:$0x11A0] =	vst v0  }
0x2d: {  	[tilespmem:$0x11B0] =	vst v0  }
0x2e: {  	[tilespmem:$0x11C0] =	vst v0  }
0x2f: {  	[tilespmem:$0x11D0] =	vst v0  }
0x30: {  	[tilespmem:$0x11E0] =	vst v0  }
0x31: {  	[tilespmem:$0x11F0] =	vst v0  }
0x32: {  	[tilespmem:$0x1200] =	vst v0  }
0x33: {  	[tilespmem:$0x1210] =	vst v0  }
0x34: {  	[tilespmem:$0x1220] =	vst v0  }
0x35: {  	[tilespmem:$0x1230] =	vst v0  }
0x36: {  	[tilespmem:$0x1240] =	vst v0  }
0x37: {  	[tilespmem:$0x1250] =	vst v0  }
0x38: {  	[tilespmem:$0x1260] =	vst v0  }
0x39: {  	[tilespmem:$0x1270] =	vst v0  }
0x3a: {  	[spmem:s4] =	stream.linear.scatter [tilespmem:s10], [sflag:$0x1], $0x280, $0x38;
	[tilespmem:$0x1500] =	vst v63  }
0x3b: {  	_ =	swait.ge [sflag:s11], $0x280  }
0x3c: {  	[sflag:s11] =	ssyncset.done $0x0  }
0x3d: {  	[sflag:s11] =	ssyncadd.s32 $0xFFFFFD80  }
0x3e: {  	[tilespmem:s2], [sflag:$0x1] =	stream.linear.gather [hbm4b:s5+s2], $0xF00, $0x38;
	[tilespmem:$0x1500] =	vst v63  }
0x3f: {  	_ =	swait.ge [sflag:s11], $0xF00  }
0x40: {  	[sflag:s11] =	ssyncset.done $0x0  }
0x41: {  	[sflag:s11] =	ssyncadd.s32 $0xFFFFF100  }
0x42: {  	s18 =	simm.s32 $0x0;
	[bflag:$0x0] =	sbarrier.arrive $0xFFFF  }
0x43: {  	[spmem:s1] =	stream.indirect.scatter.add.f32 [tilespmem:s10], [sflag:$0x1], $0x1, s18, s12, $0xb8;
	[tilespmem:$0x1500] =	vst v63  }
0x44: {  	_ =	swait.ge [sflag:s11], $0x7D  }
0x45: {  	s18 =	simm.s32 $0x200;
	[sflag:s11] =	ssyncset.done $0x0  }
.LBB2_2:
0x46: {  	s19 =	sshra.s32 s18, $0x2;
	[sflag:s11] =	ssyncadd.s32 $0xFFFFFF83;
	p0 =	sne.s32 s18, $0x3A00  }
0x47: {  	[spmem:s1] =	stream.indirect.scatter.add.f32 [tilespmem:s10], [sflag:$0x1], $0x1, s19, s12, $0xb8;
	[tilespmem:$0x1500] =	vst v63  }
.Ltmp0:
0x48: {  	_ = 	snop;
	(pc) =	sbr.rel @p0 .LBB2_2-.Ltmp0, $4  }
0x49: {  	_ = 	snop  }
0x4a: {  	s18 =	sadd.s32 $0x200, s18  }
0x4b: {  	_ =	swait.ge [sflag:s11], $0x7D  }
0x4c: {  	[sflag:s11] =	ssyncset.done $0x0  }
0x4d: {  	[sflag:s11] =	ssyncadd.s32 $0xFFFFFF83  }
0x4e: {  	[bflag:$0x0] =	sbarrier.arrive $0xFFFF  }
0x4f: {  	[hbm:s6@s15], [sflag:s13] =	dma.strided [spmem:s14@s16], $0x50, s11, $0x10   }
0x50: {  	_ =	swait.ge [sflag:s11], $0x50  }
0x51: {  	[sflag:s11] =	ssyncset.done $0x0  }
0x52: {  	[sflag:s11] =	ssyncadd.s32 $0xFFFFFFB0  }
0x53: {  	[spmem:s4] =	stream.linear.scatter [tilespmem:s10], [sflag:$0x1], $0x280, $0x38;
	[tilespmem:$0x1500] =	vst v63  }
0x54: {  	_ =	swait.ge [sflag:s11], $0x280  }
0x55: {  	[sflag:s11] =	ssyncset.done $0x0  }
0x56: {  	s18 =	simm.s32 $0x0;
	[sflag:s11] =	ssyncadd.s32 $0xFFFFFD80  }
0x57: {  	[tilespmem:s18], [sflag:$0x1] =	stream.linear.gather [hbm4b:s7+s18], $0xF00, $0x38;
	[tilespmem:$0x1500] =	vst v63  }
0x58: {  	_ =	swait.ge [sflag:s11], $0xF00  }
0x59: {  	[sflag:s11] =	ssyncset.done $0x0  }
0x5a: {  	[sflag:s11] =	ssyncadd.s32 $0xFFFFF100  }
0x5b: {  	s31 =	simm.s32 $0x0;
	[bflag:$0x0] =	sbarrier.arrive $0xFFFF  }
0x5c: {  	[spmem:s1] =	stream.indirect.scatter.add.f32 [tilespmem:s10], [sflag:$0x1], $0x1, s31, s12, $0xb8;
	[tilespmem:$0x1500] =	vst v63  }
0x5d: {  	_ =	swait.ge [sflag:s11], $0x7D  }
0x5e: {  	s18 =	simm.s32 $0x200;
	[sflag:s11] =	ssyncset.done $0x0  }
.LBB2_4:
0x5f: {  	s19 =	sshra.s32 s18, $0x2;
	[sflag:s11] =	ssyncadd.s32 $0xFFFFFF83;
	p0 =	sne.s32 s18, $0x3A00  }
0x60: {  	[spmem:s1] =	stream.indirect.scatter.add.f32 [tilespmem:s10], [sflag:$0x1], $0x1, s19, s12, $0xb8;
	[tilespmem:$0x1500] =	vst v63  }
.Ltmp1:
0x61: {  	_ = 	snop;
	(pc) =	sbr.rel @p0 .LBB2_4-.Ltmp1, $4  }
0x62: {  	_ = 	snop  }
0x63: {  	s18 =	sadd.s32 $0x200, s18  }
0x64: {  	_ =	swait.ge [sflag:s11], $0x7D  }
0x65: {  	[sflag:s11] =	ssyncset.done $0x0  }
0x66: {  	s17 =	sadd.s32 $0x1, s17  }
0x67: {  	[sflag:s11] =	ssyncadd.s32 $0xFFFFFF83;
	p0 =	sne.s32 s17, s9  }
.Ltmp2:
0x68: {  	[bflag:$0x0] =	sbarrier.arrive $0xFFFF;
	(pc) =	sbr.rel @p0 .LBB2_1-.Ltmp2, $4  }
0x69: {  	[hbm:s8@s15], [sflag:s13] =	dma.strided [spmem:s14@s16], $0x50, s11, $0x10   }
0x6a: {  	_ =	swait.ge [sflag:s11], $0x50  }
0x6b: {  	[sflag:s11] =	ssyncset.done $0x0  }
0x6c: {  	[sflag:s11] =	ssyncadd.s32 $0xFFFFFFB0  }
0x6d: {  	_ =	sfence.sel $0x180000  }
0x6e: {  	[bflag:$0x0] =	sbarrier.arrive $0xFFFF  }
0x6f: {  	p0 =	sne.s32 s3, $0x0;
	_ =	strace $0x90000047  }
0x70: {  	s0 =	sadd.s32 @!p0 $0x100000, s0;
	[bflag:$0x2] =	sbarrier.arrive $0xFFFF  }
0x71: {  	[sflag:s0] =	ssyncadd.tile.s32 @!p0 $0x1;
	_ =	shalt  }
.Lfunc_end2:
_tile_overlayer_lowered:
.L_overlay_start_2:
0x72: {  	(tag) =	ssettag $0x2  }
0x73: {  	s0 =	rddreg [dreg:$0x0];
	s2 =	stileid.u32  }
0x74: {  	s1 =	rddreg [dreg:$0x1];
	p0 =	sne.s32 s2, $0x0  }
0x75: {  	s3 =	rddreg [dreg:$0x2];
	[bflag:$0x3] =	sbarrier.arrive $0xFFFF;
	s2 =	simm.s32 @!p0 $0x1C01  }
0x76: {  	[timem:s3], [sflag:s2] =	dma.local @!p0 [hbm:s0], s1  }
0x77: {  	s0 =	simm.s32 @!p0 $0x1  }
0x78: {  	_ =	swait.ge @!p0 [sflag:s0], s1  }
0x79: {  	s1 =	ssub.s32 @!p0 $0x0, s1;
	[sflag:s0] =	ssyncset.done @!p0 $0x0  }
0x7a: {  	[sflag:s0] =	ssyncadd.s32 @!p0 s1  }
0x7b: {  	[bflag:$0x3] =	sbarrier.arrive $0xFFFF  }
0x7c: {  	_ =	shalt  }

// kernel: kernel.17.cloned.1.call-start
scs
__scs_entry_jumppad:
0x0: {  	(pc) =	sbr.rel $0x88, $3  }
0x1: {  	(tag) =	ssettag $0x0;
	lr =	simm.s32 $0x1  }
0x2: {  	[smem:$0x3F9B] =	sst lr;
	_ =	strace $0xD0000000  }
0x3: {  	_ = 	snop  }
0x4: {  	_ = 	snop  }
0x5: {  	_ = 	snop  }
0x6: {  	_ = 	snop  }
0x7: {  	_ = 	snop  }
__scs_overlays_trampoline_lowered:
0x8: {  	[smem:$0x3FAA] =	sst s0  }
0x9: {  	[smem:$0x3FAB] =	sst s1  }
0xa: {  	[smem:$0x3FAC] =	sst s2  }
0xb: {  	[smem:$0x3FAD] =	sst s3  }
0xc: {  	[smem:$0x3FAE] =	sst s4  }
0xd: {  	[smem:$0x3FAF] =	sst s5  }
0xe: {  	[smem:$0x3FB0] =	sst s6  }
0xf: {  	[smem:$0x3FB1] =	sst s7  }
0x10: {  	[smem:$0x3FB2] =	sst s8  }
0x11: {  	[smem:$0x3FB3] =	sst s9;
	s0 =	simm.s32 @!p0 $0x0  }
0x12: {  	s1 =	sld [smem:$0x3F99];
	s0 =	simm.s32 @p0 $0x1  }
0x13: {  	[smem:$0x3FB4] =	sst s0;
	s0 =	simm.s32 @!p1 $0x0  }
0x14: {  	s2 =	sld [smem:$0x3F98];
	s0 =	simm.s32 @p1 $0x1  }
0x15: {  	[smem:$0x3FB5] =	sst s0;
	s0 =	simm.s32 @!p2 $0x0  }
0x16: {  	s3 =	sld [smem:$0x3FDB];
	s0 =	simm.s32 @p2 $0x1  }
0x17: {  	s4 =	simm.s32 $0x1BF5;
	[smem:$0x3FB7] =	sst s0  }
0x18: {  	s0 =	sld [smem:$0x3F9A];
	_ =	swait.ge [sflag:s4], $0x0  }
0x19: {  	s7 =	sld [smem:$0x3F9B]  }
0x1a: {  	s8 =	sadd.s32 $0xFFFFE003, lr  }
0x1b: {  	s9 =	sadd.s32 $0xFFFFFEF7, lr;
	s5 =	simm.s32 $0xFFFFFFFF;
	p2 =	slt.u32 s8, $0xFFFFF086  }
0x1c: {  	p1 =	slt.u32 s9, $0xF7A;
	s5 =	simm.s32 @!p2 $0x0  }
0x1d: {  	s5 =	simm.s32 @p1 $0x1;
	p0 =	seq.s32 s7, s2  }
0x1e: {  	s7 =	smul.u32 @!p0 $0xF7A, s2;
	p2 =	seq.s32 @!p0 s5, $0x0  }
0x1f: {  	s9 =	smul.u32 $0xF7A, s1;
	s8 =	simm.s32 @!p0 $0x1BF5;
	p2 =	por !p2, p0  }
0x20: {  	[sflag:s8] =	ssyncset.s32 @!p0 $0xFFFFF086;
	s6 =	sadd.s32 @!p0 s3, s7;
	s7 =	simm.s32 @!p0 $0x108  }
0x21: {  	s3 =	sadd.s32 s3, s9;
	s6 =	sadd.s32 @!p0 $0x88, s6;
	s7 =	simm.s32 @p2 $0x1082  }
0x22: {  	[simem:s7], [sflag:s8] =	dma.local @!p0 [hbm:s6], $0xF7A  }
0x23: {  	s9 =	sor.u32 $0xD0000000, s2;
	s6 =	simm.s32 $0x108;
	_ =	swait.ge @!p0 [sflag:s8], $0x0  }
0x24: {  	s3 =	sadd.s32 $0x88, s3;
	s6 =	simm.s32 @!p1 $0x1082;
	[sflag:s4] =	ssyncset.s32 $0xFFFFF086  }
0x25: {  	[simem:s6], [sflag:s4] =	dma.local [hbm:s3], $0xF7A  }
0x26: {  	[smem:$0x3F9B] =	sst s1;
	(tag) =	ssettag s2;
	_ =	strace s9  }
0x27: {  	s1 =	sld [smem:$0x3FAB]  }
0x28: {  	s2 =	sld [smem:$0x3FAC]  }
0x29: {  	s4 =	sld [smem:$0x3FAE]  }
0x2a: {  	p0 =	seq.s32 s5, $0x0;
	s5 =	sld [smem:$0x3FAF]  }
0x2b: {  	s6 =	sld [smem:$0x3FB0]  }
0x2c: {  	s7 =	sld [smem:$0x3FB1]  }
0x2d: {  	s3 =	simm.s32 $0x108;
	s8 =	sld [smem:$0x3FB2]  }
0x2e: {  	s3 =	simm.s32 @!p0 $0x1082;
	s9 =	sld [smem:$0x3FB3]  }
0x2f: {  	lr =	sadd.s32 s0, s3;
	s0 =	sld [smem:$0x3FAA]  }
0x30: {  	s3 =	sld [smem:$0x3FAD]  }
0x31: {  	[smem:$0x3FB6] =	sst s10  }
0x32: {  	s10 =	sld [smem:$0x3FB4];
	_ =	sdelay $0x3  }
0x33: {  	p0 =	seq.s32 s10, $0x1;
	s10 =	sld [smem:$0x3FB6];
	_ =	sdelay $0x3  }
0x34: {  	[smem:$0x3FB6] =	sst s10  }
0x35: {  	s10 =	sld [smem:$0x3FB5];
	_ =	sdelay $0x3  }
0x36: {  	p1 =	seq.s32 s10, $0x1;
	s10 =	sld [smem:$0x3FB6];
	_ =	sdelay $0x3  }
0x37: {  	[smem:$0x3FB6] =	sst s10  }
0x38: {  	s10 =	sld [smem:$0x3FB7]  }
0x39: {  	_ = 	snop;
	(pc) =	sbr.ind lr, $3  }
0x3a: {  	_ = 	snop  }
0x3b: {  	_ = 	snop  }
0x3c: {  	p2 =	seq.s32 s10, $0x1;
	s10 =	sld [smem:$0x3FB6]  }
0x3d: {  	_ =	shalt  }
0x3e: {  	_ =	shalt  }
0x3f: {  	_ =	shalt  }
0x40: {  	_ =	shalt  }
0x41: {  	_ =	shalt  }
0x42: {  	_ =	shalt  }
0x43: {  	_ =	shalt  }
0x44: {  	_ =	shalt  }
0x45: {  	_ =	shalt  }
0x46: {  	_ =	shalt  }
0x47: {  	_ =	shalt  }
0x48: {  	_ =	shalt  }
0x49: {  	_ =	shalt  }
0x4a: {  	_ =	shalt  }
0x4b: {  	_ =	shalt  }
0x4c: {  	_ =	shalt  }
0x4d: {  	_ =	shalt  }
0x4e: {  	_ =	shalt  }
0x4f: {  	_ =	shalt  }
0x50: {  	_ =	shalt  }
0x51: {  	_ =	shalt  }
0x52: {  	_ =	shalt  }
0x53: {  	_ =	shalt  }
0x54: {  	_ =	shalt  }
0x55: {  	_ =	shalt  }
0x56: {  	_ =	shalt  }
0x57: {  	_ =	shalt  }
0x58: {  	_ =	shalt  }
0x59: {  	_ =	shalt  }
0x5a: {  	_ =	shalt  }
0x5b: {  	_ =	shalt  }
0x5c: {  	_ =	shalt  }
0x5d: {  	_ =	shalt  }
0x5e: {  	_ =	shalt  }
0x5f: {  	_ =	shalt  }
0x60: {  	_ =	shalt  }
0x61: {  	_ =	shalt  }
0x62: {  	_ =	shalt  }
0x63: {  	_ =	shalt  }
0x64: {  	_ =	shalt  }
0x65: {  	_ =	shalt  }
0x66: {  	_ =	shalt  }
0x67: {  	_ =	shalt  }
0x68: {  	_ =	shalt  }
0x69: {  	_ =	shalt  }
0x6a: {  	_ =	shalt  }
0x6b: {  	_ =	shalt  }
0x6c: {  	_ =	shalt  }
0x6d: {  	_ =	shalt  }
0x6e: {  	_ =	shalt  }
0x6f: {  	_ =	shalt  }
0x70: {  	_ =	shalt  }
0x71: {  	_ =	shalt  }
0x72: {  	_ =	shalt  }
0x73: {  	_ =	shalt  }
0x74: {  	_ =	shalt  }
0x75: {  	_ =	shalt  }
0x76: {  	_ =	shalt  }
0x77: {  	_ =	shalt  }
0x78: {  	_ =	shalt  }
0x79: {  	_ =	shalt  }
0x7a: {  	_ =	shalt  }
0x7b: {  	_ =	shalt  }
0x7c: {  	_ =	shalt  }
0x7d: {  	_ =	shalt  }
0x7e: {  	_ =	shalt  }
0x7f: {  	_ =	shalt  }
0x80: {  	_ =	shalt  }
0x81: {  	_ =	shalt  }
0x82: {  	_ =	shalt  }
0x83: {  	_ =	shalt  }
0x84: {  	_ =	shalt  }
0x85: {  	_ =	shalt  }
0x86: {  	_ =	shalt  }
0x87: {  	_ =	shalt  }
.Lfunc_end0:
.L_simem_size_0:
called_computation.1_lowered:
.L_overlay_start_0:
0x88: {  	s2 =	sld [smem:$0x3FD9]  }
0x89: {  	s3 =	sld [smem:$0x3FFE];
	_ =	sdelay $0x1  }
0x8a: {  	s1 =	srdreg.scid  }
0x8b: {  	s0 =	sand.u32 $0x1, s1  }
0x8c: {  	s17 =	sshll.u32 s0, $0xA;
	s2 =	sadd.s32 s3, s2  }
0x8d: {  	s2 =	sadd.s32 s2, s17  }
0x8e: {  	[smem:$0x3FC2] =	sst s2  }
0x8f: {  	_ = 	snop  }
0x90: {  	(tm) =	ssettm $0x1  }
0x91: {  	s18 =	sld [smem:$0x3FFB];
	_ =	sdelay $0x3  }
0x92: {  	_ =	strace s18  }
0x93: {  	s2 =	sld [smem:$0x3FFC];
	_ =	sdelay $0x3  }
0x94: {  	_ =	strace s2  }
0x95: {  	s2 =	sld [smem:$0x3FFD];
	_ =	sdelay $0x3  }
0x96: {  	_ =	strace s2  }
0x97: {  	_ =	strace $0x8FFFFFFF  }
0x98: {  	s19 =	sld [smem:$0x3FDB];
	_ =	sdelay $0x1  }
0x99: {  	s20 =	simm.s32 $_scs_section_size  }
0x9a: {  	s4 =	simm.s32 $_size__tile_overlayer_lowered;
	s5 =	simm.s32 $_tile_overlayer_lowered  }
0x9b: {  	s6 =	simm.s32 $0x1BFF;
	s21 =	sshll.u32 s5, $0x1;
	s3 =	sadd.s32 s20, s19  }
0x9c: {  	s22 =	simm.s32 $0x0;
	s4 =	sshll.u32 s4, $0x1;
	s5 =	sadd.s32 s21, s3  }
0x9d: {  	[timem:s22], [sflag:s6] =	dma.local [hbm:s5], s4  }
0x9e: {  	_ =	swait.ge [sflag:s6], s4  }
0x9f: {  	s4 =	ssub.s32 $0x0, s4;
	[sflag:s6] =	ssyncset.done $0x0  }
0xa0: {  	[sflag:s6] =	ssyncadd.s32 s4;
	_ =	sdelay $0x1  }
0xa1: {  	s23 =	simm.s32 $0x1B8B  }
0xa2: {  	_ =	swait.ge [sflag:s23], $0x1  }
0xa3: {  	[sflag:s23] =	ssyncset.done $0x0  }
0xa4: {  	[sflag:s23] =	ssyncadd.s32 $0xFFFFFFFF  }
0xa5: {  	s4 =	sld [smem:$0x0]  }
0xa6: {  	s5 =	sand.u32 $0xFFFFFFFE, s1  }
0xa7: {  	p0 =	sne.s32 s1, s5  }
0xa8: {  	s5 =	sshll.u32 @p0 s5, $0xE  }
0xa9: {  	s5 =	sadd.s32 @p0 $0x11B8D, s5;
	s6 =	sshll.u32 @p0 s4, $0x11  }
0xaa: {  	s5 =	sor.u32 @p0 s6, s5  }
0xab: {  	[sflag:s5] =	ssyncadd.remote.s32 @p0 $0x1;
	_ =	sdelay $0x1  }
0xac: {  	s5 =	simm.s32 @p0 $0x1B8D  }
0xad: {  	_ =	swait.eq @p0 [sflag:s5], $0x1  }
0xae: {  	[sflag:s5] =	ssyncadd.s32 @p0 $0xFFFFFFFF  }
0xaf: {  	s6 =	sshll.u32 @!p0 s1, $0xE  }
0xb0: {  	s6 =	sor.u32 @!p0 $0x4000, s6;
	s5 =	simm.s32 @!p0 $0x1B8D  }
0xb1: {  	s4 =	sshll.u32 @!p0 s4, $0x11;
	s6 =	sadd.s32 @!p0 $0x11B8D, s6;
	_ =	swait.eq @!p0 [sflag:s5], $0x1  }
0xb2: {  	s4 =	sor.u32 @!p0 s4, s6;
	[sflag:s5] =	ssyncadd.s32 @!p0 $0xFFFFFFFF  }
0xb3: {  	s25 =	simm.s32 $0x1B8E;
	s24 =	sld [smem:$0x3FFE];
	[sflag:s4] =	ssyncadd.remote.s32 @!p0 $0x1  }
0xb4: {  	s26 =	simm.s32 $execute0_lowered;
	[smem:$0x3FD2] =	sst s25  }
0xb5: {  	s5 =	sshll.u32 s26, $0x1;
	_ =	strace $0x80000049;
	[dreg:$0x1] =	wrdreg $0xFFFFFFFF  }
0xb6: {  	s28 =	simm.s32 $_size_execute0_lowered;
	s3 =	sadd.s32 s3, s5;
	[dreg:$0x0] =	wrdreg $0x0  }
0xb7: {  	s5 =	sshll.u32 s28, $0x1;
	[dreg:$0x2] =	wrdreg s3  }
0xb8: {  	[dreg:$0x3] =	wrdreg s5  }
0xb9: {  	[dreg:$0x4] =	wrdreg $0xC0  }
0xba: {  	_ =	task [dreg:s22], $0x5FFFF  }
0xbb: {  	[dreg:$0x1] =	wrdreg $0xFFFFFFFF  }
0xbc: {  	[dreg:$0x0] =	wrdreg $0x60  }
0xbd: {  	[dreg:$0x2] =	wrdreg s24  }
0xbe: {  	[dreg:$0x3] =	wrdreg $0x12800  }
0xbf: {  	[dreg:$0x4] =	wrdreg $0x9  }
0xc0: {  	_ =	task.clear_ibuf [dreg:s22], $0x5FFFF;
	_ =	strace $0x90000049  }
0xc1: {  	s29 =	simm.s32 $0x9;
	_ =	strace $0x8000004B  }
0xc2: {  	_ =	swait.ge [sflag:s29], $0x1  }
0xc3: {  	[sflag:s29] =	ssyncadd.s32 $0xFFFFFFFF  }
0xc4: {  	_ =	strace $0x9000004B  }
0xc5: {  	_ =	sfence  }
0xc6: {  	s30 =	sld [smem:$0x0];
	_ =	sdelay $0x2  }
0xc7: {  	s31 =	sshll.u32 s1, $0xD;
	s1 =	sshrl.u32 s1, $0x2  }
0xc8: {  	s4 =	sand.u32 $0x4000, s31;
	s1 =	sadd.s32 s1, s30  }
0xc9: {  	s0 =	sor.u32 s4, s0;
	s1 =	sshll.u32 s1, $0x11  }
0xca: {  	s0 =	sor.u32 s1, s0  }
0xcb: {  	s0 =	sadd.s32 $0x8F2B, s0  }
0xcc: {  	[sflag:s0] =	ssyncadd.remote.s32 $0x1  }
0xcd: {  	_ =	sfence.sel $0xFFFF  }
0xce: {  	[dreg:$0x0] =	wrdreg $0xFFFFFFFF;
	(pc) =	sbr.abs _section_cstart, $3  }
0xcf: {  	[dreg:$0x1] =	wrdreg $0xFFFFFFFF  }
0xd0: {  	_ =	task.clear_ibuf [dreg:s22], $0x2FFFF;
	_ =	strace $0x9FFFFFFF  }
0xd1: {  	(tm) =	ssettm $0x7FFFFFFF  }
tec
execute0_lowered:
.L_overlay_start_1:
0x0: {  	(tag) =	ssettag $0x1  }
0x1: {  	s4 =	rddreg [dreg:$0x0]  }
0x2: {  	s1 =	rddreg [dreg:$0x1];
	s2 =	srdreg.scid  }
0x3: {  	s0 =	rddreg [dreg:$0x2];
	s5 =	sand.u32 $0x1, s2  }
0x4: {  	s3 =	simm.s32 $0x0;
	s2 =	stileid.u32;
	s8 =	smul.u32 $0x3, s5  }
0x5: {  	s17 =	simm.s32 $0x80;
	s18 =	simm.s32 $0x10;
	s6 =	smul.u32 $0xA00, s2  }
0x6: {  	s19 =	simm.s32 $0x0;
	[smem:$0x7FF] =	sst s3;
	s10 =	smul.u32 $0x30000, s5  }
0x7: {  	s9 =	sadd.s32 $0xBC00, s4;
	s11 =	sadd.s32 $0x17C00, s4;
	s12 =	smul.u32 $0x1400, s2  }
0x8: {  	_ =	strace $0x8000004A;
	s7 =	ssub.s32 $0x2, s5;
	s5 =	smul.u32 $0x180, s5  }
0x9: {  	s14 =	sshll.u32 s2, $0xC;
	s31 =	sshll.u32 s2, $0x6;
	s22 =	sshrl.u32 s7, $0x1  }
0xa: {  	s13 =	ssub.s32 s7, s22;
	s23 =	sshrl.u32 s6, $0x2;
	s15 =	sadd.s32 $0x1, s8  }
0xb: {  	s24 =	sor.u32 s14, s10;
	s5 =	sor.u32 s5, s12;
	s8 =	sadd.s32 $0x2, s8  }
0xc: {  	s4 =	sadd.s32 s23, s1;
	s25 =	sshll.u32 s15, $0x10;
	s6 =	sshrl.u32 s24, $0x3  }
0xd: {  	s26 =	sshrl.u32 s5, $0x3;
	s28 =	sshll.u32 s15, $0x7;
	s29 =	sshll.u32 s8, $0x10  }
0xe: {  	s8 =	sshll.u32 s8, $0x7;
	s15 =	sor.u32 $0x1C01, s31;
	s7 =	sor.u32 s14, s25  }
0xf: {  	s5 =	sadd.s32 s9, s6;
	s6 =	sadd.s32 s11, s26;
	s10 =	sor.u32 s12, s28  }
0x10: {  	s14 =	sor.u32 s14, s29;
	s12 =	sor.u32 s12, s8;
	s16 =	sshrl.u32 s4, $0x3  }
0x11: {  	s7 =	sshrl.u32 s7, $0x3;
	s10 =	sshrl.u32 s10, $0x3;
	s30 =	sshrl.u32 s14, $0x3  }
0x12: {  	s12 =	sshrl.u32 s12, $0x3;
	s14 =	simm.s32 $0x7D;
	s7 =	sadd.s32 s9, s7  }
0x13: {  	s8 =	sadd.s32 s11, s10;
	s9 =	sadd.s32 s9, s30;
	s10 =	sadd.s32 s11, s12  }
0x14: {  	v0 =	vimm.f32 $1.000000000e+00;
	s11 =	smax.u32 s13, $0x1;
	s12 =	simm.s32 $0x1000;
	s13 =	simm.s32 $0x1  }
.LBB2_1:
0x15: {  	[tilespmem:$0x1000] =	vst v0  }
0x16: {  	[tilespmem:$0x1010] =	vst v0  }
0x17: {  	[tilespmem:$0x1020] =	vst v0  }
0x18: {  	[tilespmem:$0x1030] =	vst v0  }
0x19: {  	[tilespmem:$0x1040] =	vst v0  }
0x1a: {  	[tilespmem:$0x1050] =	vst v0  }
0x1b: {  	[tilespmem:$0x1060] =	vst v0  }
0x1c: {  	[tilespmem:$0x1070] =	vst v0  }
0x1d: {  	[tilespmem:$0x1080] =	vst v0  }
0x1e: {  	[tilespmem:$0x1090] =	vst v0  }
0x1f: {  	[tilespmem:$0x10A0] =	vst v0  }
0x20: {  	[tilespmem:$0x10B0] =	vst v0  }
0x21: {  	[tilespmem:$0x10C0] =	vst v0  }
0x22: {  	[tilespmem:$0x10D0] =	vst v0  }
0x23: {  	[tilespmem:$0x10E0] =	vst v0  }
0x24: {  	[tilespmem:$0x10F0] =	vst v0  }
0x25: {  	[tilespmem:$0x1100] =	vst v0  }
0x26: {  	[tilespmem:$0x1110] =	vst v0  }
0x27: {  	[tilespmem:$0x1120] =	vst v0  }
0x28: {  	[tilespmem:$0x1130] =	vst v0  }
0x29: {  	[tilespmem:$0x1140] =	vst v0  }
0x2a: {  	[tilespmem:$0x1150] =	vst v0  }
0x2b: {  	[tilespmem:$0x1160] =	vst v0  }
0x2c: {  	[tilespmem:$0x1170] =	vst v0  }
0x2d: {  	[tilespmem:$0x1180] =	vst v0  }
0x2e: {  	[tilespmem:$0x1190] =	vst v0  }
0x2f: {  	[tilespmem:$0x11A0] =	vst v0  }
0x30: {  	[tilespmem:$0x11B0] =	vst v0  }
0x31: {  	[tilespmem:$0x11C0] =	vst v0  }
0x32: {  	[tilespmem:$0x11D0] =	vst v0  }
0x33: {  	[tilespmem:$0x11E0] =	vst v0  }
0x34: {  	[tilespmem:$0x11F0] =	vst v0  }
0x35: {  	[tilespmem:$0x1200] =	vst v0  }
0x36: {  	[tilespmem:$0x1210] =	vst v0  }
0x37: {  	[tilespmem:$0x1220] =	vst v0  }
0x38: {  	[tilespmem:$0x1230] =	vst v0  }
0x39: {  	[tilespmem:$0x1240] =	vst v0  }
0x3a: {  	[tilespmem:$0x1250] =	vst v0  }
0x3b: {  	[tilespmem:$0x1260] =	vst v0  }
0x3c: {  	[tilespmem:$0x1270] =	vst v0  }
0x3d: {  	[spmem:s4] =	stream.linear.scatter [tilespmem:s12], [sflag:$0x1], $0x280, $0x38;
	[tilespmem:$0x1500] =	vst v63  }
0x3e: {  	_ =	swait.ge [sflag:s13], $0x280  }
0x3f: {  	[sflag:s13] =	ssyncset.done $0x0  }
0x40: {  	[sflag:s13] =	ssyncadd.s32 $0xFFFFFD80  }
0x41: {  	[tilespmem:s3], [sflag:$0x1] =	stream.linear.gather [hbm4b:s5+s3], $0xF00, $0x38;
	[tilespmem:$0x1500] =	vst v63  }
0x42: {  	_ =	swait.ge [sflag:s13], $0xF00  }
0x43: {  	[sflag:s13] =	ssyncset.done $0x0  }
0x44: {  	[sflag:s13] =	ssyncadd.s32 $0xFFFFF100  }
0x45: {  	s20 =	simm.s32 $0x0;
	[bflag:$0x0] =	sbarrier.arrive $0xFFFF  }
0x46: {  	[spmem:s1] =	stream.indirect.scatter.add.f32 [tilespmem:s12], [sflag:$0x1], $0x1, s20, s14, $0xb8;
	[tilespmem:$0x1500] =	vst v63  }
0x47: {  	_ =	swait.ge [sflag:s13], $0x7D  }
0x48: {  	s20 =	simm.s32 $0x200;
	[sflag:s13] =	ssyncset.done $0x0  }
.LBB2_2:
0x49: {  	s21 =	sshra.s32 s20, $0x2;
	[sflag:s13] =	ssyncadd.s32 $0xFFFFFF83;
	p0 =	sne.s32 s20, $0x3A00  }
0x4a: {  	[spmem:s1] =	stream.indirect.scatter.add.f32 [tilespmem:s12], [sflag:$0x1], $0x1, s21, s14, $0xb8;
	[tilespmem:$0x1500] =	vst v63  }
.Ltmp0:
0x4b: {  	_ = 	snop;
	(pc) =	sbr.rel @p0 .LBB2_2-.Ltmp0, $4  }
0x4c: {  	_ = 	snop  }
0x4d: {  	s20 =	sadd.s32 $0x200, s20  }
0x4e: {  	_ =	swait.ge [sflag:s13], $0x7D  }
0x4f: {  	[sflag:s13] =	ssyncset.done $0x0  }
0x50: {  	[sflag:s13] =	ssyncadd.s32 $0xFFFFFF83  }
0x51: {  	[bflag:$0x0] =	sbarrier.arrive $0xFFFF  }
0x52: {  	[hbm:s6@s17], [sflag:s15] =	dma.strided [spmem:s16@s18], $0x50, s13, $0x10   }
0x53: {  	_ =	swait.ge [sflag:s13], $0x50  }
0x54: {  	[sflag:s13] =	ssyncset.done $0x0  }
0x55: {  	[sflag:s13] =	ssyncadd.s32 $0xFFFFFFB0  }
0x56: {  	[spmem:s4] =	stream.linear.scatter [tilespmem:s12], [sflag:$0x1], $0x280, $0x38;
	[tilespmem:$0x1500] =	vst v63  }
0x57: {  	_ =	swait.ge [sflag:s13], $0x280  }
0x58: {  	[sflag:s13] =	ssyncset.done $0x0  }
0x59: {  	s20 =	simm.s32 $0x0;
	[sflag:s13] =	ssyncadd.s32 $0xFFFFFD80  }
0x5a: {  	[tilespmem:s20], [sflag:$0x1] =	stream.linear.gather [hbm4b:s7+s20], $0xF00, $0x38;
	[tilespmem:$0x1500] =	vst v63  }
0x5b: {  	_ =	swait.ge [sflag:s13], $0xF00  }
0x5c: {  	[sflag:s13] =	ssyncset.done $0x0  }
0x5d: {  	[sflag:s13] =	ssyncadd.s32 $0xFFFFF100  }
0x5e: {  	s31 =	simm.s32 $0x0;
	[bflag:$0x0] =	sbarrier.arrive $0xFFFF  }
0x5f: {  	[spmem:s1] =	stream.indirect.scatter.add.f32 [tilespmem:s12], [sflag:$0x1], $0x1, s31, s14, $0xb8;
	[tilespmem:$0x1500] =	vst v63  }
0x60: {  	_ =	swait.ge [sflag:s13], $0x7D  }
0x61: {  	s20 =	simm.s32 $0x200;
	[sflag:s13] =	ssyncset.done $0x0  }
.LBB2_4:
0x62: {  	s21 =	sshra.s32 s20, $0x2;
	[sflag:s13] =	ssyncadd.s32 $0xFFFFFF83;
	p0 =	sne.s32 s20, $0x3A00  }
0x63: {  	[spmem:s1] =	stream.indirect.scatter.add.f32 [tilespmem:s12], [sflag:$0x1], $0x1, s21, s14, $0xb8;
	[tilespmem:$0x1500] =	vst v63  }
.Ltmp1:
0x64: {  	_ = 	snop;
	(pc) =	sbr.rel @p0 .LBB2_4-.Ltmp1, $4  }
0x65: {  	_ = 	snop  }
0x66: {  	s20 =	sadd.s32 $0x200, s20  }
0x67: {  	_ =	swait.ge [sflag:s13], $0x7D  }
0x68: {  	[sflag:s13] =	ssyncset.done $0x0  }
0x69: {  	[sflag:s13] =	ssyncadd.s32 $0xFFFFFF83  }
0x6a: {  	[bflag:$0x0] =	sbarrier.arrive $0xFFFF  }
0x6b: {  	[hbm:s8@s17], [sflag:s15] =	dma.strided [spmem:s16@s18], $0x50, s13, $0x10   }
0x6c: {  	_ =	swait.ge [sflag:s13], $0x50  }
0x6d: {  	[sflag:s13] =	ssyncset.done $0x0  }
0x6e: {  	[sflag:s13] =	ssyncadd.s32 $0xFFFFFFB0  }
0x6f: {  	[spmem:s4] =	stream.linear.scatter [tilespmem:s12], [sflag:$0x1], $0x280, $0x38;
	[tilespmem:$0x1500] =	vst v63  }
0x70: {  	_ =	swait.ge [sflag:s13], $0x280  }
0x71: {  	[sflag:s13] =	ssyncset.done $0x0  }
0x72: {  	s20 =	simm.s32 $0x0;
	[sflag:s13] =	ssyncadd.s32 $0xFFFFFD80  }
0x73: {  	[tilespmem:s20], [sflag:$0x1] =	stream.linear.gather [hbm4b:s9+s20], $0xF00, $0x38;
	[tilespmem:$0x1500] =	vst v63  }
0x74: {  	_ =	swait.ge [sflag:s13], $0xF00  }
0x75: {  	[sflag:s13] =	ssyncset.done $0x0  }
0x76: {  	[sflag:s13] =	ssyncadd.s32 $0xFFFFF100  }
0x77: {  	s31 =	simm.s32 $0x0;
	[bflag:$0x0] =	sbarrier.arrive $0xFFFF  }
0x78: {  	[spmem:s1] =	stream.indirect.scatter.add.f32 [tilespmem:s12], [sflag:$0x1], $0x1, s31, s14, $0xb8;
	[tilespmem:$0x1500] =	vst v63  }
0x79: {  	_ =	swait.ge [sflag:s13], $0x7D  }
0x7a: {  	s20 =	simm.s32 $0x200;
	[sflag:s13] =	ssyncset.done $0x0  }
.LBB2_6:
0x7b: {  	s21 =	sshra.s32 s20, $0x2;
	[sflag:s13] =	ssyncadd.s32 $0xFFFFFF83;
	p0 =	sne.s32 s20, $0x3A00  }
0x7c: {  	[spmem:s1] =	stream.indirect.scatter.add.f32 [tilespmem:s12], [sflag:$0x1], $0x1, s21, s14, $0xb8;
	[tilespmem:$0x1500] =	vst v63  }
.Ltmp2:
0x7d: {  	_ = 	snop;
	(pc) =	sbr.rel @p0 .LBB2_6-.Ltmp2, $4  }
0x7e: {  	_ = 	snop  }
0x7f: {  	s20 =	sadd.s32 $0x200, s20  }
0x80: {  	_ =	swait.ge [sflag:s13], $0x7D  }
0x81: {  	[sflag:s13] =	ssyncset.done $0x0  }
0x82: {  	s19 =	sadd.s32 $0x1, s19  }
0x83: {  	[sflag:s13] =	ssyncadd.s32 $0xFFFFFF83;
	p0 =	sne.s32 s19, s11  }
.Ltmp3:
0x84: {  	[bflag:$0x0] =	sbarrier.arrive $0xFFFF;
	(pc) =	sbr.rel @p0 .LBB2_1-.Ltmp3, $4  }
0x85: {  	[hbm:s10@s17], [sflag:s15] =	dma.strided [spmem:s16@s18], $0x50, s13, $0x10   }
0x86: {  	_ =	swait.ge [sflag:s13], $0x50  }
0x87: {  	[sflag:s13] =	ssyncset.done $0x0  }
0x88: {  	[sflag:s13] =	ssyncadd.s32 $0xFFFFFFB0  }
0x89: {  	_ =	sfence.sel $0x180000  }
0x8a: {  	[bflag:$0x0] =	sbarrier.arrive $0xFFFF  }
0x8b: {  	p0 =	sne.s32 s2, $0x0;
	_ =	strace $0x9000004A  }
0x8c: {  	s0 =	sadd.s32 @!p0 $0x100000, s0;
	[bflag:$0x2] =	sbarrier.arrive $0xFFFF  }
0x8d: {  	[sflag:s0] =	ssyncadd.tile.s32 @!p0 $0x1;
	_ =	shalt  }
.Lfunc_end2:
_tile_overlayer_lowered:
.L_overlay_start_2:
0x8e: {  	(tag) =	ssettag $0x2  }
0x8f: {  	s0 =	rddreg [dreg:$0x0];
	s2 =	stileid.u32  }
0x90: {  	s1 =	rddreg [dreg:$0x1];
	p0 =	sne.s32 s2, $0x0  }
0x91: {  	s3 =	rddreg [dreg:$0x2];
	[bflag:$0x3] =	sbarrier.arrive $0xFFFF;
	s2 =	simm.s32 @!p0 $0x1C01  }
0x92: {  	[timem:s3], [sflag:s2] =	dma.local @!p0 [hbm:s0], s1  }
0x93: {  	s0 =	simm.s32 @!p0 $0x1  }
0x94: {  	_ =	swait.ge @!p0 [sflag:s0], s1  }
0x95: {  	s1 =	ssub.s32 @!p0 $0x0, s1;
	[sflag:s0] =	ssyncset.done @!p0 $0x0  }
0x96: {  	[sflag:s0] =	ssyncadd.s32 @!p0 s1  }
0x97: {  	[bflag:$0x3] =	sbarrier.arrive $0xFFFF  }
0x98: {  	_ =	shalt  }

// kernel: kernel.20.cloned.1.call-start
scs
__scs_entry_jumppad:
0x0: {  	(pc) =	sbr.rel $0x88, $3  }
0x1: {  	(tag) =	ssettag $0x0;
	lr =	simm.s32 $0x1  }
0x2: {  	[smem:$0x3F9B] =	sst lr;
	_ =	strace $0xD0000000  }
0x3: {  	_ = 	snop  }
0x4: {  	_ = 	snop  }
0x5: {  	_ = 	snop  }
0x6: {  	_ = 	snop  }
0x7: {  	_ = 	snop  }
__scs_overlays_trampoline_lowered:
0x8: {  	[smem:$0x3FAA] =	sst s0  }
0x9: {  	[smem:$0x3FAB] =	sst s1  }
0xa: {  	[smem:$0x3FAC] =	sst s2  }
0xb: {  	[smem:$0x3FAD] =	sst s3  }
0xc: {  	[smem:$0x3FAE] =	sst s4  }
0xd: {  	[smem:$0x3FAF] =	sst s5  }
0xe: {  	[smem:$0x3FB0] =	sst s6  }
0xf: {  	[smem:$0x3FB1] =	sst s7  }
0x10: {  	[smem:$0x3FB2] =	sst s8  }
0x11: {  	[smem:$0x3FB3] =	sst s9;
	s0 =	simm.s32 @!p0 $0x0  }
0x12: {  	s1 =	sld [smem:$0x3F99];
	s0 =	simm.s32 @p0 $0x1  }
0x13: {  	[smem:$0x3FB4] =	sst s0;
	s0 =	simm.s32 @!p1 $0x0  }
0x14: {  	s2 =	sld [smem:$0x3F98];
	s0 =	simm.s32 @p1 $0x1  }
0x15: {  	[smem:$0x3FB5] =	sst s0;
	s0 =	simm.s32 @!p2 $0x0  }
0x16: {  	s3 =	sld [smem:$0x3FDB];
	s0 =	simm.s32 @p2 $0x1  }
0x17: {  	s4 =	simm.s32 $0x1BF5;
	[smem:$0x3FB7] =	sst s0  }
0x18: {  	s0 =	sld [smem:$0x3F9A];
	_ =	swait.ge [sflag:s4], $0x0  }
0x19: {  	s7 =	sld [smem:$0x3F9B]  }
0x1a: {  	s8 =	sadd.s32 $0xFFFFE003, lr  }
0x1b: {  	s9 =	sadd.s32 $0xFFFFFEF7, lr;
	s5 =	simm.s32 $0xFFFFFFFF;
	p2 =	slt.u32 s8, $0xFFFFF086  }
0x1c: {  	p1 =	slt.u32 s9, $0xF7A;
	s5 =	simm.s32 @!p2 $0x0  }
0x1d: {  	s5 =	simm.s32 @p1 $0x1;
	p0 =	seq.s32 s7, s2  }
0x1e: {  	s7 =	smul.u32 @!p0 $0xF7A, s2;
	p2 =	seq.s32 @!p0 s5, $0x0  }
0x1f: {  	s9 =	smul.u32 $0xF7A, s1;
	s8 =	simm.s32 @!p0 $0x1BF5;
	p2 =	por !p2, p0  }
0x20: {  	[sflag:s8] =	ssyncset.s32 @!p0 $0xFFFFF086;
	s6 =	sadd.s32 @!p0 s3, s7;
	s7 =	simm.s32 @!p0 $0x108  }
0x21: {  	s3 =	sadd.s32 s3, s9;
	s6 =	sadd.s32 @!p0 $0x88, s6;
	s7 =	simm.s32 @p2 $0x1082  }
0x22: {  	[simem:s7], [sflag:s8] =	dma.local @!p0 [hbm:s6], $0xF7A  }
0x23: {  	s9 =	sor.u32 $0xD0000000, s2;
	s6 =	simm.s32 $0x108;
	_ =	swait.ge @!p0 [sflag:s8], $0x0  }
0x24: {  	s3 =	sadd.s32 $0x88, s3;
	s6 =	simm.s32 @!p1 $0x1082;
	[sflag:s4] =	ssyncset.s32 $0xFFFFF086  }
0x25: {  	[simem:s6], [sflag:s4] =	dma.local [hbm:s3], $0xF7A  }
0x26: {  	[smem:$0x3F9B] =	sst s1;
	(tag) =	ssettag s2;
	_ =	strace s9  }
0x27: {  	s1 =	sld [smem:$0x3FAB]  }
0x28: {  	s2 =	sld [smem:$0x3FAC]  }
0x29: {  	s4 =	sld [smem:$0x3FAE]  }
0x2a: {  	p0 =	seq.s32 s5, $0x0;
	s5 =	sld [smem:$0x3FAF]  }
0x2b: {  	s6 =	sld [smem:$0x3FB0]  }
0x2c: {  	s7 =	sld [smem:$0x3FB1]  }
0x2d: {  	s3 =	simm.s32 $0x108;
	s8 =	sld [smem:$0x3FB2]  }
0x2e: {  	s3 =	simm.s32 @!p0 $0x1082;
	s9 =	sld [smem:$0x3FB3]  }
0x2f: {  	lr =	sadd.s32 s0, s3;
	s0 =	sld [smem:$0x3FAA]  }
0x30: {  	s3 =	sld [smem:$0x3FAD]  }
0x31: {  	[smem:$0x3FB6] =	sst s10  }
0x32: {  	s10 =	sld [smem:$0x3FB4];
	_ =	sdelay $0x3  }
0x33: {  	p0 =	seq.s32 s10, $0x1;
	s10 =	sld [smem:$0x3FB6];
	_ =	sdelay $0x3  }
0x34: {  	[smem:$0x3FB6] =	sst s10  }
0x35: {  	s10 =	sld [smem:$0x3FB5];
	_ =	sdelay $0x3  }
0x36: {  	p1 =	seq.s32 s10, $0x1;
	s10 =	sld [smem:$0x3FB6];
	_ =	sdelay $0x3  }
0x37: {  	[smem:$0x3FB6] =	sst s10  }
0x38: {  	s10 =	sld [smem:$0x3FB7]  }
0x39: {  	_ = 	snop;
	(pc) =	sbr.ind lr, $3  }
0x3a: {  	_ = 	snop  }
0x3b: {  	_ = 	snop  }
0x3c: {  	p2 =	seq.s32 s10, $0x1;
	s10 =	sld [smem:$0x3FB6]  }
0x3d: {  	_ =	shalt  }
0x3e: {  	_ =	shalt  }
0x3f: {  	_ =	shalt  }
0x40: {  	_ =	shalt  }
0x41: {  	_ =	shalt  }
0x42: {  	_ =	shalt  }
0x43: {  	_ =	shalt  }
0x44: {  	_ =	shalt  }
0x45: {  	_ =	shalt  }
0x46: {  	_ =	shalt  }
0x47: {  	_ =	shalt  }
0x48: {  	_ =	shalt  }
0x49: {  	_ =	shalt  }
0x4a: {  	_ =	shalt  }
0x4b: {  	_ =	shalt  }
0x4c: {  	_ =	shalt  }
0x4d: {  	_ =	shalt  }
0x4e: {  	_ =	shalt  }
0x4f: {  	_ =	shalt  }
0x50: {  	_ =	shalt  }
0x51: {  	_ =	shalt  }
0x52: {  	_ =	shalt  }
0x53: {  	_ =	shalt  }
0x54: {  	_ =	shalt  }
0x55: {  	_ =	shalt  }
0x56: {  	_ =	shalt  }
0x57: {  	_ =	shalt  }
0x58: {  	_ =	shalt  }
0x59: {  	_ =	shalt  }
0x5a: {  	_ =	shalt  }
0x5b: {  	_ =	shalt  }
0x5c: {  	_ =	shalt  }
0x5d: {  	_ =	shalt  }
0x5e: {  	_ =	shalt  }
0x5f: {  	_ =	shalt  }
0x60: {  	_ =	shalt  }
0x61: {  	_ =	shalt  }
0x62: {  	_ =	shalt  }
0x63: {  	_ =	shalt  }
0x64: {  	_ =	shalt  }
0x65: {  	_ =	shalt  }
0x66: {  	_ =	shalt  }
0x67: {  	_ =	shalt  }
0x68: {  	_ =	shalt  }
0x69: {  	_ =	shalt  }
0x6a: {  	_ =	shalt  }
0x6b: {  	_ =	shalt  }
0x6c: {  	_ =	shalt  }
0x6d: {  	_ =	shalt  }
0x6e: {  	_ =	shalt  }
0x6f: {  	_ =	shalt  }
0x70: {  	_ =	shalt  }
0x71: {  	_ =	shalt  }
0x72: {  	_ =	shalt  }
0x73: {  	_ =	shalt  }
0x74: {  	_ =	shalt  }
0x75: {  	_ =	shalt  }
0x76: {  	_ =	shalt  }
0x77: {  	_ =	shalt  }
0x78: {  	_ =	shalt  }
0x79: {  	_ =	shalt  }
0x7a: {  	_ =	shalt  }
0x7b: {  	_ =	shalt  }
0x7c: {  	_ =	shalt  }
0x7d: {  	_ =	shalt  }
0x7e: {  	_ =	shalt  }
0x7f: {  	_ =	shalt  }
0x80: {  	_ =	shalt  }
0x81: {  	_ =	shalt  }
0x82: {  	_ =	shalt  }
0x83: {  	_ =	shalt  }
0x84: {  	_ =	shalt  }
0x85: {  	_ =	shalt  }
0x86: {  	_ =	shalt  }
0x87: {  	_ =	shalt  }
.Lfunc_end0:
.L_simem_size_0:
called_computation.2_lowered:
.L_overlay_start_0:
0x88: {  	s2 =	sld [smem:$0x3FD9]  }
0x89: {  	s3 =	sld [smem:$0x3FFE];
	_ =	sdelay $0x1  }
0x8a: {  	s1 =	srdreg.scid  }
0x8b: {  	s0 =	sand.u32 $0x1, s1  }
0x8c: {  	s17 =	sshll.u32 s0, $0xA;
	s2 =	sadd.s32 s3, s2  }
0x8d: {  	s2 =	sadd.s32 s2, s17  }
0x8e: {  	[smem:$0x3FC2] =	sst s2  }
0x8f: {  	_ = 	snop  }
0x90: {  	(tm) =	ssettm $0x1  }
0x91: {  	s18 =	sld [smem:$0x3FFB];
	_ =	sdelay $0x3  }
0x92: {  	_ =	strace s18  }
0x93: {  	s2 =	sld [smem:$0x3FFC];
	_ =	sdelay $0x3  }
0x94: {  	_ =	strace s2  }
0x95: {  	s2 =	sld [smem:$0x3FFD];
	_ =	sdelay $0x3  }
0x96: {  	_ =	strace s2  }
0x97: {  	_ =	strace $0x8FFFFFFF  }
0x98: {  	s19 =	sld [smem:$0x3FDB];
	_ =	sdelay $0x1  }
0x99: {  	s20 =	simm.s32 $_scs_section_size  }
0x9a: {  	s4 =	simm.s32 $_size__tile_overlayer_lowered;
	s5 =	simm.s32 $_tile_overlayer_lowered  }
0x9b: {  	s6 =	simm.s32 $0x1BFF;
	s21 =	sshll.u32 s5, $0x1;
	s3 =	sadd.s32 s20, s19  }
0x9c: {  	s22 =	simm.s32 $0x0;
	s4 =	sshll.u32 s4, $0x1;
	s5 =	sadd.s32 s21, s3  }
0x9d: {  	[timem:s22], [sflag:s6] =	dma.local [hbm:s5], s4  }
0x9e: {  	_ =	swait.ge [sflag:s6], s4  }
0x9f: {  	s4 =	ssub.s32 $0x0, s4;
	[sflag:s6] =	ssyncset.done $0x0  }
0xa0: {  	[sflag:s6] =	ssyncadd.s32 s4;
	_ =	sdelay $0x1  }
0xa1: {  	s23 =	simm.s32 $0x1B8B  }
0xa2: {  	_ =	swait.ge [sflag:s23], $0x1  }
0xa3: {  	[sflag:s23] =	ssyncset.done $0x0  }
0xa4: {  	[sflag:s23] =	ssyncadd.s32 $0xFFFFFFFF  }
0xa5: {  	s4 =	sld [smem:$0x0]  }
0xa6: {  	s5 =	sand.u32 $0xFFFFFFFE, s1  }
0xa7: {  	p0 =	sne.s32 s1, s5  }
0xa8: {  	s5 =	sshll.u32 @p0 s5, $0xE  }
0xa9: {  	s5 =	sadd.s32 @p0 $0x11B8D, s5;
	s6 =	sshll.u32 @p0 s4, $0x11  }
0xaa: {  	s5 =	sor.u32 @p0 s6, s5  }
0xab: {  	[sflag:s5] =	ssyncadd.remote.s32 @p0 $0x1;
	_ =	sdelay $0x1  }
0xac: {  	s5 =	simm.s32 @p0 $0x1B8D  }
0xad: {  	_ =	swait.eq @p0 [sflag:s5], $0x1  }
0xae: {  	[sflag:s5] =	ssyncadd.s32 @p0 $0xFFFFFFFF  }
0xaf: {  	s6 =	sshll.u32 @!p0 s1, $0xE  }
0xb0: {  	s6 =	sor.u32 @!p0 $0x4000, s6;
	s5 =	simm.s32 @!p0 $0x1B8D  }
0xb1: {  	s4 =	sshll.u32 @!p0 s4, $0x11;
	s6 =	sadd.s32 @!p0 $0x11B8D, s6;
	_ =	swait.eq @!p0 [sflag:s5], $0x1  }
0xb2: {  	s4 =	sor.u32 @!p0 s4, s6;
	[sflag:s5] =	ssyncadd.s32 @!p0 $0xFFFFFFFF  }
0xb3: {  	s25 =	simm.s32 $0x1B8E;
	s24 =	sld [smem:$0x3FFE];
	[sflag:s4] =	ssyncadd.remote.s32 @!p0 $0x1  }
0xb4: {  	s26 =	simm.s32 $execute0_lowered;
	[smem:$0x3FD2] =	sst s25  }
0xb5: {  	s5 =	sshll.u32 s26, $0x1;
	_ =	strace $0x8000004C;
	[dreg:$0x1] =	wrdreg $0xFFFFFFFF  }
0xb6: {  	s28 =	simm.s32 $_size_execute0_lowered;
	s3 =	sadd.s32 s3, s5;
	[dreg:$0x0] =	wrdreg $0x0  }
0xb7: {  	s5 =	sshll.u32 s28, $0x1;
	[dreg:$0x2] =	wrdreg s3  }
0xb8: {  	[dreg:$0x3] =	wrdreg s5  }
0xb9: {  	[dreg:$0x4] =	wrdreg $0xC0  }
0xba: {  	_ =	task [dreg:s22], $0x5FFFF  }
0xbb: {  	[dreg:$0x1] =	wrdreg $0xFFFFFFFF  }
0xbc: {  	[dreg:$0x0] =	wrdreg $0x60  }
0xbd: {  	[dreg:$0x2] =	wrdreg s24  }
0xbe: {  	[dreg:$0x3] =	wrdreg $0x20000  }
0xbf: {  	[dreg:$0x4] =	wrdreg $0xA  }
0xc0: {  	_ =	task.clear_ibuf [dreg:s22], $0x5FFFF;
	_ =	strace $0x9000004C  }
0xc1: {  	s29 =	simm.s32 $0xA;
	_ =	strace $0x8000004E  }
0xc2: {  	_ =	swait.ge [sflag:s29], $0x1  }
0xc3: {  	[sflag:s29] =	ssyncadd.s32 $0xFFFFFFFF  }
0xc4: {  	_ =	strace $0x9000004E  }
0xc5: {  	_ =	sfence  }
0xc6: {  	s30 =	sld [smem:$0x0];
	_ =	sdelay $0x2  }
0xc7: {  	s31 =	sshll.u32 s1, $0xD;
	s1 =	sshrl.u32 s1, $0x2  }
0xc8: {  	s4 =	sand.u32 $0x4000, s31;
	s1 =	sadd.s32 s1, s30  }
0xc9: {  	s0 =	sor.u32 s4, s0;
	s1 =	sshll.u32 s1, $0x11  }
0xca: {  	s0 =	sor.u32 s1, s0  }
0xcb: {  	s0 =	sadd.s32 $0x8F2B, s0  }
0xcc: {  	[sflag:s0] =	ssyncadd.remote.s32 $0x1  }
0xcd: {  	_ =	sfence.sel $0xFFFF  }
0xce: {  	[dreg:$0x0] =	wrdreg $0xFFFFFFFF;
	(pc) =	sbr.abs _section_cstart, $3  }
0xcf: {  	[dreg:$0x1] =	wrdreg $0xFFFFFFFF  }
0xd0: {  	_ =	task.clear_ibuf [dreg:s22], $0x2FFFF;
	_ =	strace $0x9FFFFFFF  }
0xd1: {  	(tm) =	ssettm $0x7FFFFFFF  }
tec
execute0_lowered:
.L_overlay_start_1:
0x0: {  	(tag) =	ssettag $0x1  }
0x1: {  	s7 =	rddreg [dreg:$0x0]  }
0x2: {  	s1 =	rddreg [dreg:$0x1];
	s3 =	simm.s32 $0x0  }
0x3: {  	s4 =	srdreg.scid;
	s2 =	stileid.u32;
	s14 =	simm.s32 $0x5  }
0x4: {  	s15 =	simm.s32 $0x1000;
	s16 =	simm.s32 $0x7D;
	s17 =	simm.s32 $0x16000  }
0x5: {  	s18 =	simm.s32 $0x1A000;
	s19 =	simm.s32 $0x1;
	s20 =	simm.s32 $0x2  }
0x6: {  	s21 =	simm.s32 $0x1E80;
	s22 =	simm.s32 $0x3;
	s23 =	simm.s32 $0x4  }
0x7: {  	[smem:$0x7FF] =	sst s3;
	s9 =	sand.u32 $0x1, s4;
	s4 =	sadd.s32 $0x22400, s7  }
0x8: {  	s10 =	smul.u32 $0x50000, s2;
	s5 =	sadd.s32 $0x1A400, s7;
	s6 =	sadd.s32 $0x2800, s7  }
.Ltmp0:
0x9: {  	s7 =	sadd.s32 $0xC2400, s7;
	s12 =	sshll.u32 s2, $0x6;
	(pc) =	sbr.rel .LBB2_1-.Ltmp0, $4  }
0xa: {  	_ =	strace $0x8000004D;
	s8 =	ssub.s32 $0x2, s9;
	s9 =	sshll.u32 s9, $0x1  }
0xb: {  	s12 =	sor.u32 $0x1C05, s12;
	s11 =	sshrl.u32 s8, $0x1;
	s10 =	sshrl.u32 s10, $0x2  }
0xc: {  	s11 =	ssub.s32 s8, s11;
	s8 =	smul.u32 $0x280, s2;
	s13 =	sadd.s32 s10, s1  }
0xd: {  	s10 =	sshll.u32 s2, $0x9;
	s11 =	smax.u32 s11, $0x1;
	s13 =	sshrl.u32 s13, $0x3  }
.LBB2_9:
0xe: {  	s3 =	sadd.s32 $0x1, s3  }
0xf: {  	p0 =	sne.s32 s3, s11  }
.Ltmp1:
0x10: {  	_ = 	snop;
	(pc) =	sbr.rel @!p0 .LBB2_10-.Ltmp1, $1  }
0x11: {  	_ =	sdelay $0x3  }
.LBB2_1:
.Ltmp2:
0x12: {  	(pc) =	sbr.rel .LBB2_2-.Ltmp2, $2  }
0x13: {  	_ =	sdelay $0x2  }
0x14: {  	p1 =	por $0x1, $0x1;
	s24 =	simm.s32 $0x0  }
.LBB2_8:
0x15: {  	_ =	swait.ge [sflag:s20], $0x3E80  }
0x16: {  	[sflag:s20] =	ssyncset.done $0x0  }
0x17: {  	[sflag:s20] =	ssyncadd.s32 $0xFFFFC180  }
0x18: {  	[spmem:s1] =	stream.indirect.scatter.add.f32 [tilespmem:s18], [sflag:$0x4], $0x80, s21, s16, $0xb8;
	[tilespmem:$0x1E000] =	vst v63  }
0x19: {  	_ =	swait.ge [sflag:s22], $0x3E80  }
0x1a: {  	[sflag:s22] =	ssyncset.done $0x0  }
0x1b: {  	[sflag:s22] =	ssyncadd.s32 $0xFFFFC180  }
0x1c: {  	_ =	swait.ge [sflag:s23], $0x3E80  }
0x1d: {  	[sflag:s23] =	ssyncset.done $0x0  }
0x1e: {  	[sflag:s23] =	ssyncadd.s32 $0xFFFFC180  }
.Ltmp3:
0x1f: {  	s0 =	sadd.s32 s7, s24;
	[bflag:$0x0] =	sbarrier.arrive $0xFFFF;
	(pc) =	sbr.rel @!p0 .LBB2_9-.Ltmp3, $4  }
0x20: {  	[hbm:s0], [sflag:s12] =	dma.local [spmem:s13], $0x2800  }
0x21: {  	_ =	swait.ge [sflag:s14], $0x2800  }
0x22: {  	[sflag:s14] =	ssyncset.done $0x0  }
0x23: {  	s24 =	simm.s32 $0x1;
	p1 =	por $0x0, $0x0;
	[sflag:s14] =	ssyncadd.s32 $0xFFFFD800  }
.LBB2_2:
0x24: {  	s25 =	sor.u32 s9, s24  }
0x25: {  	s24 =	smul.u32 $0x2800, s25;
	_ =	sdelay $0x1  }
0x26: {  	s24 =	sadd.s32 s8, s24  }
0x27: {  	s24 =	sshll.u32 s24, $0x4  }
0x28: {  	s26 =	sadd.s32 s4, s24  }
0x29: {  	[spmem:s13], [sflag:s12] =	dma.local [hbm:s26], $0x2800  }
0x2a: {  	s25 =	sshll.u32 s25, $0xD;
	_ =	swait.ge [sflag:s14], $0x2800  }
0x2b: {  	s31 =	sor.u32 s10, s25;
	[sflag:s14] =	ssyncset.done $0x0  }
0x2c: {  	s25 =	simm.s32 $0x0;
	s28 =	sadd.s32 s5, s31;
	[sflag:s14] =	ssyncadd.s32 $0xFFFFD800  }
0x2d: {  	[tilespmem:s25], [sflag:$0x5] =	stream.linear.gather [hbm4b:s28+s25], $0xF00, $0x38;
	[tilespmem:$0x1E000] =	vst v63  }
0x2e: {  	_ =	swait.ge [sflag:s14], $0xF00  }
0x2f: {  	[sflag:s14] =	ssyncset.done $0x0  }
0x30: {  	s26 =	sadd.s32 s6, s31;
	[sflag:s14] =	ssyncadd.s32 $0xFFFFF100  }
0x31: {  	[tilespmem:s15], [sflag:$0x5] =	stream.linear.gather [hbm4b:s26+s25], $0xF00, $0x38;
	[tilespmem:$0x1E000] =	vst v63  }
.Ltmp4:
0x32: {  	_ =	swait.ge [sflag:s14], $0xF00;
	(pc) =	sbr.rel .LBB2_3-.Ltmp4, $4  }
0x33: {  	[sflag:s14] =	ssyncset.done $0x0  }
0x34: {  	[sflag:s14] =	ssyncadd.s32 $0xFFFFF100  }
0x35: {  	[bflag:$0x0] =	sbarrier.arrive $0xFFFF  }
0x36: {  	p0 =	por p1, p1;
	s28 =	simm.s32 $0x0;
	s26 =	simm.s32 $0xFFFFFFFE  }
.LBB2_6:
0x37: {  	s0 =	sadd.s32 $0x80, s29  }
0x38: {  	[tilespmem:s18], [sflag:$0x2] =	stream.indirect.gather [hbm4b:s4+s16], $0x80, s0, s16, $0xb8;
	[tilespmem:$0x1E000] =	vst v63  }
0x39: {  	_ =	swait.ge [sflag:s19], $0x3E80  }
0x3a: {  	[sflag:s19] =	ssyncset.done $0x0  }
0x3b: {  	s31 =	sadd.s32 $0x1000, s29;
	[sflag:s19] =	ssyncadd.s32 $0xFFFFC180  }
0x3c: {  	[spmem:s1] =	stream.indirect.scatter.add.f32 [tilespmem:s17], [sflag:$0x3], $0x80, s31, s16, $0xb8;
	[tilespmem:$0x1E000] =	vst v63  }
.LBB2_7:
0x3d: {  	s25 =	sadd.s32 $0x400, s25  }
0x3e: {  	p1 =	sne.s32 s25, $0x3C00  }
.Ltmp5:
0x3f: {  	_ = 	snop;
	(pc) =	sbr.rel @!p1 .LBB2_8-.Ltmp5, $2  }
0x40: {  	_ =	sdelay $0x2  }
0x41: {  	s28 =	sadd.s32 $0x1, s28;
	s26 =	sadd.s32 $0x2, s26  }
.LBB2_3:
0x42: {  	p1 =	sgt.u32 s26, $0x1B  }
0x43: {  	s29 =	simm.s32 @!p1 $0x3  }
0x44: {  	_ =	swait.ge @!p1 [sflag:s29], $0x3E80  }
0x45: {  	s30 =	sadd.s32 $0x1, s26;
	[sflag:s29] =	ssyncset.done @!p1 $0x0  }
0x46: {  	[sflag:s29] =	ssyncadd.s32 @!p1 $0xFFFFC180;
	s29 =	sshra.s32 s25, $0x2;
	p1 =	sgt.u32 s30, $0x1D  }
0x47: {  	[tilespmem:s17], [sflag:$0x1] =	stream.indirect.gather [hbm4b:s4+s16], $0x80, s29, s16, $0xb8;
	[tilespmem:$0x1E000] =	vst v63  }
0x48: {  	s30 =	simm.s32 @!p1 $0x2  }
0x49: {  	_ =	swait.ge @!p1 [sflag:s30], $0x3E80  }
0x4a: {  	[sflag:s30] =	ssyncset.done @!p1 $0x0  }
0x4b: {  	[sflag:s30] =	ssyncadd.s32 @!p1 $0xFFFFC180;
	s30 =	sshra.s32 @!p1 s25, $0x2  }
0x4c: {  	s31 =	simm.s32 @!p1 $0x7D;
	s0 =	simm.s32 @!p1 $0x1A000;
	s30 =	sadd.s32 @!p1 $0xF80, s30  }
0x4d: {  	[spmem:s1] =	stream.indirect.scatter.add.f32 @!p1 [tilespmem:s0], [sflag:$0x4], $0x80, s30, s31, $0xb8;
	[tilespmem:$0x1E000] =	vst v63  }
0x4e: {  	p1 =	seq.s32 s28, $0x0  }
.Ltmp6:
0x4f: {  	_ = 	snop;
	(pc) =	sbr.rel @p1 .LBB2_6-.Ltmp6, $1  }
0x50: {  	_ =	sdelay $0x3  }
0x51: {  	p1 =	seq.s32 s28, $0xF  }
.Ltmp7:
0x52: {  	_ = 	snop;
	(pc) =	sbr.rel @p1 .LBB2_7-.Ltmp7, $1  }
0x53: {  	_ =	sdelay $0x3  }
.Ltmp8:
0x54: {  	(pc) =	sbr.rel .LBB2_6-.Ltmp8, $4  }
0x55: {  	_ = 	snop  }
0x56: {  	_ =	swait.ge [sflag:s23], $0x3E80  }
0x57: {  	[sflag:s23] =	ssyncset.done $0x0  }
0x58: {  	[sflag:s23] =	ssyncadd.s32 $0xFFFFC180  }
.LBB2_10:
0x59: {  	_ =	sfence.sel $0x180000  }
0x5a: {  	[bflag:$0x0] =	sbarrier.arrive $0xFFFF  }
0x5b: {  	_ =	strace $0x9000004D  }
0x5c: {  	[bflag:$0x2] =	sbarrier.arrive $0xFFFF  }
0x5d: {  	p0 =	sne.s32 s2, $0x0;
	s0 =	rddreg [dreg:$0x2]  }
0x5e: {  	s0 =	sadd.s32 @!p0 $0x100000, s0  }
0x5f: {  	[sflag:s0] =	ssyncadd.tile.s32 @!p0 $0x1;
	_ =	shalt  }
.Lfunc_end2:
_tile_overlayer_lowered:
.L_overlay_start_2:
0x60: {  	(tag) =	ssettag $0x2  }
0x61: {  	s0 =	rddreg [dreg:$0x0];
	s2 =	stileid.u32  }
0x62: {  	s1 =	rddreg [dreg:$0x1];
	p0 =	sne.s32 s2, $0x0  }
0x63: {  	s3 =	rddreg [dreg:$0x2];
	[bflag:$0x3] =	sbarrier.arrive $0xFFFF;
	s2 =	simm.s32 @!p0 $0x1C05  }
0x64: {  	[timem:s3], [sflag:s2] =	dma.local @!p0 [hbm:s0], s1  }
0x65: {  	s0 =	simm.s32 @!p0 $0x5  }
0x66: {  	_ =	swait.ge @!p0 [sflag:s0], s1  }
0x67: {  	s1 =	ssub.s32 @!p0 $0x0, s1;
	[sflag:s0] =	ssyncset.done @!p0 $0x0  }
0x68: {  	[sflag:s0] =	ssyncadd.s32 @!p0 s1  }
0x69: {  	[bflag:$0x3] =	sbarrier.arrive $0xFFFF  }
0x6a: {  	_ =	shalt  }

// kernel: kernel.23.cloned.1.call-start
scs
__scs_entry_jumppad:
0x0: {  	(pc) =	sbr.rel $0x88, $3  }
0x1: {  	(tag) =	ssettag $0x0;
	lr =	simm.s32 $0x1  }
0x2: {  	[smem:$0x3F9B] =	sst lr;
	_ =	strace $0xD0000000  }
0x3: {  	_ = 	snop  }
0x4: {  	_ = 	snop  }
0x5: {  	_ = 	snop  }
0x6: {  	_ = 	snop  }
0x7: {  	_ = 	snop  }
__scs_overlays_trampoline_lowered:
0x8: {  	[smem:$0x3FAA] =	sst s0  }
0x9: {  	[smem:$0x3FAB] =	sst s1  }
0xa: {  	[smem:$0x3FAC] =	sst s2  }
0xb: {  	[smem:$0x3FAD] =	sst s3  }
0xc: {  	[smem:$0x3FAE] =	sst s4  }
0xd: {  	[smem:$0x3FAF] =	sst s5  }
0xe: {  	[smem:$0x3FB0] =	sst s6  }
0xf: {  	[smem:$0x3FB1] =	sst s7  }
0x10: {  	[smem:$0x3FB2] =	sst s8  }
0x11: {  	[smem:$0x3FB3] =	sst s9;
	s0 =	simm.s32 @!p0 $0x0  }
0x12: {  	s1 =	sld [smem:$0x3F99];
	s0 =	simm.s32 @p0 $0x1  }
0x13: {  	[smem:$0x3FB4] =	sst s0;
	s0 =	simm.s32 @!p1 $0x0  }
0x14: {  	s2 =	sld [smem:$0x3F98];
	s0 =	simm.s32 @p1 $0x1  }
0x15: {  	[smem:$0x3FB5] =	sst s0;
	s0 =	simm.s32 @!p2 $0x0  }
0x16: {  	s3 =	sld [smem:$0x3FDB];
	s0 =	simm.s32 @p2 $0x1  }
0x17: {  	s4 =	simm.s32 $0x1BF5;
	[smem:$0x3FB7] =	sst s0  }
0x18: {  	s0 =	sld [smem:$0x3F9A];
	_ =	swait.ge [sflag:s4], $0x0  }
0x19: {  	s7 =	sld [smem:$0x3F9B]  }
0x1a: {  	s8 =	sadd.s32 $0xFFFFE003, lr  }
0x1b: {  	s9 =	sadd.s32 $0xFFFFFEF7, lr;
	s5 =	simm.s32 $0xFFFFFFFF;
	p2 =	slt.u32 s8, $0xFFFFF086  }
0x1c: {  	p1 =	slt.u32 s9, $0xF7A;
	s5 =	simm.s32 @!p2 $0x0  }
0x1d: {  	s5 =	simm.s32 @p1 $0x1;
	p0 =	seq.s32 s7, s2  }
0x1e: {  	s7 =	smul.u32 @!p0 $0xF7A, s2;
	p2 =	seq.s32 @!p0 s5, $0x0  }
0x1f: {  	s9 =	smul.u32 $0xF7A, s1;
	s8 =	simm.s32 @!p0 $0x1BF5;
	p2 =	por !p2, p0  }
0x20: {  	[sflag:s8] =	ssyncset.s32 @!p0 $0xFFFFF086;
	s6 =	sadd.s32 @!p0 s3, s7;
	s7 =	simm.s32 @!p0 $0x108  }
0x21: {  	s3 =	sadd.s32 s3, s9;
	s6 =	sadd.s32 @!p0 $0x88, s6;
	s7 =	simm.s32 @p2 $0x1082  }
0x22: {  	[simem:s7], [sflag:s8] =	dma.local @!p0 [hbm:s6], $0xF7A  }
0x23: {  	s9 =	sor.u32 $0xD0000000, s2;
	s6 =	simm.s32 $0x108;
	_ =	swait.ge @!p0 [sflag:s8], $0x0  }
0x24: {  	s3 =	sadd.s32 $0x88, s3;
	s6 =	simm.s32 @!p1 $0x1082;
	[sflag:s4] =	ssyncset.s32 $0xFFFFF086  }
0x25: {  	[simem:s6], [sflag:s4] =	dma.local [hbm:s3], $0xF7A  }
0x26: {  	[smem:$0x3F9B] =	sst s1;
	(tag) =	ssettag s2;
	_ =	strace s9  }
0x27: {  	s1 =	sld [smem:$0x3FAB]  }
0x28: {  	s2 =	sld [smem:$0x3FAC]  }
0x29: {  	s4 =	sld [smem:$0x3FAE]  }
0x2a: {  	p0 =	seq.s32 s5, $0x0;
	s5 =	sld [smem:$0x3FAF]  }
0x2b: {  	s6 =	sld [smem:$0x3FB0]  }
0x2c: {  	s7 =	sld [smem:$0x3FB1]  }
0x2d: {  	s3 =	simm.s32 $0x108;
	s8 =	sld [smem:$0x3FB2]  }
0x2e: {  	s3 =	simm.s32 @!p0 $0x1082;
	s9 =	sld [smem:$0x3FB3]  }
0x2f: {  	lr =	sadd.s32 s0, s3;
	s0 =	sld [smem:$0x3FAA]  }
0x30: {  	s3 =	sld [smem:$0x3FAD]  }
0x31: {  	[smem:$0x3FB6] =	sst s10  }
0x32: {  	s10 =	sld [smem:$0x3FB4];
	_ =	sdelay $0x3  }
0x33: {  	p0 =	seq.s32 s10, $0x1;
	s10 =	sld [smem:$0x3FB6];
	_ =	sdelay $0x3  }
0x34: {  	[smem:$0x3FB6] =	sst s10  }
0x35: {  	s10 =	sld [smem:$0x3FB5];
	_ =	sdelay $0x3  }
0x36: {  	p1 =	seq.s32 s10, $0x1;
	s10 =	sld [smem:$0x3FB6];
	_ =	sdelay $0x3  }
0x37: {  	[smem:$0x3FB6] =	sst s10  }
0x38: {  	s10 =	sld [smem:$0x3FB7]  }
0x39: {  	_ = 	snop;
	(pc) =	sbr.ind lr, $3  }
0x3a: {  	_ = 	snop  }
0x3b: {  	_ = 	snop  }
0x3c: {  	p2 =	seq.s32 s10, $0x1;
	s10 =	sld [smem:$0x3FB6]  }
0x3d: {  	_ =	shalt  }
0x3e: {  	_ =	shalt  }
0x3f: {  	_ =	shalt  }
0x40: {  	_ =	shalt  }
0x41: {  	_ =	shalt  }
0x42: {  	_ =	shalt  }
0x43: {  	_ =	shalt  }
0x44: {  	_ =	shalt  }
0x45: {  	_ =	shalt  }
0x46: {  	_ =	shalt  }
0x47: {  	_ =	shalt  }
0x48: {  	_ =	shalt  }
0x49: {  	_ =	shalt  }
0x4a: {  	_ =	shalt  }
0x4b: {  	_ =	shalt  }
0x4c: {  	_ =	shalt  }
0x4d: {  	_ =	shalt  }
0x4e: {  	_ =	shalt  }
0x4f: {  	_ =	shalt  }
0x50: {  	_ =	shalt  }
0x51: {  	_ =	shalt  }
0x52: {  	_ =	shalt  }
0x53: {  	_ =	shalt  }
0x54: {  	_ =	shalt  }
0x55: {  	_ =	shalt  }
0x56: {  	_ =	shalt  }
0x57: {  	_ =	shalt  }
0x58: {  	_ =	shalt  }
0x59: {  	_ =	shalt  }
0x5a: {  	_ =	shalt  }
0x5b: {  	_ =	shalt  }
0x5c: {  	_ =	shalt  }
0x5d: {  	_ =	shalt  }
0x5e: {  	_ =	shalt  }
0x5f: {  	_ =	shalt  }
0x60: {  	_ =	shalt  }
0x61: {  	_ =	shalt  }
0x62: {  	_ =	shalt  }
0x63: {  	_ =	shalt  }
0x64: {  	_ =	shalt  }
0x65: {  	_ =	shalt  }
0x66: {  	_ =	shalt  }
0x67: {  	_ =	shalt  }
0x68: {  	_ =	shalt  }
0x69: {  	_ =	shalt  }
0x6a: {  	_ =	shalt  }
0x6b: {  	_ =	shalt  }
0x6c: {  	_ =	shalt  }
0x6d: {  	_ =	shalt  }
0x6e: {  	_ =	shalt  }
0x6f: {  	_ =	shalt  }
0x70: {  	_ =	shalt  }
0x71: {  	_ =	shalt  }
0x72: {  	_ =	shalt  }
0x73: {  	_ =	shalt  }
0x74: {  	_ =	shalt  }
0x75: {  	_ =	shalt  }
0x76: {  	_ =	shalt  }
0x77: {  	_ =	shalt  }
0x78: {  	_ =	shalt  }
0x79: {  	_ =	shalt  }
0x7a: {  	_ =	shalt  }
0x7b: {  	_ =	shalt  }
0x7c: {  	_ =	shalt  }
0x7d: {  	_ =	shalt  }
0x7e: {  	_ =	shalt  }
0x7f: {  	_ =	shalt  }
0x80: {  	_ =	shalt  }
0x81: {  	_ =	shalt  }
0x82: {  	_ =	shalt  }
0x83: {  	_ =	shalt  }
0x84: {  	_ =	shalt  }
0x85: {  	_ =	shalt  }
0x86: {  	_ =	shalt  }
0x87: {  	_ =	shalt  }
.Lfunc_end0:
.L_simem_size_0:
called_computation.3_lowered:
.L_overlay_start_0:
0x88: {  	s2 =	sld [smem:$0x3FD9]  }
0x89: {  	s3 =	sld [smem:$0x3FFE];
	_ =	sdelay $0x1  }
0x8a: {  	s1 =	srdreg.scid  }
0x8b: {  	s0 =	sand.u32 $0x1, s1  }
0x8c: {  	s17 =	sshll.u32 s0, $0xA;
	s2 =	sadd.s32 s3, s2  }
0x8d: {  	s2 =	sadd.s32 s2, s17  }
0x8e: {  	[smem:$0x3FC2] =	sst s2  }
0x8f: {  	_ = 	snop  }
0x90: {  	(tm) =	ssettm $0x1  }
0x91: {  	s18 =	sld [smem:$0x3FFB];
	_ =	sdelay $0x3  }
0x92: {  	_ =	strace s18  }
0x93: {  	s2 =	sld [smem:$0x3FFC];
	_ =	sdelay $0x3  }
0x94: {  	_ =	strace s2  }
0x95: {  	s2 =	sld [smem:$0x3FFD];
	_ =	sdelay $0x3  }
0x96: {  	_ =	strace s2  }
0x97: {  	_ =	strace $0x8FFFFFFF  }
0x98: {  	s19 =	sld [smem:$0x3FDB];
	_ =	sdelay $0x1  }
0x99: {  	s20 =	simm.s32 $_scs_section_size  }
0x9a: {  	s4 =	simm.s32 $_size__tile_overlayer_lowered;
	s5 =	simm.s32 $_tile_overlayer_lowered  }
0x9b: {  	s6 =	simm.s32 $0x1BFF;
	s21 =	sshll.u32 s5, $0x1;
	s3 =	sadd.s32 s20, s19  }
0x9c: {  	s22 =	simm.s32 $0x0;
	s4 =	sshll.u32 s4, $0x1;
	s5 =	sadd.s32 s21, s3  }
0x9d: {  	[timem:s22], [sflag:s6] =	dma.local [hbm:s5], s4  }
0x9e: {  	_ =	swait.ge [sflag:s6], s4  }
0x9f: {  	s4 =	ssub.s32 $0x0, s4;
	[sflag:s6] =	ssyncset.done $0x0  }
0xa0: {  	[sflag:s6] =	ssyncadd.s32 s4;
	_ =	sdelay $0x1  }
0xa1: {  	s23 =	simm.s32 $0x1B8B  }
0xa2: {  	_ =	swait.ge [sflag:s23], $0x1  }
0xa3: {  	[sflag:s23] =	ssyncset.done $0x0  }
0xa4: {  	[sflag:s23] =	ssyncadd.s32 $0xFFFFFFFF  }
0xa5: {  	s4 =	sld [smem:$0x0]  }
0xa6: {  	s5 =	sand.u32 $0xFFFFFFFE, s1  }
0xa7: {  	p0 =	sne.s32 s1, s5  }
0xa8: {  	s5 =	sshll.u32 @p0 s5, $0xE  }
0xa9: {  	s5 =	sadd.s32 @p0 $0x11B8D, s5;
	s6 =	sshll.u32 @p0 s4, $0x11  }
0xaa: {  	s5 =	sor.u32 @p0 s6, s5  }
0xab: {  	[sflag:s5] =	ssyncadd.remote.s32 @p0 $0x1;
	_ =	sdelay $0x1  }
0xac: {  	s5 =	simm.s32 @p0 $0x1B8D  }
0xad: {  	_ =	swait.eq @p0 [sflag:s5], $0x1  }
0xae: {  	[sflag:s5] =	ssyncadd.s32 @p0 $0xFFFFFFFF  }
0xaf: {  	s6 =	sshll.u32 @!p0 s1, $0xE  }
0xb0: {  	s6 =	sor.u32 @!p0 $0x4000, s6;
	s5 =	simm.s32 @!p0 $0x1B8D  }
0xb1: {  	s4 =	sshll.u32 @!p0 s4, $0x11;
	s6 =	sadd.s32 @!p0 $0x11B8D, s6;
	_ =	swait.eq @!p0 [sflag:s5], $0x1  }
0xb2: {  	s4 =	sor.u32 @!p0 s4, s6;
	[sflag:s5] =	ssyncadd.s32 @!p0 $0xFFFFFFFF  }
0xb3: {  	s25 =	simm.s32 $0x1B8E;
	s24 =	sld [smem:$0x3FFE];
	[sflag:s4] =	ssyncadd.remote.s32 @!p0 $0x1  }
0xb4: {  	s26 =	simm.s32 $execute0_lowered;
	[smem:$0x3FD2] =	sst s25  }
0xb5: {  	s5 =	sshll.u32 s26, $0x1;
	_ =	strace $0x80000052;
	[dreg:$0x1] =	wrdreg $0xFFFFFFFF  }
0xb6: {  	s28 =	simm.s32 $_size_execute0_lowered;
	s3 =	sadd.s32 s3, s5;
	[dreg:$0x0] =	wrdreg $0x0  }
0xb7: {  	s5 =	sshll.u32 s28, $0x1;
	[dreg:$0x2] =	wrdreg s3  }
0xb8: {  	[dreg:$0x3] =	wrdreg s5  }
0xb9: {  	[dreg:$0x4] =	wrdreg $0xC0  }
0xba: {  	_ =	task [dreg:s22], $0x5FFFF  }
0xbb: {  	[dreg:$0x1] =	wrdreg $0xFFFFFFFF  }
0xbc: {  	[dreg:$0x0] =	wrdreg $0x60  }
0xbd: {  	[dreg:$0x2] =	wrdreg s24  }
0xbe: {  	[dreg:$0x3] =	wrdreg $0x20000  }
0xbf: {  	[dreg:$0x4] =	wrdreg $0x9  }
0xc0: {  	_ =	task.clear_ibuf [dreg:s22], $0x5FFFF;
	_ =	strace $0x90000052  }
0xc1: {  	s29 =	simm.s32 $0x9;
	_ =	strace $0x80000054  }
0xc2: {  	_ =	swait.ge [sflag:s29], $0x1  }
0xc3: {  	[sflag:s29] =	ssyncadd.s32 $0xFFFFFFFF  }
0xc4: {  	_ =	strace $0x90000054  }
0xc5: {  	_ =	sfence  }
0xc6: {  	s30 =	sld [smem:$0x0];
	_ =	sdelay $0x2  }
0xc7: {  	s31 =	sshll.u32 s1, $0xD;
	s1 =	sshrl.u32 s1, $0x2  }
0xc8: {  	s4 =	sand.u32 $0x4000, s31;
	s1 =	sadd.s32 s1, s30  }
0xc9: {  	s0 =	sor.u32 s4, s0;
	s1 =	sshll.u32 s1, $0x11  }
0xca: {  	s0 =	sor.u32 s1, s0  }
0xcb: {  	s0 =	sadd.s32 $0x8F2B, s0  }
0xcc: {  	[sflag:s0] =	ssyncadd.remote.s32 $0x1  }
0xcd: {  	_ =	sfence.sel $0xFFFF  }
0xce: {  	[dreg:$0x0] =	wrdreg $0xFFFFFFFF;
	(pc) =	sbr.abs _section_cstart, $3  }
0xcf: {  	[dreg:$0x1] =	wrdreg $0xFFFFFFFF  }
0xd0: {  	_ =	task.clear_ibuf [dreg:s22], $0x2FFFF;
	_ =	strace $0x9FFFFFFF  }
0xd1: {  	(tm) =	ssettm $0x7FFFFFFF  }
tec
execute0_lowered:
.L_overlay_start_1:
0x0: {  	(tag) =	ssettag $0x1  }
0x1: {  	s7 =	rddreg [dreg:$0x0]  }
0x2: {  	s1 =	rddreg [dreg:$0x1];
	s3 =	simm.s32 $0x0  }
0x3: {  	s4 =	srdreg.scid;
	s2 =	stileid.u32;
	s14 =	simm.s32 $0x5  }
0x4: {  	s15 =	simm.s32 $0x1000;
	s16 =	simm.s32 $0x7D;
	s17 =	simm.s32 $0x16000  }
0x5: {  	s18 =	simm.s32 $0x1A000;
	s19 =	simm.s32 $0x1;
	s20 =	simm.s32 $0x2  }
0x6: {  	s21 =	simm.s32 $0x1E80;
	s22 =	simm.s32 $0x3;
	s23 =	simm.s32 $0x4  }
0x7: {  	[smem:$0x7FF] =	sst s3;
	s9 =	sand.u32 $0x1, s4;
	s4 =	sadd.s32 $0x22400, s7  }
0x8: {  	s10 =	smul.u32 $0x50000, s2;
	s5 =	sadd.s32 $0x1A400, s7;
	s6 =	sadd.s32 $0x2800, s7  }
.Ltmp0:
0x9: {  	s7 =	sadd.s32 $0xC2400, s7;
	s12 =	sshll.u32 s2, $0x6;
	(pc) =	sbr.rel .LBB2_1-.Ltmp0, $4  }
0xa: {  	_ =	strace $0x80000053;
	s8 =	ssub.s32 $0x2, s9;
	s9 =	sshll.u32 s9, $0x1  }
0xb: {  	s12 =	sor.u32 $0x1C05, s12;
	s11 =	sshrl.u32 s8, $0x1;
	s10 =	sshrl.u32 s10, $0x2  }
0xc: {  	s11 =	ssub.s32 s8, s11;
	s8 =	smul.u32 $0x280, s2;
	s13 =	sadd.s32 s10, s1  }
0xd: {  	s10 =	sshll.u32 s2, $0x9;
	s11 =	smax.u32 s11, $0x1;
	s13 =	sshrl.u32 s13, $0x3  }
.LBB2_9:
0xe: {  	s3 =	sadd.s32 $0x1, s3  }
0xf: {  	p0 =	sne.s32 s3, s11  }
.Ltmp1:
0x10: {  	_ = 	snop;
	(pc) =	sbr.rel @!p0 .LBB2_10-.Ltmp1, $1  }
0x11: {  	_ =	sdelay $0x3  }
.LBB2_1:
.Ltmp2:
0x12: {  	(pc) =	sbr.rel .LBB2_2-.Ltmp2, $2  }
0x13: {  	_ =	sdelay $0x2  }
0x14: {  	p1 =	por $0x1, $0x1;
	s24 =	simm.s32 $0x0  }
.LBB2_8:
0x15: {  	_ =	swait.ge [sflag:s20], $0x3E80  }
0x16: {  	[sflag:s20] =	ssyncset.done $0x0  }
0x17: {  	[sflag:s20] =	ssyncadd.s32 $0xFFFFC180  }
0x18: {  	[spmem:s1] =	stream.indirect.scatter.add.f32 [tilespmem:s18], [sflag:$0x4], $0x80, s21, s16, $0xb8;
	[tilespmem:$0x1E000] =	vst v63  }
0x19: {  	_ =	swait.ge [sflag:s22], $0x3E80  }
0x1a: {  	[sflag:s22] =	ssyncset.done $0x0  }
0x1b: {  	[sflag:s22] =	ssyncadd.s32 $0xFFFFC180  }
0x1c: {  	_ =	swait.ge [sflag:s23], $0x3E80  }
0x1d: {  	[sflag:s23] =	ssyncset.done $0x0  }
0x1e: {  	[sflag:s23] =	ssyncadd.s32 $0xFFFFC180  }
.Ltmp3:
0x1f: {  	s0 =	sadd.s32 s7, s24;
	[bflag:$0x0] =	sbarrier.arrive $0xFFFF;
	(pc) =	sbr.rel @!p0 .LBB2_9-.Ltmp3, $4  }
0x20: {  	[hbm:s0], [sflag:s12] =	dma.local [spmem:s13], $0x2800  }
0x21: {  	_ =	swait.ge [sflag:s14], $0x2800  }
0x22: {  	[sflag:s14] =	ssyncset.done $0x0  }
0x23: {  	s24 =	simm.s32 $0x1;
	p1 =	por $0x0, $0x0;
	[sflag:s14] =	ssyncadd.s32 $0xFFFFD800  }
.LBB2_2:
0x24: {  	s25 =	sor.u32 s9, s24  }
0x25: {  	s24 =	smul.u32 $0x2800, s25;
	_ =	sdelay $0x1  }
0x26: {  	s24 =	sadd.s32 s8, s24  }
0x27: {  	s24 =	sshll.u32 s24, $0x4  }
0x28: {  	s26 =	sadd.s32 s4, s24  }
0x29: {  	[spmem:s13], [sflag:s12] =	dma.local [hbm:s26], $0x2800  }
0x2a: {  	s25 =	sshll.u32 s25, $0xD;
	_ =	swait.ge [sflag:s14], $0x2800  }
0x2b: {  	s31 =	sor.u32 s10, s25;
	[sflag:s14] =	ssyncset.done $0x0  }
0x2c: {  	s25 =	simm.s32 $0x0;
	s28 =	sadd.s32 s5, s31;
	[sflag:s14] =	ssyncadd.s32 $0xFFFFD800  }
0x2d: {  	[tilespmem:s25], [sflag:$0x5] =	stream.linear.gather [hbm4b:s28+s25], $0xF00, $0x38;
	[tilespmem:$0x1E000] =	vst v63  }
0x2e: {  	_ =	swait.ge [sflag:s14], $0xF00  }
0x2f: {  	[sflag:s14] =	ssyncset.done $0x0  }
0x30: {  	s26 =	sadd.s32 s6, s31;
	[sflag:s14] =	ssyncadd.s32 $0xFFFFF100  }
0x31: {  	[tilespmem:s15], [sflag:$0x5] =	stream.linear.gather [hbm4b:s26+s25], $0xF00, $0x38;
	[tilespmem:$0x1E000] =	vst v63  }
.Ltmp4:
0x32: {  	_ =	swait.ge [sflag:s14], $0xF00;
	(pc) =	sbr.rel .LBB2_3-.Ltmp4, $4  }
0x33: {  	[sflag:s14] =	ssyncset.done $0x0  }
0x34: {  	[sflag:s14] =	ssyncadd.s32 $0xFFFFF100  }
0x35: {  	[bflag:$0x0] =	sbarrier.arrive $0xFFFF  }
0x36: {  	p0 =	por p1, p1;
	s28 =	simm.s32 $0x0;
	s26 =	simm.s32 $0xFFFFFFFE  }
.LBB2_6:
0x37: {  	s0 =	sadd.s32 $0x80, s29  }
0x38: {  	[tilespmem:s18], [sflag:$0x2] =	stream.indirect.gather [hbm4b:s4+s16], $0x80, s0, s16, $0xb8;
	[tilespmem:$0x1E000] =	vst v63  }
0x39: {  	_ =	swait.ge [sflag:s19], $0x3E80  }
0x3a: {  	[sflag:s19] =	ssyncset.done $0x0  }
0x3b: {  	s31 =	sadd.s32 $0x1000, s29;
	[sflag:s19] =	ssyncadd.s32 $0xFFFFC180  }
0x3c: {  	[spmem:s1] =	stream.indirect.scatter.add.f32 [tilespmem:s17], [sflag:$0x3], $0x80, s31, s16, $0xb8;
	[tilespmem:$0x1E000] =	vst v63  }
.LBB2_7:
0x3d: {  	s25 =	sadd.s32 $0x400, s25  }
0x3e: {  	p1 =	sne.s32 s25, $0x3C00  }
.Ltmp5:
0x3f: {  	_ = 	snop;
	(pc) =	sbr.rel @!p1 .LBB2_8-.Ltmp5, $2  }
0x40: {  	_ =	sdelay $0x2  }
0x41: {  	s28 =	sadd.s32 $0x1, s28;
	s26 =	sadd.s32 $0x2, s26  }
.LBB2_3:
0x42: {  	p1 =	sgt.u32 s26, $0x1B  }
0x43: {  	s29 =	simm.s32 @!p1 $0x3  }
0x44: {  	_ =	swait.ge @!p1 [sflag:s29], $0x3E80  }
0x45: {  	s30 =	sadd.s32 $0x1, s26;
	[sflag:s29] =	ssyncset.done @!p1 $0x0  }
0x46: {  	[sflag:s29] =	ssyncadd.s32 @!p1 $0xFFFFC180;
	s29 =	sshra.s32 s25, $0x2;
	p1 =	sgt.u32 s30, $0x1D  }
0x47: {  	[tilespmem:s17], [sflag:$0x1] =	stream.indirect.gather [hbm4b:s4+s16], $0x80, s29, s16, $0xb8;
	[tilespmem:$0x1E000] =	vst v63  }
0x48: {  	s30 =	simm.s32 @!p1 $0x2  }
0x49: {  	_ =	swait.ge @!p1 [sflag:s30], $0x3E80  }
0x4a: {  	[sflag:s30] =	ssyncset.done @!p1 $0x0  }
0x4b: {  	[sflag:s30] =	ssyncadd.s32 @!p1 $0xFFFFC180;
	s30 =	sshra.s32 @!p1 s25, $0x2  }
0x4c: {  	s31 =	simm.s32 @!p1 $0x7D;
	s0 =	simm.s32 @!p1 $0x1A000;
	s30 =	sadd.s32 @!p1 $0xF80, s30  }
0x4d: {  	[spmem:s1] =	stream.indirect.scatter.add.f32 @!p1 [tilespmem:s0], [sflag:$0x4], $0x80, s30, s31, $0xb8;
	[tilespmem:$0x1E000] =	vst v63  }
0x4e: {  	p1 =	seq.s32 s28, $0x0  }
.Ltmp6:
0x4f: {  	_ = 	snop;
	(pc) =	sbr.rel @p1 .LBB2_6-.Ltmp6, $1  }
0x50: {  	_ =	sdelay $0x3  }
0x51: {  	p1 =	seq.s32 s28, $0xF  }
.Ltmp7:
0x52: {  	_ = 	snop;
	(pc) =	sbr.rel @p1 .LBB2_7-.Ltmp7, $1  }
0x53: {  	_ =	sdelay $0x3  }
.Ltmp8:
0x54: {  	(pc) =	sbr.rel .LBB2_6-.Ltmp8, $4  }
0x55: {  	_ = 	snop  }
0x56: {  	_ =	swait.ge [sflag:s23], $0x3E80  }
0x57: {  	[sflag:s23] =	ssyncset.done $0x0  }
0x58: {  	[sflag:s23] =	ssyncadd.s32 $0xFFFFC180  }
.LBB2_10:
0x59: {  	_ =	sfence.sel $0x180000  }
0x5a: {  	[bflag:$0x0] =	sbarrier.arrive $0xFFFF  }
0x5b: {  	_ =	strace $0x90000053  }
0x5c: {  	[bflag:$0x2] =	sbarrier.arrive $0xFFFF  }
0x5d: {  	p0 =	sne.s32 s2, $0x0;
	s0 =	rddreg [dreg:$0x2]  }
0x5e: {  	s0 =	sadd.s32 @!p0 $0x100000, s0  }
0x5f: {  	[sflag:s0] =	ssyncadd.tile.s32 @!p0 $0x1;
	_ =	shalt  }
.Lfunc_end2:
_tile_overlayer_lowered:
.L_overlay_start_2:
0x60: {  	(tag) =	ssettag $0x2  }
0x61: {  	s0 =	rddreg [dreg:$0x0];
	s2 =	stileid.u32  }
0x62: {  	s1 =	rddreg [dreg:$0x1];
	p0 =	sne.s32 s2, $0x0  }
0x63: {  	s3 =	rddreg [dreg:$0x2];
	[bflag:$0x3] =	sbarrier.arrive $0xFFFF;
	s2 =	simm.s32 @!p0 $0x1C05  }
0x64: {  	[timem:s3], [sflag:s2] =	dma.local @!p0 [hbm:s0], s1  }
0x65: {  	s0 =	simm.s32 @!p0 $0x5  }
0x66: {  	_ =	swait.ge @!p0 [sflag:s0], s1  }
0x67: {  	s1 =	ssub.s32 @!p0 $0x0, s1;
	[sflag:s0] =	ssyncset.done @!p0 $0x0  }
0x68: {  	[sflag:s0] =	ssyncadd.s32 @!p0 s1  }
0x69: {  	[bflag:$0x3] =	sbarrier.arrive $0xFFFF  }
0x6a: {  	_ =	shalt  }

// kernel: kernel.26.cloned.1.call-start
scs
__scs_entry_jumppad:
0x0: {  	(pc) =	sbr.rel $0x88, $3  }
0x1: {  	(tag) =	ssettag $0x0;
	lr =	simm.s32 $0x1  }
0x2: {  	[smem:$0x3F9B] =	sst lr;
	_ =	strace $0xD0000000  }
0x3: {  	_ = 	snop  }
0x4: {  	_ = 	snop  }
0x5: {  	_ = 	snop  }
0x6: {  	_ = 	snop  }
0x7: {  	_ = 	snop  }
__scs_overlays_trampoline_lowered:
0x8: {  	[smem:$0x3FAA] =	sst s0  }
0x9: {  	[smem:$0x3FAB] =	sst s1  }
0xa: {  	[smem:$0x3FAC] =	sst s2  }
0xb: {  	[smem:$0x3FAD] =	sst s3  }
0xc: {  	[smem:$0x3FAE] =	sst s4  }
0xd: {  	[smem:$0x3FAF] =	sst s5  }
0xe: {  	[smem:$0x3FB0] =	sst s6  }
0xf: {  	[smem:$0x3FB1] =	sst s7  }
0x10: {  	[smem:$0x3FB2] =	sst s8  }
0x11: {  	[smem:$0x3FB3] =	sst s9;
	s0 =	simm.s32 @!p0 $0x0  }
0x12: {  	s1 =	sld [smem:$0x3F99];
	s0 =	simm.s32 @p0 $0x1  }
0x13: {  	[smem:$0x3FB4] =	sst s0;
	s0 =	simm.s32 @!p1 $0x0  }
0x14: {  	s2 =	sld [smem:$0x3F98];
	s0 =	simm.s32 @p1 $0x1  }
0x15: {  	[smem:$0x3FB5] =	sst s0;
	s0 =	simm.s32 @!p2 $0x0  }
0x16: {  	s3 =	sld [smem:$0x3FDB];
	s0 =	simm.s32 @p2 $0x1  }
0x17: {  	s4 =	simm.s32 $0x1BF5;
	[smem:$0x3FB7] =	sst s0  }
0x18: {  	s0 =	sld [smem:$0x3F9A];
	_ =	swait.ge [sflag:s4], $0x0  }
0x19: {  	s7 =	sld [smem:$0x3F9B]  }
0x1a: {  	s8 =	sadd.s32 $0xFFFFE003, lr  }
0x1b: {  	s9 =	sadd.s32 $0xFFFFFEF7, lr;
	s5 =	simm.s32 $0xFFFFFFFF;
	p2 =	slt.u32 s8, $0xFFFFF086  }
0x1c: {  	p1 =	slt.u32 s9, $0xF7A;
	s5 =	simm.s32 @!p2 $0x0  }
0x1d: {  	s5 =	simm.s32 @p1 $0x1;
	p0 =	seq.s32 s7, s2  }
0x1e: {  	s7 =	smul.u32 @!p0 $0xF7A, s2;
	p2 =	seq.s32 @!p0 s5, $0x0  }
0x1f: {  	s9 =	smul.u32 $0xF7A, s1;
	s8 =	simm.s32 @!p0 $0x1BF5;
	p2 =	por !p2, p0  }
0x20: {  	[sflag:s8] =	ssyncset.s32 @!p0 $0xFFFFF086;
	s6 =	sadd.s32 @!p0 s3, s7;
	s7 =	simm.s32 @!p0 $0x108  }
0x21: {  	s3 =	sadd.s32 s3, s9;
	s6 =	sadd.s32 @!p0 $0x88, s6;
	s7 =	simm.s32 @p2 $0x1082  }
0x22: {  	[simem:s7], [sflag:s8] =	dma.local @!p0 [hbm:s6], $0xF7A  }
0x23: {  	s9 =	sor.u32 $0xD0000000, s2;
	s6 =	simm.s32 $0x108;
	_ =	swait.ge @!p0 [sflag:s8], $0x0  }
0x24: {  	s3 =	sadd.s32 $0x88, s3;
	s6 =	simm.s32 @!p1 $0x1082;
	[sflag:s4] =	ssyncset.s32 $0xFFFFF086  }
0x25: {  	[simem:s6], [sflag:s4] =	dma.local [hbm:s3], $0xF7A  }
0x26: {  	[smem:$0x3F9B] =	sst s1;
	(tag) =	ssettag s2;
	_ =	strace s9  }
0x27: {  	s1 =	sld [smem:$0x3FAB]  }
0x28: {  	s2 =	sld [smem:$0x3FAC]  }
0x29: {  	s4 =	sld [smem:$0x3FAE]  }
0x2a: {  	p0 =	seq.s32 s5, $0x0;
	s5 =	sld [smem:$0x3FAF]  }
0x2b: {  	s6 =	sld [smem:$0x3FB0]  }
0x2c: {  	s7 =	sld [smem:$0x3FB1]  }
0x2d: {  	s3 =	simm.s32 $0x108;
	s8 =	sld [smem:$0x3FB2]  }
0x2e: {  	s3 =	simm.s32 @!p0 $0x1082;
	s9 =	sld [smem:$0x3FB3]  }
0x2f: {  	lr =	sadd.s32 s0, s3;
	s0 =	sld [smem:$0x3FAA]  }
0x30: {  	s3 =	sld [smem:$0x3FAD]  }
0x31: {  	[smem:$0x3FB6] =	sst s10  }
0x32: {  	s10 =	sld [smem:$0x3FB4];
	_ =	sdelay $0x3  }
0x33: {  	p0 =	seq.s32 s10, $0x1;
	s10 =	sld [smem:$0x3FB6];
	_ =	sdelay $0x3  }
0x34: {  	[smem:$0x3FB6] =	sst s10  }
0x35: {  	s10 =	sld [smem:$0x3FB5];
	_ =	sdelay $0x3  }
0x36: {  	p1 =	seq.s32 s10, $0x1;
	s10 =	sld [smem:$0x3FB6];
	_ =	sdelay $0x3  }
0x37: {  	[smem:$0x3FB6] =	sst s10  }
0x38: {  	s10 =	sld [smem:$0x3FB7]  }
0x39: {  	_ = 	snop;
	(pc) =	sbr.ind lr, $3  }
0x3a: {  	_ = 	snop  }
0x3b: {  	_ = 	snop  }
0x3c: {  	p2 =	seq.s32 s10, $0x1;
	s10 =	sld [smem:$0x3FB6]  }
0x3d: {  	_ =	shalt  }
0x3e: {  	_ =	shalt  }
0x3f: {  	_ =	shalt  }
0x40: {  	_ =	shalt  }
0x41: {  	_ =	shalt  }
0x42: {  	_ =	shalt  }
0x43: {  	_ =	shalt  }
0x44: {  	_ =	shalt  }
0x45: {  	_ =	shalt  }
0x46: {  	_ =	shalt  }
0x47: {  	_ =	shalt  }
0x48: {  	_ =	shalt  }
0x49: {  	_ =	shalt  }
0x4a: {  	_ =	shalt  }
0x4b: {  	_ =	shalt  }
0x4c: {  	_ =	shalt  }
0x4d: {  	_ =	shalt  }
0x4e: {  	_ =	shalt  }
0x4f: {  	_ =	shalt  }
0x50: {  	_ =	shalt  }
0x51: {  	_ =	shalt  }
0x52: {  	_ =	shalt  }
0x53: {  	_ =	shalt  }
0x54: {  	_ =	shalt  }
0x55: {  	_ =	shalt  }
0x56: {  	_ =	shalt  }
0x57: {  	_ =	shalt  }
0x58: {  	_ =	shalt  }
0x59: {  	_ =	shalt  }
0x5a: {  	_ =	shalt  }
0x5b: {  	_ =	shalt  }
0x5c: {  	_ =	shalt  }
0x5d: {  	_ =	shalt  }
0x5e: {  	_ =	shalt  }
0x5f: {  	_ =	shalt  }
0x60: {  	_ =	shalt  }
0x61: {  	_ =	shalt  }
0x62: {  	_ =	shalt  }
0x63: {  	_ =	shalt  }
0x64: {  	_ =	shalt  }
0x65: {  	_ =	shalt  }
0x66: {  	_ =	shalt  }
0x67: {  	_ =	shalt  }
0x68: {  	_ =	shalt  }
0x69: {  	_ =	shalt  }
0x6a: {  	_ =	shalt  }
0x6b: {  	_ =	shalt  }
0x6c: {  	_ =	shalt  }
0x6d: {  	_ =	shalt  }
0x6e: {  	_ =	shalt  }
0x6f: {  	_ =	shalt  }
0x70: {  	_ =	shalt  }
0x71: {  	_ =	shalt  }
0x72: {  	_ =	shalt  }
0x73: {  	_ =	shalt  }
0x74: {  	_ =	shalt  }
0x75: {  	_ =	shalt  }
0x76: {  	_ =	shalt  }
0x77: {  	_ =	shalt  }
0x78: {  	_ =	shalt  }
0x79: {  	_ =	shalt  }
0x7a: {  	_ =	shalt  }
0x7b: {  	_ =	shalt  }
0x7c: {  	_ =	shalt  }
0x7d: {  	_ =	shalt  }
0x7e: {  	_ =	shalt  }
0x7f: {  	_ =	shalt  }
0x80: {  	_ =	shalt  }
0x81: {  	_ =	shalt  }
0x82: {  	_ =	shalt  }
0x83: {  	_ =	shalt  }
0x84: {  	_ =	shalt  }
0x85: {  	_ =	shalt  }
0x86: {  	_ =	shalt  }
0x87: {  	_ =	shalt  }
.Lfunc_end0:
.L_simem_size_0:
called_computation.4_lowered:
.L_overlay_start_0:
0x88: {  	s2 =	sld [smem:$0x3FD9]  }
0x89: {  	s3 =	sld [smem:$0x3FFE];
	_ =	sdelay $0x1  }
0x8a: {  	s1 =	srdreg.scid  }
0x8b: {  	s0 =	sand.u32 $0x1, s1  }
0x8c: {  	s17 =	sshll.u32 s0, $0xA;
	s2 =	sadd.s32 s3, s2  }
0x8d: {  	s2 =	sadd.s32 s2, s17  }
0x8e: {  	[smem:$0x3FC2] =	sst s2  }
0x8f: {  	_ = 	snop  }
0x90: {  	s18 =	sld [smem:$0x3FD0];
	(tm) =	ssettm $0x1  }
0x91: {  	s19 =	sld [smem:$0x3FFB];
	_ =	sdelay $0x3  }
0x92: {  	_ =	strace s19  }
0x93: {  	s2 =	sld [smem:$0x3FFC];
	_ =	sdelay $0x3  }
0x94: {  	_ =	strace s2  }
0x95: {  	s2 =	sld [smem:$0x3FFD];
	_ =	sdelay $0x3  }
0x96: {  	_ =	strace s2  }
0x97: {  	_ =	strace $0x8FFFFFFF  }
0x98: {  	s20 =	sld [smem:$0x3FDB];
	_ =	sdelay $0x1  }
0x99: {  	s4 =	simm.s32 $_scs_section_size  }
0x9a: {  	s5 =	simm.s32 $_size__tile_overlayer_lowered;
	s6 =	simm.s32 $_tile_overlayer_lowered  }
0x9b: {  	s7 =	simm.s32 $0x1BFF;
	s21 =	sshll.u32 s6, $0x1;
	s4 =	sadd.s32 s4, s20  }
0x9c: {  	s22 =	simm.s32 $0x0;
	s5 =	sshll.u32 s5, $0x1;
	s6 =	sadd.s32 s21, s4  }
0x9d: {  	[timem:s22], [sflag:s7] =	dma.local [hbm:s6], s5  }
0x9e: {  	_ =	swait.ge [sflag:s7], s5  }
0x9f: {  	s5 =	ssub.s32 $0x0, s5;
	[sflag:s7] =	ssyncset.done $0x0  }
0xa0: {  	[sflag:s7] =	ssyncadd.s32 s5;
	_ =	sdelay $0x1  }
0xa1: {  	s23 =	simm.s32 $0x1B8B  }
0xa2: {  	_ =	swait.ge [sflag:s23], $0x1  }
0xa3: {  	[sflag:s23] =	ssyncset.done $0x0  }
0xa4: {  	[sflag:s23] =	ssyncadd.s32 $0xFFFFFFFF  }
0xa5: {  	s5 =	sld [smem:$0x0]  }
0xa6: {  	s6 =	sand.u32 $0xFFFFFFFE, s1  }
0xa7: {  	p0 =	sne.s32 s1, s6  }
0xa8: {  	s6 =	sshll.u32 @p0 s6, $0xE  }
0xa9: {  	s6 =	sadd.s32 @p0 $0x11B8D, s6;
	s7 =	sshll.u32 @p0 s5, $0x11  }
0xaa: {  	s6 =	sor.u32 @p0 s7, s6  }
0xab: {  	[sflag:s6] =	ssyncadd.remote.s32 @p0 $0x1;
	_ =	sdelay $0x1  }
0xac: {  	s6 =	simm.s32 @p0 $0x1B8D  }
0xad: {  	_ =	swait.eq @p0 [sflag:s6], $0x1  }
0xae: {  	[sflag:s6] =	ssyncadd.s32 @p0 $0xFFFFFFFF  }
0xaf: {  	s7 =	sshll.u32 @!p0 s1, $0xE  }
0xb0: {  	s7 =	sor.u32 @!p0 $0x4000, s7;
	s6 =	simm.s32 @!p0 $0x1B8D  }
0xb1: {  	s5 =	sshll.u32 @!p0 s5, $0x11;
	s7 =	sadd.s32 @!p0 $0x11B8D, s7;
	_ =	swait.eq @!p0 [sflag:s6], $0x1  }
0xb2: {  	s5 =	sor.u32 @!p0 s5, s7;
	[sflag:s6] =	ssyncadd.s32 @!p0 $0xFFFFFFFF  }
0xb3: {  	s25 =	simm.s32 $0x1B8E;
	s24 =	sld [smem:$0x3FFE];
	[sflag:s5] =	ssyncadd.remote.s32 @!p0 $0x1  }
0xb4: {  	s26 =	simm.s32 $execute0_lowered;
	[smem:$0x3FD2] =	sst s25  }
0xb5: {  	s6 =	sshll.u32 s26, $0x1;
	_ =	strace $0x8000004F;
	[dreg:$0x1] =	wrdreg $0xFFFFFFFF  }
0xb6: {  	s28 =	simm.s32 $_size_execute0_lowered;
	s4 =	sadd.s32 s4, s6;
	[dreg:$0x0] =	wrdreg $0x0  }
0xb7: {  	s6 =	sshll.u32 s28, $0x1;
	[dreg:$0x2] =	wrdreg s4  }
0xb8: {  	[dreg:$0x3] =	wrdreg s6  }
0xb9: {  	[dreg:$0x4] =	wrdreg $0xC0  }
0xba: {  	_ =	task [dreg:s22], $0x5FFFF  }
0xbb: {  	[dreg:$0x1] =	wrdreg $0xFFFFFFFF  }
0xbc: {  	[dreg:$0x0] =	wrdreg $0x60  }
0xbd: {  	[dreg:$0x2] =	wrdreg s18  }
0xbe: {  	[dreg:$0x3] =	wrdreg s24  }
0xbf: {  	[dreg:$0x4] =	wrdreg $0x20000  }
0xc0: {  	[dreg:$0x5] =	wrdreg $0xB  }
0xc1: {  	_ =	task.clear_ibuf [dreg:s22], $0x6FFFF;
	_ =	strace $0x9000004F  }
0xc2: {  	s29 =	simm.s32 $0xB;
	_ =	strace $0x80000051  }
0xc3: {  	_ =	swait.ge [sflag:s29], $0x1  }
0xc4: {  	[sflag:s29] =	ssyncadd.s32 $0xFFFFFFFF  }
0xc5: {  	_ =	strace $0x90000051  }
0xc6: {  	_ =	sfence  }
0xc7: {  	s30 =	sld [smem:$0x0];
	_ =	sdelay $0x2  }
0xc8: {  	s31 =	sshll.u32 s1, $0xD;
	s1 =	sshrl.u32 s1, $0x2  }
0xc9: {  	s4 =	sand.u32 $0x4000, s31;
	s1 =	sadd.s32 s1, s30  }
0xca: {  	s0 =	sor.u32 s4, s0;
	s1 =	sshll.u32 s1, $0x11  }
0xcb: {  	s0 =	sor.u32 s1, s0  }
0xcc: {  	s0 =	sadd.s32 $0x8F2B, s0  }
0xcd: {  	[sflag:s0] =	ssyncadd.remote.s32 $0x1  }
0xce: {  	_ =	sfence.sel $0xFFFF  }
0xcf: {  	[dreg:$0x0] =	wrdreg $0xFFFFFFFF;
	(pc) =	sbr.abs _section_cstart, $3  }
0xd0: {  	[dreg:$0x1] =	wrdreg $0xFFFFFFFF  }
0xd1: {  	_ =	task.clear_ibuf [dreg:s22], $0x2FFFF;
	_ =	strace $0x9FFFFFFF  }
0xd2: {  	(tm) =	ssettm $0x7FFFFFFF  }
0xd3: {  	_ =	shalt  }
tec
execute0_lowered:
.L_overlay_start_1:
0x0: {  	(tag) =	ssettag $0x1  }
0x1: {  	s1 =	rddreg [dreg:$0x0]  }
0x2: {  	s7 =	rddreg [dreg:$0x1]  }
0x3: {  	s2 =	rddreg [dreg:$0x2]  }
0x4: {  	s4 =	simm.s32 $0x0;
	s6 =	srdreg.scid;
	s0 =	stileid.u32  }
0x5: {  	s14 =	simm.s32 $0x5;
	s15 =	simm.s32 $0x1000;
	s16 =	simm.s32 $0x7D  }
0x6: {  	s17 =	simm.s32 $0x16000;
	s18 =	simm.s32 $0x1A000;
	s19 =	simm.s32 $0x1  }
0x7: {  	s20 =	simm.s32 $0x2;
	s21 =	simm.s32 $0x1E80;
	s22 =	simm.s32 $0x3  }
0x8: {  	s23 =	simm.s32 $0x4;
	[smem:$0x7FF] =	sst s4;
	s10 =	smul.u32 $0x50000, s0  }
0x9: {  	s5 =	sadd.s32 $0x162400, s7;
	s9 =	sand.u32 $0x1, s6;
	s8 =	smul.u32 $0x280, s0  }
.Ltmp0:
0xa: {  	s6 =	sadd.s32 $0xBC00, s7;
	s7 =	sadd.s32 $0x16E400, s7;
	(pc) =	sbr.rel .LBB2_1-.Ltmp0, $4  }
0xb: {  	s31 =	sshll.u32 s0, $0x6;
	_ =	strace $0x80000050;
	s11 =	ssub.s32 $0x2, s9  }
0xc: {  	s9 =	smul.u32 $0x3, s9;
	s12 =	sshrl.u32 s11, $0x1;
	s10 =	sshrl.u32 s10, $0x2  }
0xd: {  	s11 =	ssub.s32 s11, s12;
	s13 =	sadd.s32 s10, s2;
	s10 =	sshll.u32 s0, $0x9  }
0xe: {  	s12 =	sor.u32 $0x1C05, s31;
	s11 =	smax.u32 s11, $0x1;
	s13 =	sshrl.u32 s13, $0x3  }
.LBB2_9:
0xf: {  	s4 =	sadd.s32 $0x1, s4  }
0x10: {  	p0 =	sne.s32 s4, s11  }
.Ltmp1:
0x11: {  	_ = 	snop;
	(pc) =	sbr.rel @!p0 .LBB2_10-.Ltmp1, $1  }
0x12: {  	_ =	sdelay $0x3  }
.LBB2_1:
.Ltmp2:
0x13: {  	(pc) =	sbr.rel .LBB2_2-.Ltmp2, $2  }
0x14: {  	_ =	sdelay $0x2  }
0x15: {  	s24 =	simm.s32 $0x0  }
.LBB2_8:
0x16: {  	_ =	swait.ge [sflag:s20], $0x3E80  }
0x17: {  	[sflag:s20] =	ssyncset.done $0x0  }
0x18: {  	[sflag:s20] =	ssyncadd.s32 $0xFFFFC180  }
0x19: {  	[spmem:s2] =	stream.indirect.scatter.add.f32 [tilespmem:s18], [sflag:$0x4], $0x80, s21, s16, $0xb8;
	[tilespmem:$0x1E000] =	vst v63  }
0x1a: {  	_ =	swait.ge [sflag:s22], $0x3E80  }
0x1b: {  	[sflag:s22] =	ssyncset.done $0x0  }
0x1c: {  	[sflag:s22] =	ssyncadd.s32 $0xFFFFC180  }
0x1d: {  	_ =	swait.ge [sflag:s23], $0x3E80  }
0x1e: {  	s24 =	sadd.s32 $0x1, s24;
	[sflag:s23] =	ssyncset.done $0x0  }
0x1f: {  	p0 =	sne.s32 s24, $0x3;
	[sflag:s23] =	ssyncadd.s32 $0xFFFFC180  }
.Ltmp3:
0x20: {  	s0 =	sadd.s32 s7, s25;
	[bflag:$0x0] =	sbarrier.arrive $0xFFFF;
	(pc) =	sbr.rel @!p0 .LBB2_9-.Ltmp3, $4  }
0x21: {  	[hbm:s0], [sflag:s12] =	dma.local [spmem:s13], $0x2800  }
0x22: {  	_ =	swait.ge [sflag:s14], $0x2800  }
0x23: {  	[sflag:s14] =	ssyncset.done $0x0  }
0x24: {  	[sflag:s14] =	ssyncadd.s32 $0xFFFFD800  }
.LBB2_2:
0x25: {  	s26 =	sadd.s32 s9, s24  }
0x26: {  	s25 =	smul.u32 $0x2800, s26;
	_ =	sdelay $0x1  }
0x27: {  	s25 =	sadd.s32 s8, s25  }
0x28: {  	s25 =	sshll.u32 s25, $0x4  }
0x29: {  	s28 =	sadd.s32 s1, s25  }
0x2a: {  	[spmem:s13], [sflag:s12] =	dma.local [hbm:s28], $0x2800  }
0x2b: {  	s26 =	sshll.u32 s26, $0xD;
	_ =	swait.ge [sflag:s14], $0x2800  }
0x2c: {  	s28 =	sor.u32 s10, s26;
	[sflag:s14] =	ssyncset.done $0x0  }
0x2d: {  	s26 =	simm.s32 $0x0;
	s29 =	sadd.s32 s5, s28;
	[sflag:s14] =	ssyncadd.s32 $0xFFFFD800  }
0x2e: {  	[tilespmem:s26], [sflag:$0x5] =	stream.linear.gather [hbm4b:s29+s26], $0xF00, $0x38;
	[tilespmem:$0x1E000] =	vst v63  }
0x2f: {  	_ =	swait.ge [sflag:s14], $0xF00  }
0x30: {  	[sflag:s14] =	ssyncset.done $0x0  }
0x31: {  	s28 =	sadd.s32 s6, s28;
	[sflag:s14] =	ssyncadd.s32 $0xFFFFF100  }
0x32: {  	[tilespmem:s15], [sflag:$0x5] =	stream.linear.gather [hbm4b:s28+s26], $0xF00, $0x38;
	[tilespmem:$0x1E000] =	vst v63  }
.Ltmp4:
0x33: {  	_ =	swait.ge [sflag:s14], $0xF00;
	(pc) =	sbr.rel .LBB2_3-.Ltmp4, $4  }
0x34: {  	[sflag:s14] =	ssyncset.done $0x0  }
0x35: {  	[sflag:s14] =	ssyncadd.s32 $0xFFFFF100  }
0x36: {  	[bflag:$0x0] =	sbarrier.arrive $0xFFFF  }
0x37: {  	s29 =	simm.s32 $0x0;
	s28 =	simm.s32 $0xFFFFFFFE  }
.LBB2_6:
0x38: {  	s0 =	sadd.s32 $0x80, s30  }
0x39: {  	[tilespmem:s18], [sflag:$0x2] =	stream.indirect.gather [hbm4b:s1+s16], $0x80, s0, s16, $0xb8;
	[tilespmem:$0x1E000] =	vst v63  }
0x3a: {  	_ =	swait.ge [sflag:s19], $0x3E80  }
0x3b: {  	[sflag:s19] =	ssyncset.done $0x0  }
0x3c: {  	s31 =	sadd.s32 $0x1000, s30;
	[sflag:s19] =	ssyncadd.s32 $0xFFFFC180  }
0x3d: {  	[spmem:s2] =	stream.indirect.scatter.add.f32 [tilespmem:s17], [sflag:$0x3], $0x80, s31, s16, $0xb8;
	[tilespmem:$0x1E000] =	vst v63  }
.LBB2_7:
0x3e: {  	s26 =	sadd.s32 $0x400, s26  }
0x3f: {  	p0 =	sne.s32 s26, $0x3C00  }
.Ltmp5:
0x40: {  	_ = 	snop;
	(pc) =	sbr.rel @!p0 .LBB2_8-.Ltmp5, $2  }
0x41: {  	_ =	sdelay $0x2  }
0x42: {  	s29 =	sadd.s32 $0x1, s29;
	s28 =	sadd.s32 $0x2, s28  }
.LBB2_3:
0x43: {  	p0 =	sgt.u32 s28, $0x1B  }
0x44: {  	s30 =	simm.s32 @!p0 $0x3  }
0x45: {  	_ =	swait.ge @!p0 [sflag:s30], $0x3E80  }
0x46: {  	s31 =	sadd.s32 $0x1, s28;
	[sflag:s30] =	ssyncset.done @!p0 $0x0  }
0x47: {  	[sflag:s30] =	ssyncadd.s32 @!p0 $0xFFFFC180;
	s30 =	sshra.s32 s26, $0x2;
	p0 =	sgt.u32 s31, $0x1D  }
0x48: {  	[tilespmem:s17], [sflag:$0x1] =	stream.indirect.gather [hbm4b:s1+s16], $0x80, s30, s16, $0xb8;
	[tilespmem:$0x1E000] =	vst v63  }
0x49: {  	s31 =	simm.s32 @!p0 $0x2  }
0x4a: {  	_ =	swait.ge @!p0 [sflag:s31], $0x3E80  }
0x4b: {  	[sflag:s31] =	ssyncset.done @!p0 $0x0  }
0x4c: {  	[sflag:s31] =	ssyncadd.s32 @!p0 $0xFFFFC180;
	s31 =	sshra.s32 @!p0 s26, $0x2  }
0x4d: {  	s0 =	simm.s32 @!p0 $0x7D;
	s3 =	simm.s32 @!p0 $0x1A000;
	s31 =	sadd.s32 @!p0 $0xF80, s31  }
0x4e: {  	[spmem:s2] =	stream.indirect.scatter.add.f32 @!p0 [tilespmem:s3], [sflag:$0x4], $0x80, s31, s0, $0xb8;
	[tilespmem:$0x1E000] =	vst v63  }
0x4f: {  	p0 =	seq.s32 s29, $0x0  }
.Ltmp6:
0x50: {  	_ = 	snop;
	(pc) =	sbr.rel @p0 .LBB2_6-.Ltmp6, $1  }
0x51: {  	_ =	sdelay $0x3  }
0x52: {  	p0 =	seq.s32 s29, $0xF  }
.Ltmp7:
0x53: {  	_ = 	snop;
	(pc) =	sbr.rel @p0 .LBB2_7-.Ltmp7, $1  }
0x54: {  	_ =	sdelay $0x3  }
.Ltmp8:
0x55: {  	(pc) =	sbr.rel .LBB2_6-.Ltmp8, $4  }
0x56: {  	_ = 	snop  }
0x57: {  	_ =	swait.ge [sflag:s23], $0x3E80  }
0x58: {  	[sflag:s23] =	ssyncset.done $0x0  }
0x59: {  	[sflag:s23] =	ssyncadd.s32 $0xFFFFC180  }
.LBB2_10:
0x5a: {  	_ =	sfence.sel $0x180000  }
0x5b: {  	[bflag:$0x0] =	sbarrier.arrive $0xFFFF  }
0x5c: {  	_ =	strace $0x90000050  }
0x5d: {  	s0 =	stileid.u32;
	[bflag:$0x2] =	sbarrier.arrive $0xFFFF  }
0x5e: {  	p0 =	sne.s32 s0, $0x0;
	s0 =	rddreg [dreg:$0x3]  }
0x5f: {  	s0 =	sadd.s32 @!p0 $0x100000, s0  }
0x60: {  	[sflag:s0] =	ssyncadd.tile.s32 @!p0 $0x1;
	_ =	shalt  }
.Lfunc_end2:
_tile_overlayer_lowered:
.L_overlay_start_2:
0x61: {  	(tag) =	ssettag $0x2  }
0x62: {  	s0 =	rddreg [dreg:$0x0];
	s2 =	stileid.u32  }
0x63: {  	s1 =	rddreg [dreg:$0x1];
	p0 =	sne.s32 s2, $0x0  }
0x64: {  	s3 =	rddreg [dreg:$0x2];
	[bflag:$0x3] =	sbarrier.arrive $0xFFFF;
	s2 =	simm.s32 @!p0 $0x1C05  }
0x65: {  	[timem:s3], [sflag:s2] =	dma.local @!p0 [hbm:s0], s1  }
0x66: {  	s0 =	simm.s32 @!p0 $0x5  }
0x67: {  	_ =	swait.ge @!p0 [sflag:s0], s1  }
0x68: {  	s1 =	ssub.s32 @!p0 $0x0, s1;
	[sflag:s0] =	ssyncset.done @!p0 $0x0  }
0x69: {  	[sflag:s0] =	ssyncadd.s32 @!p0 s1  }
0x6a: {  	[bflag:$0x3] =	sbarrier.arrive $0xFFFF  }
0x6b: {  	_ =	shalt  }

// kernel: kernel.29.cloned.1.call-start
scs
__scs_entry_jumppad:
0x0: {  	(pc) =	sbr.rel $0x88, $3  }
0x1: {  	(tag) =	ssettag $0x0;
	lr =	simm.s32 $0x1  }
0x2: {  	[smem:$0x3F9B] =	sst lr;
	_ =	strace $0xD0000000  }
0x3: {  	_ = 	snop  }
0x4: {  	_ = 	snop  }
0x5: {  	_ = 	snop  }
0x6: {  	_ = 	snop  }
0x7: {  	_ = 	snop  }
__scs_overlays_trampoline_lowered:
0x8: {  	[smem:$0x3FAA] =	sst s0  }
0x9: {  	[smem:$0x3FAB] =	sst s1  }
0xa: {  	[smem:$0x3FAC] =	sst s2  }
0xb: {  	[smem:$0x3FAD] =	sst s3  }
0xc: {  	[smem:$0x3FAE] =	sst s4  }
0xd: {  	[smem:$0x3FAF] =	sst s5  }
0xe: {  	[smem:$0x3FB0] =	sst s6  }
0xf: {  	[smem:$0x3FB1] =	sst s7  }
0x10: {  	[smem:$0x3FB2] =	sst s8  }
0x11: {  	[smem:$0x3FB3] =	sst s9;
	s0 =	simm.s32 @!p0 $0x0  }
0x12: {  	s1 =	sld [smem:$0x3F99];
	s0 =	simm.s32 @p0 $0x1  }
0x13: {  	[smem:$0x3FB4] =	sst s0;
	s0 =	simm.s32 @!p1 $0x0  }
0x14: {  	s2 =	sld [smem:$0x3F98];
	s0 =	simm.s32 @p1 $0x1  }
0x15: {  	[smem:$0x3FB5] =	sst s0;
	s0 =	simm.s32 @!p2 $0x0  }
0x16: {  	s3 =	sld [smem:$0x3FDB];
	s0 =	simm.s32 @p2 $0x1  }
0x17: {  	s4 =	simm.s32 $0x1BF5;
	[smem:$0x3FB7] =	sst s0  }
0x18: {  	s0 =	sld [smem:$0x3F9A];
	_ =	swait.ge [sflag:s4], $0x0  }
0x19: {  	s7 =	sld [smem:$0x3F9B]  }
0x1a: {  	s8 =	sadd.s32 $0xFFFFE003, lr  }
0x1b: {  	s9 =	sadd.s32 $0xFFFFFEF7, lr;
	s5 =	simm.s32 $0xFFFFFFFF;
	p2 =	slt.u32 s8, $0xFFFFF086  }
0x1c: {  	p1 =	slt.u32 s9, $0xF7A;
	s5 =	simm.s32 @!p2 $0x0  }
0x1d: {  	s5 =	simm.s32 @p1 $0x1;
	p0 =	seq.s32 s7, s2  }
0x1e: {  	s7 =	smul.u32 @!p0 $0xF7A, s2;
	p2 =	seq.s32 @!p0 s5, $0x0  }
0x1f: {  	s9 =	smul.u32 $0xF7A, s1;
	s8 =	simm.s32 @!p0 $0x1BF5;
	p2 =	por !p2, p0  }
0x20: {  	[sflag:s8] =	ssyncset.s32 @!p0 $0xFFFFF086;
	s6 =	sadd.s32 @!p0 s3, s7;
	s7 =	simm.s32 @!p0 $0x108  }
0x21: {  	s3 =	sadd.s32 s3, s9;
	s6 =	sadd.s32 @!p0 $0x88, s6;
	s7 =	simm.s32 @p2 $0x1082  }
0x22: {  	[simem:s7], [sflag:s8] =	dma.local @!p0 [hbm:s6], $0xF7A  }
0x23: {  	s9 =	sor.u32 $0xD0000000, s2;
	s6 =	simm.s32 $0x108;
	_ =	swait.ge @!p0 [sflag:s8], $0x0  }
0x24: {  	s3 =	sadd.s32 $0x88, s3;
	s6 =	simm.s32 @!p1 $0x1082;
	[sflag:s4] =	ssyncset.s32 $0xFFFFF086  }
0x25: {  	[simem:s6], [sflag:s4] =	dma.local [hbm:s3], $0xF7A  }
0x26: {  	[smem:$0x3F9B] =	sst s1;
	(tag) =	ssettag s2;
	_ =	strace s9  }
0x27: {  	s1 =	sld [smem:$0x3FAB]  }
0x28: {  	s2 =	sld [smem:$0x3FAC]  }
0x29: {  	s4 =	sld [smem:$0x3FAE]  }
0x2a: {  	p0 =	seq.s32 s5, $0x0;
	s5 =	sld [smem:$0x3FAF]  }
0x2b: {  	s6 =	sld [smem:$0x3FB0]  }
0x2c: {  	s7 =	sld [smem:$0x3FB1]  }
0x2d: {  	s3 =	simm.s32 $0x108;
	s8 =	sld [smem:$0x3FB2]  }
0x2e: {  	s3 =	simm.s32 @!p0 $0x1082;
	s9 =	sld [smem:$0x3FB3]  }
0x2f: {  	lr =	sadd.s32 s0, s3;
	s0 =	sld [smem:$0x3FAA]  }
0x30: {  	s3 =	sld [smem:$0x3FAD]  }
0x31: {  	[smem:$0x3FB6] =	sst s10  }
0x32: {  	s10 =	sld [smem:$0x3FB4];
	_ =	sdelay $0x3  }
0x33: {  	p0 =	seq.s32 s10, $0x1;
	s10 =	sld [smem:$0x3FB6];
	_ =	sdelay $0x3  }
0x34: {  	[smem:$0x3FB6] =	sst s10  }
0x35: {  	s10 =	sld [smem:$0x3FB5];
	_ =	sdelay $0x3  }
0x36: {  	p1 =	seq.s32 s10, $0x1;
	s10 =	sld [smem:$0x3FB6];
	_ =	sdelay $0x3  }
0x37: {  	[smem:$0x3FB6] =	sst s10  }
0x38: {  	s10 =	sld [smem:$0x3FB7]  }
0x39: {  	_ = 	snop;
	(pc) =	sbr.ind lr, $3  }
0x3a: {  	_ = 	snop  }
0x3b: {  	_ = 	snop  }
0x3c: {  	p2 =	seq.s32 s10, $0x1;
	s10 =	sld [smem:$0x3FB6]  }
0x3d: {  	_ =	shalt  }
0x3e: {  	_ =	shalt  }
0x3f: {  	_ =	shalt  }
0x40: {  	_ =	shalt  }
0x41: {  	_ =	shalt  }
0x42: {  	_ =	shalt  }
0x43: {  	_ =	shalt  }
0x44: {  	_ =	shalt  }
0x45: {  	_ =	shalt  }
0x46: {  	_ =	shalt  }
0x47: {  	_ =	shalt  }
0x48: {  	_ =	shalt  }
0x49: {  	_ =	shalt  }
0x4a: {  	_ =	shalt  }
0x4b: {  	_ =	shalt  }
0x4c: {  	_ =	shalt  }
0x4d: {  	_ =	shalt  }
0x4e: {  	_ =	shalt  }
0x4f: {  	_ =	shalt  }
0x50: {  	_ =	shalt  }
0x51: {  	_ =	shalt  }
0x52: {  	_ =	shalt  }
0x53: {  	_ =	shalt  }
0x54: {  	_ =	shalt  }
0x55: {  	_ =	shalt  }
0x56: {  	_ =	shalt  }
0x57: {  	_ =	shalt  }
0x58: {  	_ =	shalt  }
0x59: {  	_ =	shalt  }
0x5a: {  	_ =	shalt  }
0x5b: {  	_ =	shalt  }
0x5c: {  	_ =	shalt  }
0x5d: {  	_ =	shalt  }
0x5e: {  	_ =	shalt  }
0x5f: {  	_ =	shalt  }
0x60: {  	_ =	shalt  }
0x61: {  	_ =	shalt  }
0x62: {  	_ =	shalt  }
0x63: {  	_ =	shalt  }
0x64: {  	_ =	shalt  }
0x65: {  	_ =	shalt  }
0x66: {  	_ =	shalt  }
0x67: {  	_ =	shalt  }
0x68: {  	_ =	shalt  }
0x69: {  	_ =	shalt  }
0x6a: {  	_ =	shalt  }
0x6b: {  	_ =	shalt  }
0x6c: {  	_ =	shalt  }
0x6d: {  	_ =	shalt  }
0x6e: {  	_ =	shalt  }
0x6f: {  	_ =	shalt  }
0x70: {  	_ =	shalt  }
0x71: {  	_ =	shalt  }
0x72: {  	_ =	shalt  }
0x73: {  	_ =	shalt  }
0x74: {  	_ =	shalt  }
0x75: {  	_ =	shalt  }
0x76: {  	_ =	shalt  }
0x77: {  	_ =	shalt  }
0x78: {  	_ =	shalt  }
0x79: {  	_ =	shalt  }
0x7a: {  	_ =	shalt  }
0x7b: {  	_ =	shalt  }
0x7c: {  	_ =	shalt  }
0x7d: {  	_ =	shalt  }
0x7e: {  	_ =	shalt  }
0x7f: {  	_ =	shalt  }
0x80: {  	_ =	shalt  }
0x81: {  	_ =	shalt  }
0x82: {  	_ =	shalt  }
0x83: {  	_ =	shalt  }
0x84: {  	_ =	shalt  }
0x85: {  	_ =	shalt  }
0x86: {  	_ =	shalt  }
0x87: {  	_ =	shalt  }
.Lfunc_end0:
.L_simem_size_0:
called_computation.5_lowered:
.L_overlay_start_0:
0x88: {  	s2 =	sld [smem:$0x3FD9]  }
0x89: {  	s3 =	sld [smem:$0x3FFE];
	_ =	sdelay $0x1  }
0x8a: {  	s1 =	srdreg.scid  }
0x8b: {  	s0 =	sand.u32 $0x1, s1  }
0x8c: {  	s17 =	sshll.u32 s0, $0xA;
	s2 =	sadd.s32 s3, s2  }
0x8d: {  	s2 =	sadd.s32 s2, s17  }
0x8e: {  	[smem:$0x3FC2] =	sst s2  }
0x8f: {  	_ = 	snop  }
0x90: {  	(tm) =	ssettm $0x1  }
0x91: {  	s18 =	sld [smem:$0x3FFB];
	_ =	sdelay $0x3  }
0x92: {  	_ =	strace s18  }
0x93: {  	s2 =	sld [smem:$0x3FFC];
	_ =	sdelay $0x3  }
0x94: {  	_ =	strace s2  }
0x95: {  	s2 =	sld [smem:$0x3FFD];
	_ =	sdelay $0x3  }
0x96: {  	_ =	strace s2  }
0x97: {  	_ =	strace $0x8FFFFFFF  }
0x98: {  	s19 =	sld [smem:$0x3FDB];
	_ =	sdelay $0x1  }
0x99: {  	s20 =	simm.s32 $_scs_section_size  }
0x9a: {  	s4 =	simm.s32 $_size__tile_overlayer_lowered;
	s5 =	simm.s32 $_tile_overlayer_lowered  }
0x9b: {  	s6 =	simm.s32 $0x1BFF;
	s21 =	sshll.u32 s5, $0x1;
	s3 =	sadd.s32 s20, s19  }
0x9c: {  	s22 =	simm.s32 $0x0;
	s4 =	sshll.u32 s4, $0x1;
	s5 =	sadd.s32 s21, s3  }
0x9d: {  	[timem:s22], [sflag:s6] =	dma.local [hbm:s5], s4  }
0x9e: {  	_ =	swait.ge [sflag:s6], s4  }
0x9f: {  	s4 =	ssub.s32 $0x0, s4;
	[sflag:s6] =	ssyncset.done $0x0  }
0xa0: {  	[sflag:s6] =	ssyncadd.s32 s4;
	_ =	sdelay $0x1  }
0xa1: {  	s23 =	simm.s32 $0x1B8B  }
0xa2: {  	_ =	swait.ge [sflag:s23], $0x1  }
0xa3: {  	[sflag:s23] =	ssyncset.done $0x0  }
0xa4: {  	[sflag:s23] =	ssyncadd.s32 $0xFFFFFFFF  }
0xa5: {  	s4 =	sld [smem:$0x0]  }
0xa6: {  	s5 =	sand.u32 $0xFFFFFFFE, s1  }
0xa7: {  	p0 =	sne.s32 s1, s5  }
0xa8: {  	s5 =	sshll.u32 @p0 s5, $0xE  }
0xa9: {  	s5 =	sadd.s32 @p0 $0x11B8D, s5;
	s6 =	sshll.u32 @p0 s4, $0x11  }
0xaa: {  	s5 =	sor.u32 @p0 s6, s5  }
0xab: {  	[sflag:s5] =	ssyncadd.remote.s32 @p0 $0x1;
	_ =	sdelay $0x1  }
0xac: {  	s5 =	simm.s32 @p0 $0x1B8D  }
0xad: {  	_ =	swait.eq @p0 [sflag:s5], $0x1  }
0xae: {  	[sflag:s5] =	ssyncadd.s32 @p0 $0xFFFFFFFF  }
0xaf: {  	s6 =	sshll.u32 @!p0 s1, $0xE  }
0xb0: {  	s6 =	sor.u32 @!p0 $0x4000, s6;
	s5 =	simm.s32 @!p0 $0x1B8D  }
0xb1: {  	s4 =	sshll.u32 @!p0 s4, $0x11;
	s6 =	sadd.s32 @!p0 $0x11B8D, s6;
	_ =	swait.eq @!p0 [sflag:s5], $0x1  }
0xb2: {  	s4 =	sor.u32 @!p0 s4, s6;
	[sflag:s5] =	ssyncadd.s32 @!p0 $0xFFFFFFFF  }
0xb3: {  	s25 =	simm.s32 $0x1B8E;
	s24 =	sld [smem:$0x3FFE];
	[sflag:s4] =	ssyncadd.remote.s32 @!p0 $0x1  }
0xb4: {  	s26 =	simm.s32 $execute0_lowered;
	[smem:$0x3FD2] =	sst s25  }
0xb5: {  	s5 =	sshll.u32 s26, $0x1;
	_ =	strace $0x80000055;
	[dreg:$0x1] =	wrdreg $0xFFFFFFFF  }
0xb6: {  	s28 =	simm.s32 $_size_execute0_lowered;
	s3 =	sadd.s32 s3, s5;
	[dreg:$0x0] =	wrdreg $0x0  }
0xb7: {  	s5 =	sshll.u32 s28, $0x1;
	[dreg:$0x2] =	wrdreg s3  }
0xb8: {  	[dreg:$0x3] =	wrdreg s5  }
0xb9: {  	[dreg:$0x4] =	wrdreg $0xC0  }
0xba: {  	_ =	task [dreg:s22], $0x5FFFF  }
0xbb: {  	[dreg:$0x1] =	wrdreg $0xFFFFFFFF  }
0xbc: {  	[dreg:$0x0] =	wrdreg $0x60  }
0xbd: {  	[dreg:$0x2] =	wrdreg s24  }
0xbe: {  	[dreg:$0x3] =	wrdreg $0x20000  }
0xbf: {  	[dreg:$0x4] =	wrdreg $0xA  }
0xc0: {  	_ =	task.clear_ibuf [dreg:s22], $0x5FFFF;
	_ =	strace $0x90000055  }
0xc1: {  	s29 =	simm.s32 $0xA;
	_ =	strace $0x80000057  }
0xc2: {  	_ =	swait.ge [sflag:s29], $0x1  }
0xc3: {  	[sflag:s29] =	ssyncadd.s32 $0xFFFFFFFF  }
0xc4: {  	_ =	strace $0x90000057  }
0xc5: {  	_ =	sfence  }
0xc6: {  	s30 =	sld [smem:$0x0];
	_ =	sdelay $0x2  }
0xc7: {  	s31 =	sshll.u32 s1, $0xD;
	s1 =	sshrl.u32 s1, $0x2  }
0xc8: {  	s4 =	sand.u32 $0x4000, s31;
	s1 =	sadd.s32 s1, s30  }
0xc9: {  	s0 =	sor.u32 s4, s0;
	s1 =	sshll.u32 s1, $0x11  }
0xca: {  	s0 =	sor.u32 s1, s0  }
0xcb: {  	s0 =	sadd.s32 $0x8F2B, s0  }
0xcc: {  	[sflag:s0] =	ssyncadd.remote.s32 $0x1  }
0xcd: {  	_ =	sfence.sel $0xFFFF  }
0xce: {  	[dreg:$0x0] =	wrdreg $0xFFFFFFFF;
	(pc) =	sbr.abs _section_cstart, $3  }
0xcf: {  	[dreg:$0x1] =	wrdreg $0xFFFFFFFF  }
0xd0: {  	_ =	task.clear_ibuf [dreg:s22], $0x2FFFF;
	_ =	strace $0x9FFFFFFF  }
0xd1: {  	(tm) =	ssettm $0x7FFFFFFF  }
tec
execute0_lowered:
.L_overlay_start_1:
0x0: {  	(tag) =	ssettag $0x1  }
0x1: {  	s7 =	rddreg [dreg:$0x0]  }
0x2: {  	s1 =	rddreg [dreg:$0x1];
	s2 =	simm.s32 $0x0  }
0x3: {  	s6 =	srdreg.scid;
	s0 =	stileid.u32;
	s14 =	simm.s32 $0x5  }
0x4: {  	s15 =	simm.s32 $0x1000;
	s16 =	simm.s32 $0x7D;
	s17 =	simm.s32 $0x16000  }
0x5: {  	s18 =	simm.s32 $0x1A000;
	s19 =	simm.s32 $0x1;
	s20 =	simm.s32 $0x2  }
0x6: {  	s21 =	simm.s32 $0x1E80;
	s22 =	simm.s32 $0x3;
	s23 =	simm.s32 $0x4  }
0x7: {  	[smem:$0x7FF] =	sst s2;
	s4 =	sadd.s32 $0x25E400, s7;
	s10 =	smul.u32 $0x50000, s0  }
0x8: {  	s5 =	sadd.s32 $0x162400, s7;
	s9 =	sand.u32 $0x1, s6;
	s8 =	smul.u32 $0x280, s0  }
.Ltmp0:
0x9: {  	s6 =	sadd.s32 $0xBC00, s7;
	s7 =	sadd.s32 $0x16E400, s7;
	(pc) =	sbr.rel .LBB2_1-.Ltmp0, $4  }
0xa: {  	s31 =	sshll.u32 s0, $0x6;
	_ =	strace $0x80000056;
	s11 =	ssub.s32 $0x2, s9  }
0xb: {  	s9 =	smul.u32 $0x3, s9;
	s12 =	sshrl.u32 s11, $0x1;
	s10 =	sshrl.u32 s10, $0x2  }
0xc: {  	s11 =	ssub.s32 s11, s12;
	s13 =	sadd.s32 s10, s1;
	s10 =	sshll.u32 s0, $0x9  }
0xd: {  	s12 =	sor.u32 $0x1C05, s31;
	s11 =	smax.u32 s11, $0x1;
	s13 =	sshrl.u32 s13, $0x3  }
.LBB2_9:
0xe: {  	s2 =	sadd.s32 $0x1, s2  }
0xf: {  	p0 =	sne.s32 s2, s11  }
.Ltmp1:
0x10: {  	_ = 	snop;
	(pc) =	sbr.rel @!p0 .LBB2_10-.Ltmp1, $1  }
0x11: {  	_ =	sdelay $0x3  }
.LBB2_1:
.Ltmp2:
0x12: {  	(pc) =	sbr.rel .LBB2_2-.Ltmp2, $2  }
0x13: {  	_ =	sdelay $0x2  }
0x14: {  	s24 =	simm.s32 $0x0  }
.LBB2_8:
0x15: {  	_ =	swait.ge [sflag:s20], $0x3E80  }
0x16: {  	[sflag:s20] =	ssyncset.done $0x0  }
0x17: {  	[sflag:s20] =	ssyncadd.s32 $0xFFFFC180  }
0x18: {  	[spmem:s1] =	stream.indirect.scatter.add.f32 [tilespmem:s18], [sflag:$0x4], $0x80, s21, s16, $0xb8;
	[tilespmem:$0x1E000] =	vst v63  }
0x19: {  	_ =	swait.ge [sflag:s22], $0x3E80  }
0x1a: {  	[sflag:s22] =	ssyncset.done $0x0  }
0x1b: {  	[sflag:s22] =	ssyncadd.s32 $0xFFFFC180  }
0x1c: {  	_ =	swait.ge [sflag:s23], $0x3E80  }
0x1d: {  	s24 =	sadd.s32 $0x1, s24;
	[sflag:s23] =	ssyncset.done $0x0  }
0x1e: {  	p0 =	sne.s32 s24, $0x3;
	[sflag:s23] =	ssyncadd.s32 $0xFFFFC180  }
.Ltmp3:
0x1f: {  	s0 =	sadd.s32 s7, s25;
	[bflag:$0x0] =	sbarrier.arrive $0xFFFF;
	(pc) =	sbr.rel @!p0 .LBB2_9-.Ltmp3, $4  }
0x20: {  	[hbm:s0], [sflag:s12] =	dma.local [spmem:s13], $0x2800  }
0x21: {  	_ =	swait.ge [sflag:s14], $0x2800  }
0x22: {  	[sflag:s14] =	ssyncset.done $0x0  }
0x23: {  	[sflag:s14] =	ssyncadd.s32 $0xFFFFD800  }
.LBB2_2:
0x24: {  	s26 =	sadd.s32 s9, s24  }
0x25: {  	s25 =	smul.u32 $0x2800, s26;
	_ =	sdelay $0x1  }
0x26: {  	s25 =	sadd.s32 s8, s25  }
0x27: {  	s25 =	sshll.u32 s25, $0x4  }
0x28: {  	s28 =	sadd.s32 s4, s25  }
0x29: {  	[spmem:s13], [sflag:s12] =	dma.local [hbm:s28], $0x2800  }
0x2a: {  	s26 =	sshll.u32 s26, $0xD;
	_ =	swait.ge [sflag:s14], $0x2800  }
0x2b: {  	s28 =	sor.u32 s10, s26;
	[sflag:s14] =	ssyncset.done $0x0  }
0x2c: {  	s26 =	simm.s32 $0x0;
	s29 =	sadd.s32 s5, s28;
	[sflag:s14] =	ssyncadd.s32 $0xFFFFD800  }
0x2d: {  	[tilespmem:s26], [sflag:$0x5] =	stream.linear.gather [hbm4b:s29+s26], $0xF00, $0x38;
	[tilespmem:$0x1E000] =	vst v63  }
0x2e: {  	_ =	swait.ge [sflag:s14], $0xF00  }
0x2f: {  	[sflag:s14] =	ssyncset.done $0x0  }
0x30: {  	s28 =	sadd.s32 s6, s28;
	[sflag:s14] =	ssyncadd.s32 $0xFFFFF100  }
0x31: {  	[tilespmem:s15], [sflag:$0x5] =	stream.linear.gather [hbm4b:s28+s26], $0xF00, $0x38;
	[tilespmem:$0x1E000] =	vst v63  }
.Ltmp4:
0x32: {  	_ =	swait.ge [sflag:s14], $0xF00;
	(pc) =	sbr.rel .LBB2_3-.Ltmp4, $4  }
0x33: {  	[sflag:s14] =	ssyncset.done $0x0  }
0x34: {  	[sflag:s14] =	ssyncadd.s32 $0xFFFFF100  }
0x35: {  	[bflag:$0x0] =	sbarrier.arrive $0xFFFF  }
0x36: {  	s29 =	simm.s32 $0x0;
	s28 =	simm.s32 $0xFFFFFFFE  }
.LBB2_6:
0x37: {  	s0 =	sadd.s32 $0x80, s30  }
0x38: {  	[tilespmem:s18], [sflag:$0x2] =	stream.indirect.gather [hbm4b:s4+s16], $0x80, s0, s16, $0xb8;
	[tilespmem:$0x1E000] =	vst v63  }
0x39: {  	_ =	swait.ge [sflag:s19], $0x3E80  }
0x3a: {  	[sflag:s19] =	ssyncset.done $0x0  }
0x3b: {  	s31 =	sadd.s32 $0x1000, s30;
	[sflag:s19] =	ssyncadd.s32 $0xFFFFC180  }
0x3c: {  	[spmem:s1] =	stream.indirect.scatter.add.f32 [tilespmem:s17], [sflag:$0x3], $0x80, s31, s16, $0xb8;
	[tilespmem:$0x1E000] =	vst v63  }
.LBB2_7:
0x3d: {  	s26 =	sadd.s32 $0x400, s26  }
0x3e: {  	p0 =	sne.s32 s26, $0x3C00  }
.Ltmp5:
0x3f: {  	_ = 	snop;
	(pc) =	sbr.rel @!p0 .LBB2_8-.Ltmp5, $2  }
0x40: {  	_ =	sdelay $0x2  }
0x41: {  	s29 =	sadd.s32 $0x1, s29;
	s28 =	sadd.s32 $0x2, s28  }
.LBB2_3:
0x42: {  	p0 =	sgt.u32 s28, $0x1B  }
0x43: {  	s30 =	simm.s32 @!p0 $0x3  }
0x44: {  	_ =	swait.ge @!p0 [sflag:s30], $0x3E80  }
0x45: {  	s31 =	sadd.s32 $0x1, s28;
	[sflag:s30] =	ssyncset.done @!p0 $0x0  }
0x46: {  	[sflag:s30] =	ssyncadd.s32 @!p0 $0xFFFFC180;
	s30 =	sshra.s32 s26, $0x2;
	p0 =	sgt.u32 s31, $0x1D  }
0x47: {  	[tilespmem:s17], [sflag:$0x1] =	stream.indirect.gather [hbm4b:s4+s16], $0x80, s30, s16, $0xb8;
	[tilespmem:$0x1E000] =	vst v63  }
0x48: {  	s31 =	simm.s32 @!p0 $0x2  }
0x49: {  	_ =	swait.ge @!p0 [sflag:s31], $0x3E80  }
0x4a: {  	[sflag:s31] =	ssyncset.done @!p0 $0x0  }
0x4b: {  	[sflag:s31] =	ssyncadd.s32 @!p0 $0xFFFFC180;
	s31 =	sshra.s32 @!p0 s26, $0x2  }
0x4c: {  	s0 =	simm.s32 @!p0 $0x7D;
	s3 =	simm.s32 @!p0 $0x1A000;
	s31 =	sadd.s32 @!p0 $0xF80, s31  }
0x4d: {  	[spmem:s1] =	stream.indirect.scatter.add.f32 @!p0 [tilespmem:s3], [sflag:$0x4], $0x80, s31, s0, $0xb8;
	[tilespmem:$0x1E000] =	vst v63  }
0x4e: {  	p0 =	seq.s32 s29, $0x0  }
.Ltmp6:
0x4f: {  	_ = 	snop;
	(pc) =	sbr.rel @p0 .LBB2_6-.Ltmp6, $1  }
0x50: {  	_ =	sdelay $0x3  }
0x51: {  	p0 =	seq.s32 s29, $0xF  }
.Ltmp7:
0x52: {  	_ = 	snop;
	(pc) =	sbr.rel @p0 .LBB2_7-.Ltmp7, $1  }
0x53: {  	_ =	sdelay $0x3  }
.Ltmp8:
0x54: {  	(pc) =	sbr.rel .LBB2_6-.Ltmp8, $4  }
0x55: {  	_ = 	snop  }
0x56: {  	_ =	swait.ge [sflag:s23], $0x3E80  }
0x57: {  	[sflag:s23] =	ssyncset.done $0x0  }
0x58: {  	[sflag:s23] =	ssyncadd.s32 $0xFFFFC180  }
.LBB2_10:
0x59: {  	_ =	sfence.sel $0x180000  }
0x5a: {  	[bflag:$0x0] =	sbarrier.arrive $0xFFFF  }
0x5b: {  	_ =	strace $0x90000056  }
0x5c: {  	s0 =	stileid.u32;
	[bflag:$0x2] =	sbarrier.arrive $0xFFFF  }
0x5d: {  	p0 =	sne.s32 s0, $0x0;
	s0 =	rddreg [dreg:$0x2]  }
0x5e: {  	s0 =	sadd.s32 @!p0 $0x100000, s0  }
0x5f: {  	[sflag:s0] =	ssyncadd.tile.s32 @!p0 $0x1;
	_ =	shalt  }
.Lfunc_end2:
_tile_overlayer_lowered:
.L_overlay_start_2:
0x60: {  	(tag) =	ssettag $0x2  }
0x61: {  	s0 =	rddreg [dreg:$0x0];
	s2 =	stileid.u32  }
0x62: {  	s1 =	rddreg [dreg:$0x1];
	p0 =	sne.s32 s2, $0x0  }
0x63: {  	s3 =	rddreg [dreg:$0x2];
	[bflag:$0x3] =	sbarrier.arrive $0xFFFF;
	s2 =	simm.s32 @!p0 $0x1C05  }
0x64: {  	[timem:s3], [sflag:s2] =	dma.local @!p0 [hbm:s0], s1  }
0x65: {  	s0 =	simm.s32 @!p0 $0x5  }
0x66: {  	_ =	swait.ge @!p0 [sflag:s0], s1  }
0x67: {  	s1 =	ssub.s32 @!p0 $0x0, s1;
	[sflag:s0] =	ssyncset.done @!p0 $0x0  }
0x68: {  	[sflag:s0] =	ssyncadd.s32 @!p0 s1  }
0x69: {  	[bflag:$0x3] =	sbarrier.arrive $0xFFFF  }
0x6a: {  	_ =	shalt  }

</sc_bundles>
